<compile_context>
chip_gen: v7x
topology: tpu7x:2x2x1
jax: 0.10.2.dev20260603
libtpu: 0.0.44.dev20260713+nightly
codegen_flags: <defaults>
</compile_context>

<pallas_src>
import functools

import jax
import jax.numpy as jnp
from jax import lax
from jax.experimental import pallas as pl
from jax.experimental.pallas import tpu as pltpu
from jax.experimental.pallas import tpu_sc as plsc

_N = 10000
_E = 320000
_HID = 128
_OUT = 64
_LAMBDA = 0.1
_ALPHA = 0.5
_EPS = 1e-5

_NTILES = 32
_CH = 64
_NCHUNK = 160
_EPAD = _NTILES * _NCHUNK * _CH
_NACC = 10240
_RPT = _NACC // 16
_GSZ = 8
_NBUF = 4
_FAST_CID = 0
_NCHF = 256
_NCHS = 64
_TOTCH = _EPAD // _CH
_DCH = 128
_DNCHUNK = _EPAD // _NTILES // _DCH


@functools.cache
def _get_sc_deg():
    mesh = plsc.VectorSubcoreMesh(core_axis_name="c", subcore_axis_name="s")
    return functools.partial(
        pl.kernel,
        mesh=mesh,
        out_type=jax.ShapeDtypeStruct((2, _NACC, _HID), jnp.float32),
        scratch_types=[
            pltpu.VMEM((_DNCHUNK, _DCH), jnp.int32),
            pltpu.VMEM((_DCH, _HID), jnp.float32),
            pltpu.VMEM_SHARED((_NACC, _HID), jnp.float32),
        ],
    )(_sc_deg_body)


def _sc_deg_body(dst_hbm, out_hbm, dst_v, ones_v, acc_sh):
    cid = lax.axis_index("c")
    sid = lax.axis_index("s")
    wid = cid * 16 + sid

    def _zero(r, carry):
        for c in range(_HID // 16):
            ones_v[r, pl.ds(c * 16, 16)] = jnp.zeros((16,), jnp.float32)
        return carry
    lax.fori_loop(0, _DCH, _zero, 0)
    base = sid * _RPT
    for k in range(_RPT // _DCH):
        pltpu.sync_copy(ones_v, acc_sh.at[pl.ds(base + k * _DCH, _DCH)])
    if _RPT % _DCH:
        pltpu.sync_copy(ones_v.at[pl.ds(0, _RPT % _DCH)],
                        acc_sh.at[pl.ds(base + (_RPT // _DCH) * _DCH, _RPT % _DCH)])

    def _fill(r, carry):
        for c in range(_HID // 16):
            ones_v[r, pl.ds(c * 16, 16)] = jnp.ones((16,), jnp.float32)
        return carry
    lax.fori_loop(0, _DCH, _fill, 0)
    plsc.subcore_barrier()

    pltpu.sync_copy(dst_hbm.at[wid], dst_v)

    def _body(j, carry):
        pltpu.sync_copy(ones_v, acc_sh.at[dst_v.at[j]], add=True)
        return carry
    lax.fori_loop(0, _DNCHUNK, _body, 0)
    plsc.subcore_barrier()

    pltpu.sync_copy(acc_sh.at[pl.ds(base, _RPT)], out_hbm.at[cid, pl.ds(base, _RPT)])


@functools.cache
def _get_sc_agg():
    mesh = plsc.VectorSubcoreMesh(core_axis_name="c", subcore_axis_name="s")
    return functools.partial(
        pl.kernel,
        mesh=mesh,
        out_type=jax.ShapeDtypeStruct((2, _NACC, _HID), jnp.float32),
        scratch_types=[
            pltpu.VMEM((2, _GSZ, _CH), jnp.int32),
            pltpu.VMEM((2, _GSZ, _CH), jnp.int32),
            pltpu.VMEM((_CH, _HID), jnp.float32),
            pltpu.VMEM((_CH, _HID), jnp.float32),
            pltpu.VMEM((_CH, _HID), jnp.float32),
            pltpu.VMEM((_CH, _HID), jnp.float32),
            pltpu.VMEM_SHARED((_NACC, _HID), jnp.float32),
            pltpu.SemaphoreType.DMA,
            pltpu.SemaphoreType.DMA,
            pltpu.SemaphoreType.DMA,
            pltpu.SemaphoreType.DMA,
            pltpu.SemaphoreType.DMA,
        ],
    )(_sc_agg_body)


def _sc_agg_body(h_hbm, src_hbm, dst_hbm, out_hbm, srcst, dstst, rows0, rows1,
                 rows2, rows3, acc_sh, sem0, sem1, sem2, sem3, sem_idx):
    cid = lax.axis_index("c")
    sid = lax.axis_index("s")
    bufs = (rows0, rows1, rows2, rows3)
    sems = (sem0, sem1, sem2, sem3)

    on_fast = cid == _FAST_CID
    ngrp = jnp.where(on_fast, _NCHF // _GSZ, _NCHS // _GSZ)
    cbase = pl.multiple_of(
        jnp.where(on_fast, sid * _NCHF, 16 * _NCHF + sid * _NCHS), _GSZ)

    def _zero(r, carry):
        for c in range(_HID // 16):
            rows0[r, pl.ds(c * 16, 16)] = jnp.zeros((16,), jnp.float32)
        return carry
    lax.fori_loop(0, _CH, _zero, 0)
    base = sid * _RPT
    for k in range(_RPT // _CH):
        pltpu.sync_copy(rows0, acc_sh.at[pl.ds(base + k * _CH, _CH)])
    plsc.subcore_barrier()

    pltpu.sync_copy(src_hbm.at[pl.ds(cbase, _GSZ)], srcst.at[0])
    pltpu.sync_copy(dst_hbm.at[pl.ds(cbase, _GSZ)], dstst.at[0])
    for b in range(_NBUF):
        pltpu.async_copy(h_hbm.at[srcst.at[0, b]], bufs[b], sems[b])

    def _group(g, carry):
        pg = lax.rem(g, 2)
        ng = lax.rem(g + 1, 2)
        gn = lax.rem(g + 1, ngrp)
        goff = pl.multiple_of(cbase + gn * _GSZ, _GSZ)
        pltpu.async_copy(src_hbm.at[pl.ds(goff, _GSZ)], srcst.at[ng], sem_idx)
        pltpu.async_copy(dst_hbm.at[pl.ds(goff, _GSZ)], dstst.at[ng], sem_idx)
        for b in range(_GSZ):
            buf, sem = bufs[b % _NBUF], sems[b % _NBUF]
            if b == _GSZ - _NBUF - 1:
                pltpu.make_async_copy(src_hbm.at[pl.ds(goff, _GSZ)],
                                      srcst.at[ng], sem_idx).wait()
                pltpu.make_async_copy(dst_hbm.at[pl.ds(goff, _GSZ)],
                                      dstst.at[ng], sem_idx).wait()
            pltpu.make_async_copy(h_hbm.at[srcst.at[pg, b]], buf, sem).wait()
            pltpu.sync_copy(buf, acc_sh.at[dstst.at[pg, b]], add=True)
            if b < _GSZ - _NBUF:
                pltpu.async_copy(h_hbm.at[srcst.at[pg, b + _NBUF]], buf, sem)
            else:
                pltpu.async_copy(h_hbm.at[srcst.at[ng, b - (_GSZ - _NBUF)]], buf, sem)
        return carry
    lax.fori_loop(0, ngrp, _group, 0)
    for b in range(_NBUF):
        pltpu.make_async_copy(h_hbm.at[srcst.at[0, b]], bufs[b], sems[b]).wait()
    plsc.subcore_barrier()

    pltpu.sync_copy(acc_sh.at[pl.ds(base, _RPT)], out_hbm.at[cid, pl.ds(base, _RPT)])



_RB = 2000


def _mlp_body(x_ref, w_ref, b_ref, o_ref):
    o_ref[...] = jnp.maximum(
        jnp.dot(x_ref[...], w_ref[...], preferred_element_type=jnp.float32)
        + b_ref[...], 0.0)


def _tc_mlp(x, W, b2):
    return pl.pallas_call(
        _mlp_body,
        grid=(_N // _RB,),
        in_specs=[
            pl.BlockSpec((_RB, _HID), lambda i: (i, 0)),
            pl.BlockSpec((_HID, _HID), lambda i: (0, 0)),
            pl.BlockSpec((1, _HID), lambda i: (0, 0)),
        ],
        out_specs=pl.BlockSpec((_RB, _HID), lambda i: (i, 0)),
        out_shape=jax.ShapeDtypeStruct((_N, _HID), jnp.float32),
    )(x, W, b2)


def _attn_body(h_ref, wq_ref, kt_ref, v_ref, o_ref):
    q = jnp.dot(h_ref[...], wq_ref[...], preferred_element_type=jnp.float32)
    s = jnp.dot(q, kt_ref[...], preferred_element_type=jnp.float32)
    m = jnp.max(s, axis=-1, keepdims=True)
    e = jnp.exp(s - m)
    attn = e / jnp.sum(e, axis=-1, keepdims=True)
    o_ref[...] = jnp.dot(attn, v_ref[...], preferred_element_type=jnp.float32)


def _tc_attn(h, Wq, kT_beta, Vmem):
    return pl.pallas_call(
        _attn_body,
        grid=(_N // _RB,),
        in_specs=[
            pl.BlockSpec((_RB, _HID), lambda i: (i, 0)),
            pl.BlockSpec((_HID, _HID), lambda i: (0, 0)),
            pl.BlockSpec((_HID, 32), lambda i: (0, 0)),
            pl.BlockSpec((32, _HID), lambda i: (0, 0)),
        ],
        out_specs=pl.BlockSpec((_RB, _HID), lambda i: (i, 0)),
        out_shape=jax.ShapeDtypeStruct((_N, _HID), jnp.float32),
    )(h, Wq, kT_beta, Vmem)


def _new_h(h_ref, r_ref, a_ref, d_ref, g_ref, bl_ref):
    aggs = a_ref[0] + a_ref[1]
    degs = d_ref[0] + d_ref[1]
    deg = jnp.maximum(degs[:, 0:1], 1.0)
    h_new = r_ref[...] + (_LAMBDA / deg) * aggs
    h = (1.0 - _ALPHA) * h_ref[...] + _ALPHA * h_new
    mu = jnp.mean(h, axis=-1, keepdims=True)
    var = jnp.mean((h - mu) * (h - mu), axis=-1, keepdims=True)
    return g_ref[...] * (h - mu) / jnp.sqrt(var + _EPS) + bl_ref[...]


def _combine_body(h_ref, r_ref, a_ref, d_ref, g_ref, bl_ref, o_ref):
    o_ref[...] = _new_h(h_ref, r_ref, a_ref, d_ref, g_ref, bl_ref)


def _combine_cls_body(h_ref, r_ref, a_ref, d_ref, g_ref, bl_ref, wc_ref,
                      bc_ref, o_ref):
    hn = _new_h(h_ref, r_ref, a_ref, d_ref, g_ref, bl_ref)
    o_ref[...] = (jnp.dot(hn, wc_ref[...], preferred_element_type=jnp.float32)
                  + bc_ref[...])


_common_combine_specs = [
    pl.BlockSpec((_RB, _HID), lambda i: (i, 0)),
    pl.BlockSpec((_RB, _HID), lambda i: (i, 0)),
    pl.BlockSpec((2, _RB, _HID), lambda i: (0, i, 0)),
    pl.BlockSpec((2, _RB, _HID), lambda i: (0, i, 0)),
    pl.BlockSpec((1, _HID), lambda i: (0, 0)),
    pl.BlockSpec((1, _HID), lambda i: (0, 0)),
]


def _tc_combine(h, retr, aggp, degp, g2, bl2):
    return pl.pallas_call(
        _combine_body,
        grid=(_N // _RB,),
        in_specs=list(_common_combine_specs),
        out_specs=pl.BlockSpec((_RB, _HID), lambda i: (i, 0)),
        out_shape=jax.ShapeDtypeStruct((_N, _HID), jnp.float32),
    )(h, retr, aggp, degp, g2, bl2)


def _tc_combine_cls(h, retr, aggp, degp, g2, bl2, Wc, bc2):
    return pl.pallas_call(
        _combine_cls_body,
        grid=(_N // _RB,),
        in_specs=list(_common_combine_specs) + [
            pl.BlockSpec((_HID, _OUT), lambda i: (0, 0)),
            pl.BlockSpec((1, _OUT), lambda i: (0, 0)),
        ],
        out_specs=pl.BlockSpec((_RB, _OUT), lambda i: (i, 0)),
        out_shape=jax.ShapeDtypeStruct((_N, _OUT), jnp.float32),
    )(h, retr, aggp, degp, g2, bl2, Wc, bc2)



def kernel(x, edge_index, W_in, b_in, Wq, Kmem, Vmem, beta_param, gamma,
           beta_ln, Wc, bc):
    src = edge_index[0]
    dst = edge_index[1]
    pad = _EPAD - _E
    src_p = jnp.concatenate(
        [src, jnp.zeros((pad,), jnp.int32)]).reshape(_TOTCH, _CH)
    dst_flat = jnp.concatenate([dst, jnp.full((pad,), _N, jnp.int32)])
    dst_p = dst_flat.reshape(_TOTCH, _CH)
    dst_pd = dst_flat.reshape(_NTILES, _DNCHUNK, _DCH)

    kT_beta = beta_param * Kmem.T
    b2 = b_in.reshape(1, _HID)
    g2 = gamma.reshape(1, _HID)
    bl2 = beta_ln.reshape(1, _HID)
    bc2 = bc.reshape(1, _OUT)

    degp = _get_sc_deg()(dst_pd)
    h = _tc_mlp(x, W_in, b2)
    logits = None
    for t in range(2):
        aggp = _get_sc_agg()(h, src_p, dst_p)
        retr = _tc_attn(h, Wq, kT_beta, Vmem)
        if t == 0:
            h = _tc_combine(h, retr, aggp, degp, g2, bl2)
        else:
            logits = _tc_combine_cls(h, retr, aggp, degp, g2, bl2, Wc, bc2)
    return logits

# --- scband reference (transcript-rebuilt; emitter-appended) ---
"""Pipeline reference for scband-graph-hopfield-network-minimal-29033978921024 (READ-ONLY COPY).

The authoritative reference and input builder live on the scoring server;
editing this copy changes nothing except your own understanding.
"""

import jax, jax.numpy as jnp
import numpy as np

N = 10000
E = 320000
D_IN = 128
HID = 128
OUT = 64
P = 32
LAMBDA_GRAPH = 0.1
T_ITERS = 2
ALPHA = 0.5
EPS = 1e-5


def _layer_norm(h, gamma, beta_ln):
    mu = jnp.mean(h, axis=-1, keepdims=True)
    var = jnp.var(h, axis=-1, keepdims=True)
    return gamma * (h - mu) / jnp.sqrt(var + EPS) + beta_ln


def setup_inputs(seed: int = 0) -> dict:
    key = jax.random.key(seed)
    ks = jax.random.split(key, 12)
    x = jax.random.normal(ks[0], (N, D_IN), dtype=jnp.float32)
    edge_index = jax.random.randint(ks[1], (2, E), 0, N, dtype=jnp.int32)
    W_in = jax.random.normal(ks[2], (D_IN, HID), dtype=jnp.float32) / np.sqrt(D_IN)
    b_in = jnp.zeros((HID,), dtype=jnp.float32)
    Wq = jax.random.normal(ks[3], (HID, HID), dtype=jnp.float32) / np.sqrt(HID)
    Kmem = jax.random.normal(ks[4], (P, HID), dtype=jnp.float32) / np.sqrt(HID)
    Vmem = jax.random.normal(ks[5], (P, HID), dtype=jnp.float32) / np.sqrt(HID)
    beta_param = jnp.ones((), dtype=jnp.float32)
    gamma = jnp.ones((HID,), dtype=jnp.float32)
    beta_ln = jnp.zeros((HID,), dtype=jnp.float32)
    Wc = jax.random.normal(ks[6], (HID, OUT), dtype=jnp.float32) / np.sqrt(HID)
    bc = jnp.zeros((OUT,), dtype=jnp.float32)
    return {"x": x, "edge_index": edge_index, "W_in": W_in, "b_in": b_in,
            "Wq": Wq, "Kmem": Kmem, "Vmem": Vmem, "beta_param": beta_param,
            "gamma": gamma, "beta_ln": beta_ln, "Wc": Wc, "bc": bc}


def reference(x, edge_index, W_in, b_in, Wq, Kmem, Vmem, beta_param, gamma, beta_ln, Wc, bc):
    # input MLP (dropout inactive in eval)
    h = jax.nn.relu(x @ W_in + b_in)
    src = edge_index[0]
    dst = edge_index[1]
    deg = jax.ops.segment_sum(jnp.ones((src.shape[0],), dtype=jnp.float32), dst, num_segments=N)
    deg = jnp.maximum(deg, 1.0)
    # GHN block: T Hopfield retrieval + graph-smoothing iterations
    for _ in range(T_ITERS):
        q = h @ Wq
        attn = jax.nn.softmax(beta_param * (q @ Kmem.T), axis=-1)
        retrieved = attn @ Vmem
        agg = jax.ops.segment_sum(h[src], dst, num_segments=N) / deg[:, None]
        h_new = retrieved + LAMBDA_GRAPH * agg
        h = (1.0 - ALPHA) * h + ALPHA * h_new
        h = _layer_norm(h, gamma, beta_ln)
    logits = h @ Wc + bc
    return logits

if __name__ == "__main__":
    import jax
    _d = setup_inputs()
    print(jax.jit(kernel)(*tuple(_d.values())))

</pallas_src>

<mosaic_0001>
#map = affine_map<(d0, d1) -> (0, 0)>
#map1 = affine_map<(d0, d1) -> (0, 0, 0)>
module attributes {stable_mosaic.version = 14 : i64} {
  func.func @_sc_agg_body(%arg0: i32, %arg1: i32, %arg2: memref<10000x128xf32, #tpu.memory_space<hbm>>, %arg3: memref<5120x64xi32, #tpu.memory_space<hbm>>, %arg4: memref<5120x64xi32, #tpu.memory_space<hbm>>, %arg5: memref<2x10240x128xf32, #tpu.memory_space<hbm>>, %arg6: memref<2x8x64xi32, #tpu.memory_space<vmem>>, %arg7: memref<2x8x64xi32, #tpu.memory_space<vmem>>, %arg8: memref<64x128xf32, #tpu.memory_space<vmem>>, %arg9: memref<64x128xf32, #tpu.memory_space<vmem>>, %arg10: memref<64x128xf32, #tpu.memory_space<vmem>>, %arg11: memref<64x128xf32, #tpu.memory_space<vmem>>, %arg12: memref<10240x128xf32, #tpu.memory_space<vmem_shared>>, %arg13: memref<!tpu.dma_semaphore, #tpu.memory_space<semaphore_mem>>, %arg14: memref<!tpu.dma_semaphore, #tpu.memory_space<semaphore_mem>>, %arg15: memref<!tpu.dma_semaphore, #tpu.memory_space<semaphore_mem>>, %arg16: memref<!tpu.dma_semaphore, #tpu.memory_space<semaphore_mem>>, %arg17: memref<!tpu.dma_semaphore, #tpu.memory_space<semaphore_mem>>) attributes {dimension_semantics = [#tpu.dimension_semantics<core_parallel>, #tpu.dimension_semantics<subcore_parallel>], iteration_bounds = array<i64: 2, 16>, scalar_prefetch = 0 : i64, scratch_operands = 12 : i64, tpu.core_type = #tpu.core_type<sc_vector_subcore>, window_params = [{transform_indices = #map}, {transform_indices = #map}, {transform_indices = #map}, {transform_indices = #map1}]} {
    %eq3A = arith.constant 0 : i32
    %eq3A_0 = arith.cmpi eq, %arg0, %eq3A : i32
    %jit3A = arith.constant 32 : i32
    %jit3A_1 = arith.constant 8 : i32
    %select_n3A = arith.select %eq3A_0, %jit3A, %jit3A_1 : i32
    %mul3A = arith.constant 256 : i32
    %mul3A_2 = arith.muli %arg1, %mul3A : i32
    %mul3A_3 = arith.constant 64 : i32
    %mul3A_4 = arith.muli %arg1, %mul3A_3 : i32
    %add3A = arith.constant 4096 : i32
    %add3A_5 = arith.addi %add3A, %mul3A_4 : i32
    %select_n3A_6 = arith.select %eq3A_0, %mul3A_2, %add3A_5 : i32
    %multiple_of3A = tpu.assume_multiple %select_n3A_6, 8 : i32
    %scan3A = arith.constant 0 : i32
    %scan3A_7 = arith.constant 0 : i32
    %scan3A_8 = arith.constant 64 : i32
    %scan3A_9 = arith.addi %scan3A_7, %scan3A_8 : i32
    %scan3A_10 = arith.constant 1 : i32
    scf.for %scan3A_107 = %scan3A_7 to %scan3A_9 step %scan3A_10  : i32 {
      %broadcast_in_dim3A = arith.constant 0.000000e+00 : f32
      %broadcast_in_dim3A_108 = vector.broadcast %broadcast_in_dim3A : f32 to vector<16xf32>
      %swap3A = arith.index_cast %scan3A_107 : i32 to index
      %swap3A_109 = arith.constant 0 : index
      %swap3A_110 = tpu.vector_load %arg8[%swap3A, %swap3A_109] {strides = array<i32>} : memref<64x128xf32, #tpu.memory_space<vmem>>, vector<1x16xf32>,
      %swap3A_111 = vector.shape_cast %swap3A_110 : vector<1x16xf32> to vector<16xf32>
      %swap3A_112 = vector.shape_cast %broadcast_in_dim3A_108 : vector<16xf32> to vector<1x16xf32>
      tpu.vector_store %arg8[%swap3A, %swap3A_109], %swap3A_112 {strides = array<i32>} : memref<64x128xf32, #tpu.memory_space<vmem>>, vector<1x16xf32>,
      %broadcast_in_dim3A_113 = arith.constant 0.000000e+00 : f32
      %broadcast_in_dim3A_114 = vector.broadcast %broadcast_in_dim3A_113 : f32 to vector<16xf32>
      %swap3A_115 = arith.index_cast %scan3A_107 : i32 to index
      %swap3A_116 = arith.constant 16 : index
      %swap3A_117 = tpu.vector_load %arg8[%swap3A_115, %swap3A_116] {strides = array<i32>} : memref<64x128xf32, #tpu.memory_space<vmem>>, vector<1x16xf32>,
      %swap3A_118 = vector.shape_cast %swap3A_117 : vector<1x16xf32> to vector<16xf32>
      %swap3A_119 = vector.shape_cast %broadcast_in_dim3A_114 : vector<16xf32> to vector<1x16xf32>
      tpu.vector_store %arg8[%swap3A_115, %swap3A_116], %swap3A_119 {strides = array<i32>} : memref<64x128xf32, #tpu.memory_space<vmem>>, vector<1x16xf32>,
      %broadcast_in_dim3A_120 = arith.constant 0.000000e+00 : f32
      %broadcast_in_dim3A_121 = vector.broadcast %broadcast_in_dim3A_120 : f32 to vector<16xf32>
      %swap3A_122 = arith.index_cast %scan3A_107 : i32 to index
      %swap3A_123 = arith.constant 32 : index
      %swap3A_124 = tpu.vector_load %arg8[%swap3A_122, %swap3A_123] {strides = array<i32>} : memref<64x128xf32, #tpu.memory_space<vmem>>, vector<1x16xf32>,
      %swap3A_125 = vector.shape_cast %swap3A_124 : vector<1x16xf32> to vector<16xf32>
      %swap3A_126 = vector.shape_cast %broadcast_in_dim3A_121 : vector<16xf32> to vector<1x16xf32>
      tpu.vector_store %arg8[%swap3A_122, %swap3A_123], %swap3A_126 {strides = array<i32>} : memref<64x128xf32, #tpu.memory_space<vmem>>, vector<1x16xf32>,
      %broadcast_in_dim3A_127 = arith.constant 0.000000e+00 : f32
      %broadcast_in_dim3A_128 = vector.broadcast %broadcast_in_dim3A_127 : f32 to vector<16xf32>
      %swap3A_129 = arith.index_cast %scan3A_107 : i32 to index
      %swap3A_130 = arith.constant 48 : index
      %swap3A_131 = tpu.vector_load %arg8[%swap3A_129, %swap3A_130] {strides = array<i32>} : memref<64x128xf32, #tpu.memory_space<vmem>>, vector<1x16xf32>,
      %swap3A_132 = vector.shape_cast %swap3A_131 : vector<1x16xf32> to vector<16xf32>
      %swap3A_133 = vector.shape_cast %broadcast_in_dim3A_128 : vector<16xf32> to vector<1x16xf32>
      tpu.vector_store %arg8[%swap3A_129, %swap3A_130], %swap3A_133 {strides = array<i32>} : memref<64x128xf32, #tpu.memory_space<vmem>>, vector<1x16xf32>,
      %broadcast_in_dim3A_134 = arith.constant 0.000000e+00 : f32
      %broadcast_in_dim3A_135 = vector.broadcast %broadcast_in_dim3A_134 : f32 to vector<16xf32>
      %swap3A_136 = arith.index_cast %scan3A_107 : i32 to index
      %swap3A_137 = arith.constant 64 : index
      %swap3A_138 = tpu.vector_load %arg8[%swap3A_136, %swap3A_137] {strides = array<i32>} : memref<64x128xf32, #tpu.memory_space<vmem>>, vector<1x16xf32>,
      %swap3A_139 = vector.shape_cast %swap3A_138 : vector<1x16xf32> to vector<16xf32>
      %swap3A_140 = vector.shape_cast %broadcast_in_dim3A_135 : vector<16xf32> to vector<1x16xf32>
      tpu.vector_store %arg8[%swap3A_136, %swap3A_137], %swap3A_140 {strides = array<i32>} : memref<64x128xf32, #tpu.memory_space<vmem>>, vector<1x16xf32>,
      %broadcast_in_dim3A_141 = arith.constant 0.000000e+00 : f32
      %broadcast_in_dim3A_142 = vector.broadcast %broadcast_in_dim3A_141 : f32 to vector<16xf32>
      %swap3A_143 = arith.index_cast %scan3A_107 : i32 to index
      %swap3A_144 = arith.constant 80 : index
      %swap3A_145 = tpu.vector_load %arg8[%swap3A_143, %swap3A_144] {strides = array<i32>} : memref<64x128xf32, #tpu.memory_space<vmem>>, vector<1x16xf32>,
      %swap3A_146 = vector.shape_cast %swap3A_145 : vector<1x16xf32> to vector<16xf32>
      %swap3A_147 = vector.shape_cast %broadcast_in_dim3A_142 : vector<16xf32> to vector<1x16xf32>
      tpu.vector_store %arg8[%swap3A_143, %swap3A_144], %swap3A_147 {strides = array<i32>} : memref<64x128xf32, #tpu.memory_space<vmem>>, vector<1x16xf32>,
      %broadcast_in_dim3A_148 = arith.constant 0.000000e+00 : f32
      %broadcast_in_dim3A_149 = vector.broadcast %broadcast_in_dim3A_148 : f32 to vector<16xf32>
      %swap3A_150 = arith.index_cast %scan3A_107 : i32 to index
      %swap3A_151 = arith.constant 96 : index
      %swap3A_152 = tpu.vector_load %arg8[%swap3A_150, %swap3A_151] {strides = array<i32>} : memref<64x128xf32, #tpu.memory_space<vmem>>, vector<1x16xf32>,
      %swap3A_153 = vector.shape_cast %swap3A_152 : vector<1x16xf32> to vector<16xf32>
      %swap3A_154 = vector.shape_cast %broadcast_in_dim3A_149 : vector<16xf32> to vector<1x16xf32>
      tpu.vector_store %arg8[%swap3A_150, %swap3A_151], %swap3A_154 {strides = array<i32>} : memref<64x128xf32, #tpu.memory_space<vmem>>, vector<1x16xf32>,
      %broadcast_in_dim3A_155 = arith.constant 0.000000e+00 : f32
      %broadcast_in_dim3A_156 = vector.broadcast %broadcast_in_dim3A_155 : f32 to vector<16xf32>
      %swap3A_157 = arith.index_cast %scan3A_107 : i32 to index
      %swap3A_158 = arith.constant 112 : index
      %swap3A_159 = tpu.vector_load %arg8[%swap3A_157, %swap3A_158] {strides = array<i32>} : memref<64x128xf32, #tpu.memory_space<vmem>>, vector<1x16xf32>,
      %swap3A_160 = vector.shape_cast %swap3A_159 : vector<1x16xf32> to vector<16xf32>
      %swap3A_161 = vector.shape_cast %broadcast_in_dim3A_156 : vector<16xf32> to vector<1x16xf32>
      tpu.vector_store %arg8[%swap3A_157, %swap3A_158], %swap3A_161 {strides = array<i32>} : memref<64x128xf32, #tpu.memory_space<vmem>>, vector<1x16xf32>,
    }
    %scan3A_11 = arith.constant 64 : i32
    %mul3A_12 = arith.constant 640 : i32
    %mul3A_13 = arith.muli %arg1, %mul3A_12 : i32
    %add3A_14 = arith.constant 0 : i32
    %add3A_15 = arith.addi %mul3A_13, %add3A_14 : i32
    "tpu.region"() ({
      %run_scoped3A_107 = tpu.sem_alloc : memref<!tpu.dma_semaphore, #tpu.memory_space<semaphore_mem>>
      %dma_start3A_108 = arith.constant 0 : i32
      %dma_start3A_109 = tpu.memref_slice %arg12[%add3A_15, %dma_start3A_108] : memref<10240x128xf32, #tpu.memory_space<vmem_shared>> -> memref<64x128xf32, #tpu.memory_space<vmem_shared>>
      %dma_start3A_110 = arith.constant 0 : i32
      %dma_start3A_111 = tpu.memref_slice %arg12[%add3A_15, %dma_start3A_110] : memref<10240x128xf32, #tpu.memory_space<vmem_shared>> -> memref<64x128xf32, #tpu.memory_space<vmem_shared>>
      tpu.enqueue_dma source(%arg8 : memref<64x128xf32, #tpu.memory_space<vmem>>) target(%dma_start3A_111 : memref<64x128xf32, #tpu.memory_space<vmem_shared>>) target_semaphore(%run_scoped3A_107 : memref<!tpu.dma_semaphore, #tpu.memory_space<semaphore_mem>>)
      %dma_wait3A_112 = arith.constant 0 : i32
      %dma_wait3A_113 = tpu.memref_slice %arg12[%add3A_15, %dma_wait3A_112] : memref<10240x128xf32, #tpu.memory_space<vmem_shared>> -> memref<64x128xf32, #tpu.memory_space<vmem_shared>>
      %dma_wait3A_114 = arith.constant 0 : i32
      %dma_wait3A_115 = tpu.memref_slice %arg12[%add3A_15, %dma_wait3A_114] : memref<10240x128xf32, #tpu.memory_space<vmem_shared>> -> memref<64x128xf32, #tpu.memory_space<vmem_shared>>
      tpu.wait_dma2 semaphore(%run_scoped3A_107 : memref<!tpu.dma_semaphore, #tpu.memory_space<semaphore_mem>>) src(%arg8 : memref<64x128xf32, #tpu.memory_space<vmem>>) dst(%dma_wait3A_115 : memref<64x128xf32, #tpu.memory_space<vmem_shared>>)
      tpu.yield
    }) : () -> ()
    %add3A_16 = arith.constant 64 : i32
    %add3A_17 = arith.addi %mul3A_13, %add3A_16 : i32
    "tpu.region"() ({
      %run_scoped3A_107 = tpu.sem_alloc : memref<!tpu.dma_semaphore, #tpu.memory_space<semaphore_mem>>
      %dma_start3A_108 = arith.constant 0 : i32
      %dma_start3A_109 = tpu.memref_slice %arg12[%add3A_17, %dma_start3A_108] : memref<10240x128xf32, #tpu.memory_space<vmem_shared>> -> memref<64x128xf32, #tpu.memory_space<vmem_shared>>
      %dma_start3A_110 = arith.constant 0 : i32
      %dma_start3A_111 = tpu.memref_slice %arg12[%add3A_17, %dma_start3A_110] : memref<10240x128xf32, #tpu.memory_space<vmem_shared>> -> memref<64x128xf32, #tpu.memory_space<vmem_shared>>
      tpu.enqueue_dma source(%arg8 : memref<64x128xf32, #tpu.memory_space<vmem>>) target(%dma_start3A_111 : memref<64x128xf32, #tpu.memory_space<vmem_shared>>) target_semaphore(%run_scoped3A_107 : memref<!tpu.dma_semaphore, #tpu.memory_space<semaphore_mem>>)
      %dma_wait3A_112 = arith.constant 0 : i32
      %dma_wait3A_113 = tpu.memref_slice %arg12[%add3A_17, %dma_wait3A_112] : memref<10240x128xf32, #tpu.memory_space<vmem_shared>> -> memref<64x128xf32, #tpu.memory_space<vmem_shared>>
      %dma_wait3A_114 = arith.constant 0 : i32
      %dma_wait3A_115 = tpu.memref_slice %arg12[%add3A_17, %dma_wait3A_114] : memref<10240x128xf32, #tpu.memory_space<vmem_shared>> -> memref<64x128xf32, #tpu.memory_space<vmem_shared>>
      tpu.wait_dma2 semaphore(%run_scoped3A_107 : memref<!tpu.dma_semaphore, #tpu.memory_space<semaphore_mem>>) src(%arg8 : memref<64x128xf32, #tpu.memory_space<vmem>>) dst(%dma_wait3A_115 : memref<64x128xf32, #tpu.memory_space<vmem_shared>>)
      tpu.yield
    }) : () -> ()
    %add3A_18 = arith.constant 128 : i32
    %add3A_19 = arith.addi %mul3A_13, %add3A_18 : i32
    "tpu.region"() ({
      %run_scoped3A_107 = tpu.sem_alloc : memref<!tpu.dma_semaphore, #tpu.memory_space<semaphore_mem>>
      %dma_start3A_108 = arith.constant 0 : i32
      %dma_start3A_109 = tpu.memref_slice %arg12[%add3A_19, %dma_start3A_108] : memref<10240x128xf32, #tpu.memory_space<vmem_shared>> -> memref<64x128xf32, #tpu.memory_space<vmem_shared>>
      %dma_start3A_110 = arith.constant 0 : i32
      %dma_start3A_111 = tpu.memref_slice %arg12[%add3A_19, %dma_start3A_110] : memref<10240x128xf32, #tpu.memory_space<vmem_shared>> -> memref<64x128xf32, #tpu.memory_space<vmem_shared>>
      tpu.enqueue_dma source(%arg8 : memref<64x128xf32, #tpu.memory_space<vmem>>) target(%dma_start3A_111 : memref<64x128xf32, #tpu.memory_space<vmem_shared>>) target_semaphore(%run_scoped3A_107 : memref<!tpu.dma_semaphore, #tpu.memory_space<semaphore_mem>>)
      %dma_wait3A_112 = arith.constant 0 : i32
      %dma_wait3A_113 = tpu.memref_slice %arg12[%add3A_19, %dma_wait3A_112] : memref<10240x128xf32, #tpu.memory_space<vmem_shared>> -> memref<64x128xf32, #tpu.memory_space<vmem_shared>>
      %dma_wait3A_114 = arith.constant 0 : i32
      %dma_wait3A_115 = tpu.memref_slice %arg12[%add3A_19, %dma_wait3A_114] : memref<10240x128xf32, #tpu.memory_space<vmem_shared>> -> memref<64x128xf32, #tpu.memory_space<vmem_shared>>
      tpu.wait_dma2 semaphore(%run_scoped3A_107 : memref<!tpu.dma_semaphore, #tpu.memory_space<semaphore_mem>>) src(%arg8 : memref<64x128xf32, #tpu.memory_space<vmem>>) dst(%dma_wait3A_115 : memref<64x128xf32, #tpu.memory_space<vmem_shared>>)
      tpu.yield
    }) : () -> ()
    %add3A_20 = arith.constant 192 : i32
    %add3A_21 = arith.addi %mul3A_13, %add3A_20 : i32
    "tpu.region"() ({
      %run_scoped3A_107 = tpu.sem_alloc : memref<!tpu.dma_semaphore, #tpu.memory_space<semaphore_mem>>
      %dma_start3A_108 = arith.constant 0 : i32
      %dma_start3A_109 = tpu.memref_slice %arg12[%add3A_21, %dma_start3A_108] : memref<10240x128xf32, #tpu.memory_space<vmem_shared>> -> memref<64x128xf32, #tpu.memory_space<vmem_shared>>
      %dma_start3A_110 = arith.constant 0 : i32
      %dma_start3A_111 = tpu.memref_slice %arg12[%add3A_21, %dma_start3A_110] : memref<10240x128xf32, #tpu.memory_space<vmem_shared>> -> memref<64x128xf32, #tpu.memory_space<vmem_shared>>
      tpu.enqueue_dma source(%arg8 : memref<64x128xf32, #tpu.memory_space<vmem>>) target(%dma_start3A_111 : memref<64x128xf32, #tpu.memory_space<vmem_shared>>) target_semaphore(%run_scoped3A_107 : memref<!tpu.dma_semaphore, #tpu.memory_space<semaphore_mem>>)
      %dma_wait3A_112 = arith.constant 0 : i32
      %dma_wait3A_113 = tpu.memref_slice %arg12[%add3A_21, %dma_wait3A_112] : memref<10240x128xf32, #tpu.memory_space<vmem_shared>> -> memref<64x128xf32, #tpu.memory_space<vmem_shared>>
      %dma_wait3A_114 = arith.constant 0 : i32
      %dma_wait3A_115 = tpu.memref_slice %arg12[%add3A_21, %dma_wait3A_114] : memref<10240x128xf32, #tpu.memory_space<vmem_shared>> -> memref<64x128xf32, #tpu.memory_space<vmem_shared>>
      tpu.wait_dma2 semaphore(%run_scoped3A_107 : memref<!tpu.dma_semaphore, #tpu.memory_space<semaphore_mem>>) src(%arg8 : memref<64x128xf32, #tpu.memory_space<vmem>>) dst(%dma_wait3A_115 : memref<64x128xf32, #tpu.memory_space<vmem_shared>>)
      tpu.yield
    }) : () -> ()
    %add3A_22 = arith.constant 256 : i32
    %add3A_23 = arith.addi %mul3A_13, %add3A_22 : i32
    "tpu.region"() ({
      %run_scoped3A_107 = tpu.sem_alloc : memref<!tpu.dma_semaphore, #tpu.memory_space<semaphore_mem>>
      %dma_start3A_108 = arith.constant 0 : i32
      %dma_start3A_109 = tpu.memref_slice %arg12[%add3A_23, %dma_start3A_108] : memref<10240x128xf32, #tpu.memory_space<vmem_shared>> -> memref<64x128xf32, #tpu.memory_space<vmem_shared>>
      %dma_start3A_110 = arith.constant 0 : i32
      %dma_start3A_111 = tpu.memref_slice %arg12[%add3A_23, %dma_start3A_110] : memref<10240x128xf32, #tpu.memory_space<vmem_shared>> -> memref<64x128xf32, #tpu.memory_space<vmem_shared>>
      tpu.enqueue_dma source(%arg8 : memref<64x128xf32, #tpu.memory_space<vmem>>) target(%dma_start3A_111 : memref<64x128xf32, #tpu.memory_space<vmem_shared>>) target_semaphore(%run_scoped3A_107 : memref<!tpu.dma_semaphore, #tpu.memory_space<semaphore_mem>>)
      %dma_wait3A_112 = arith.constant 0 : i32
      %dma_wait3A_113 = tpu.memref_slice %arg12[%add3A_23, %dma_wait3A_112] : memref<10240x128xf32, #tpu.memory_space<vmem_shared>> -> memref<64x128xf32, #tpu.memory_space<vmem_shared>>
      %dma_wait3A_114 = arith.constant 0 : i32
      %dma_wait3A_115 = tpu.memref_slice %arg12[%add3A_23, %dma_wait3A_114] : memref<10240x128xf32, #tpu.memory_space<vmem_shared>> -> memref<64x128xf32, #tpu.memory_space<vmem_shared>>
      tpu.wait_dma2 semaphore(%run_scoped3A_107 : memref<!tpu.dma_semaphore, #tpu.memory_space<semaphore_mem>>) src(%arg8 : memref<64x128xf32, #tpu.memory_space<vmem>>) dst(%dma_wait3A_115 : memref<64x128xf32, #tpu.memory_space<vmem_shared>>)
      tpu.yield
    }) : () -> ()
    %add3A_24 = arith.constant 320 : i32
    %add3A_25 = arith.addi %mul3A_13, %add3A_24 : i32
    "tpu.region"() ({
      %run_scoped3A_107 = tpu.sem_alloc : memref<!tpu.dma_semaphore, #tpu.memory_space<semaphore_mem>>
      %dma_start3A_108 = arith.constant 0 : i32
      %dma_start3A_109 = tpu.memref_slice %arg12[%add3A_25, %dma_start3A_108] : memref<10240x128xf32, #tpu.memory_space<vmem_shared>> -> memref<64x128xf32, #tpu.memory_space<vmem_shared>>
      %dma_start3A_110 = arith.constant 0 : i32
      %dma_start3A_111 = tpu.memref_slice %arg12[%add3A_25, %dma_start3A_110] : memref<10240x128xf32, #tpu.memory_space<vmem_shared>> -> memref<64x128xf32, #tpu.memory_space<vmem_shared>>
      tpu.enqueue_dma source(%arg8 : memref<64x128xf32, #tpu.memory_space<vmem>>) target(%dma_start3A_111 : memref<64x128xf32, #tpu.memory_space<vmem_shared>>) target_semaphore(%run_scoped3A_107 : memref<!tpu.dma_semaphore, #tpu.memory_space<semaphore_mem>>)
      %dma_wait3A_112 = arith.constant 0 : i32
      %dma_wait3A_113 = tpu.memref_slice %arg12[%add3A_25, %dma_wait3A_112] : memref<10240x128xf32, #tpu.memory_space<vmem_shared>> -> memref<64x128xf32, #tpu.memory_space<vmem_shared>>
      %dma_wait3A_114 = arith.constant 0 : i32
      %dma_wait3A_115 = tpu.memref_slice %arg12[%add3A_25, %dma_wait3A_114] : memref<10240x128xf32, #tpu.memory_space<vmem_shared>> -> memref<64x128xf32, #tpu.memory_space<vmem_shared>>
      tpu.wait_dma2 semaphore(%run_scoped3A_107 : memref<!tpu.dma_semaphore, #tpu.memory_space<semaphore_mem>>) src(%arg8 : memref<64x128xf32, #tpu.memory_space<vmem>>) dst(%dma_wait3A_115 : memref<64x128xf32, #tpu.memory_space<vmem_shared>>)
      tpu.yield
    }) : () -> ()
    %add3A_26 = arith.constant 384 : i32
    %add3A_27 = arith.addi %mul3A_13, %add3A_26 : i32
    "tpu.region"() ({
      %run_scoped3A_107 = tpu.sem_alloc : memref<!tpu.dma_semaphore, #tpu.memory_space<semaphore_mem>>
      %dma_start3A_108 = arith.constant 0 : i32
      %dma_start3A_109 = tpu.memref_slice %arg12[%add3A_27, %dma_start3A_108] : memref<10240x128xf32, #tpu.memory_space<vmem_shared>> -> memref<64x128xf32, #tpu.memory_space<vmem_shared>>
      %dma_start3A_110 = arith.constant 0 : i32
      %dma_start3A_111 = tpu.memref_slice %arg12[%add3A_27, %dma_start3A_110] : memref<10240x128xf32, #tpu.memory_space<vmem_shared>> -> memref<64x128xf32, #tpu.memory_space<vmem_shared>>
      tpu.enqueue_dma source(%arg8 : memref<64x128xf32, #tpu.memory_space<vmem>>) target(%dma_start3A_111 : memref<64x128xf32, #tpu.memory_space<vmem_shared>>) target_semaphore(%run_scoped3A_107 : memref<!tpu.dma_semaphore, #tpu.memory_space<semaphore_mem>>)
      %dma_wait3A_112 = arith.constant 0 : i32
      %dma_wait3A_113 = tpu.memref_slice %arg12[%add3A_27, %dma_wait3A_112] : memref<10240x128xf32, #tpu.memory_space<vmem_shared>> -> memref<64x128xf32, #tpu.memory_space<vmem_shared>>
      %dma_wait3A_114 = arith.constant 0 : i32
      %dma_wait3A_115 = tpu.memref_slice %arg12[%add3A_27, %dma_wait3A_114] : memref<10240x128xf32, #tpu.memory_space<vmem_shared>> -> memref<64x128xf32, #tpu.memory_space<vmem_shared>>
      tpu.wait_dma2 semaphore(%run_scoped3A_107 : memref<!tpu.dma_semaphore, #tpu.memory_space<semaphore_mem>>) src(%arg8 : memref<64x128xf32, #tpu.memory_space<vmem>>) dst(%dma_wait3A_115 : memref<64x128xf32, #tpu.memory_space<vmem_shared>>)
      tpu.yield
    }) : () -> ()
    %add3A_28 = arith.constant 448 : i32
    %add3A_29 = arith.addi %mul3A_13, %add3A_28 : i32
    "tpu.region"() ({
      %run_scoped3A_107 = tpu.sem_alloc : memref<!tpu.dma_semaphore, #tpu.memory_space<semaphore_mem>>
      %dma_start3A_108 = arith.constant 0 : i32
      %dma_start3A_109 = tpu.memref_slice %arg12[%add3A_29, %dma_start3A_108] : memref<10240x128xf32, #tpu.memory_space<vmem_shared>> -> memref<64x128xf32, #tpu.memory_space<vmem_shared>>
      %dma_start3A_110 = arith.constant 0 : i32
      %dma_start3A_111 = tpu.memref_slice %arg12[%add3A_29, %dma_start3A_110] : memref<10240x128xf32, #tpu.memory_space<vmem_shared>> -> memref<64x128xf32, #tpu.memory_space<vmem_shared>>
      tpu.enqueue_dma source(%arg8 : memref<64x128xf32, #tpu.memory_space<vmem>>) target(%dma_start3A_111 : memref<64x128xf32, #tpu.memory_space<vmem_shared>>) target_semaphore(%run_scoped3A_107 : memref<!tpu.dma_semaphore, #tpu.memory_space<semaphore_mem>>)
      %dma_wait3A_112 = arith.constant 0 : i32
      %dma_wait3A_113 = tpu.memref_slice %arg12[%add3A_29, %dma_wait3A_112] : memref<10240x128xf32, #tpu.memory_space<vmem_shared>> -> memref<64x128xf32, #tpu.memory_space<vmem_shared>>
      %dma_wait3A_114 = arith.constant 0 : i32
      %dma_wait3A_115 = tpu.memref_slice %arg12[%add3A_29, %dma_wait3A_114] : memref<10240x128xf32, #tpu.memory_space<vmem_shared>> -> memref<64x128xf32, #tpu.memory_space<vmem_shared>>
      tpu.wait_dma2 semaphore(%run_scoped3A_107 : memref<!tpu.dma_semaphore, #tpu.memory_space<semaphore_mem>>) src(%arg8 : memref<64x128xf32, #tpu.memory_space<vmem>>) dst(%dma_wait3A_115 : memref<64x128xf32, #tpu.memory_space<vmem_shared>>)
      tpu.yield
    }) : () -> ()
    %add3A_30 = arith.constant 512 : i32
    %add3A_31 = arith.addi %mul3A_13, %add3A_30 : i32
    "tpu.region"() ({
      %run_scoped3A_107 = tpu.sem_alloc : memref<!tpu.dma_semaphore, #tpu.memory_space<semaphore_mem>>
      %dma_start3A_108 = arith.constant 0 : i32
      %dma_start3A_109 = tpu.memref_slice %arg12[%add3A_31, %dma_start3A_108] : memref<10240x128xf32, #tpu.memory_space<vmem_shared>> -> memref<64x128xf32, #tpu.memory_space<vmem_shared>>
      %dma_start3A_110 = arith.constant 0 : i32
      %dma_start3A_111 = tpu.memref_slice %arg12[%add3A_31, %dma_start3A_110] : memref<10240x128xf32, #tpu.memory_space<vmem_shared>> -> memref<64x128xf32, #tpu.memory_space<vmem_shared>>
      tpu.enqueue_dma source(%arg8 : memref<64x128xf32, #tpu.memory_space<vmem>>) target(%dma_start3A_111 : memref<64x128xf32, #tpu.memory_space<vmem_shared>>) target_semaphore(%run_scoped3A_107 : memref<!tpu.dma_semaphore, #tpu.memory_space<semaphore_mem>>)
      %dma_wait3A_112 = arith.constant 0 : i32
      %dma_wait3A_113 = tpu.memref_slice %arg12[%add3A_31, %dma_wait3A_112] : memref<10240x128xf32, #tpu.memory_space<vmem_shared>> -> memref<64x128xf32, #tpu.memory_space<vmem_shared>>
      %dma_wait3A_114 = arith.constant 0 : i32
      %dma_wait3A_115 = tpu.memref_slice %arg12[%add3A_31, %dma_wait3A_114] : memref<10240x128xf32, #tpu.memory_space<vmem_shared>> -> memref<64x128xf32, #tpu.memory_space<vmem_shared>>
      tpu.wait_dma2 semaphore(%run_scoped3A_107 : memref<!tpu.dma_semaphore, #tpu.memory_space<semaphore_mem>>) src(%arg8 : memref<64x128xf32, #tpu.memory_space<vmem>>) dst(%dma_wait3A_115 : memref<64x128xf32, #tpu.memory_space<vmem_shared>>)
      tpu.yield
    }) : () -> ()
    %add3A_32 = arith.constant 576 : i32
    %add3A_33 = arith.addi %mul3A_13, %add3A_32 : i32
    "tpu.region"() ({
      %run_scoped3A_107 = tpu.sem_alloc : memref<!tpu.dma_semaphore, #tpu.memory_space<semaphore_mem>>
      %dma_start3A_108 = arith.constant 0 : i32
      %dma_start3A_109 = tpu.memref_slice %arg12[%add3A_33, %dma_start3A_108] : memref<10240x128xf32, #tpu.memory_space<vmem_shared>> -> memref<64x128xf32, #tpu.memory_space<vmem_shared>>
      %dma_start3A_110 = arith.constant 0 : i32
      %dma_start3A_111 = tpu.memref_slice %arg12[%add3A_33, %dma_start3A_110] : memref<10240x128xf32, #tpu.memory_space<vmem_shared>> -> memref<64x128xf32, #tpu.memory_space<vmem_shared>>
      tpu.enqueue_dma source(%arg8 : memref<64x128xf32, #tpu.memory_space<vmem>>) target(%dma_start3A_111 : memref<64x128xf32, #tpu.memory_space<vmem_shared>>) target_semaphore(%run_scoped3A_107 : memref<!tpu.dma_semaphore, #tpu.memory_space<semaphore_mem>>)
      %dma_wait3A_112 = arith.constant 0 : i32
      %dma_wait3A_113 = tpu.memref_slice %arg12[%add3A_33, %dma_wait3A_112] : memref<10240x128xf32, #tpu.memory_space<vmem_shared>> -> memref<64x128xf32, #tpu.memory_space<vmem_shared>>
      %dma_wait3A_114 = arith.constant 0 : i32
      %dma_wait3A_115 = tpu.memref_slice %arg12[%add3A_33, %dma_wait3A_114] : memref<10240x128xf32, #tpu.memory_space<vmem_shared>> -> memref<64x128xf32, #tpu.memory_space<vmem_shared>>
      tpu.wait_dma2 semaphore(%run_scoped3A_107 : memref<!tpu.dma_semaphore, #tpu.memory_space<semaphore_mem>>) src(%arg8 : memref<64x128xf32, #tpu.memory_space<vmem>>) dst(%dma_wait3A_115 : memref<64x128xf32, #tpu.memory_space<vmem_shared>>)
      tpu.yield
    }) : () -> ()
    %barrier3A = arith.constant 0 : index
    tpu.barrier barrier_id(%barrier3A)
    %run_scoped3A = arith.constant 0 : i32
    "tpu.region"() ({
      %run_scoped3A_107 = tpu.sem_alloc : memref<!tpu.dma_semaphore, #tpu.memory_space<semaphore_mem>>
      %dma_start3A_108 = arith.constant 0 : i32
      %dma_start3A_109 = arith.constant 0 : i32
      %dma_start3A_110 = tpu.memref_slice %arg6[%run_scoped3A, %dma_start3A_108, %dma_start3A_109] : memref<2x8x64xi32, #tpu.memory_space<vmem>> -> memref<1x8x64xi32, #tpu.memory_space<vmem>>
      %dma_start3A_111 = tpu.memref_squeeze %dma_start3A_110 : memref<1x8x64xi32, #tpu.memory_space<vmem>> -> memref<8x64xi32, #tpu.memory_space<vmem>>
      %dma_start3A_112 = arith.constant 0 : i32
      %dma_start3A_113 = tpu.memref_slice %arg3[%multiple_of3A, %dma_start3A_112] : memref<5120x64xi32, #tpu.memory_space<hbm>> -> memref<8x64xi32, #tpu.memory_space<hbm>>
      %dma_start3A_114 = arith.constant 0 : i32
      %dma_start3A_115 = arith.constant 0 : i32
      %dma_start3A_116 = tpu.memref_slice %arg6[%run_scoped3A, %dma_start3A_114, %dma_start3A_115] : memref<2x8x64xi32, #tpu.memory_space<vmem>> -> memref<1x8x64xi32, #tpu.memory_space<vmem>>
      %dma_start3A_117 = tpu.memref_squeeze %dma_start3A_116 : memref<1x8x64xi32, #tpu.memory_space<vmem>> -> memref<8x64xi32, #tpu.memory_space<vmem>>
      %dma_start3A_118 = arith.constant 0 : i32
      %dma_start3A_119 = tpu.memref_slice %arg3[%multiple_of3A, %dma_start3A_118] : memref<5120x64xi32, #tpu.memory_space<hbm>> -> memref<8x64xi32, #tpu.memory_space<hbm>>
      tpu.enqueue_dma source(%dma_start3A_119 : memref<8x64xi32, #tpu.memory_space<hbm>>) target(%dma_start3A_117 : memref<8x64xi32, #tpu.memory_space<vmem>>) target_semaphore(%run_scoped3A_107 : memref<!tpu.dma_semaphore, #tpu.memory_space<semaphore_mem>>)
      %dma_wait3A_120 = arith.constant 0 : i32
      %dma_wait3A_121 = arith.constant 0 : i32
      %dma_wait3A_122 = tpu.memref_slice %arg6[%run_scoped3A, %dma_wait3A_120, %dma_wait3A_121] : memref<2x8x64xi32, #tpu.memory_space<vmem>> -> memref<1x8x64xi32, #tpu.memory_space<vmem>>
      %dma_wait3A_123 = tpu.memref_squeeze %dma_wait3A_122 : memref<1x8x64xi32, #tpu.memory_space<vmem>> -> memref<8x64xi32, #tpu.memory_space<vmem>>
      %dma_wait3A_124 = arith.constant 0 : i32
      %dma_wait3A_125 = tpu.memref_slice %arg3[%multiple_of3A, %dma_wait3A_124] : memref<5120x64xi32, #tpu.memory_space<hbm>> -> memref<8x64xi32, #tpu.memory_space<hbm>>
      %dma_wait3A_126 = arith.constant 0 : i32
      %dma_wait3A_127 = arith.constant 0 : i32
      %dma_wait3A_128 = tpu.memref_slice %arg6[%run_scoped3A, %dma_wait3A_126, %dma_wait3A_127] : memref<2x8x64xi32, #tpu.memory_space<vmem>> -> memref<1x8x64xi32, #tpu.memory_space<vmem>>
      %dma_wait3A_129 = tpu.memref_squeeze %dma_wait3A_128 : memref<1x8x64xi32, #tpu.memory_space<vmem>> -> memref<8x64xi32, #tpu.memory_space<vmem>>
      %dma_wait3A_130 = arith.constant 0 : i32
      %dma_wait3A_131 = tpu.memref_slice %arg3[%multiple_of3A, %dma_wait3A_130] : memref<5120x64xi32, #tpu.memory_space<hbm>> -> memref<8x64xi32, #tpu.memory_space<hbm>>
      tpu.wait_dma2 semaphore(%run_scoped3A_107 : memref<!tpu.dma_semaphore, #tpu.memory_space<semaphore_mem>>) src(%dma_wait3A_131 : memref<8x64xi32, #tpu.memory_space<hbm>>) dst(%dma_wait3A_129 : memref<8x64xi32, #tpu.memory_space<vmem>>)
      tpu.yield
    }) : () -> ()
    %run_scoped3A_34 = arith.constant 0 : i32
    "tpu.region"() ({
      %run_scoped3A_107 = tpu.sem_alloc : memref<!tpu.dma_semaphore, #tpu.memory_space<semaphore_mem>>
      %dma_start3A_108 = arith.constant 0 : i32
      %dma_start3A_109 = arith.constant 0 : i32
      %dma_start3A_110 = tpu.memref_slice %arg7[%run_scoped3A_34, %dma_start3A_108, %dma_start3A_109] : memref<2x8x64xi32, #tpu.memory_space<vmem>> -> memref<1x8x64xi32, #tpu.memory_space<vmem>>
      %dma_start3A_111 = tpu.memref_squeeze %dma_start3A_110 : memref<1x8x64xi32, #tpu.memory_space<vmem>> -> memref<8x64xi32, #tpu.memory_space<vmem>>
      %dma_start3A_112 = arith.constant 0 : i32
      %dma_start3A_113 = tpu.memref_slice %arg4[%multiple_of3A, %dma_start3A_112] : memref<5120x64xi32, #tpu.memory_space<hbm>> -> memref<8x64xi32, #tpu.memory_space<hbm>>
      %dma_start3A_114 = arith.constant 0 : i32
      %dma_start3A_115 = arith.constant 0 : i32
      %dma_start3A_116 = tpu.memref_slice %arg7[%run_scoped3A_34, %dma_start3A_114, %dma_start3A_115] : memref<2x8x64xi32, #tpu.memory_space<vmem>> -> memref<1x8x64xi32, #tpu.memory_space<vmem>>
      %dma_start3A_117 = tpu.memref_squeeze %dma_start3A_116 : memref<1x8x64xi32, #tpu.memory_space<vmem>> -> memref<8x64xi32, #tpu.memory_space<vmem>>
      %dma_start3A_118 = arith.constant 0 : i32
      %dma_start3A_119 = tpu.memref_slice %arg4[%multiple_of3A, %dma_start3A_118] : memref<5120x64xi32, #tpu.memory_space<hbm>> -> memref<8x64xi32, #tpu.memory_space<hbm>>
      tpu.enqueue_dma source(%dma_start3A_119 : memref<8x64xi32, #tpu.memory_space<hbm>>) target(%dma_start3A_117 : memref<8x64xi32, #tpu.memory_space<vmem>>) target_semaphore(%run_scoped3A_107 : memref<!tpu.dma_semaphore, #tpu.memory_space<semaphore_mem>>)
      %dma_wait3A_120 = arith.constant 0 : i32
      %dma_wait3A_121 = arith.constant 0 : i32
      %dma_wait3A_122 = tpu.memref_slice %arg7[%run_scoped3A_34, %dma_wait3A_120, %dma_wait3A_121] : memref<2x8x64xi32, #tpu.memory_space<vmem>> -> memref<1x8x64xi32, #tpu.memory_space<vmem>>
      %dma_wait3A_123 = tpu.memref_squeeze %dma_wait3A_122 : memref<1x8x64xi32, #tpu.memory_space<vmem>> -> memref<8x64xi32, #tpu.memory_space<vmem>>
      %dma_wait3A_124 = arith.constant 0 : i32
      %dma_wait3A_125 = tpu.memref_slice %arg4[%multiple_of3A, %dma_wait3A_124] : memref<5120x64xi32, #tpu.memory_space<hbm>> -> memref<8x64xi32, #tpu.memory_space<hbm>>
      %dma_wait3A_126 = arith.constant 0 : i32
      %dma_wait3A_127 = arith.constant 0 : i32
      %dma_wait3A_128 = tpu.memref_slice %arg7[%run_scoped3A_34, %dma_wait3A_126, %dma_wait3A_127] : memref<2x8x64xi32, #tpu.memory_space<vmem>> -> memref<1x8x64xi32, #tpu.memory_space<vmem>>
      %dma_wait3A_129 = tpu.memref_squeeze %dma_wait3A_128 : memref<1x8x64xi32, #tpu.memory_space<vmem>> -> memref<8x64xi32, #tpu.memory_space<vmem>>
      %dma_wait3A_130 = arith.constant 0 : i32
      %dma_wait3A_131 = tpu.memref_slice %arg4[%multiple_of3A, %dma_wait3A_130] : memref<5120x64xi32, #tpu.memory_space<hbm>> -> memref<8x64xi32, #tpu.memory_space<hbm>>
      tpu.wait_dma2 semaphore(%run_scoped3A_107 : memref<!tpu.dma_semaphore, #tpu.memory_space<semaphore_mem>>) src(%dma_wait3A_131 : memref<8x64xi32, #tpu.memory_space<hbm>>) dst(%dma_wait3A_129 : memref<8x64xi32, #tpu.memory_space<vmem>>)
      tpu.yield
    }) : () -> ()
    %dma_start3A = arith.constant 0 : i32
    %dma_start3A_35 = arith.constant 0 : i32
    %dma_start3A_36 = arith.constant 0 : i32
    %dma_start3A_37 = tpu.memref_slice %arg6[%dma_start3A, %dma_start3A_35, %dma_start3A_36] : memref<2x8x64xi32, #tpu.memory_space<vmem>> -> memref<1x1x64xi32, #tpu.memory_space<vmem>>
    %dma_start3A_38 = tpu.memref_squeeze %dma_start3A_37 : memref<1x1x64xi32, #tpu.memory_space<vmem>> -> memref<64xi32, #tpu.memory_space<vmem>>
    %dma_start3A_39 = arith.constant 0 : i32
    %dma_start3A_40 = arith.constant 0 : i32
    %dma_start3A_41 = tpu.memref_slice %arg2[%dma_start3A_39, %dma_start3A_40] : memref<10000x128xf32, #tpu.memory_space<hbm>> -> memref<10000x128xf32, #tpu.memory_space<hbm>>
    tpu.enqueue_indirect_dma source(%dma_start3A_41 : memref<10000x128xf32, #tpu.memory_space<hbm>>) target(%arg8 : memref<64x128xf32, #tpu.memory_space<vmem>>) offsets(%dma_start3A_38 : memref<64xi32, #tpu.memory_space<vmem>>) semaphore(%arg13 : memref<!tpu.dma_semaphore, #tpu.memory_space<semaphore_mem>>)
    %dma_start3A_42 = arith.constant 0 : i32
    %dma_start3A_43 = arith.constant 1 : i32
    %dma_start3A_44 = arith.constant 0 : i32
    %dma_start3A_45 = tpu.memref_slice %arg6[%dma_start3A_42, %dma_start3A_43, %dma_start3A_44] : memref<2x8x64xi32, #tpu.memory_space<vmem>> -> memref<1x1x64xi32, #tpu.memory_space<vmem>>
    %dma_start3A_46 = tpu.memref_squeeze %dma_start3A_45 : memref<1x1x64xi32, #tpu.memory_space<vmem>> -> memref<64xi32, #tpu.memory_space<vmem>>
    %dma_start3A_47 = arith.constant 0 : i32
    %dma_start3A_48 = arith.constant 0 : i32
    %dma_start3A_49 = tpu.memref_slice %arg2[%dma_start3A_47, %dma_start3A_48] : memref<10000x128xf32, #tpu.memory_space<hbm>> -> memref<10000x128xf32, #tpu.memory_space<hbm>>
    tpu.enqueue_indirect_dma source(%dma_start3A_49 : memref<10000x128xf32, #tpu.memory_space<hbm>>) target(%arg9 : memref<64x128xf32, #tpu.memory_space<vmem>>) offsets(%dma_start3A_46 : memref<64xi32, #tpu.memory_space<vmem>>) semaphore(%arg14 : memref<!tpu.dma_semaphore, #tpu.memory_space<semaphore_mem>>)
    %dma_start3A_50 = arith.constant 0 : i32
    %dma_start3A_51 = arith.constant 2 : i32
    %dma_start3A_52 = arith.constant 0 : i32
    %dma_start3A_53 = tpu.memref_slice %arg6[%dma_start3A_50, %dma_start3A_51, %dma_start3A_52] : memref<2x8x64xi32, #tpu.memory_space<vmem>> -> memref<1x1x64xi32, #tpu.memory_space<vmem>>
    %dma_start3A_54 = tpu.memref_squeeze %dma_start3A_53 : memref<1x1x64xi32, #tpu.memory_space<vmem>> -> memref<64xi32, #tpu.memory_space<vmem>>
    %dma_start3A_55 = arith.constant 0 : i32
    %dma_start3A_56 = arith.constant 0 : i32
    %dma_start3A_57 = tpu.memref_slice %arg2[%dma_start3A_55, %dma_start3A_56] : memref<10000x128xf32, #tpu.memory_space<hbm>> -> memref<10000x128xf32, #tpu.memory_space<hbm>>
    tpu.enqueue_indirect_dma source(%dma_start3A_57 : memref<10000x128xf32, #tpu.memory_space<hbm>>) target(%arg10 : memref<64x128xf32, #tpu.memory_space<vmem>>) offsets(%dma_start3A_54 : memref<64xi32, #tpu.memory_space<vmem>>) semaphore(%arg15 : memref<!tpu.dma_semaphore, #tpu.memory_space<semaphore_mem>>)
    %dma_start3A_58 = arith.constant 0 : i32
    %dma_start3A_59 = arith.constant 3 : i32
    %dma_start3A_60 = arith.constant 0 : i32
    %dma_start3A_61 = tpu.memref_slice %arg6[%dma_start3A_58, %dma_start3A_59, %dma_start3A_60] : memref<2x8x64xi32, #tpu.memory_space<vmem>> -> memref<1x1x64xi32, #tpu.memory_space<vmem>>
    %dma_start3A_62 = tpu.memref_squeeze %dma_start3A_61 : memref<1x1x64xi32, #tpu.memory_space<vmem>> -> memref<64xi32, #tpu.memory_space<vmem>>
    %dma_start3A_63 = arith.constant 0 : i32
    %dma_start3A_64 = arith.constant 0 : i32
    %dma_start3A_65 = tpu.memref_slice %arg2[%dma_start3A_63, %dma_start3A_64] : memref<10000x128xf32, #tpu.memory_space<hbm>> -> memref<10000x128xf32, #tpu.memory_space<hbm>>
    tpu.enqueue_indirect_dma source(%dma_start3A_65 : memref<10000x128xf32, #tpu.memory_space<hbm>>) target(%arg11 : memref<64x128xf32, #tpu.memory_space<vmem>>) offsets(%dma_start3A_62 : memref<64xi32, #tpu.memory_space<vmem>>) semaphore(%arg16 : memref<!tpu.dma_semaphore, #tpu.memory_space<semaphore_mem>>)
    %while3A = arith.constant 0 : i32
    %while3A_66 = arith.constant 0 : i32
    %while3A_67 = arith.subi %select_n3A, %while3A_66 : i32
    %while3A_68 = arith.addi %while3A_66, %while3A_67 : i32
    %while3A_69 = arith.constant 1 : i32
    %while3A_70 = arith.divsi %while3A_67, %while3A_69 : i32
    %while3A_71 = arith.muli %while3A_70, %while3A_69 : i32
    %while3A_72 = arith.addi %while3A_66, %while3A_71 : i32
    %while3A_73 = arith.constant 1 : i32
    scf.for %while3A_107 = %while3A_66 to %while3A_72 step %while3A_73  : i32 {
      %rem3A = arith.constant 2 : i32
      %rem3A_108 = arith.remsi %while3A_107, %rem3A : i32
      %add3A_109 = arith.constant 1 : i32
      %add3A_110 = arith.addi %while3A_107, %add3A_109 : i32
      %rem3A_111 = arith.constant 2 : i32
      %rem3A_112 = arith.remsi %add3A_110, %rem3A_111 : i32
      %add3A_113 = arith.constant 1 : i32
      %add3A_114 = arith.addi %while3A_107, %add3A_113 : i32
      %rem3A_115 = arith.remsi %add3A_114, %select_n3A : i32
      %mul3A_116 = arith.constant 8 : i32
      %mul3A_117 = arith.muli %rem3A_115, %mul3A_116 : i32
      %add3A_118 = arith.addi %multiple_of3A, %mul3A_117 : i32
      %multiple_of3A_119 = tpu.assume_multiple %add3A_118, 8 : i32
      %dma_start3A_120 = arith.constant 0 : i32
      %dma_start3A_121 = arith.constant 0 : i32
      %dma_start3A_122 = tpu.memref_slice %arg6[%rem3A_112, %dma_start3A_120, %dma_start3A_121] : memref<2x8x64xi32, #tpu.memory_space<vmem>> -> memref<1x8x64xi32, #tpu.memory_space<vmem>>
      %dma_start3A_123 = tpu.memref_squeeze %dma_start3A_122 : memref<1x8x64xi32, #tpu.memory_space<vmem>> -> memref<8x64xi32, #tpu.memory_space<vmem>>
      %dma_start3A_124 = arith.constant 0 : i32
      %dma_start3A_125 = tpu.memref_slice %arg3[%multiple_of3A_119, %dma_start3A_124] : memref<5120x64xi32, #tpu.memory_space<hbm>> -> memref<8x64xi32, #tpu.memory_space<hbm>>
      %dma_start3A_126 = arith.constant 0 : i32
      %dma_start3A_127 = arith.constant 0 : i32
      %dma_start3A_128 = tpu.memref_slice %arg6[%rem3A_112, %dma_start3A_126, %dma_start3A_127] : memref<2x8x64xi32, #tpu.memory_space<vmem>> -> memref<1x8x64xi32, #tpu.memory_space<vmem>>
      %dma_start3A_129 = tpu.memref_squeeze %dma_start3A_128 : memref<1x8x64xi32, #tpu.memory_space<vmem>> -> memref<8x64xi32, #tpu.memory_space<vmem>>
      %dma_start3A_130 = arith.constant 0 : i32
      %dma_start3A_131 = tpu.memref_slice %arg3[%multiple_of3A_119, %dma_start3A_130] : memref<5120x64xi32, #tpu.memory_space<hbm>> -> memref<8x64xi32, #tpu.memory_space<hbm>>
      tpu.enqueue_dma source(%dma_start3A_131 : memref<8x64xi32, #tpu.memory_space<hbm>>) target(%dma_start3A_129 : memref<8x64xi32, #tpu.memory_space<vmem>>) target_semaphore(%arg17 : memref<!tpu.dma_semaphore, #tpu.memory_space<semaphore_mem>>)
      %dma_start3A_132 = arith.constant 0 : i32
      %dma_start3A_133 = arith.constant 0 : i32
      %dma_start3A_134 = tpu.memref_slice %arg7[%rem3A_112, %dma_start3A_132, %dma_start3A_133] : memref<2x8x64xi32, #tpu.memory_space<vmem>> -> memref<1x8x64xi32, #tpu.memory_space<vmem>>
      %dma_start3A_135 = tpu.memref_squeeze %dma_start3A_134 : memref<1x8x64xi32, #tpu.memory_space<vmem>> -> memref<8x64xi32, #tpu.memory_space<vmem>>
      %dma_start3A_136 = arith.constant 0 : i32
      %dma_start3A_137 = tpu.memref_slice %arg4[%multiple_of3A_119, %dma_start3A_136] : memref<5120x64xi32, #tpu.memory_space<hbm>> -> memref<8x64xi32, #tpu.memory_space<hbm>>
      %dma_start3A_138 = arith.constant 0 : i32
      %dma_start3A_139 = arith.constant 0 : i32
      %dma_start3A_140 = tpu.memref_slice %arg7[%rem3A_112, %dma_start3A_138, %dma_start3A_139] : memref<2x8x64xi32, #tpu.memory_space<vmem>> -> memref<1x8x64xi32, #tpu.memory_space<vmem>>
      %dma_start3A_141 = tpu.memref_squeeze %dma_start3A_140 : memref<1x8x64xi32, #tpu.memory_space<vmem>> -> memref<8x64xi32, #tpu.memory_space<vmem>>
      %dma_start3A_142 = arith.constant 0 : i32
      %dma_start3A_143 = tpu.memref_slice %arg4[%multiple_of3A_119, %dma_start3A_142] : memref<5120x64xi32, #tpu.memory_space<hbm>> -> memref<8x64xi32, #tpu.memory_space<hbm>>
      tpu.enqueue_dma source(%dma_start3A_143 : memref<8x64xi32, #tpu.memory_space<hbm>>) target(%dma_start3A_141 : memref<8x64xi32, #tpu.memory_space<vmem>>) target_semaphore(%arg17 : memref<!tpu.dma_semaphore, #tpu.memory_space<semaphore_mem>>)
      %dma_wait3A_144 = arith.constant 0 : i32
      %dma_wait3A_145 = arith.constant 0 : i32
      %dma_wait3A_146 = tpu.memref_slice %arg6[%rem3A_108, %dma_wait3A_144, %dma_wait3A_145] : memref<2x8x64xi32, #tpu.memory_space<vmem>> -> memref<1x1x64xi32, #tpu.memory_space<vmem>>
      %dma_wait3A_147 = tpu.memref_squeeze %dma_wait3A_146 : memref<1x1x64xi32, #tpu.memory_space<vmem>> -> memref<64xi32, #tpu.memory_space<vmem>>
      %dma_wait3A_148 = arith.constant 0 : i32
      %dma_wait3A_149 = arith.constant 0 : i32
      %dma_wait3A_150 = tpu.memref_slice %arg2[%dma_wait3A_148, %dma_wait3A_149] : memref<10000x128xf32, #tpu.memory_space<hbm>> -> memref<10000x128xf32, #tpu.memory_space<hbm>>
      tpu.wait_indirect_dma semaphore(%arg13 : memref<!tpu.dma_semaphore, #tpu.memory_space<semaphore_mem>>) src(%dma_wait3A_150 : memref<10000x128xf32, #tpu.memory_space<hbm>>) dst(%arg8 : memref<64x128xf32, #tpu.memory_space<vmem>>)
      %run_scoped3A_151 = arith.constant 0 : i32
      "tpu.region"() ({
        %run_scoped3A_288 = tpu.sem_alloc : memref<!tpu.dma_semaphore, #tpu.memory_space<semaphore_mem>>
        %dma_start3A_289 = arith.constant 0 : i32
        %dma_start3A_290 = tpu.memref_slice %arg7[%rem3A_108, %run_scoped3A_151, %dma_start3A_289] : memref<2x8x64xi32, #tpu.memory_space<vmem>> -> memref<1x1x64xi32, #tpu.memory_space<vmem>>
        %dma_start3A_291 = tpu.memref_squeeze %dma_start3A_290 : memref<1x1x64xi32, #tpu.memory_space<vmem>> -> memref<64xi32, #tpu.memory_space<vmem>>
        %dma_start3A_292 = arith.constant 0 : i32
        %dma_start3A_293 = arith.constant 0 : i32
        %dma_start3A_294 = tpu.memref_slice %arg12[%dma_start3A_292, %dma_start3A_293] : memref<10240x128xf32, #tpu.memory_space<vmem_shared>> -> memref<10240x128xf32, #tpu.memory_space<vmem_shared>>
        tpu.enqueue_indirect_dma source(%arg8 : memref<64x128xf32, #tpu.memory_space<vmem>>) target(%dma_start3A_294 : memref<10240x128xf32, #tpu.memory_space<vmem_shared>>) offsets(%dma_start3A_291 : memref<64xi32, #tpu.memory_space<vmem>>) semaphore(%run_scoped3A_288 : memref<!tpu.dma_semaphore, #tpu.memory_space<semaphore_mem>>) {add = true}
        %dma_wait3A_295 = arith.constant 0 : i32
        %dma_wait3A_296 = tpu.memref_slice %arg7[%rem3A_108, %run_scoped3A_151, %dma_wait3A_295] : memref<2x8x64xi32, #tpu.memory_space<vmem>> -> memref<1x1x64xi32, #tpu.memory_space<vmem>>
        %dma_wait3A_297 = tpu.memref_squeeze %dma_wait3A_296 : memref<1x1x64xi32, #tpu.memory_space<vmem>> -> memref<64xi32, #tpu.memory_space<vmem>>
        %dma_wait3A_298 = arith.constant 0 : i32
        %dma_wait3A_299 = arith.constant 0 : i32
        %dma_wait3A_300 = tpu.memref_slice %arg12[%dma_wait3A_298, %dma_wait3A_299] : memref<10240x128xf32, #tpu.memory_space<vmem_shared>> -> memref<10240x128xf32, #tpu.memory_space<vmem_shared>>
        tpu.wait_indirect_dma semaphore(%run_scoped3A_288 : memref<!tpu.dma_semaphore, #tpu.memory_space<semaphore_mem>>) src(%arg8 : memref<64x128xf32, #tpu.memory_space<vmem>>) dst(%dma_wait3A_300 : memref<10240x128xf32, #tpu.memory_space<vmem_shared>>)
        tpu.yield
      }) : () -> ()
      %dma_start3A_152 = arith.constant 4 : i32
      %dma_start3A_153 = arith.constant 0 : i32
      %dma_start3A_154 = tpu.memref_slice %arg6[%rem3A_108, %dma_start3A_152, %dma_start3A_153] : memref<2x8x64xi32, #tpu.memory_space<vmem>> -> memref<1x1x64xi32, #tpu.memory_space<vmem>>
      %dma_start3A_155 = tpu.memref_squeeze %dma_start3A_154 : memref<1x1x64xi32, #tpu.memory_space<vmem>> -> memref<64xi32, #tpu.memory_space<vmem>>
      %dma_start3A_156 = arith.constant 0 : i32
      %dma_start3A_157 = arith.constant 0 : i32
      %dma_start3A_158 = tpu.memref_slice %arg2[%dma_start3A_156, %dma_start3A_157] : memref<10000x128xf32, #tpu.memory_space<hbm>> -> memref<10000x128xf32, #tpu.memory_space<hbm>>
      tpu.enqueue_indirect_dma source(%dma_start3A_158 : memref<10000x128xf32, #tpu.memory_space<hbm>>) target(%arg8 : memref<64x128xf32, #tpu.memory_space<vmem>>) offsets(%dma_start3A_155 : memref<64xi32, #tpu.memory_space<vmem>>) semaphore(%arg13 : memref<!tpu.dma_semaphore, #tpu.memory_space<semaphore_mem>>)
      %dma_wait3A_159 = arith.constant 1 : i32
      %dma_wait3A_160 = arith.constant 0 : i32
      %dma_wait3A_161 = tpu.memref_slice %arg6[%rem3A_108, %dma_wait3A_159, %dma_wait3A_160] : memref<2x8x64xi32, #tpu.memory_space<vmem>> -> memref<1x1x64xi32, #tpu.memory_space<vmem>>
      %dma_wait3A_162 = tpu.memref_squeeze %dma_wait3A_161 : memref<1x1x64xi32, #tpu.memory_space<vmem>> -> memref<64xi32, #tpu.memory_space<vmem>>
      %dma_wait3A_163 = arith.constant 0 : i32
      %dma_wait3A_164 = arith.constant 0 : i32
      %dma_wait3A_165 = tpu.memref_slice %arg2[%dma_wait3A_163, %dma_wait3A_164] : memref<10000x128xf32, #tpu.memory_space<hbm>> -> memref<10000x128xf32, #tpu.memory_space<hbm>>
      tpu.wait_indirect_dma semaphore(%arg14 : memref<!tpu.dma_semaphore, #tpu.memory_space<semaphore_mem>>) src(%dma_wait3A_165 : memref<10000x128xf32, #tpu.memory_space<hbm>>) dst(%arg9 : memref<64x128xf32, #tpu.memory_space<vmem>>)
      %run_scoped3A_166 = arith.constant 1 : i32
      "tpu.region"() ({
        %run_scoped3A_288 = tpu.sem_alloc : memref<!tpu.dma_semaphore, #tpu.memory_space<semaphore_mem>>
        %dma_start3A_289 = arith.constant 0 : i32
        %dma_start3A_290 = tpu.memref_slice %arg7[%rem3A_108, %run_scoped3A_166, %dma_start3A_289] : memref<2x8x64xi32, #tpu.memory_space<vmem>> -> memref<1x1x64xi32, #tpu.memory_space<vmem>>
        %dma_start3A_291 = tpu.memref_squeeze %dma_start3A_290 : memref<1x1x64xi32, #tpu.memory_space<vmem>> -> memref<64xi32, #tpu.memory_space<vmem>>
        %dma_start3A_292 = arith.constant 0 : i32
        %dma_start3A_293 = arith.constant 0 : i32
        %dma_start3A_294 = tpu.memref_slice %arg12[%dma_start3A_292, %dma_start3A_293] : memref<10240x128xf32, #tpu.memory_space<vmem_shared>> -> memref<10240x128xf32, #tpu.memory_space<vmem_shared>>
        tpu.enqueue_indirect_dma source(%arg9 : memref<64x128xf32, #tpu.memory_space<vmem>>) target(%dma_start3A_294 : memref<10240x128xf32, #tpu.memory_space<vmem_shared>>) offsets(%dma_start3A_291 : memref<64xi32, #tpu.memory_space<vmem>>) semaphore(%run_scoped3A_288 : memref<!tpu.dma_semaphore, #tpu.memory_space<semaphore_mem>>) {add = true}
        %dma_wait3A_295 = arith.constant 0 : i32
        %dma_wait3A_296 = tpu.memref_slice %arg7[%rem3A_108, %run_scoped3A_166, %dma_wait3A_295] : memref<2x8x64xi32, #tpu.memory_space<vmem>> -> memref<1x1x64xi32, #tpu.memory_space<vmem>>
        %dma_wait3A_297 = tpu.memref_squeeze %dma_wait3A_296 : memref<1x1x64xi32, #tpu.memory_space<vmem>> -> memref<64xi32, #tpu.memory_space<vmem>>
        %dma_wait3A_298 = arith.constant 0 : i32
        %dma_wait3A_299 = arith.constant 0 : i32
        %dma_wait3A_300 = tpu.memref_slice %arg12[%dma_wait3A_298, %dma_wait3A_299] : memref<10240x128xf32, #tpu.memory_space<vmem_shared>> -> memref<10240x128xf32, #tpu.memory_space<vmem_shared>>
        tpu.wait_indirect_dma semaphore(%run_scoped3A_288 : memref<!tpu.dma_semaphore, #tpu.memory_space<semaphore_mem>>) src(%arg9 : memref<64x128xf32, #tpu.memory_space<vmem>>) dst(%dma_wait3A_300 : memref<10240x128xf32, #tpu.memory_space<vmem_shared>>)
        tpu.yield
      }) : () -> ()
      %dma_start3A_167 = arith.constant 5 : i32
      %dma_start3A_168 = arith.constant 0 : i32
      %dma_start3A_169 = tpu.memref_slice %arg6[%rem3A_108, %dma_start3A_167, %dma_start3A_168] : memref<2x8x64xi32, #tpu.memory_space<vmem>> -> memref<1x1x64xi32, #tpu.memory_space<vmem>>
      %dma_start3A_170 = tpu.memref_squeeze %dma_start3A_169 : memref<1x1x64xi32, #tpu.memory_space<vmem>> -> memref<64xi32, #tpu.memory_space<vmem>>
      %dma_start3A_171 = arith.constant 0 : i32
      %dma_start3A_172 = arith.constant 0 : i32
      %dma_start3A_173 = tpu.memref_slice %arg2[%dma_start3A_171, %dma_start3A_172] : memref<10000x128xf32, #tpu.memory_space<hbm>> -> memref<10000x128xf32, #tpu.memory_space<hbm>>
      tpu.enqueue_indirect_dma source(%dma_start3A_173 : memref<10000x128xf32, #tpu.memory_space<hbm>>) target(%arg9 : memref<64x128xf32, #tpu.memory_space<vmem>>) offsets(%dma_start3A_170 : memref<64xi32, #tpu.memory_space<vmem>>) semaphore(%arg14 : memref<!tpu.dma_semaphore, #tpu.memory_space<semaphore_mem>>)
      %dma_wait3A_174 = arith.constant 2 : i32
      %dma_wait3A_175 = arith.constant 0 : i32
      %dma_wait3A_176 = tpu.memref_slice %arg6[%rem3A_108, %dma_wait3A_174, %dma_wait3A_175] : memref<2x8x64xi32, #tpu.memory_space<vmem>> -> memref<1x1x64xi32, #tpu.memory_space<vmem>>
      %dma_wait3A_177 = tpu.memref_squeeze %dma_wait3A_176 : memref<1x1x64xi32, #tpu.memory_space<vmem>> -> memref<64xi32, #tpu.memory_space<vmem>>
      %dma_wait3A_178 = arith.constant 0 : i32
      %dma_wait3A_179 = arith.constant 0 : i32
      %dma_wait3A_180 = tpu.memref_slice %arg2[%dma_wait3A_178, %dma_wait3A_179] : memref<10000x128xf32, #tpu.memory_space<hbm>> -> memref<10000x128xf32, #tpu.memory_space<hbm>>
      tpu.wait_indirect_dma semaphore(%arg15 : memref<!tpu.dma_semaphore, #tpu.memory_space<semaphore_mem>>) src(%dma_wait3A_180 : memref<10000x128xf32, #tpu.memory_space<hbm>>) dst(%arg10 : memref<64x128xf32, #tpu.memory_space<vmem>>)
      %run_scoped3A_181 = arith.constant 2 : i32
      "tpu.region"() ({
        %run_scoped3A_288 = tpu.sem_alloc : memref<!tpu.dma_semaphore, #tpu.memory_space<semaphore_mem>>
        %dma_start3A_289 = arith.constant 0 : i32
        %dma_start3A_290 = tpu.memref_slice %arg7[%rem3A_108, %run_scoped3A_181, %dma_start3A_289] : memref<2x8x64xi32, #tpu.memory_space<vmem>> -> memref<1x1x64xi32, #tpu.memory_space<vmem>>
        %dma_start3A_291 = tpu.memref_squeeze %dma_start3A_290 : memref<1x1x64xi32, #tpu.memory_space<vmem>> -> memref<64xi32, #tpu.memory_space<vmem>>
        %dma_start3A_292 = arith.constant 0 : i32
        %dma_start3A_293 = arith.constant 0 : i32
        %dma_start3A_294 = tpu.memref_slice %arg12[%dma_start3A_292, %dma_start3A_293] : memref<10240x128xf32, #tpu.memory_space<vmem_shared>> -> memref<10240x128xf32, #tpu.memory_space<vmem_shared>>
        tpu.enqueue_indirect_dma source(%arg10 : memref<64x128xf32, #tpu.memory_space<vmem>>) target(%dma_start3A_294 : memref<10240x128xf32, #tpu.memory_space<vmem_shared>>) offsets(%dma_start3A_291 : memref<64xi32, #tpu.memory_space<vmem>>) semaphore(%run_scoped3A_288 : memref<!tpu.dma_semaphore, #tpu.memory_space<semaphore_mem>>) {add = true}
        %dma_wait3A_295 = arith.constant 0 : i32
        %dma_wait3A_296 = tpu.memref_slice %arg7[%rem3A_108, %run_scoped3A_181, %dma_wait3A_295] : memref<2x8x64xi32, #tpu.memory_space<vmem>> -> memref<1x1x64xi32, #tpu.memory_space<vmem>>
        %dma_wait3A_297 = tpu.memref_squeeze %dma_wait3A_296 : memref<1x1x64xi32, #tpu.memory_space<vmem>> -> memref<64xi32, #tpu.memory_space<vmem>>
        %dma_wait3A_298 = arith.constant 0 : i32
        %dma_wait3A_299 = arith.constant 0 : i32
        %dma_wait3A_300 = tpu.memref_slice %arg12[%dma_wait3A_298, %dma_wait3A_299] : memref<10240x128xf32, #tpu.memory_space<vmem_shared>> -> memref<10240x128xf32, #tpu.memory_space<vmem_shared>>
        tpu.wait_indirect_dma semaphore(%run_scoped3A_288 : memref<!tpu.dma_semaphore, #tpu.memory_space<semaphore_mem>>) src(%arg10 : memref<64x128xf32, #tpu.memory_space<vmem>>) dst(%dma_wait3A_300 : memref<10240x128xf32, #tpu.memory_space<vmem_shared>>)
        tpu.yield
      }) : () -> ()
      %dma_start3A_182 = arith.constant 6 : i32
      %dma_start3A_183 = arith.constant 0 : i32
      %dma_start3A_184 = tpu.memref_slice %arg6[%rem3A_108, %dma_start3A_182, %dma_start3A_183] : memref<2x8x64xi32, #tpu.memory_space<vmem>> -> memref<1x1x64xi32, #tpu.memory_space<vmem>>
      %dma_start3A_185 = tpu.memref_squeeze %dma_start3A_184 : memref<1x1x64xi32, #tpu.memory_space<vmem>> -> memref<64xi32, #tpu.memory_space<vmem>>
      %dma_start3A_186 = arith.constant 0 : i32
      %dma_start3A_187 = arith.constant 0 : i32
      %dma_start3A_188 = tpu.memref_slice %arg2[%dma_start3A_186, %dma_start3A_187] : memref<10000x128xf32, #tpu.memory_space<hbm>> -> memref<10000x128xf32, #tpu.memory_space<hbm>>
      tpu.enqueue_indirect_dma source(%dma_start3A_188 : memref<10000x128xf32, #tpu.memory_space<hbm>>) target(%arg10 : memref<64x128xf32, #tpu.memory_space<vmem>>) offsets(%dma_start3A_185 : memref<64xi32, #tpu.memory_space<vmem>>) semaphore(%arg15 : memref<!tpu.dma_semaphore, #tpu.memory_space<semaphore_mem>>)
      %dma_wait3A_189 = arith.constant 0 : i32
      %dma_wait3A_190 = arith.constant 0 : i32
      %dma_wait3A_191 = tpu.memref_slice %arg6[%rem3A_112, %dma_wait3A_189, %dma_wait3A_190] : memref<2x8x64xi32, #tpu.memory_space<vmem>> -> memref<1x8x64xi32, #tpu.memory_space<vmem>>
      %dma_wait3A_192 = tpu.memref_squeeze %dma_wait3A_191 : memref<1x8x64xi32, #tpu.memory_space<vmem>> -> memref<8x64xi32, #tpu.memory_space<vmem>>
      %dma_wait3A_193 = arith.constant 0 : i32
      %dma_wait3A_194 = tpu.memref_slice %arg3[%multiple_of3A_119, %dma_wait3A_193] : memref<5120x64xi32, #tpu.memory_space<hbm>> -> memref<8x64xi32, #tpu.memory_space<hbm>>
      %dma_wait3A_195 = arith.constant 0 : i32
      %dma_wait3A_196 = arith.constant 0 : i32
      %dma_wait3A_197 = tpu.memref_slice %arg6[%rem3A_112, %dma_wait3A_195, %dma_wait3A_196] : memref<2x8x64xi32, #tpu.memory_space<vmem>> -> memref<1x8x64xi32, #tpu.memory_space<vmem>>
      %dma_wait3A_198 = tpu.memref_squeeze %dma_wait3A_197 : memref<1x8x64xi32, #tpu.memory_space<vmem>> -> memref<8x64xi32, #tpu.memory_space<vmem>>
      %dma_wait3A_199 = arith.constant 0 : i32
      %dma_wait3A_200 = tpu.memref_slice %arg3[%multiple_of3A_119, %dma_wait3A_199] : memref<5120x64xi32, #tpu.memory_space<hbm>> -> memref<8x64xi32, #tpu.memory_space<hbm>>
      tpu.wait_dma2 semaphore(%arg17 : memref<!tpu.dma_semaphore, #tpu.memory_space<semaphore_mem>>) src(%dma_wait3A_200 : memref<8x64xi32, #tpu.memory_space<hbm>>) dst(%dma_wait3A_198 : memref<8x64xi32, #tpu.memory_space<vmem>>)
      %dma_wait3A_201 = arith.constant 0 : i32
      %dma_wait3A_202 = arith.constant 0 : i32
      %dma_wait3A_203 = tpu.memref_slice %arg7[%rem3A_112, %dma_wait3A_201, %dma_wait3A_202] : memref<2x8x64xi32, #tpu.memory_space<vmem>> -> memref<1x8x64xi32, #tpu.memory_space<vmem>>
      %dma_wait3A_204 = tpu.memref_squeeze %dma_wait3A_203 : memref<1x8x64xi32, #tpu.memory_space<vmem>> -> memref<8x64xi32, #tpu.memory_space<vmem>>
      %dma_wait3A_205 = arith.constant 0 : i32
      %dma_wait3A_206 = tpu.memref_slice %arg4[%multiple_of3A_119, %dma_wait3A_205] : memref<5120x64xi32, #tpu.memory_space<hbm>> -> memref<8x64xi32, #tpu.memory_space<hbm>>
      %dma_wait3A_207 = arith.constant 0 : i32
      %dma_wait3A_208 = arith.constant 0 : i32
      %dma_wait3A_209 = tpu.memref_slice %arg7[%rem3A_112, %dma_wait3A_207, %dma_wait3A_208] : memref<2x8x64xi32, #tpu.memory_space<vmem>> -> memref<1x8x64xi32, #tpu.memory_space<vmem>>
      %dma_wait3A_210 = tpu.memref_squeeze %dma_wait3A_209 : memref<1x8x64xi32, #tpu.memory_space<vmem>> -> memref<8x64xi32, #tpu.memory_space<vmem>>
      %dma_wait3A_211 = arith.constant 0 : i32
      %dma_wait3A_212 = tpu.memref_slice %arg4[%multiple_of3A_119, %dma_wait3A_211] : memref<5120x64xi32, #tpu.memory_space<hbm>> -> memref<8x64xi32, #tpu.memory_space<hbm>>
      tpu.wait_dma2 semaphore(%arg17 : memref<!tpu.dma_semaphore, #tpu.memory_space<semaphore_mem>>) src(%dma_wait3A_212 : memref<8x64xi32, #tpu.memory_space<hbm>>) dst(%dma_wait3A_210 : memref<8x64xi32, #tpu.memory_space<vmem>>)
      %dma_wait3A_213 = arith.constant 3 : i32
      %dma_wait3A_214 = arith.constant 0 : i32
      %dma_wait3A_215 = tpu.memref_slice %arg6[%rem3A_108, %dma_wait3A_213, %dma_wait3A_214] : memref<2x8x64xi32, #tpu.memory_space<vmem>> -> memref<1x1x64xi32, #tpu.memory_space<vmem>>
      %dma_wait3A_216 = tpu.memref_squeeze %dma_wait3A_215 : memref<1x1x64xi32, #tpu.memory_space<vmem>> -> memref<64xi32, #tpu.memory_space<vmem>>
      %dma_wait3A_217 = arith.constant 0 : i32
      %dma_wait3A_218 = arith.constant 0 : i32
      %dma_wait3A_219 = tpu.memref_slice %arg2[%dma_wait3A_217, %dma_wait3A_218] : memref<10000x128xf32, #tpu.memory_space<hbm>> -> memref<10000x128xf32, #tpu.memory_space<hbm>>
      tpu.wait_indirect_dma semaphore(%arg16 : memref<!tpu.dma_semaphore, #tpu.memory_space<semaphore_mem>>) src(%dma_wait3A_219 : memref<10000x128xf32, #tpu.memory_space<hbm>>) dst(%arg11 : memref<64x128xf32, #tpu.memory_space<vmem>>)
      %run_scoped3A_220 = arith.constant 3 : i32
      "tpu.region"() ({
        %run_scoped3A_288 = tpu.sem_alloc : memref<!tpu.dma_semaphore, #tpu.memory_space<semaphore_mem>>
        %dma_start3A_289 = arith.constant 0 : i32
        %dma_start3A_290 = tpu.memref_slice %arg7[%rem3A_108, %run_scoped3A_220, %dma_start3A_289] : memref<2x8x64xi32, #tpu.memory_space<vmem>> -> memref<1x1x64xi32, #tpu.memory_space<vmem>>
        %dma_start3A_291 = tpu.memref_squeeze %dma_start3A_290 : memref<1x1x64xi32, #tpu.memory_space<vmem>> -> memref<64xi32, #tpu.memory_space<vmem>>
        %dma_start3A_292 = arith.constant 0 : i32
        %dma_start3A_293 = arith.constant 0 : i32
        %dma_start3A_294 = tpu.memref_slice %arg12[%dma_start3A_292, %dma_start3A_293] : memref<10240x128xf32, #tpu.memory_space<vmem_shared>> -> memref<10240x128xf32, #tpu.memory_space<vmem_shared>>
        tpu.enqueue_indirect_dma source(%arg11 : memref<64x128xf32, #tpu.memory_space<vmem>>) target(%dma_start3A_294 : memref<10240x128xf32, #tpu.memory_space<vmem_shared>>) offsets(%dma_start3A_291 : memref<64xi32, #tpu.memory_space<vmem>>) semaphore(%run_scoped3A_288 : memref<!tpu.dma_semaphore, #tpu.memory_space<semaphore_mem>>) {add = true}
        %dma_wait3A_295 = arith.constant 0 : i32
        %dma_wait3A_296 = tpu.memref_slice %arg7[%rem3A_108, %run_scoped3A_220, %dma_wait3A_295] : memref<2x8x64xi32, #tpu.memory_space<vmem>> -> memref<1x1x64xi32, #tpu.memory_space<vmem>>
        %dma_wait3A_297 = tpu.memref_squeeze %dma_wait3A_296 : memref<1x1x64xi32, #tpu.memory_space<vmem>> -> memref<64xi32, #tpu.memory_space<vmem>>
        %dma_wait3A_298 = arith.constant 0 : i32
        %dma_wait3A_299 = arith.constant 0 : i32
        %dma_wait3A_300 = tpu.memref_slice %arg12[%dma_wait3A_298, %dma_wait3A_299] : memref<10240x128xf32, #tpu.memory_space<vmem_shared>> -> memref<10240x128xf32, #tpu.memory_space<vmem_shared>>
        tpu.wait_indirect_dma semaphore(%run_scoped3A_288 : memref<!tpu.dma_semaphore, #tpu.memory_space<semaphore_mem>>) src(%arg11 : memref<64x128xf32, #tpu.memory_space<vmem>>) dst(%dma_wait3A_300 : memref<10240x128xf32, #tpu.memory_space<vmem_shared>>)
        tpu.yield
      }) : () -> ()
      %dma_start3A_221 = arith.constant 7 : i32
      %dma_start3A_222 = arith.constant 0 : i32
      %dma_start3A_223 = tpu.memref_slice %arg6[%rem3A_108, %dma_start3A_221, %dma_start3A_222] : memref<2x8x64xi32, #tpu.memory_space<vmem>> -> memref<1x1x64xi32, #tpu.memory_space<vmem>>
      %dma_start3A_224 = tpu.memref_squeeze %dma_start3A_223 : memref<1x1x64xi32, #tpu.memory_space<vmem>> -> memref<64xi32, #tpu.memory_space<vmem>>
      %dma_start3A_225 = arith.constant 0 : i32
      %dma_start3A_226 = arith.constant 0 : i32
      %dma_start3A_227 = tpu.memref_slice %arg2[%dma_start3A_225, %dma_start3A_226] : memref<10000x128xf32, #tpu.memory_space<hbm>> -> memref<10000x128xf32, #tpu.memory_space<hbm>>
      tpu.enqueue_indirect_dma source(%dma_start3A_227 : memref<10000x128xf32, #tpu.memory_space<hbm>>) target(%arg11 : memref<64x128xf32, #tpu.memory_space<vmem>>) offsets(%dma_start3A_224 : memref<64xi32, #tpu.memory_space<vmem>>) semaphore(%arg16 : memref<!tpu.dma_semaphore, #tpu.memory_space<semaphore_mem>>)
      %dma_wait3A_228 = arith.constant 4 : i32
      %dma_wait3A_229 = arith.constant 0 : i32
      %dma_wait3A_230 = tpu.memref_slice %arg6[%rem3A_108, %dma_wait3A_228, %dma_wait3A_229] : memref<2x8x64xi32, #tpu.memory_space<vmem>> -> memref<1x1x64xi32, #tpu.memory_space<vmem>>
      %dma_wait3A_231 = tpu.memref_squeeze %dma_wait3A_230 : memref<1x1x64xi32, #tpu.memory_space<vmem>> -> memref<64xi32, #tpu.memory_space<vmem>>
      %dma_wait3A_232 = arith.constant 0 : i32
      %dma_wait3A_233 = arith.constant 0 : i32
      %dma_wait3A_234 = tpu.memref_slice %arg2[%dma_wait3A_232, %dma_wait3A_233] : memref<10000x128xf32, #tpu.memory_space<hbm>> -> memref<10000x128xf32, #tpu.memory_space<hbm>>
      tpu.wait_indirect_dma semaphore(%arg13 : memref<!tpu.dma_semaphore, #tpu.memory_space<semaphore_mem>>) src(%dma_wait3A_234 : memref<10000x128xf32, #tpu.memory_space<hbm>>) dst(%arg8 : memref<64x128xf32, #tpu.memory_space<vmem>>)
      %run_scoped3A_235 = arith.constant 4 : i32
      "tpu.region"() ({
        %run_scoped3A_288 = tpu.sem_alloc : memref<!tpu.dma_semaphore, #tpu.memory_space<semaphore_mem>>
        %dma_start3A_289 = arith.constant 0 : i32
        %dma_start3A_290 = tpu.memref_slice %arg7[%rem3A_108, %run_scoped3A_235, %dma_start3A_289] : memref<2x8x64xi32, #tpu.memory_space<vmem>> -> memref<1x1x64xi32, #tpu.memory_space<vmem>>
        %dma_start3A_291 = tpu.memref_squeeze %dma_start3A_290 : memref<1x1x64xi32, #tpu.memory_space<vmem>> -> memref<64xi32, #tpu.memory_space<vmem>>
        %dma_start3A_292 = arith.constant 0 : i32
        %dma_start3A_293 = arith.constant 0 : i32
        %dma_start3A_294 = tpu.memref_slice %arg12[%dma_start3A_292, %dma_start3A_293] : memref<10240x128xf32, #tpu.memory_space<vmem_shared>> -> memref<10240x128xf32, #tpu.memory_space<vmem_shared>>
        tpu.enqueue_indirect_dma source(%arg8 : memref<64x128xf32, #tpu.memory_space<vmem>>) target(%dma_start3A_294 : memref<10240x128xf32, #tpu.memory_space<vmem_shared>>) offsets(%dma_start3A_291 : memref<64xi32, #tpu.memory_space<vmem>>) semaphore(%run_scoped3A_288 : memref<!tpu.dma_semaphore, #tpu.memory_space<semaphore_mem>>) {add = true}
        %dma_wait3A_295 = arith.constant 0 : i32
        %dma_wait3A_296 = tpu.memref_slice %arg7[%rem3A_108, %run_scoped3A_235, %dma_wait3A_295] : memref<2x8x64xi32, #tpu.memory_space<vmem>> -> memref<1x1x64xi32, #tpu.memory_space<vmem>>
        %dma_wait3A_297 = tpu.memref_squeeze %dma_wait3A_296 : memref<1x1x64xi32, #tpu.memory_space<vmem>> -> memref<64xi32, #tpu.memory_space<vmem>>
        %dma_wait3A_298 = arith.constant 0 : i32
        %dma_wait3A_299 = arith.constant 0 : i32
        %dma_wait3A_300 = tpu.memref_slice %arg12[%dma_wait3A_298, %dma_wait3A_299] : memref<10240x128xf32, #tpu.memory_space<vmem_shared>> -> memref<10240x128xf32, #tpu.memory_space<vmem_shared>>
        tpu.wait_indirect_dma semaphore(%run_scoped3A_288 : memref<!tpu.dma_semaphore, #tpu.memory_space<semaphore_mem>>) src(%arg8 : memref<64x128xf32, #tpu.memory_space<vmem>>) dst(%dma_wait3A_300 : memref<10240x128xf32, #tpu.memory_space<vmem_shared>>)
        tpu.yield
      }) : () -> ()
      %dma_start3A_236 = arith.constant 0 : i32
      %dma_start3A_237 = arith.constant 0 : i32
      %dma_start3A_238 = tpu.memref_slice %arg6[%rem3A_112, %dma_start3A_236, %dma_start3A_237] : memref<2x8x64xi32, #tpu.memory_space<vmem>> -> memref<1x1x64xi32, #tpu.memory_space<vmem>>
      %dma_start3A_239 = tpu.memref_squeeze %dma_start3A_238 : memref<1x1x64xi32, #tpu.memory_space<vmem>> -> memref<64xi32, #tpu.memory_space<vmem>>
      %dma_start3A_240 = arith.constant 0 : i32
      %dma_start3A_241 = arith.constant 0 : i32
      %dma_start3A_242 = tpu.memref_slice %arg2[%dma_start3A_240, %dma_start3A_241] : memref<10000x128xf32, #tpu.memory_space<hbm>> -> memref<10000x128xf32, #tpu.memory_space<hbm>>
      tpu.enqueue_indirect_dma source(%dma_start3A_242 : memref<10000x128xf32, #tpu.memory_space<hbm>>) target(%arg8 : memref<64x128xf32, #tpu.memory_space<vmem>>) offsets(%dma_start3A_239 : memref<64xi32, #tpu.memory_space<vmem>>) semaphore(%arg13 : memref<!tpu.dma_semaphore, #tpu.memory_space<semaphore_mem>>)
      %dma_wait3A_243 = arith.constant 5 : i32
      %dma_wait3A_244 = arith.constant 0 : i32
      %dma_wait3A_245 = tpu.memref_slice %arg6[%rem3A_108, %dma_wait3A_243, %dma_wait3A_244] : memref<2x8x64xi32, #tpu.memory_space<vmem>> -> memref<1x1x64xi32, #tpu.memory_space<vmem>>
      %dma_wait3A_246 = tpu.memref_squeeze %dma_wait3A_245 : memref<1x1x64xi32, #tpu.memory_space<vmem>> -> memref<64xi32, #tpu.memory_space<vmem>>
      %dma_wait3A_247 = arith.constant 0 : i32
      %dma_wait3A_248 = arith.constant 0 : i32
      %dma_wait3A_249 = tpu.memref_slice %arg2[%dma_wait3A_247, %dma_wait3A_248] : memref<10000x128xf32, #tpu.memory_space<hbm>> -> memref<10000x128xf32, #tpu.memory_space<hbm>>
      tpu.wait_indirect_dma semaphore(%arg14 : memref<!tpu.dma_semaphore, #tpu.memory_space<semaphore_mem>>) src(%dma_wait3A_249 : memref<10000x128xf32, #tpu.memory_space<hbm>>) dst(%arg9 : memref<64x128xf32, #tpu.memory_space<vmem>>)
      %run_scoped3A_250 = arith.constant 5 : i32
      "tpu.region"() ({
        %run_scoped3A_288 = tpu.sem_alloc : memref<!tpu.dma_semaphore, #tpu.memory_space<semaphore_mem>>
        %dma_start3A_289 = arith.constant 0 : i32
        %dma_start3A_290 = tpu.memref_slice %arg7[%rem3A_108, %run_scoped3A_250, %dma_start3A_289] : memref<2x8x64xi32, #tpu.memory_space<vmem>> -> memref<1x1x64xi32, #tpu.memory_space<vmem>>
        %dma_start3A_291 = tpu.memref_squeeze %dma_start3A_290 : memref<1x1x64xi32, #tpu.memory_space<vmem>> -> memref<64xi32, #tpu.memory_space<vmem>>
        %dma_start3A_292 = arith.constant 0 : i32
        %dma_start3A_293 = arith.constant 0 : i32
        %dma_start3A_294 = tpu.memref_slice %arg12[%dma_start3A_292, %dma_start3A_293] : memref<10240x128xf32, #tpu.memory_space<vmem_shared>> -> memref<10240x128xf32, #tpu.memory_space<vmem_shared>>
        tpu.enqueue_indirect_dma source(%arg9 : memref<64x128xf32, #tpu.memory_space<vmem>>) target(%dma_start3A_294 : memref<10240x128xf32, #tpu.memory_space<vmem_shared>>) offsets(%dma_start3A_291 : memref<64xi32, #tpu.memory_space<vmem>>) semaphore(%run_scoped3A_288 : memref<!tpu.dma_semaphore, #tpu.memory_space<semaphore_mem>>) {add = true}
        %dma_wait3A_295 = arith.constant 0 : i32
        %dma_wait3A_296 = tpu.memref_slice %arg7[%rem3A_108, %run_scoped3A_250, %dma_wait3A_295] : memref<2x8x64xi32, #tpu.memory_space<vmem>> -> memref<1x1x64xi32, #tpu.memory_space<vmem>>
        %dma_wait3A_297 = tpu.memref_squeeze %dma_wait3A_296 : memref<1x1x64xi32, #tpu.memory_space<vmem>> -> memref<64xi32, #tpu.memory_space<vmem>>
        %dma_wait3A_298 = arith.constant 0 : i32
        %dma_wait3A_299 = arith.constant 0 : i32
        %dma_wait3A_300 = tpu.memref_slice %arg12[%dma_wait3A_298, %dma_wait3A_299] : memref<10240x128xf32, #tpu.memory_space<vmem_shared>> -> memref<10240x128xf32, #tpu.memory_space<vmem_shared>>
        tpu.wait_indirect_dma semaphore(%run_scoped3A_288 : memref<!tpu.dma_semaphore, #tpu.memory_space<semaphore_mem>>) src(%arg9 : memref<64x128xf32, #tpu.memory_space<vmem>>) dst(%dma_wait3A_300 : memref<10240x128xf32, #tpu.memory_space<vmem_shared>>)
        tpu.yield
      }) : () -> ()
      %dma_start3A_251 = arith.constant 1 : i32
      %dma_start3A_252 = arith.constant 0 : i32
      %dma_start3A_253 = tpu.memref_slice %arg6[%rem3A_112, %dma_start3A_251, %dma_start3A_252] : memref<2x8x64xi32, #tpu.memory_space<vmem>> -> memref<1x1x64xi32, #tpu.memory_space<vmem>>
      %dma_start3A_254 = tpu.memref_squeeze %dma_start3A_253 : memref<1x1x64xi32, #tpu.memory_space<vmem>> -> memref<64xi32, #tpu.memory_space<vmem>>
      %dma_start3A_255 = arith.constant 0 : i32
      %dma_start3A_256 = arith.constant 0 : i32
      %dma_start3A_257 = tpu.memref_slice %arg2[%dma_start3A_255, %dma_start3A_256] : memref<10000x128xf32, #tpu.memory_space<hbm>> -> memref<10000x128xf32, #tpu.memory_space<hbm>>
      tpu.enqueue_indirect_dma source(%dma_start3A_257 : memref<10000x128xf32, #tpu.memory_space<hbm>>) target(%arg9 : memref<64x128xf32, #tpu.memory_space<vmem>>) offsets(%dma_start3A_254 : memref<64xi32, #tpu.memory_space<vmem>>) semaphore(%arg14 : memref<!tpu.dma_semaphore, #tpu.memory_space<semaphore_mem>>)
      %dma_wait3A_258 = arith.constant 6 : i32
      %dma_wait3A_259 = arith.constant 0 : i32
      %dma_wait3A_260 = tpu.memref_slice %arg6[%rem3A_108, %dma_wait3A_258, %dma_wait3A_259] : memref<2x8x64xi32, #tpu.memory_space<vmem>> -> memref<1x1x64xi32, #tpu.memory_space<vmem>>
      %dma_wait3A_261 = tpu.memref_squeeze %dma_wait3A_260 : memref<1x1x64xi32, #tpu.memory_space<vmem>> -> memref<64xi32, #tpu.memory_space<vmem>>
      %dma_wait3A_262 = arith.constant 0 : i32
      %dma_wait3A_263 = arith.constant 0 : i32
      %dma_wait3A_264 = tpu.memref_slice %arg2[%dma_wait3A_262, %dma_wait3A_263] : memref<10000x128xf32, #tpu.memory_space<hbm>> -> memref<10000x128xf32, #tpu.memory_space<hbm>>
      tpu.wait_indirect_dma semaphore(%arg15 : memref<!tpu.dma_semaphore, #tpu.memory_space<semaphore_mem>>) src(%dma_wait3A_264 : memref<10000x128xf32, #tpu.memory_space<hbm>>) dst(%arg10 : memref<64x128xf32, #tpu.memory_space<vmem>>)
      %run_scoped3A_265 = arith.constant 6 : i32
      "tpu.region"() ({
        %run_scoped3A_288 = tpu.sem_alloc : memref<!tpu.dma_semaphore, #tpu.memory_space<semaphore_mem>>
        %dma_start3A_289 = arith.constant 0 : i32
        %dma_start3A_290 = tpu.memref_slice %arg7[%rem3A_108, %run_scoped3A_265, %dma_start3A_289] : memref<2x8x64xi32, #tpu.memory_space<vmem>> -> memref<1x1x64xi32, #tpu.memory_space<vmem>>
        %dma_start3A_291 = tpu.memref_squeeze %dma_start3A_290 : memref<1x1x64xi32, #tpu.memory_space<vmem>> -> memref<64xi32, #tpu.memory_space<vmem>>
        %dma_start3A_292 = arith.constant 0 : i32
        %dma_start3A_293 = arith.constant 0 : i32
        %dma_start3A_294 = tpu.memref_slice %arg12[%dma_start3A_292, %dma_start3A_293] : memref<10240x128xf32, #tpu.memory_space<vmem_shared>> -> memref<10240x128xf32, #tpu.memory_space<vmem_shared>>
        tpu.enqueue_indirect_dma source(%arg10 : memref<64x128xf32, #tpu.memory_space<vmem>>) target(%dma_start3A_294 : memref<10240x128xf32, #tpu.memory_space<vmem_shared>>) offsets(%dma_start3A_291 : memref<64xi32, #tpu.memory_space<vmem>>) semaphore(%run_scoped3A_288 : memref<!tpu.dma_semaphore, #tpu.memory_space<semaphore_mem>>) {add = true}
        %dma_wait3A_295 = arith.constant 0 : i32
        %dma_wait3A_296 = tpu.memref_slice %arg7[%rem3A_108, %run_scoped3A_265, %dma_wait3A_295] : memref<2x8x64xi32, #tpu.memory_space<vmem>> -> memref<1x1x64xi32, #tpu.memory_space<vmem>>
        %dma_wait3A_297 = tpu.memref_squeeze %dma_wait3A_296 : memref<1x1x64xi32, #tpu.memory_space<vmem>> -> memref<64xi32, #tpu.memory_space<vmem>>
        %dma_wait3A_298 = arith.constant 0 : i32
        %dma_wait3A_299 = arith.constant 0 : i32
        %dma_wait3A_300 = tpu.memref_slice %arg12[%dma_wait3A_298, %dma_wait3A_299] : memref<10240x128xf32, #tpu.memory_space<vmem_shared>> -> memref<10240x128xf32, #tpu.memory_space<vmem_shared>>
        tpu.wait_indirect_dma semaphore(%run_scoped3A_288 : memref<!tpu.dma_semaphore, #tpu.memory_space<semaphore_mem>>) src(%arg10 : memref<64x128xf32, #tpu.memory_space<vmem>>) dst(%dma_wait3A_300 : memref<10240x128xf32, #tpu.memory_space<vmem_shared>>)
        tpu.yield
      }) : () -> ()
      %dma_start3A_266 = arith.constant 2 : i32
      %dma_start3A_267 = arith.constant 0 : i32
      %dma_start3A_268 = tpu.memref_slice %arg6[%rem3A_112, %dma_start3A_266, %dma_start3A_267] : memref<2x8x64xi32, #tpu.memory_space<vmem>> -> memref<1x1x64xi32, #tpu.memory_space<vmem>>
      %dma_start3A_269 = tpu.memref_squeeze %dma_start3A_268 : memref<1x1x64xi32, #tpu.memory_space<vmem>> -> memref<64xi32, #tpu.memory_space<vmem>>
      %dma_start3A_270 = arith.constant 0 : i32
      %dma_start3A_271 = arith.constant 0 : i32
      %dma_start3A_272 = tpu.memref_slice %arg2[%dma_start3A_270, %dma_start3A_271] : memref<10000x128xf32, #tpu.memory_space<hbm>> -> memref<10000x128xf32, #tpu.memory_space<hbm>>
      tpu.enqueue_indirect_dma source(%dma_start3A_272 : memref<10000x128xf32, #tpu.memory_space<hbm>>) target(%arg10 : memref<64x128xf32, #tpu.memory_space<vmem>>) offsets(%dma_start3A_269 : memref<64xi32, #tpu.memory_space<vmem>>) semaphore(%arg15 : memref<!tpu.dma_semaphore, #tpu.memory_space<semaphore_mem>>)
      %dma_wait3A_273 = arith.constant 7 : i32
      %dma_wait3A_274 = arith.constant 0 : i32
      %dma_wait3A_275 = tpu.memref_slice %arg6[%rem3A_108, %dma_wait3A_273, %dma_wait3A_274] : memref<2x8x64xi32, #tpu.memory_space<vmem>> -> memref<1x1x64xi32, #tpu.memory_space<vmem>>
      %dma_wait3A_276 = tpu.memref_squeeze %dma_wait3A_275 : memref<1x1x64xi32, #tpu.memory_space<vmem>> -> memref<64xi32, #tpu.memory_space<vmem>>
      %dma_wait3A_277 = arith.constant 0 : i32
      %dma_wait3A_278 = arith.constant 0 : i32
      %dma_wait3A_279 = tpu.memref_slice %arg2[%dma_wait3A_277, %dma_wait3A_278] : memref<10000x128xf32, #tpu.memory_space<hbm>> -> memref<10000x128xf32, #tpu.memory_space<hbm>>
      tpu.wait_indirect_dma semaphore(%arg16 : memref<!tpu.dma_semaphore, #tpu.memory_space<semaphore_mem>>) src(%dma_wait3A_279 : memref<10000x128xf32, #tpu.memory_space<hbm>>) dst(%arg11 : memref<64x128xf32, #tpu.memory_space<vmem>>)
      %run_scoped3A_280 = arith.constant 7 : i32
      "tpu.region"() ({
        %run_scoped3A_288 = tpu.sem_alloc : memref<!tpu.dma_semaphore, #tpu.memory_space<semaphore_mem>>
        %dma_start3A_289 = arith.constant 0 : i32
        %dma_start3A_290 = tpu.memref_slice %arg7[%rem3A_108, %run_scoped3A_280, %dma_start3A_289] : memref<2x8x64xi32, #tpu.memory_space<vmem>> -> memref<1x1x64xi32, #tpu.memory_space<vmem>>
        %dma_start3A_291 = tpu.memref_squeeze %dma_start3A_290 : memref<1x1x64xi32, #tpu.memory_space<vmem>> -> memref<64xi32, #tpu.memory_space<vmem>>
        %dma_start3A_292 = arith.constant 0 : i32
        %dma_start3A_293 = arith.constant 0 : i32
        %dma_start3A_294 = tpu.memref_slice %arg12[%dma_start3A_292, %dma_start3A_293] : memref<10240x128xf32, #tpu.memory_space<vmem_shared>> -> memref<10240x128xf32, #tpu.memory_space<vmem_shared>>
        tpu.enqueue_indirect_dma source(%arg11 : memref<64x128xf32, #tpu.memory_space<vmem>>) target(%dma_start3A_294 : memref<10240x128xf32, #tpu.memory_space<vmem_shared>>) offsets(%dma_start3A_291 : memref<64xi32, #tpu.memory_space<vmem>>) semaphore(%run_scoped3A_288 : memref<!tpu.dma_semaphore, #tpu.memory_space<semaphore_mem>>) {add = true}
        %dma_wait3A_295 = arith.constant 0 : i32
        %dma_wait3A_296 = tpu.memref_slice %arg7[%rem3A_108, %run_scoped3A_280, %dma_wait3A_295] : memref<2x8x64xi32, #tpu.memory_space<vmem>> -> memref<1x1x64xi32, #tpu.memory_space<vmem>>
        %dma_wait3A_297 = tpu.memref_squeeze %dma_wait3A_296 : memref<1x1x64xi32, #tpu.memory_space<vmem>> -> memref<64xi32, #tpu.memory_space<vmem>>
        %dma_wait3A_298 = arith.constant 0 : i32
        %dma_wait3A_299 = arith.constant 0 : i32
        %dma_wait3A_300 = tpu.memref_slice %arg12[%dma_wait3A_298, %dma_wait3A_299] : memref<10240x128xf32, #tpu.memory_space<vmem_shared>> -> memref<10240x128xf32, #tpu.memory_space<vmem_shared>>
        tpu.wait_indirect_dma semaphore(%run_scoped3A_288 : memref<!tpu.dma_semaphore, #tpu.memory_space<semaphore_mem>>) src(%arg11 : memref<64x128xf32, #tpu.memory_space<vmem>>) dst(%dma_wait3A_300 : memref<10240x128xf32, #tpu.memory_space<vmem_shared>>)
        tpu.yield
      }) : () -> ()
      %dma_start3A_281 = arith.constant 3 : i32
      %dma_start3A_282 = arith.constant 0 : i32
      %dma_start3A_283 = tpu.memref_slice %arg6[%rem3A_112, %dma_start3A_281, %dma_start3A_282] : memref<2x8x64xi32, #tpu.memory_space<vmem>> -> memref<1x1x64xi32, #tpu.memory_space<vmem>>
      %dma_start3A_284 = tpu.memref_squeeze %dma_start3A_283 : memref<1x1x64xi32, #tpu.memory_space<vmem>> -> memref<64xi32, #tpu.memory_space<vmem>>
      %dma_start3A_285 = arith.constant 0 : i32
      %dma_start3A_286 = arith.constant 0 : i32
      %dma_start3A_287 = tpu.memref_slice %arg2[%dma_start3A_285, %dma_start3A_286] : memref<10000x128xf32, #tpu.memory_space<hbm>> -> memref<10000x128xf32, #tpu.memory_space<hbm>>
      tpu.enqueue_indirect_dma source(%dma_start3A_287 : memref<10000x128xf32, #tpu.memory_space<hbm>>) target(%arg11 : memref<64x128xf32, #tpu.memory_space<vmem>>) offsets(%dma_start3A_284 : memref<64xi32, #tpu.memory_space<vmem>>) semaphore(%arg16 : memref<!tpu.dma_semaphore, #tpu.memory_space<semaphore_mem>>)
    }
    %while3A_74 = arith.constant 1 : i32
    scf.for %while3A_107 = %while3A_72 to %while3A_68 step %while3A_74  : i32 {
      %rem3A = arith.constant 2 : i32
      %rem3A_108 = arith.remsi %while3A_107, %rem3A : i32
      %add3A_109 = arith.constant 1 : i32
      %add3A_110 = arith.addi %while3A_107, %add3A_109 : i32
      %rem3A_111 = arith.constant 2 : i32
      %rem3A_112 = arith.remsi %add3A_110, %rem3A_111 : i32
      %add3A_113 = arith.constant 1 : i32
      %add3A_114 = arith.addi %while3A_107, %add3A_113 : i32
      %rem3A_115 = arith.remsi %add3A_114, %select_n3A : i32
      %mul3A_116 = arith.constant 8 : i32
      %mul3A_117 = arith.muli %rem3A_115, %mul3A_116 : i32
      %add3A_118 = arith.addi %multiple_of3A, %mul3A_117 : i32
      %multiple_of3A_119 = tpu.assume_multiple %add3A_118, 8 : i32
      %dma_start3A_120 = arith.constant 0 : i32
      %dma_start3A_121 = arith.constant 0 : i32
      %dma_start3A_122 = tpu.memref_slice %arg6[%rem3A_112, %dma_start3A_120, %dma_start3A_121] : memref<2x8x64xi32, #tpu.memory_space<vmem>> -> memref<1x8x64xi32, #tpu.memory_space<vmem>>
      %dma_start3A_123 = tpu.memref_squeeze %dma_start3A_122 : memref<1x8x64xi32, #tpu.memory_space<vmem>> -> memref<8x64xi32, #tpu.memory_space<vmem>>
      %dma_start3A_124 = arith.constant 0 : i32
      %dma_start3A_125 = tpu.memref_slice %arg3[%multiple_of3A_119, %dma_start3A_124] : memref<5120x64xi32, #tpu.memory_space<hbm>> -> memref<8x64xi32, #tpu.memory_space<hbm>>
      %dma_start3A_126 = arith.constant 0 : i32
      %dma_start3A_127 = arith.constant 0 : i32
      %dma_start3A_128 = tpu.memref_slice %arg6[%rem3A_112, %dma_start3A_126, %dma_start3A_127] : memref<2x8x64xi32, #tpu.memory_space<vmem>> -> memref<1x8x64xi32, #tpu.memory_space<vmem>>
      %dma_start3A_129 = tpu.memref_squeeze %dma_start3A_128 : memref<1x8x64xi32, #tpu.memory_space<vmem>> -> memref<8x64xi32, #tpu.memory_space<vmem>>
      %dma_start3A_130 = arith.constant 0 : i32
      %dma_start3A_131 = tpu.memref_slice %arg3[%multiple_of3A_119, %dma_start3A_130] : memref<5120x64xi32, #tpu.memory_space<hbm>> -> memref<8x64xi32, #tpu.memory_space<hbm>>
      tpu.enqueue_dma source(%dma_start3A_131 : memref<8x64xi32, #tpu.memory_space<hbm>>) target(%dma_start3A_129 : memref<8x64xi32, #tpu.memory_space<vmem>>) target_semaphore(%arg17 : memref<!tpu.dma_semaphore, #tpu.memory_space<semaphore_mem>>)
      %dma_start3A_132 = arith.constant 0 : i32
      %dma_start3A_133 = arith.constant 0 : i32
      %dma_start3A_134 = tpu.memref_slice %arg7[%rem3A_112, %dma_start3A_132, %dma_start3A_133] : memref<2x8x64xi32, #tpu.memory_space<vmem>> -> memref<1x8x64xi32, #tpu.memory_space<vmem>>
      %dma_start3A_135 = tpu.memref_squeeze %dma_start3A_134 : memref<1x8x64xi32, #tpu.memory_space<vmem>> -> memref<8x64xi32, #tpu.memory_space<vmem>>
      %dma_start3A_136 = arith.constant 0 : i32
      %dma_start3A_137 = tpu.memref_slice %arg4[%multiple_of3A_119, %dma_start3A_136] : memref<5120x64xi32, #tpu.memory_space<hbm>> -> memref<8x64xi32, #tpu.memory_space<hbm>>
      %dma_start3A_138 = arith.constant 0 : i32
      %dma_start3A_139 = arith.constant 0 : i32
      %dma_start3A_140 = tpu.memref_slice %arg7[%rem3A_112, %dma_start3A_138, %dma_start3A_139] : memref<2x8x64xi32, #tpu.memory_space<vmem>> -> memref<1x8x64xi32, #tpu.memory_space<vmem>>
      %dma_start3A_141 = tpu.memref_squeeze %dma_start3A_140 : memref<1x8x64xi32, #tpu.memory_space<vmem>> -> memref<8x64xi32, #tpu.memory_space<vmem>>
      %dma_start3A_142 = arith.constant 0 : i32
      %dma_start3A_143 = tpu.memref_slice %arg4[%multiple_of3A_119, %dma_start3A_142] : memref<5120x64xi32, #tpu.memory_space<hbm>> -> memref<8x64xi32, #tpu.memory_space<hbm>>
      tpu.enqueue_dma source(%dma_start3A_143 : memref<8x64xi32, #tpu.memory_space<hbm>>) target(%dma_start3A_141 : memref<8x64xi32, #tpu.memory_space<vmem>>) target_semaphore(%arg17 : memref<!tpu.dma_semaphore, #tpu.memory_space<semaphore_mem>>)
      %dma_wait3A_144 = arith.constant 0 : i32
      %dma_wait3A_145 = arith.constant 0 : i32
      %dma_wait3A_146 = tpu.memref_slice %arg6[%rem3A_108, %dma_wait3A_144, %dma_wait3A_145] : memref<2x8x64xi32, #tpu.memory_space<vmem>> -> memref<1x1x64xi32, #tpu.memory_space<vmem>>
      %dma_wait3A_147 = tpu.memref_squeeze %dma_wait3A_146 : memref<1x1x64xi32, #tpu.memory_space<vmem>> -> memref<64xi32, #tpu.memory_space<vmem>>
      %dma_wait3A_148 = arith.constant 0 : i32
      %dma_wait3A_149 = arith.constant 0 : i32
      %dma_wait3A_150 = tpu.memref_slice %arg2[%dma_wait3A_148, %dma_wait3A_149] : memref<10000x128xf32, #tpu.memory_space<hbm>> -> memref<10000x128xf32, #tpu.memory_space<hbm>>
      tpu.wait_indirect_dma semaphore(%arg13 : memref<!tpu.dma_semaphore, #tpu.memory_space<semaphore_mem>>) src(%dma_wait3A_150 : memref<10000x128xf32, #tpu.memory_space<hbm>>) dst(%arg8 : memref<64x128xf32, #tpu.memory_space<vmem>>)
      %run_scoped3A_151 = arith.constant 0 : i32
      "tpu.region"() ({
        %run_scoped3A_288 = tpu.sem_alloc : memref<!tpu.dma_semaphore, #tpu.memory_space<semaphore_mem>>
        %dma_start3A_289 = arith.constant 0 : i32
        %dma_start3A_290 = tpu.memref_slice %arg7[%rem3A_108, %run_scoped3A_151, %dma_start3A_289] : memref<2x8x64xi32, #tpu.memory_space<vmem>> -> memref<1x1x64xi32, #tpu.memory_space<vmem>>
        %dma_start3A_291 = tpu.memref_squeeze %dma_start3A_290 : memref<1x1x64xi32, #tpu.memory_space<vmem>> -> memref<64xi32, #tpu.memory_space<vmem>>
        %dma_start3A_292 = arith.constant 0 : i32
        %dma_start3A_293 = arith.constant 0 : i32
        %dma_start3A_294 = tpu.memref_slice %arg12[%dma_start3A_292, %dma_start3A_293] : memref<10240x128xf32, #tpu.memory_space<vmem_shared>> -> memref<10240x128xf32, #tpu.memory_space<vmem_shared>>
        tpu.enqueue_indirect_dma source(%arg8 : memref<64x128xf32, #tpu.memory_space<vmem>>) target(%dma_start3A_294 : memref<10240x128xf32, #tpu.memory_space<vmem_shared>>) offsets(%dma_start3A_291 : memref<64xi32, #tpu.memory_space<vmem>>) semaphore(%run_scoped3A_288 : memref<!tpu.dma_semaphore, #tpu.memory_space<semaphore_mem>>) {add = true}
        %dma_wait3A_295 = arith.constant 0 : i32
        %dma_wait3A_296 = tpu.memref_slice %arg7[%rem3A_108, %run_scoped3A_151, %dma_wait3A_295] : memref<2x8x64xi32, #tpu.memory_space<vmem>> -> memref<1x1x64xi32, #tpu.memory_space<vmem>>
        %dma_wait3A_297 = tpu.memref_squeeze %dma_wait3A_296 : memref<1x1x64xi32, #tpu.memory_space<vmem>> -> memref<64xi32, #tpu.memory_space<vmem>>
        %dma_wait3A_298 = arith.constant 0 : i32
        %dma_wait3A_299 = arith.constant 0 : i32
        %dma_wait3A_300 = tpu.memref_slice %arg12[%dma_wait3A_298, %dma_wait3A_299] : memref<10240x128xf32, #tpu.memory_space<vmem_shared>> -> memref<10240x128xf32, #tpu.memory_space<vmem_shared>>
        tpu.wait_indirect_dma semaphore(%run_scoped3A_288 : memref<!tpu.dma_semaphore, #tpu.memory_space<semaphore_mem>>) src(%arg8 : memref<64x128xf32, #tpu.memory_space<vmem>>) dst(%dma_wait3A_300 : memref<10240x128xf32, #tpu.memory_space<vmem_shared>>)
        tpu.yield
      }) : () -> ()
      %dma_start3A_152 = arith.constant 4 : i32
      %dma_start3A_153 = arith.constant 0 : i32
      %dma_start3A_154 = tpu.memref_slice %arg6[%rem3A_108, %dma_start3A_152, %dma_start3A_153] : memref<2x8x64xi32, #tpu.memory_space<vmem>> -> memref<1x1x64xi32, #tpu.memory_space<vmem>>
      %dma_start3A_155 = tpu.memref_squeeze %dma_start3A_154 : memref<1x1x64xi32, #tpu.memory_space<vmem>> -> memref<64xi32, #tpu.memory_space<vmem>>
      %dma_start3A_156 = arith.constant 0 : i32
      %dma_start3A_157 = arith.constant 0 : i32
      %dma_start3A_158 = tpu.memref_slice %arg2[%dma_start3A_156, %dma_start3A_157] : memref<10000x128xf32, #tpu.memory_space<hbm>> -> memref<10000x128xf32, #tpu.memory_space<hbm>>
      tpu.enqueue_indirect_dma source(%dma_start3A_158 : memref<10000x128xf32, #tpu.memory_space<hbm>>) target(%arg8 : memref<64x128xf32, #tpu.memory_space<vmem>>) offsets(%dma_start3A_155 : memref<64xi32, #tpu.memory_space<vmem>>) semaphore(%arg13 : memref<!tpu.dma_semaphore, #tpu.memory_space<semaphore_mem>>)
      %dma_wait3A_159 = arith.constant 1 : i32
      %dma_wait3A_160 = arith.constant 0 : i32
      %dma_wait3A_161 = tpu.memref_slice %arg6[%rem3A_108, %dma_wait3A_159, %dma_wait3A_160] : memref<2x8x64xi32, #tpu.memory_space<vmem>> -> memref<1x1x64xi32, #tpu.memory_space<vmem>>
      %dma_wait3A_162 = tpu.memref_squeeze %dma_wait3A_161 : memref<1x1x64xi32, #tpu.memory_space<vmem>> -> memref<64xi32, #tpu.memory_space<vmem>>
      %dma_wait3A_163 = arith.constant 0 : i32
      %dma_wait3A_164 = arith.constant 0 : i32
      %dma_wait3A_165 = tpu.memref_slice %arg2[%dma_wait3A_163, %dma_wait3A_164] : memref<10000x128xf32, #tpu.memory_space<hbm>> -> memref<10000x128xf32, #tpu.memory_space<hbm>>
      tpu.wait_indirect_dma semaphore(%arg14 : memref<!tpu.dma_semaphore, #tpu.memory_space<semaphore_mem>>) src(%dma_wait3A_165 : memref<10000x128xf32, #tpu.memory_space<hbm>>) dst(%arg9 : memref<64x128xf32, #tpu.memory_space<vmem>>)
      %run_scoped3A_166 = arith.constant 1 : i32
      "tpu.region"() ({
        %run_scoped3A_288 = tpu.sem_alloc : memref<!tpu.dma_semaphore, #tpu.memory_space<semaphore_mem>>
        %dma_start3A_289 = arith.constant 0 : i32
        %dma_start3A_290 = tpu.memref_slice %arg7[%rem3A_108, %run_scoped3A_166, %dma_start3A_289] : memref<2x8x64xi32, #tpu.memory_space<vmem>> -> memref<1x1x64xi32, #tpu.memory_space<vmem>>
        %dma_start3A_291 = tpu.memref_squeeze %dma_start3A_290 : memref<1x1x64xi32, #tpu.memory_space<vmem>> -> memref<64xi32, #tpu.memory_space<vmem>>
        %dma_start3A_292 = arith.constant 0 : i32
        %dma_start3A_293 = arith.constant 0 : i32
        %dma_start3A_294 = tpu.memref_slice %arg12[%dma_start3A_292, %dma_start3A_293] : memref<10240x128xf32, #tpu.memory_space<vmem_shared>> -> memref<10240x128xf32, #tpu.memory_space<vmem_shared>>
        tpu.enqueue_indirect_dma source(%arg9 : memref<64x128xf32, #tpu.memory_space<vmem>>) target(%dma_start3A_294 : memref<10240x128xf32, #tpu.memory_space<vmem_shared>>) offsets(%dma_start3A_291 : memref<64xi32, #tpu.memory_space<vmem>>) semaphore(%run_scoped3A_288 : memref<!tpu.dma_semaphore, #tpu.memory_space<semaphore_mem>>) {add = true}
        %dma_wait3A_295 = arith.constant 0 : i32
        %dma_wait3A_296 = tpu.memref_slice %arg7[%rem3A_108, %run_scoped3A_166, %dma_wait3A_295] : memref<2x8x64xi32, #tpu.memory_space<vmem>> -> memref<1x1x64xi32, #tpu.memory_space<vmem>>
        %dma_wait3A_297 = tpu.memref_squeeze %dma_wait3A_296 : memref<1x1x64xi32, #tpu.memory_space<vmem>> -> memref<64xi32, #tpu.memory_space<vmem>>
        %dma_wait3A_298 = arith.constant 0 : i32
        %dma_wait3A_299 = arith.constant 0 : i32
        %dma_wait3A_300 = tpu.memref_slice %arg12[%dma_wait3A_298, %dma_wait3A_299] : memref<10240x128xf32, #tpu.memory_space<vmem_shared>> -> memref<10240x128xf32, #tpu.memory_space<vmem_shared>>
        tpu.wait_indirect_dma semaphore(%run_scoped3A_288 : memref<!tpu.dma_semaphore, #tpu.memory_space<semaphore_mem>>) src(%arg9 : memref<64x128xf32, #tpu.memory_space<vmem>>) dst(%dma_wait3A_300 : memref<10240x128xf32, #tpu.memory_space<vmem_shared>>)
        tpu.yield
      }) : () -> ()
      %dma_start3A_167 = arith.constant 5 : i32
      %dma_start3A_168 = arith.constant 0 : i32
      %dma_start3A_169 = tpu.memref_slice %arg6[%rem3A_108, %dma_start3A_167, %dma_start3A_168] : memref<2x8x64xi32, #tpu.memory_space<vmem>> -> memref<1x1x64xi32, #tpu.memory_space<vmem>>
      %dma_start3A_170 = tpu.memref_squeeze %dma_start3A_169 : memref<1x1x64xi32, #tpu.memory_space<vmem>> -> memref<64xi32, #tpu.memory_space<vmem>>
      %dma_start3A_171 = arith.constant 0 : i32
      %dma_start3A_172 = arith.constant 0 : i32
      %dma_start3A_173 = tpu.memref_slice %arg2[%dma_start3A_171, %dma_start3A_172] : memref<10000x128xf32, #tpu.memory_space<hbm>> -> memref<10000x128xf32, #tpu.memory_space<hbm>>
      tpu.enqueue_indirect_dma source(%dma_start3A_173 : memref<10000x128xf32, #tpu.memory_space<hbm>>) target(%arg9 : memref<64x128xf32, #tpu.memory_space<vmem>>) offsets(%dma_start3A_170 : memref<64xi32, #tpu.memory_space<vmem>>) semaphore(%arg14 : memref<!tpu.dma_semaphore, #tpu.memory_space<semaphore_mem>>)
      %dma_wait3A_174 = arith.constant 2 : i32
      %dma_wait3A_175 = arith.constant 0 : i32
      %dma_wait3A_176 = tpu.memref_slice %arg6[%rem3A_108, %dma_wait3A_174, %dma_wait3A_175] : memref<2x8x64xi32, #tpu.memory_space<vmem>> -> memref<1x1x64xi32, #tpu.memory_space<vmem>>
      %dma_wait3A_177 = tpu.memref_squeeze %dma_wait3A_176 : memref<1x1x64xi32, #tpu.memory_space<vmem>> -> memref<64xi32, #tpu.memory_space<vmem>>
      %dma_wait3A_178 = arith.constant 0 : i32
      %dma_wait3A_179 = arith.constant 0 : i32
      %dma_wait3A_180 = tpu.memref_slice %arg2[%dma_wait3A_178, %dma_wait3A_179] : memref<10000x128xf32, #tpu.memory_space<hbm>> -> memref<10000x128xf32, #tpu.memory_space<hbm>>
      tpu.wait_indirect_dma semaphore(%arg15 : memref<!tpu.dma_semaphore, #tpu.memory_space<semaphore_mem>>) src(%dma_wait3A_180 : memref<10000x128xf32, #tpu.memory_space<hbm>>) dst(%arg10 : memref<64x128xf32, #tpu.memory_space<vmem>>)
      %run_scoped3A_181 = arith.constant 2 : i32
      "tpu.region"() ({
        %run_scoped3A_288 = tpu.sem_alloc : memref<!tpu.dma_semaphore, #tpu.memory_space<semaphore_mem>>
        %dma_start3A_289 = arith.constant 0 : i32
        %dma_start3A_290 = tpu.memref_slice %arg7[%rem3A_108, %run_scoped3A_181, %dma_start3A_289] : memref<2x8x64xi32, #tpu.memory_space<vmem>> -> memref<1x1x64xi32, #tpu.memory_space<vmem>>
        %dma_start3A_291 = tpu.memref_squeeze %dma_start3A_290 : memref<1x1x64xi32, #tpu.memory_space<vmem>> -> memref<64xi32, #tpu.memory_space<vmem>>
        %dma_start3A_292 = arith.constant 0 : i32
        %dma_start3A_293 = arith.constant 0 : i32
        %dma_start3A_294 = tpu.memref_slice %arg12[%dma_start3A_292, %dma_start3A_293] : memref<10240x128xf32, #tpu.memory_space<vmem_shared>> -> memref<10240x128xf32, #tpu.memory_space<vmem_shared>>
        tpu.enqueue_indirect_dma source(%arg10 : memref<64x128xf32, #tpu.memory_space<vmem>>) target(%dma_start3A_294 : memref<10240x128xf32, #tpu.memory_space<vmem_shared>>) offsets(%dma_start3A_291 : memref<64xi32, #tpu.memory_space<vmem>>) semaphore(%run_scoped3A_288 : memref<!tpu.dma_semaphore, #tpu.memory_space<semaphore_mem>>) {add = true}
        %dma_wait3A_295 = arith.constant 0 : i32
        %dma_wait3A_296 = tpu.memref_slice %arg7[%rem3A_108, %run_scoped3A_181, %dma_wait3A_295] : memref<2x8x64xi32, #tpu.memory_space<vmem>> -> memref<1x1x64xi32, #tpu.memory_space<vmem>>
        %dma_wait3A_297 = tpu.memref_squeeze %dma_wait3A_296 : memref<1x1x64xi32, #tpu.memory_space<vmem>> -> memref<64xi32, #tpu.memory_space<vmem>>
        %dma_wait3A_298 = arith.constant 0 : i32
        %dma_wait3A_299 = arith.constant 0 : i32
        %dma_wait3A_300 = tpu.memref_slice %arg12[%dma_wait3A_298, %dma_wait3A_299] : memref<10240x128xf32, #tpu.memory_space<vmem_shared>> -> memref<10240x128xf32, #tpu.memory_space<vmem_shared>>
        tpu.wait_indirect_dma semaphore(%run_scoped3A_288 : memref<!tpu.dma_semaphore, #tpu.memory_space<semaphore_mem>>) src(%arg10 : memref<64x128xf32, #tpu.memory_space<vmem>>) dst(%dma_wait3A_300 : memref<10240x128xf32, #tpu.memory_space<vmem_shared>>)
        tpu.yield
      }) : () -> ()
      %dma_start3A_182 = arith.constant 6 : i32
      %dma_start3A_183 = arith.constant 0 : i32
      %dma_start3A_184 = tpu.memref_slice %arg6[%rem3A_108, %dma_start3A_182, %dma_start3A_183] : memref<2x8x64xi32, #tpu.memory_space<vmem>> -> memref<1x1x64xi32, #tpu.memory_space<vmem>>
      %dma_start3A_185 = tpu.memref_squeeze %dma_start3A_184 : memref<1x1x64xi32, #tpu.memory_space<vmem>> -> memref<64xi32, #tpu.memory_space<vmem>>
      %dma_start3A_186 = arith.constant 0 : i32
      %dma_start3A_187 = arith.constant 0 : i32
      %dma_start3A_188 = tpu.memref_slice %arg2[%dma_start3A_186, %dma_start3A_187] : memref<10000x128xf32, #tpu.memory_space<hbm>> -> memref<10000x128xf32, #tpu.memory_space<hbm>>
      tpu.enqueue_indirect_dma source(%dma_start3A_188 : memref<10000x128xf32, #tpu.memory_space<hbm>>) target(%arg10 : memref<64x128xf32, #tpu.memory_space<vmem>>) offsets(%dma_start3A_185 : memref<64xi32, #tpu.memory_space<vmem>>) semaphore(%arg15 : memref<!tpu.dma_semaphore, #tpu.memory_space<semaphore_mem>>)
      %dma_wait3A_189 = arith.constant 0 : i32
      %dma_wait3A_190 = arith.constant 0 : i32
      %dma_wait3A_191 = tpu.memref_slice %arg6[%rem3A_112, %dma_wait3A_189, %dma_wait3A_190] : memref<2x8x64xi32, #tpu.memory_space<vmem>> -> memref<1x8x64xi32, #tpu.memory_space<vmem>>
      %dma_wait3A_192 = tpu.memref_squeeze %dma_wait3A_191 : memref<1x8x64xi32, #tpu.memory_space<vmem>> -> memref<8x64xi32, #tpu.memory_space<vmem>>
      %dma_wait3A_193 = arith.constant 0 : i32
      %dma_wait3A_194 = tpu.memref_slice %arg3[%multiple_of3A_119, %dma_wait3A_193] : memref<5120x64xi32, #tpu.memory_space<hbm>> -> memref<8x64xi32, #tpu.memory_space<hbm>>
      %dma_wait3A_195 = arith.constant 0 : i32
      %dma_wait3A_196 = arith.constant 0 : i32
      %dma_wait3A_197 = tpu.memref_slice %arg6[%rem3A_112, %dma_wait3A_195, %dma_wait3A_196] : memref<2x8x64xi32, #tpu.memory_space<vmem>> -> memref<1x8x64xi32, #tpu.memory_space<vmem>>
      %dma_wait3A_198 = tpu.memref_squeeze %dma_wait3A_197 : memref<1x8x64xi32, #tpu.memory_space<vmem>> -> memref<8x64xi32, #tpu.memory_space<vmem>>
      %dma_wait3A_199 = arith.constant 0 : i32
      %dma_wait3A_200 = tpu.memref_slice %arg3[%multiple_of3A_119, %dma_wait3A_199] : memref<5120x64xi32, #tpu.memory_space<hbm>> -> memref<8x64xi32, #tpu.memory_space<hbm>>
      tpu.wait_dma2 semaphore(%arg17 : memref<!tpu.dma_semaphore, #tpu.memory_space<semaphore_mem>>) src(%dma_wait3A_200 : memref<8x64xi32, #tpu.memory_space<hbm>>) dst(%dma_wait3A_198 : memref<8x64xi32, #tpu.memory_space<vmem>>)
      %dma_wait3A_201 = arith.constant 0 : i32
      %dma_wait3A_202 = arith.constant 0 : i32
      %dma_wait3A_203 = tpu.memref_slice %arg7[%rem3A_112, %dma_wait3A_201, %dma_wait3A_202] : memref<2x8x64xi32, #tpu.memory_space<vmem>> -> memref<1x8x64xi32, #tpu.memory_space<vmem>>
      %dma_wait3A_204 = tpu.memref_squeeze %dma_wait3A_203 : memref<1x8x64xi32, #tpu.memory_space<vmem>> -> memref<8x64xi32, #tpu.memory_space<vmem>>
      %dma_wait3A_205 = arith.constant 0 : i32
      %dma_wait3A_206 = tpu.memref_slice %arg4[%multiple_of3A_119, %dma_wait3A_205] : memref<5120x64xi32, #tpu.memory_space<hbm>> -> memref<8x64xi32, #tpu.memory_space<hbm>>
      %dma_wait3A_207 = arith.constant 0 : i32
      %dma_wait3A_208 = arith.constant 0 : i32
      %dma_wait3A_209 = tpu.memref_slice %arg7[%rem3A_112, %dma_wait3A_207, %dma_wait3A_208] : memref<2x8x64xi32, #tpu.memory_space<vmem>> -> memref<1x8x64xi32, #tpu.memory_space<vmem>>
      %dma_wait3A_210 = tpu.memref_squeeze %dma_wait3A_209 : memref<1x8x64xi32, #tpu.memory_space<vmem>> -> memref<8x64xi32, #tpu.memory_space<vmem>>
      %dma_wait3A_211 = arith.constant 0 : i32
      %dma_wait3A_212 = tpu.memref_slice %arg4[%multiple_of3A_119, %dma_wait3A_211] : memref<5120x64xi32, #tpu.memory_space<hbm>> -> memref<8x64xi32, #tpu.memory_space<hbm>>
      tpu.wait_dma2 semaphore(%arg17 : memref<!tpu.dma_semaphore, #tpu.memory_space<semaphore_mem>>) src(%dma_wait3A_212 : memref<8x64xi32, #tpu.memory_space<hbm>>) dst(%dma_wait3A_210 : memref<8x64xi32, #tpu.memory_space<vmem>>)
      %dma_wait3A_213 = arith.constant 3 : i32
      %dma_wait3A_214 = arith.constant 0 : i32
      %dma_wait3A_215 = tpu.memref_slice %arg6[%rem3A_108, %dma_wait3A_213, %dma_wait3A_214] : memref<2x8x64xi32, #tpu.memory_space<vmem>> -> memref<1x1x64xi32, #tpu.memory_space<vmem>>
      %dma_wait3A_216 = tpu.memref_squeeze %dma_wait3A_215 : memref<1x1x64xi32, #tpu.memory_space<vmem>> -> memref<64xi32, #tpu.memory_space<vmem>>
      %dma_wait3A_217 = arith.constant 0 : i32
      %dma_wait3A_218 = arith.constant 0 : i32
      %dma_wait3A_219 = tpu.memref_slice %arg2[%dma_wait3A_217, %dma_wait3A_218] : memref<10000x128xf32, #tpu.memory_space<hbm>> -> memref<10000x128xf32, #tpu.memory_space<hbm>>
      tpu.wait_indirect_dma semaphore(%arg16 : memref<!tpu.dma_semaphore, #tpu.memory_space<semaphore_mem>>) src(%dma_wait3A_219 : memref<10000x128xf32, #tpu.memory_space<hbm>>) dst(%arg11 : memref<64x128xf32, #tpu.memory_space<vmem>>)
      %run_scoped3A_220 = arith.constant 3 : i32
      "tpu.region"() ({
        %run_scoped3A_288 = tpu.sem_alloc : memref<!tpu.dma_semaphore, #tpu.memory_space<semaphore_mem>>
        %dma_start3A_289 = arith.constant 0 : i32
        %dma_start3A_290 = tpu.memref_slice %arg7[%rem3A_108, %run_scoped3A_220, %dma_start3A_289] : memref<2x8x64xi32, #tpu.memory_space<vmem>> -> memref<1x1x64xi32, #tpu.memory_space<vmem>>
        %dma_start3A_291 = tpu.memref_squeeze %dma_start3A_290 : memref<1x1x64xi32, #tpu.memory_space<vmem>> -> memref<64xi32, #tpu.memory_space<vmem>>
        %dma_start3A_292 = arith.constant 0 : i32
        %dma_start3A_293 = arith.constant 0 : i32
        %dma_start3A_294 = tpu.memref_slice %arg12[%dma_start3A_292, %dma_start3A_293] : memref<10240x128xf32, #tpu.memory_space<vmem_shared>> -> memref<10240x128xf32, #tpu.memory_space<vmem_shared>>
        tpu.enqueue_indirect_dma source(%arg11 : memref<64x128xf32, #tpu.memory_space<vmem>>) target(%dma_start3A_294 : memref<10240x128xf32, #tpu.memory_space<vmem_shared>>) offsets(%dma_start3A_291 : memref<64xi32, #tpu.memory_space<vmem>>) semaphore(%run_scoped3A_288 : memref<!tpu.dma_semaphore, #tpu.memory_space<semaphore_mem>>) {add = true}
        %dma_wait3A_295 = arith.constant 0 : i32
        %dma_wait3A_296 = tpu.memref_slice %arg7[%rem3A_108, %run_scoped3A_220, %dma_wait3A_295] : memref<2x8x64xi32, #tpu.memory_space<vmem>> -> memref<1x1x64xi32, #tpu.memory_space<vmem>>
        %dma_wait3A_297 = tpu.memref_squeeze %dma_wait3A_296 : memref<1x1x64xi32, #tpu.memory_space<vmem>> -> memref<64xi32, #tpu.memory_space<vmem>>
        %dma_wait3A_298 = arith.constant 0 : i32
        %dma_wait3A_299 = arith.constant 0 : i32
        %dma_wait3A_300 = tpu.memref_slice %arg12[%dma_wait3A_298, %dma_wait3A_299] : memref<10240x128xf32, #tpu.memory_space<vmem_shared>> -> memref<10240x128xf32, #tpu.memory_space<vmem_shared>>
        tpu.wait_indirect_dma semaphore(%run_scoped3A_288 : memref<!tpu.dma_semaphore, #tpu.memory_space<semaphore_mem>>) src(%arg11 : memref<64x128xf32, #tpu.memory_space<vmem>>) dst(%dma_wait3A_300 : memref<10240x128xf32, #tpu.memory_space<vmem_shared>>)
        tpu.yield
      }) : () -> ()
      %dma_start3A_221 = arith.constant 7 : i32
      %dma_start3A_222 = arith.constant 0 : i32
      %dma_start3A_223 = tpu.memref_slice %arg6[%rem3A_108, %dma_start3A_221, %dma_start3A_222] : memref<2x8x64xi32, #tpu.memory_space<vmem>> -> memref<1x1x64xi32, #tpu.memory_space<vmem>>
      %dma_start3A_224 = tpu.memref_squeeze %dma_start3A_223 : memref<1x1x64xi32, #tpu.memory_space<vmem>> -> memref<64xi32, #tpu.memory_space<vmem>>
      %dma_start3A_225 = arith.constant 0 : i32
      %dma_start3A_226 = arith.constant 0 : i32
      %dma_start3A_227 = tpu.memref_slice %arg2[%dma_start3A_225, %dma_start3A_226] : memref<10000x128xf32, #tpu.memory_space<hbm>> -> memref<10000x128xf32, #tpu.memory_space<hbm>>
      tpu.enqueue_indirect_dma source(%dma_start3A_227 : memref<10000x128xf32, #tpu.memory_space<hbm>>) target(%arg11 : memref<64x128xf32, #tpu.memory_space<vmem>>) offsets(%dma_start3A_224 : memref<64xi32, #tpu.memory_space<vmem>>) semaphore(%arg16 : memref<!tpu.dma_semaphore, #tpu.memory_space<semaphore_mem>>)
      %dma_wait3A_228 = arith.constant 4 : i32
      %dma_wait3A_229 = arith.constant 0 : i32
      %dma_wait3A_230 = tpu.memref_slice %arg6[%rem3A_108, %dma_wait3A_228, %dma_wait3A_229] : memref<2x8x64xi32, #tpu.memory_space<vmem>> -> memref<1x1x64xi32, #tpu.memory_space<vmem>>
      %dma_wait3A_231 = tpu.memref_squeeze %dma_wait3A_230 : memref<1x1x64xi32, #tpu.memory_space<vmem>> -> memref<64xi32, #tpu.memory_space<vmem>>
      %dma_wait3A_232 = arith.constant 0 : i32
      %dma_wait3A_233 = arith.constant 0 : i32
      %dma_wait3A_234 = tpu.memref_slice %arg2[%dma_wait3A_232, %dma_wait3A_233] : memref<10000x128xf32, #tpu.memory_space<hbm>> -> memref<10000x128xf32, #tpu.memory_space<hbm>>
      tpu.wait_indirect_dma semaphore(%arg13 : memref<!tpu.dma_semaphore, #tpu.memory_space<semaphore_mem>>) src(%dma_wait3A_234 : memref<10000x128xf32, #tpu.memory_space<hbm>>) dst(%arg8 : memref<64x128xf32, #tpu.memory_space<vmem>>)
      %run_scoped3A_235 = arith.constant 4 : i32
      "tpu.region"() ({
        %run_scoped3A_288 = tpu.sem_alloc : memref<!tpu.dma_semaphore, #tpu.memory_space<semaphore_mem>>
        %dma_start3A_289 = arith.constant 0 : i32
        %dma_start3A_290 = tpu.memref_slice %arg7[%rem3A_108, %run_scoped3A_235, %dma_start3A_289] : memref<2x8x64xi32, #tpu.memory_space<vmem>> -> memref<1x1x64xi32, #tpu.memory_space<vmem>>
        %dma_start3A_291 = tpu.memref_squeeze %dma_start3A_290 : memref<1x1x64xi32, #tpu.memory_space<vmem>> -> memref<64xi32, #tpu.memory_space<vmem>>
        %dma_start3A_292 = arith.constant 0 : i32
        %dma_start3A_293 = arith.constant 0 : i32
        %dma_start3A_294 = tpu.memref_slice %arg12[%dma_start3A_292, %dma_start3A_293] : memref<10240x128xf32, #tpu.memory_space<vmem_shared>> -> memref<10240x128xf32, #tpu.memory_space<vmem_shared>>
        tpu.enqueue_indirect_dma source(%arg8 : memref<64x128xf32, #tpu.memory_space<vmem>>) target(%dma_start3A_294 : memref<10240x128xf32, #tpu.memory_space<vmem_shared>>) offsets(%dma_start3A_291 : memref<64xi32, #tpu.memory_space<vmem>>) semaphore(%run_scoped3A_288 : memref<!tpu.dma_semaphore, #tpu.memory_space<semaphore_mem>>) {add = true}
        %dma_wait3A_295 = arith.constant 0 : i32
        %dma_wait3A_296 = tpu.memref_slice %arg7[%rem3A_108, %run_scoped3A_235, %dma_wait3A_295] : memref<2x8x64xi32, #tpu.memory_space<vmem>> -> memref<1x1x64xi32, #tpu.memory_space<vmem>>
        %dma_wait3A_297 = tpu.memref_squeeze %dma_wait3A_296 : memref<1x1x64xi32, #tpu.memory_space<vmem>> -> memref<64xi32, #tpu.memory_space<vmem>>
        %dma_wait3A_298 = arith.constant 0 : i32
        %dma_wait3A_299 = arith.constant 0 : i32
        %dma_wait3A_300 = tpu.memref_slice %arg12[%dma_wait3A_298, %dma_wait3A_299] : memref<10240x128xf32, #tpu.memory_space<vmem_shared>> -> memref<10240x128xf32, #tpu.memory_space<vmem_shared>>
        tpu.wait_indirect_dma semaphore(%run_scoped3A_288 : memref<!tpu.dma_semaphore, #tpu.memory_space<semaphore_mem>>) src(%arg8 : memref<64x128xf32, #tpu.memory_space<vmem>>) dst(%dma_wait3A_300 : memref<10240x128xf32, #tpu.memory_space<vmem_shared>>)
        tpu.yield
      }) : () -> ()
      %dma_start3A_236 = arith.constant 0 : i32
      %dma_start3A_237 = arith.constant 0 : i32
      %dma_start3A_238 = tpu.memref_slice %arg6[%rem3A_112, %dma_start3A_236, %dma_start3A_237] : memref<2x8x64xi32, #tpu.memory_space<vmem>> -> memref<1x1x64xi32, #tpu.memory_space<vmem>>
      %dma_start3A_239 = tpu.memref_squeeze %dma_start3A_238 : memref<1x1x64xi32, #tpu.memory_space<vmem>> -> memref<64xi32, #tpu.memory_space<vmem>>
      %dma_start3A_240 = arith.constant 0 : i32
      %dma_start3A_241 = arith.constant 0 : i32
      %dma_start3A_242 = tpu.memref_slice %arg2[%dma_start3A_240, %dma_start3A_241] : memref<10000x128xf32, #tpu.memory_space<hbm>> -> memref<10000x128xf32, #tpu.memory_space<hbm>>
      tpu.enqueue_indirect_dma source(%dma_start3A_242 : memref<10000x128xf32, #tpu.memory_space<hbm>>) target(%arg8 : memref<64x128xf32, #tpu.memory_space<vmem>>) offsets(%dma_start3A_239 : memref<64xi32, #tpu.memory_space<vmem>>) semaphore(%arg13 : memref<!tpu.dma_semaphore, #tpu.memory_space<semaphore_mem>>)
      %dma_wait3A_243 = arith.constant 5 : i32
      %dma_wait3A_244 = arith.constant 0 : i32
      %dma_wait3A_245 = tpu.memref_slice %arg6[%rem3A_108, %dma_wait3A_243, %dma_wait3A_244] : memref<2x8x64xi32, #tpu.memory_space<vmem>> -> memref<1x1x64xi32, #tpu.memory_space<vmem>>
      %dma_wait3A_246 = tpu.memref_squeeze %dma_wait3A_245 : memref<1x1x64xi32, #tpu.memory_space<vmem>> -> memref<64xi32, #tpu.memory_space<vmem>>
      %dma_wait3A_247 = arith.constant 0 : i32
      %dma_wait3A_248 = arith.constant 0 : i32
      %dma_wait3A_249 = tpu.memref_slice %arg2[%dma_wait3A_247, %dma_wait3A_248] : memref<10000x128xf32, #tpu.memory_space<hbm>> -> memref<10000x128xf32, #tpu.memory_space<hbm>>
      tpu.wait_indirect_dma semaphore(%arg14 : memref<!tpu.dma_semaphore, #tpu.memory_space<semaphore_mem>>) src(%dma_wait3A_249 : memref<10000x128xf32, #tpu.memory_space<hbm>>) dst(%arg9 : memref<64x128xf32, #tpu.memory_space<vmem>>)
      %run_scoped3A_250 = arith.constant 5 : i32
      "tpu.region"() ({
        %run_scoped3A_288 = tpu.sem_alloc : memref<!tpu.dma_semaphore, #tpu.memory_space<semaphore_mem>>
        %dma_start3A_289 = arith.constant 0 : i32
        %dma_start3A_290 = tpu.memref_slice %arg7[%rem3A_108, %run_scoped3A_250, %dma_start3A_289] : memref<2x8x64xi32, #tpu.memory_space<vmem>> -> memref<1x1x64xi32, #tpu.memory_space<vmem>>
        %dma_start3A_291 = tpu.memref_squeeze %dma_start3A_290 : memref<1x1x64xi32, #tpu.memory_space<vmem>> -> memref<64xi32, #tpu.memory_space<vmem>>
        %dma_start3A_292 = arith.constant 0 : i32
        %dma_start3A_293 = arith.constant 0 : i32
        %dma_start3A_294 = tpu.memref_slice %arg12[%dma_start3A_292, %dma_start3A_293] : memref<10240x128xf32, #tpu.memory_space<vmem_shared>> -> memref<10240x128xf32, #tpu.memory_space<vmem_shared>>
        tpu.enqueue_indirect_dma source(%arg9 : memref<64x128xf32, #tpu.memory_space<vmem>>) target(%dma_start3A_294 : memref<10240x128xf32, #tpu.memory_space<vmem_shared>>) offsets(%dma_start3A_291 : memref<64xi32, #tpu.memory_space<vmem>>) semaphore(%run_scoped3A_288 : memref<!tpu.dma_semaphore, #tpu.memory_space<semaphore_mem>>) {add = true}
        %dma_wait3A_295 = arith.constant 0 : i32
        %dma_wait3A_296 = tpu.memref_slice %arg7[%rem3A_108, %run_scoped3A_250, %dma_wait3A_295] : memref<2x8x64xi32, #tpu.memory_space<vmem>> -> memref<1x1x64xi32, #tpu.memory_space<vmem>>
        %dma_wait3A_297 = tpu.memref_squeeze %dma_wait3A_296 : memref<1x1x64xi32, #tpu.memory_space<vmem>> -> memref<64xi32, #tpu.memory_space<vmem>>
        %dma_wait3A_298 = arith.constant 0 : i32
        %dma_wait3A_299 = arith.constant 0 : i32
        %dma_wait3A_300 = tpu.memref_slice %arg12[%dma_wait3A_298, %dma_wait3A_299] : memref<10240x128xf32, #tpu.memory_space<vmem_shared>> -> memref<10240x128xf32, #tpu.memory_space<vmem_shared>>
        tpu.wait_indirect_dma semaphore(%run_scoped3A_288 : memref<!tpu.dma_semaphore, #tpu.memory_space<semaphore_mem>>) src(%arg9 : memref<64x128xf32, #tpu.memory_space<vmem>>) dst(%dma_wait3A_300 : memref<10240x128xf32, #tpu.memory_space<vmem_shared>>)
        tpu.yield
      }) : () -> ()
      %dma_start3A_251 = arith.constant 1 : i32
      %dma_start3A_252 = arith.constant 0 : i32
      %dma_start3A_253 = tpu.memref_slice %arg6[%rem3A_112, %dma_start3A_251, %dma_start3A_252] : memref<2x8x64xi32, #tpu.memory_space<vmem>> -> memref<1x1x64xi32, #tpu.memory_space<vmem>>
      %dma_start3A_254 = tpu.memref_squeeze %dma_start3A_253 : memref<1x1x64xi32, #tpu.memory_space<vmem>> -> memref<64xi32, #tpu.memory_space<vmem>>
      %dma_start3A_255 = arith.constant 0 : i32
      %dma_start3A_256 = arith.constant 0 : i32
      %dma_start3A_257 = tpu.memref_slice %arg2[%dma_start3A_255, %dma_start3A_256] : memref<10000x128xf32, #tpu.memory_space<hbm>> -> memref<10000x128xf32, #tpu.memory_space<hbm>>
      tpu.enqueue_indirect_dma source(%dma_start3A_257 : memref<10000x128xf32, #tpu.memory_space<hbm>>) target(%arg9 : memref<64x128xf32, #tpu.memory_space<vmem>>) offsets(%dma_start3A_254 : memref<64xi32, #tpu.memory_space<vmem>>) semaphore(%arg14 : memref<!tpu.dma_semaphore, #tpu.memory_space<semaphore_mem>>)
      %dma_wait3A_258 = arith.constant 6 : i32
      %dma_wait3A_259 = arith.constant 0 : i32
      %dma_wait3A_260 = tpu.memref_slice %arg6[%rem3A_108, %dma_wait3A_258, %dma_wait3A_259] : memref<2x8x64xi32, #tpu.memory_space<vmem>> -> memref<1x1x64xi32, #tpu.memory_space<vmem>>
      %dma_wait3A_261 = tpu.memref_squeeze %dma_wait3A_260 : memref<1x1x64xi32, #tpu.memory_space<vmem>> -> memref<64xi32, #tpu.memory_space<vmem>>
      %dma_wait3A_262 = arith.constant 0 : i32
      %dma_wait3A_263 = arith.constant 0 : i32
      %dma_wait3A_264 = tpu.memref_slice %arg2[%dma_wait3A_262, %dma_wait3A_263] : memref<10000x128xf32, #tpu.memory_space<hbm>> -> memref<10000x128xf32, #tpu.memory_space<hbm>>
      tpu.wait_indirect_dma semaphore(%arg15 : memref<!tpu.dma_semaphore, #tpu.memory_space<semaphore_mem>>) src(%dma_wait3A_264 : memref<10000x128xf32, #tpu.memory_space<hbm>>) dst(%arg10 : memref<64x128xf32, #tpu.memory_space<vmem>>)
      %run_scoped3A_265 = arith.constant 6 : i32
      "tpu.region"() ({
        %run_scoped3A_288 = tpu.sem_alloc : memref<!tpu.dma_semaphore, #tpu.memory_space<semaphore_mem>>
        %dma_start3A_289 = arith.constant 0 : i32
        %dma_start3A_290 = tpu.memref_slice %arg7[%rem3A_108, %run_scoped3A_265, %dma_start3A_289] : memref<2x8x64xi32, #tpu.memory_space<vmem>> -> memref<1x1x64xi32, #tpu.memory_space<vmem>>
        %dma_start3A_291 = tpu.memref_squeeze %dma_start3A_290 : memref<1x1x64xi32, #tpu.memory_space<vmem>> -> memref<64xi32, #tpu.memory_space<vmem>>
        %dma_start3A_292 = arith.constant 0 : i32
        %dma_start3A_293 = arith.constant 0 : i32
        %dma_start3A_294 = tpu.memref_slice %arg12[%dma_start3A_292, %dma_start3A_293] : memref<10240x128xf32, #tpu.memory_space<vmem_shared>> -> memref<10240x128xf32, #tpu.memory_space<vmem_shared>>
        tpu.enqueue_indirect_dma source(%arg10 : memref<64x128xf32, #tpu.memory_space<vmem>>) target(%dma_start3A_294 : memref<10240x128xf32, #tpu.memory_space<vmem_shared>>) offsets(%dma_start3A_291 : memref<64xi32, #tpu.memory_space<vmem>>) semaphore(%run_scoped3A_288 : memref<!tpu.dma_semaphore, #tpu.memory_space<semaphore_mem>>) {add = true}
        %dma_wait3A_295 = arith.constant 0 : i32
        %dma_wait3A_296 = tpu.memref_slice %arg7[%rem3A_108, %run_scoped3A_265, %dma_wait3A_295] : memref<2x8x64xi32, #tpu.memory_space<vmem>> -> memref<1x1x64xi32, #tpu.memory_space<vmem>>
        %dma_wait3A_297 = tpu.memref_squeeze %dma_wait3A_296 : memref<1x1x64xi32, #tpu.memory_space<vmem>> -> memref<64xi32, #tpu.memory_space<vmem>>
        %dma_wait3A_298 = arith.constant 0 : i32
        %dma_wait3A_299 = arith.constant 0 : i32
        %dma_wait3A_300 = tpu.memref_slice %arg12[%dma_wait3A_298, %dma_wait3A_299] : memref<10240x128xf32, #tpu.memory_space<vmem_shared>> -> memref<10240x128xf32, #tpu.memory_space<vmem_shared>>
        tpu.wait_indirect_dma semaphore(%run_scoped3A_288 : memref<!tpu.dma_semaphore, #tpu.memory_space<semaphore_mem>>) src(%arg10 : memref<64x128xf32, #tpu.memory_space<vmem>>) dst(%dma_wait3A_300 : memref<10240x128xf32, #tpu.memory_space<vmem_shared>>)
        tpu.yield
      }) : () -> ()
      %dma_start3A_266 = arith.constant 2 : i32
      %dma_start3A_267 = arith.constant 0 : i32
      %dma_start3A_268 = tpu.memref_slice %arg6[%rem3A_112, %dma_start3A_266, %dma_start3A_267] : memref<2x8x64xi32, #tpu.memory_space<vmem>> -> memref<1x1x64xi32, #tpu.memory_space<vmem>>
      %dma_start3A_269 = tpu.memref_squeeze %dma_start3A_268 : memref<1x1x64xi32, #tpu.memory_space<vmem>> -> memref<64xi32, #tpu.memory_space<vmem>>
      %dma_start3A_270 = arith.constant 0 : i32
      %dma_start3A_271 = arith.constant 0 : i32
      %dma_start3A_272 = tpu.memref_slice %arg2[%dma_start3A_270, %dma_start3A_271] : memref<10000x128xf32, #tpu.memory_space<hbm>> -> memref<10000x128xf32, #tpu.memory_space<hbm>>
      tpu.enqueue_indirect_dma source(%dma_start3A_272 : memref<10000x128xf32, #tpu.memory_space<hbm>>) target(%arg10 : memref<64x128xf32, #tpu.memory_space<vmem>>) offsets(%dma_start3A_269 : memref<64xi32, #tpu.memory_space<vmem>>) semaphore(%arg15 : memref<!tpu.dma_semaphore, #tpu.memory_space<semaphore_mem>>)
      %dma_wait3A_273 = arith.constant 7 : i32
      %dma_wait3A_274 = arith.constant 0 : i32
      %dma_wait3A_275 = tpu.memref_slice %arg6[%rem3A_108, %dma_wait3A_273, %dma_wait3A_274] : memref<2x8x64xi32, #tpu.memory_space<vmem>> -> memref<1x1x64xi32, #tpu.memory_space<vmem>>
      %dma_wait3A_276 = tpu.memref_squeeze %dma_wait3A_275 : memref<1x1x64xi32, #tpu.memory_space<vmem>> -> memref<64xi32, #tpu.memory_space<vmem>>
      %dma_wait3A_277 = arith.constant 0 : i32
      %dma_wait3A_278 = arith.constant 0 : i32
      %dma_wait3A_279 = tpu.memref_slice %arg2[%dma_wait3A_277, %dma_wait3A_278] : memref<10000x128xf32, #tpu.memory_space<hbm>> -> memref<10000x128xf32, #tpu.memory_space<hbm>>
      tpu.wait_indirect_dma semaphore(%arg16 : memref<!tpu.dma_semaphore, #tpu.memory_space<semaphore_mem>>) src(%dma_wait3A_279 : memref<10000x128xf32, #tpu.memory_space<hbm>>) dst(%arg11 : memref<64x128xf32, #tpu.memory_space<vmem>>)
      %run_scoped3A_280 = arith.constant 7 : i32
      "tpu.region"() ({
        %run_scoped3A_288 = tpu.sem_alloc : memref<!tpu.dma_semaphore, #tpu.memory_space<semaphore_mem>>
        %dma_start3A_289 = arith.constant 0 : i32
        %dma_start3A_290 = tpu.memref_slice %arg7[%rem3A_108, %run_scoped3A_280, %dma_start3A_289] : memref<2x8x64xi32, #tpu.memory_space<vmem>> -> memref<1x1x64xi32, #tpu.memory_space<vmem>>
        %dma_start3A_291 = tpu.memref_squeeze %dma_start3A_290 : memref<1x1x64xi32, #tpu.memory_space<vmem>> -> memref<64xi32, #tpu.memory_space<vmem>>
        %dma_start3A_292 = arith.constant 0 : i32
        %dma_start3A_293 = arith.constant 0 : i32
        %dma_start3A_294 = tpu.memref_slice %arg12[%dma_start3A_292, %dma_start3A_293] : memref<10240x128xf32, #tpu.memory_space<vmem_shared>> -> memref<10240x128xf32, #tpu.memory_space<vmem_shared>>
        tpu.enqueue_indirect_dma source(%arg11 : memref<64x128xf32, #tpu.memory_space<vmem>>) target(%dma_start3A_294 : memref<10240x128xf32, #tpu.memory_space<vmem_shared>>) offsets(%dma_start3A_291 : memref<64xi32, #tpu.memory_space<vmem>>) semaphore(%run_scoped3A_288 : memref<!tpu.dma_semaphore, #tpu.memory_space<semaphore_mem>>) {add = true}
        %dma_wait3A_295 = arith.constant 0 : i32
        %dma_wait3A_296 = tpu.memref_slice %arg7[%rem3A_108, %run_scoped3A_280, %dma_wait3A_295] : memref<2x8x64xi32, #tpu.memory_space<vmem>> -> memref<1x1x64xi32, #tpu.memory_space<vmem>>
        %dma_wait3A_297 = tpu.memref_squeeze %dma_wait3A_296 : memref<1x1x64xi32, #tpu.memory_space<vmem>> -> memref<64xi32, #tpu.memory_space<vmem>>
        %dma_wait3A_298 = arith.constant 0 : i32
        %dma_wait3A_299 = arith.constant 0 : i32
        %dma_wait3A_300 = tpu.memref_slice %arg12[%dma_wait3A_298, %dma_wait3A_299] : memref<10240x128xf32, #tpu.memory_space<vmem_shared>> -> memref<10240x128xf32, #tpu.memory_space<vmem_shared>>
        tpu.wait_indirect_dma semaphore(%run_scoped3A_288 : memref<!tpu.dma_semaphore, #tpu.memory_space<semaphore_mem>>) src(%arg11 : memref<64x128xf32, #tpu.memory_space<vmem>>) dst(%dma_wait3A_300 : memref<10240x128xf32, #tpu.memory_space<vmem_shared>>)
        tpu.yield
      }) : () -> ()
      %dma_start3A_281 = arith.constant 3 : i32
      %dma_start3A_282 = arith.constant 0 : i32
      %dma_start3A_283 = tpu.memref_slice %arg6[%rem3A_112, %dma_start3A_281, %dma_start3A_282] : memref<2x8x64xi32, #tpu.memory_space<vmem>> -> memref<1x1x64xi32, #tpu.memory_space<vmem>>
      %dma_start3A_284 = tpu.memref_squeeze %dma_start3A_283 : memref<1x1x64xi32, #tpu.memory_space<vmem>> -> memref<64xi32, #tpu.memory_space<vmem>>
      %dma_start3A_285 = arith.constant 0 : i32
      %dma_start3A_286 = arith.constant 0 : i32
      %dma_start3A_287 = tpu.memref_slice %arg2[%dma_start3A_285, %dma_start3A_286] : memref<10000x128xf32, #tpu.memory_space<hbm>> -> memref<10000x128xf32, #tpu.memory_space<hbm>>
      tpu.enqueue_indirect_dma source(%dma_start3A_287 : memref<10000x128xf32, #tpu.memory_space<hbm>>) target(%arg11 : memref<64x128xf32, #tpu.memory_space<vmem>>) offsets(%dma_start3A_284 : memref<64xi32, #tpu.memory_space<vmem>>) semaphore(%arg16 : memref<!tpu.dma_semaphore, #tpu.memory_space<semaphore_mem>>)
    }
    %dma_wait3A = arith.constant 0 : i32
    %dma_wait3A_75 = arith.constant 0 : i32
    %dma_wait3A_76 = arith.constant 0 : i32
    %dma_wait3A_77 = tpu.memref_slice %arg6[%dma_wait3A, %dma_wait3A_75, %dma_wait3A_76] : memref<2x8x64xi32, #tpu.memory_space<vmem>> -> memref<1x1x64xi32, #tpu.memory_space<vmem>>
    %dma_wait3A_78 = tpu.memref_squeeze %dma_wait3A_77 : memref<1x1x64xi32, #tpu.memory_space<vmem>> -> memref<64xi32, #tpu.memory_space<vmem>>
    %dma_wait3A_79 = arith.constant 0 : i32
    %dma_wait3A_80 = arith.constant 0 : i32
    %dma_wait3A_81 = tpu.memref_slice %arg2[%dma_wait3A_79, %dma_wait3A_80] : memref<10000x128xf32, #tpu.memory_space<hbm>> -> memref<10000x128xf32, #tpu.memory_space<hbm>>
    tpu.wait_indirect_dma semaphore(%arg13 : memref<!tpu.dma_semaphore, #tpu.memory_space<semaphore_mem>>) src(%dma_wait3A_81 : memref<10000x128xf32, #tpu.memory_space<hbm>>) dst(%arg8 : memref<64x128xf32, #tpu.memory_space<vmem>>)
    %dma_wait3A_82 = arith.constant 0 : i32
    %dma_wait3A_83 = arith.constant 1 : i32
    %dma_wait3A_84 = arith.constant 0 : i32
    %dma_wait3A_85 = tpu.memref_slice %arg6[%dma_wait3A_82, %dma_wait3A_83, %dma_wait3A_84] : memref<2x8x64xi32, #tpu.memory_space<vmem>> -> memref<1x1x64xi32, #tpu.memory_space<vmem>>
    %dma_wait3A_86 = tpu.memref_squeeze %dma_wait3A_85 : memref<1x1x64xi32, #tpu.memory_space<vmem>> -> memref<64xi32, #tpu.memory_space<vmem>>
    %dma_wait3A_87 = arith.constant 0 : i32
    %dma_wait3A_88 = arith.constant 0 : i32
    %dma_wait3A_89 = tpu.memref_slice %arg2[%dma_wait3A_87, %dma_wait3A_88] : memref<10000x128xf32, #tpu.memory_space<hbm>> -> memref<10000x128xf32, #tpu.memory_space<hbm>>
    tpu.wait_indirect_dma semaphore(%arg14 : memref<!tpu.dma_semaphore, #tpu.memory_space<semaphore_mem>>) src(%dma_wait3A_89 : memref<10000x128xf32, #tpu.memory_space<hbm>>) dst(%arg9 : memref<64x128xf32, #tpu.memory_space<vmem>>)
    %dma_wait3A_90 = arith.constant 0 : i32
    %dma_wait3A_91 = arith.constant 2 : i32
    %dma_wait3A_92 = arith.constant 0 : i32
    %dma_wait3A_93 = tpu.memref_slice %arg6[%dma_wait3A_90, %dma_wait3A_91, %dma_wait3A_92] : memref<2x8x64xi32, #tpu.memory_space<vmem>> -> memref<1x1x64xi32, #tpu.memory_space<vmem>>
    %dma_wait3A_94 = tpu.memref_squeeze %dma_wait3A_93 : memref<1x1x64xi32, #tpu.memory_space<vmem>> -> memref<64xi32, #tpu.memory_space<vmem>>
    %dma_wait3A_95 = arith.constant 0 : i32
    %dma_wait3A_96 = arith.constant 0 : i32
    %dma_wait3A_97 = tpu.memref_slice %arg2[%dma_wait3A_95, %dma_wait3A_96] : memref<10000x128xf32, #tpu.memory_space<hbm>> -> memref<10000x128xf32, #tpu.memory_space<hbm>>
    tpu.wait_indirect_dma semaphore(%arg15 : memref<!tpu.dma_semaphore, #tpu.memory_space<semaphore_mem>>) src(%dma_wait3A_97 : memref<10000x128xf32, #tpu.memory_space<hbm>>) dst(%arg10 : memref<64x128xf32, #tpu.memory_space<vmem>>)
    %dma_wait3A_98 = arith.constant 0 : i32
    %dma_wait3A_99 = arith.constant 3 : i32
    %dma_wait3A_100 = arith.constant 0 : i32
    %dma_wait3A_101 = tpu.memref_slice %arg6[%dma_wait3A_98, %dma_wait3A_99, %dma_wait3A_100] : memref<2x8x64xi32, #tpu.memory_space<vmem>> -> memref<1x1x64xi32, #tpu.memory_space<vmem>>
    %dma_wait3A_102 = tpu.memref_squeeze %dma_wait3A_101 : memref<1x1x64xi32, #tpu.memory_space<vmem>> -> memref<64xi32, #tpu.memory_space<vmem>>
    %dma_wait3A_103 = arith.constant 0 : i32
    %dma_wait3A_104 = arith.constant 0 : i32
    %dma_wait3A_105 = tpu.memref_slice %arg2[%dma_wait3A_103, %dma_wait3A_104] : memref<10000x128xf32, #tpu.memory_space<hbm>> -> memref<10000x128xf32, #tpu.memory_space<hbm>>
    tpu.wait_indirect_dma semaphore(%arg16 : memref<!tpu.dma_semaphore, #tpu.memory_space<semaphore_mem>>) src(%dma_wait3A_105 : memref<10000x128xf32, #tpu.memory_space<hbm>>) dst(%arg11 : memref<64x128xf32, #tpu.memory_space<vmem>>)
    %barrier3A_106 = arith.constant 0 : index
    tpu.barrier barrier_id(%barrier3A_106)
    "tpu.region"() ({
      %run_scoped3A_107 = tpu.sem_alloc : memref<!tpu.dma_semaphore, #tpu.memory_space<semaphore_mem>>
      %dma_start3A_108 = arith.constant 0 : i32
      %dma_start3A_109 = tpu.memref_slice %arg5[%arg0, %mul3A_13, %dma_start3A_108] : memref<2x10240x128xf32, #tpu.memory_space<hbm>> -> memref<1x640x128xf32, #tpu.memory_space<hbm>>
      %dma_start3A_110 = tpu.memref_squeeze %dma_start3A_109 : memref<1x640x128xf32, #tpu.memory_space<hbm>> -> memref<640x128xf32, #tpu.memory_space<hbm>>
      %dma_start3A_111 = arith.constant 0 : i32
      %dma_start3A_112 = tpu.memref_slice %arg12[%mul3A_13, %dma_start3A_111] : memref<10240x128xf32, #tpu.memory_space<vmem_shared>> -> memref<640x128xf32, #tpu.memory_space<vmem_shared>>
      tpu.enqueue_dma source(%dma_start3A_112 : memref<640x128xf32, #tpu.memory_space<vmem_shared>>) target(%dma_start3A_110 : memref<640x128xf32, #tpu.memory_space<hbm>>) target_semaphore(%run_scoped3A_107 : memref<!tpu.dma_semaphore, #tpu.memory_space<semaphore_mem>>)
      %dma_wait3A_113 = arith.constant 0 : i32
      %dma_wait3A_114 = tpu.memref_slice %arg5[%arg0, %mul3A_13, %dma_wait3A_113] : memref<2x10240x128xf32, #tpu.memory_space<hbm>> -> memref<1x640x128xf32, #tpu.memory_space<hbm>>
      %dma_wait3A_115 = tpu.memref_squeeze %dma_wait3A_114 : memref<1x640x128xf32, #tpu.memory_space<hbm>> -> memref<640x128xf32, #tpu.memory_space<hbm>>
      %dma_wait3A_116 = arith.constant 0 : i32
      %dma_wait3A_117 = tpu.memref_slice %arg12[%mul3A_13, %dma_wait3A_116] : memref<10240x128xf32, #tpu.memory_space<vmem_shared>> -> memref<640x128xf32, #tpu.memory_space<vmem_shared>>
      tpu.wait_dma2 semaphore(%run_scoped3A_107 : memref<!tpu.dma_semaphore, #tpu.memory_space<semaphore_mem>>) src(%dma_wait3A_117 : memref<640x128xf32, #tpu.memory_space<vmem_shared>>) dst(%dma_wait3A_115 : memref<640x128xf32, #tpu.memory_space<hbm>>)
      tpu.yield
    }) : () -> ()
    return
  }
}

#map = affine_map<(d0, d1) -> (0, 0)>
#map1 = affine_map<(d0, d1) -> (0, 0, 0)>
module attributes {stable_mosaic.version = 14 : i64} {
  func.func @_sc_agg_body(%arg0: i32, %arg1: i32, %arg2: memref<10000x128xf32, #tpu.memory_space<hbm>>, %arg3: memref<5120x64xi32, #tpu.memory_space<hbm>>, %arg4: memref<5120x64xi32, #tpu.memory_space<hbm>>, %arg5: memref<2x10240x128xf32, #tpu.memory_space<hbm>>, %arg6: memref<2x8x64xi32, #tpu.memory_space<vmem>>, %arg7: memref<2x8x64xi32, #tpu.memory_space<vmem>>, %arg8: memref<64x128xf32, #tpu.memory_space<vmem>>, %arg9: memref<64x128xf32, #tpu.memory_space<vmem>>, %arg10: memref<64x128xf32, #tpu.memory_space<vmem>>, %arg11: memref<64x128xf32, #tpu.memory_space<vmem>>, %arg12: memref<10240x128xf32, #tpu.memory_space<vmem_shared>>, %arg13: memref<!tpu.dma_semaphore, #tpu.memory_space<semaphore_mem>>, %arg14: memref<!tpu.dma_semaphore, #tpu.memory_space<semaphore_mem>>, %arg15: memref<!tpu.dma_semaphore, #tpu.memory_space<semaphore_mem>>, %arg16: memref<!tpu.dma_semaphore, #tpu.memory_space<semaphore_mem>>, %arg17: memref<!tpu.dma_semaphore, #tpu.memory_space<semaphore_mem>>) attributes {dimension_semantics = [#tpu.dimension_semantics<core_parallel>, #tpu.dimension_semantics<subcore_parallel>], iteration_bounds = array<i64: 2, 16>, scalar_prefetch = 0 : i64, scratch_operands = 12 : i64, tpu.core_type = #tpu.core_type<sc_vector_subcore>, window_params = [{transform_indices = #map}, {transform_indices = #map}, {transform_indices = #map}, {transform_indices = #map1}]} {
    %eq3A = arith.constant 0 : i32
    %eq3A_0 = arith.cmpi eq, %arg0, %eq3A : i32
    %jit3A = arith.constant 32 : i32
    %jit3A_1 = arith.constant 8 : i32
    %select_n3A = arith.select %eq3A_0, %jit3A, %jit3A_1 : i32
    %mul3A = arith.constant 256 : i32
    %mul3A_2 = arith.muli %arg1, %mul3A : i32
    %mul3A_3 = arith.constant 64 : i32
    %mul3A_4 = arith.muli %arg1, %mul3A_3 : i32
    %add3A = arith.constant 4096 : i32
    %add3A_5 = arith.addi %add3A, %mul3A_4 : i32
    %select_n3A_6 = arith.select %eq3A_0, %mul3A_2, %add3A_5 : i32
    %multiple_of3A = tpu.assume_multiple %select_n3A_6, 8 : i32
    %scan3A = arith.constant 0 : i32
    %scan3A_7 = arith.constant 0 : i32
    %scan3A_8 = arith.constant 64 : i32
    %scan3A_9 = arith.addi %scan3A_7, %scan3A_8 : i32
    %scan3A_10 = arith.constant 1 : i32
    scf.for %scan3A_107 = %scan3A_7 to %scan3A_9 step %scan3A_10  : i32 {
      %broadcast_in_dim3A = arith.constant 0.000000e+00 : f32
      %broadcast_in_dim3A_108 = vector.broadcast %broadcast_in_dim3A : f32 to vector<16xf32>
      %swap3A = arith.index_cast %scan3A_107 : i32 to index
      %swap3A_109 = arith.constant 0 : index
      %swap3A_110 = tpu.vector_load %arg8[%swap3A, %swap3A_109] {strides = array<i32>} : memref<64x128xf32, #tpu.memory_space<vmem>>, vector<1x16xf32>,
      %swap3A_111 = vector.shape_cast %swap3A_110 : vector<1x16xf32> to vector<16xf32>
      %swap3A_112 = vector.shape_cast %broadcast_in_dim3A_108 : vector<16xf32> to vector<1x16xf32>
      tpu.vector_store %arg8[%swap3A, %swap3A_109], %swap3A_112 {strides = array<i32>} : memref<64x128xf32, #tpu.memory_space<vmem>>, vector<1x16xf32>,
      %broadcast_in_dim3A_113 = arith.constant 0.000000e+00 : f32
      %broadcast_in_dim3A_114 = vector.broadcast %broadcast_in_dim3A_113 : f32 to vector<16xf32>
      %swap3A_115 = arith.index_cast %scan3A_107 : i32 to index
      %swap3A_116 = arith.constant 16 : index
      %swap3A_117 = tpu.vector_load %arg8[%swap3A_115, %swap3A_116] {strides = array<i32>} : memref<64x128xf32, #tpu.memory_space<vmem>>, vector<1x16xf32>,
      %swap3A_118 = vector.shape_cast %swap3A_117 : vector<1x16xf32> to vector<16xf32>
      %swap3A_119 = vector.shape_cast %broadcast_in_dim3A_114 : vector<16xf32> to vector<1x16xf32>
      tpu.vector_store %arg8[%swap3A_115, %swap3A_116], %swap3A_119 {strides = array<i32>} : memref<64x128xf32, #tpu.memory_space<vmem>>, vector<1x16xf32>,
      %broadcast_in_dim3A_120 = arith.constant 0.000000e+00 : f32
      %broadcast_in_dim3A_121 = vector.broadcast %broadcast_in_dim3A_120 : f32 to vector<16xf32>
      %swap3A_122 = arith.index_cast %scan3A_107 : i32 to index
      %swap3A_123 = arith.constant 32 : index
      %swap3A_124 = tpu.vector_load %arg8[%swap3A_122, %swap3A_123] {strides = array<i32>} : memref<64x128xf32, #tpu.memory_space<vmem>>, vector<1x16xf32>,
      %swap3A_125 = vector.shape_cast %swap3A_124 : vector<1x16xf32> to vector<16xf32>
      %swap3A_126 = vector.shape_cast %broadcast_in_dim3A_121 : vector<16xf32> to vector<1x16xf32>
      tpu.vector_store %arg8[%swap3A_122, %swap3A_123], %swap3A_126 {strides = array<i32>} : memref<64x128xf32, #tpu.memory_space<vmem>>, vector<1x16xf32>,
      %broadcast_in_dim3A_127 = arith.constant 0.000000e+00 : f32
      %broadcast_in_dim3A_128 = vector.broadcast %broadcast_in_dim3A_127 : f32 to vector<16xf32>
      %swap3A_129 = arith.index_cast %scan3A_107 : i32 to index
      %swap3A_130 = arith.constant 48 : index
      %swap3A_131 = tpu.vector_load %arg8[%swap3A_129, %swap3A_130] {strides = array<i32>} : memref<64x128xf32, #tpu.memory_space<vmem>>, vector<1x16xf32>,
      %swap3A_132 = vector.shape_cast %swap3A_131 : vector<1x16xf32> to vector<16xf32>
      %swap3A_133 = vector.shape_cast %broadcast_in_dim3A_128 : vector<16xf32> to vector<1x16xf32>
      tpu.vector_store %arg8[%swap3A_129, %swap3A_130], %swap3A_133 {strides = array<i32>} : memref<64x128xf32, #tpu.memory_space<vmem>>, vector<1x16xf32>,
      %broadcast_in_dim3A_134 = arith.constant 0.000000e+00 : f32
      %broadcast_in_dim3A_135 = vector.broadcast %broadcast_in_dim3A_134 : f32 to vector<16xf32>
      %swap3A_136 = arith.index_cast %scan3A_107 : i32 to index
      %swap3A_137 = arith.constant 64 : index
      %swap3A_138 = tpu.vector_load %arg8[%swap3A_136, %swap3A_137] {strides = array<i32>} : memref<64x128xf32, #tpu.memory_space<vmem>>, vector<1x16xf32>,
      %swap3A_139 = vector.shape_cast %swap3A_138 : vector<1x16xf32> to vector<16xf32>
      %swap3A_140 = vector.shape_cast %broadcast_in_dim3A_135 : vector<16xf32> to vector<1x16xf32>
      tpu.vector_store %arg8[%swap3A_136, %swap3A_137], %swap3A_140 {strides = array<i32>} : memref<64x128xf32, #tpu.memory_space<vmem>>, vector<1x16xf32>,
      %broadcast_in_dim3A_141 = arith.constant 0.000000e+00 : f32
      %broadcast_in_dim3A_142 = vector.broadcast %broadcast_in_dim3A_141 : f32 to vector<16xf32>
      %swap3A_143 = arith.index_cast %scan3A_107 : i32 to index
      %swap3A_144 = arith.constant 80 : index
      %swap3A_145 = tpu.vector_load %arg8[%swap3A_143, %swap3A_144] {strides = array<i32>} : memref<64x128xf32, #tpu.memory_space<vmem>>, vector<1x16xf32>,
      %swap3A_146 = vector.shape_cast %swap3A_145 : vector<1x16xf32> to vector<16xf32>
      %swap3A_147 = vector.shape_cast %broadcast_in_dim3A_142 : vector<16xf32> to vector<1x16xf32>
      tpu.vector_store %arg8[%swap3A_143, %swap3A_144], %swap3A_147 {strides = array<i32>} : memref<64x128xf32, #tpu.memory_space<vmem>>, vector<1x16xf32>,
      %broadcast_in_dim3A_148 = arith.constant 0.000000e+00 : f32
      %broadcast_in_dim3A_149 = vector.broadcast %broadcast_in_dim3A_148 : f32 to vector<16xf32>
      %swap3A_150 = arith.index_cast %scan3A_107 : i32 to index
      %swap3A_151 = arith.constant 96 : index
      %swap3A_152 = tpu.vector_load %arg8[%swap3A_150, %swap3A_151] {strides = array<i32>} : memref<64x128xf32, #tpu.memory_space<vmem>>, vector<1x16xf32>,
      %swap3A_153 = vector.shape_cast %swap3A_152 : vector<1x16xf32> to vector<16xf32>
      %swap3A_154 = vector.shape_cast %broadcast_in_dim3A_149 : vector<16xf32> to vector<1x16xf32>
      tpu.vector_store %arg8[%swap3A_150, %swap3A_151], %swap3A_154 {strides = array<i32>} : memref<64x128xf32, #tpu.memory_space<vmem>>, vector<1x16xf32>,
      %broadcast_in_dim3A_155 = arith.constant 0.000000e+00 : f32
      %broadcast_in_dim3A_156 = vector.broadcast %broadcast_in_dim3A_155 : f32 to vector<16xf32>
      %swap3A_157 = arith.index_cast %scan3A_107 : i32 to index
      %swap3A_158 = arith.constant 112 : index
      %swap3A_159 = tpu.vector_load %arg8[%swap3A_157, %swap3A_158] {strides = array<i32>} : memref<64x128xf32, #tpu.memory_space<vmem>>, vector<1x16xf32>,
      %swap3A_160 = vector.shape_cast %swap3A_159 : vector<1x16xf32> to vector<16xf32>
      %swap3A_161 = vector.shape_cast %broadcast_in_dim3A_156 : vector<16xf32> to vector<1x16xf32>
      tpu.vector_store %arg8[%swap3A_157, %swap3A_158], %swap3A_161 {strides = array<i32>} : memref<64x128xf32, #tpu.memory_space<vmem>>, vector<1x16xf32>,
    }
    %scan3A_11 = arith.constant 64 : i32
    %mul3A_12 = arith.constant 640 : i32
    %mul3A_13 = arith.muli %arg1, %mul3A_12 : i32
    %add3A_14 = arith.constant 0 : i32
    %add3A_15 = arith.addi %mul3A_13, %add3A_14 : i32
    "tpu.region"() ({
      %run_scoped3A_107 = tpu.sem_alloc : memref<!tpu.dma_semaphore, #tpu.memory_space<semaphore_mem>>
      %dma_start3A_108 = arith.constant 0 : i32
      %dma_start3A_109 = tpu.memref_slice %arg12[%add3A_15, %dma_start3A_108] : memref<10240x128xf32, #tpu.memory_space<vmem_shared>> -> memref<64x128xf32, #tpu.memory_space<vmem_shared>>
      %dma_start3A_110 = arith.constant 0 : i32
      %dma_start3A_111 = tpu.memref_slice %arg12[%add3A_15, %dma_start3A_110] : memref<10240x128xf32, #tpu.memory_space<vmem_shared>> -> memref<64x128xf32, #tpu.memory_space<vmem_shared>>
      tpu.enqueue_dma source(%arg8 : memref<64x128xf32, #tpu.memory_space<vmem>>) target(%dma_start3A_111 : memref<64x128xf32, #tpu.memory_space<vmem_shared>>) target_semaphore(%run_scoped3A_107 : memref<!tpu.dma_semaphore, #tpu.memory_space<semaphore_mem>>)
      %dma_wait3A_112 = arith.constant 0 : i32
      %dma_wait3A_113 = tpu.memref_slice %arg12[%add3A_15, %dma_wait3A_112] : memref<10240x128xf32, #tpu.memory_space<vmem_shared>> -> memref<64x128xf32, #tpu.memory_space<vmem_shared>>
      %dma_wait3A_114 = arith.constant 0 : i32
      %dma_wait3A_115 = tpu.memref_slice %arg12[%add3A_15, %dma_wait3A_114] : memref<10240x128xf32, #tpu.memory_space<vmem_shared>> -> memref<64x128xf32, #tpu.memory_space<vmem_shared>>
      tpu.wait_dma2 semaphore(%run_scoped3A_107 : memref<!tpu.dma_semaphore, #tpu.memory_space<semaphore_mem>>) src(%arg8 : memref<64x128xf32, #tpu.memory_space<vmem>>) dst(%dma_wait3A_115 : memref<64x128xf32, #tpu.memory_space<vmem_shared>>)
      tpu.yield
    }) : () -> ()
    %add3A_16 = arith.constant 64 : i32
    %add3A_17 = arith.addi %mul3A_13, %add3A_16 : i32
    "tpu.region"() ({
      %run_scoped3A_107 = tpu.sem_alloc : memref<!tpu.dma_semaphore, #tpu.memory_space<semaphore_mem>>
      %dma_start3A_108 = arith.constant 0 : i32
      %dma_start3A_109 = tpu.memref_slice %arg12[%add3A_17, %dma_start3A_108] : memref<10240x128xf32, #tpu.memory_space<vmem_shared>> -> memref<64x128xf32, #tpu.memory_space<vmem_shared>>
      %dma_start3A_110 = arith.constant 0 : i32
      %dma_start3A_111 = tpu.memref_slice %arg12[%add3A_17, %dma_start3A_110] : memref<10240x128xf32, #tpu.memory_space<vmem_shared>> -> memref<64x128xf32, #tpu.memory_space<vmem_shared>>
      tpu.enqueue_dma source(%arg8 : memref<64x128xf32, #tpu.memory_space<vmem>>) target(%dma_start3A_111 : memref<64x128xf32, #tpu.memory_space<vmem_shared>>) target_semaphore(%run_scoped3A_107 : memref<!tpu.dma_semaphore, #tpu.memory_space<semaphore_mem>>)
      %dma_wait3A_112 = arith.constant 0 : i32
      %dma_wait3A_113 = tpu.memref_slice %arg12[%add3A_17, %dma_wait3A_112] : memref<10240x128xf32, #tpu.memory_space<vmem_shared>> -> memref<64x128xf32, #tpu.memory_space<vmem_shared>>
      %dma_wait3A_114 = arith.constant 0 : i32
      %dma_wait3A_115 = tpu.memref_slice %arg12[%add3A_17, %dma_wait3A_114] : memref<10240x128xf32, #tpu.memory_space<vmem_shared>> -> memref<64x128xf32, #tpu.memory_space<vmem_shared>>
      tpu.wait_dma2 semaphore(%run_scoped3A_107 : memref<!tpu.dma_semaphore, #tpu.memory_space<semaphore_mem>>) src(%arg8 : memref<64x128xf32, #tpu.memory_space<vmem>>) dst(%dma_wait3A_115 : memref<64x128xf32, #tpu.memory_space<vmem_shared>>)
      tpu.yield
    }) : () -> ()
    %add3A_18 = arith.constant 128 : i32
    %add3A_19 = arith.addi %mul3A_13, %add3A_18 : i32
    "tpu.region"() ({
      %run_scoped3A_107 = tpu.sem_alloc : memref<!tpu.dma_semaphore, #tpu.memory_space<semaphore_mem>>
      %dma_start3A_108 = arith.constant 0 : i32
      %dma_start3A_109 = tpu.memref_slice %arg12[%add3A_19, %dma_start3A_108] : memref<10240x128xf32, #tpu.memory_space<vmem_shared>> -> memref<64x128xf32, #tpu.memory_space<vmem_shared>>
      %dma_start3A_110 = arith.constant 0 : i32
      %dma_start3A_111 = tpu.memref_slice %arg12[%add3A_19, %dma_start3A_110] : memref<10240x128xf32, #tpu.memory_space<vmem_shared>> -> memref<64x128xf32, #tpu.memory_space<vmem_shared>>
      tpu.enqueue_dma source(%arg8 : memref<64x128xf32, #tpu.memory_space<vmem>>) target(%dma_start3A_111 : memref<64x128xf32, #tpu.memory_space<vmem_shared>>) target_semaphore(%run_scoped3A_107 : memref<!tpu.dma_semaphore, #tpu.memory_space<semaphore_mem>>)
      %dma_wait3A_112 = arith.constant 0 : i32
      %dma_wait3A_113 = tpu.memref_slice %arg12[%add3A_19, %dma_wait3A_112] : memref<10240x128xf32, #tpu.memory_space<vmem_shared>> -> memref<64x128xf32, #tpu.memory_space<vmem_shared>>
      %dma_wait3A_114 = arith.constant 0 : i32
      %dma_wait3A_115 = tpu.memref_slice %arg12[%add3A_19, %dma_wait3A_114] : memref<10240x128xf32, #tpu.memory_space<vmem_shared>> -> memref<64x128xf32, #tpu.memory_space<vmem_shared>>
      tpu.wait_dma2 semaphore(%run_scoped3A_107 : memref<!tpu.dma_semaphore, #tpu.memory_space<semaphore_mem>>) src(%arg8 : memref<64x128xf32, #tpu.memory_space<vmem>>) dst(%dma_wait3A_115 : memref<64x128xf32, #tpu.memory_space<vmem_shared>>)
      tpu.yield
    }) : () -> ()
    %add3A_20 = arith.constant 192 : i32
    %add3A_21 = arith.addi %mul3A_13, %add3A_20 : i32
    "tpu.region"() ({
      %run_scoped3A_107 = tpu.sem_alloc : memref<!tpu.dma_semaphore, #tpu.memory_space<semaphore_mem>>
      %dma_start3A_108 = arith.constant 0 : i32
      %dma_start3A_109 = tpu.memref_slice %arg12[%add3A_21, %dma_start3A_108] : memref<10240x128xf32, #tpu.memory_space<vmem_shared>> -> memref<64x128xf32, #tpu.memory_space<vmem_shared>>
      %dma_start3A_110 = arith.constant 0 : i32
      %dma_start3A_111 = tpu.memref_slice %arg12[%add3A_21, %dma_start3A_110] : memref<10240x128xf32, #tpu.memory_space<vmem_shared>> -> memref<64x128xf32, #tpu.memory_space<vmem_shared>>
      tpu.enqueue_dma source(%arg8 : memref<64x128xf32, #tpu.memory_space<vmem>>) target(%dma_start3A_111 : memref<64x128xf32, #tpu.memory_space<vmem_shared>>) target_semaphore(%run_scoped3A_107 : memref<!tpu.dma_semaphore, #tpu.memory_space<semaphore_mem>>)
      %dma_wait3A_112 = arith.constant 0 : i32
      %dma_wait3A_113 = tpu.memref_slice %arg12[%add3A_21, %dma_wait3A_112] : memref<10240x128xf32, #tpu.memory_space<vmem_shared>> -> memref<64x128xf32, #tpu.memory_space<vmem_shared>>
      %dma_wait3A_114 = arith.constant 0 : i32
      %dma_wait3A_115 = tpu.memref_slice %arg12[%add3A_21, %dma_wait3A_114] : memref<10240x128xf32, #tpu.memory_space<vmem_shared>> -> memref<64x128xf32, #tpu.memory_space<vmem_shared>>
      tpu.wait_dma2 semaphore(%run_scoped3A_107 : memref<!tpu.dma_semaphore, #tpu.memory_space<semaphore_mem>>) src(%arg8 : memref<64x128xf32, #tpu.memory_space<vmem>>) dst(%dma_wait3A_115 : memref<64x128xf32, #tpu.memory_space<vmem_shared>>)
      tpu.yield
    }) : () -> ()
    %add3A_22 = arith.constant 256 : i32
    %add3A_23 = arith.addi %mul3A_13, %add3A_22 : i32
    "tpu.region"() ({
      %run_scoped3A_107 = tpu.sem_alloc : memref<!tpu.dma_semaphore, #tpu.memory_space<semaphore_mem>>
      %dma_start3A_108 = arith.constant 0 : i32
      %dma_start3A_109 = tpu.memref_slice %arg12[%add3A_23, %dma_start3A_108] : memref<10240x128xf32, #tpu.memory_space<vmem_shared>> -> memref<64x128xf32, #tpu.memory_space<vmem_shared>>
      %dma_start3A_110 = arith.constant 0 : i32
      %dma_start3A_111 = tpu.memref_slice %arg12[%add3A_23, %dma_start3A_110] : memref<10240x128xf32, #tpu.memory_space<vmem_shared>> -> memref<64x128xf32, #tpu.memory_space<vmem_shared>>
      tpu.enqueue_dma source(%arg8 : memref<64x128xf32, #tpu.memory_space<vmem>>) target(%dma_start3A_111 : memref<64x128xf32, #tpu.memory_space<vmem_shared>>) target_semaphore(%run_scoped3A_107 : memref<!tpu.dma_semaphore, #tpu.memory_space<semaphore_mem>>)
      %dma_wait3A_112 = arith.constant 0 : i32
      %dma_wait3A_113 = tpu.memref_slice %arg12[%add3A_23, %dma_wait3A_112] : memref<10240x128xf32, #tpu.memory_space<vmem_shared>> -> memref<64x128xf32, #tpu.memory_space<vmem_shared>>
      %dma_wait3A_114 = arith.constant 0 : i32
      %dma_wait3A_115 = tpu.memref_slice %arg12[%add3A_23, %dma_wait3A_114] : memref<10240x128xf32, #tpu.memory_space<vmem_shared>> -> memref<64x128xf32, #tpu.memory_space<vmem_shared>>
      tpu.wait_dma2 semaphore(%run_scoped3A_107 : memref<!tpu.dma_semaphore, #tpu.memory_space<semaphore_mem>>) src(%arg8 : memref<64x128xf32, #tpu.memory_space<vmem>>) dst(%dma_wait3A_115 : memref<64x128xf32, #tpu.memory_space<vmem_shared>>)
      tpu.yield
    }) : () -> ()
    %add3A_24 = arith.constant 320 : i32
    %add3A_25 = arith.addi %mul3A_13, %add3A_24 : i32
    "tpu.region"() ({
      %run_scoped3A_107 = tpu.sem_alloc : memref<!tpu.dma_semaphore, #tpu.memory_space<semaphore_mem>>
      %dma_start3A_108 = arith.constant 0 : i32
      %dma_start3A_109 = tpu.memref_slice %arg12[%add3A_25, %dma_start3A_108] : memref<10240x128xf32, #tpu.memory_space<vmem_shared>> -> memref<64x128xf32, #tpu.memory_space<vmem_shared>>
      %dma_start3A_110 = arith.constant 0 : i32
      %dma_start3A_111 = tpu.memref_slice %arg12[%add3A_25, %dma_start3A_110] : memref<10240x128xf32, #tpu.memory_space<vmem_shared>> -> memref<64x128xf32, #tpu.memory_space<vmem_shared>>
      tpu.enqueue_dma source(%arg8 : memref<64x128xf32, #tpu.memory_space<vmem>>) target(%dma_start3A_111 : memref<64x128xf32, #tpu.memory_space<vmem_shared>>) target_semaphore(%run_scoped3A_107 : memref<!tpu.dma_semaphore, #tpu.memory_space<semaphore_mem>>)
      %dma_wait3A_112 = arith.constant 0 : i32
      %dma_wait3A_113 = tpu.memref_slice %arg12[%add3A_25, %dma_wait3A_112] : memref<10240x128xf32, #tpu.memory_space<vmem_shared>> -> memref<64x128xf32, #tpu.memory_space<vmem_shared>>
      %dma_wait3A_114 = arith.constant 0 : i32
      %dma_wait3A_115 = tpu.memref_slice %arg12[%add3A_25, %dma_wait3A_114] : memref<10240x128xf32, #tpu.memory_space<vmem_shared>> -> memref<64x128xf32, #tpu.memory_space<vmem_shared>>
      tpu.wait_dma2 semaphore(%run_scoped3A_107 : memref<!tpu.dma_semaphore, #tpu.memory_space<semaphore_mem>>) src(%arg8 : memref<64x128xf32, #tpu.memory_space<vmem>>) dst(%dma_wait3A_115 : memref<64x128xf32, #tpu.memory_space<vmem_shared>>)
      tpu.yield
    }) : () -> ()
    %add3A_26 = arith.constant 384 : i32
    %add3A_27 = arith.addi %mul3A_13, %add3A_26 : i32
    "tpu.region"() ({
      %run_scoped3A_107 = tpu.sem_alloc : memref<!tpu.dma_semaphore, #tpu.memory_space<semaphore_mem>>
      %dma_start3A_108 = arith.constant 0 : i32
      %dma_start3A_109 = tpu.memref_slice %arg12[%add3A_27, %dma_start3A_108] : memref<10240x128xf32, #tpu.memory_space<vmem_shared>> -> memref<64x128xf32, #tpu.memory_space<vmem_shared>>
      %dma_start3A_110 = arith.constant 0 : i32
      %dma_start3A_111 = tpu.memref_slice %arg12[%add3A_27, %dma_start3A_110] : memref<10240x128xf32, #tpu.memory_space<vmem_shared>> -> memref<64x128xf32, #tpu.memory_space<vmem_shared>>
      tpu.enqueue_dma source(%arg8 : memref<64x128xf32, #tpu.memory_space<vmem>>) target(%dma_start3A_111 : memref<64x128xf32, #tpu.memory_space<vmem_shared>>) target_semaphore(%run_scoped3A_107 : memref<!tpu.dma_semaphore, #tpu.memory_space<semaphore_mem>>)
      %dma_wait3A_112 = arith.constant 0 : i32
      %dma_wait3A_113 = tpu.memref_slice %arg12[%add3A_27, %dma_wait3A_112] : memref<10240x128xf32, #tpu.memory_space<vmem_shared>> -> memref<64x128xf32, #tpu.memory_space<vmem_shared>>
      %dma_wait3A_114 = arith.constant 0 : i32
      %dma_wait3A_115 = tpu.memref_slice %arg12[%add3A_27, %dma_wait3A_114] : memref<10240x128xf32, #tpu.memory_space<vmem_shared>> -> memref<64x128xf32, #tpu.memory_space<vmem_shared>>
      tpu.wait_dma2 semaphore(%run_scoped3A_107 : memref<!tpu.dma_semaphore, #tpu.memory_space<semaphore_mem>>) src(%arg8 : memref<64x128xf32, #tpu.memory_space<vmem>>) dst(%dma_wait3A_115 : memref<64x128xf32, #tpu.memory_space<vmem_shared>>)
      tpu.yield
    }) : () -> ()
    %add3A_28 = arith.constant 448 : i32
    %add3A_29 = arith.addi %mul3A_13, %add3A_28 : i32
    "tpu.region"() ({
      %run_scoped3A_107 = tpu.sem_alloc : memref<!tpu.dma_semaphore, #tpu.memory_space<semaphore_mem>>
      %dma_start3A_108 = arith.constant 0 : i32
      %dma_start3A_109 = tpu.memref_slice %arg12[%add3A_29, %dma_start3A_108] : memref<10240x128xf32, #tpu.memory_space<vmem_shared>> -> memref<64x128xf32, #tpu.memory_space<vmem_shared>>
      %dma_start3A_110 = arith.constant 0 : i32
      %dma_start3A_111 = tpu.memref_slice %arg12[%add3A_29, %dma_start3A_110] : memref<10240x128xf32, #tpu.memory_space<vmem_shared>> -> memref<64x128xf32, #tpu.memory_space<vmem_shared>>
      tpu.enqueue_dma source(%arg8 : memref<64x128xf32, #tpu.memory_space<vmem>>) target(%dma_start3A_111 : memref<64x128xf32, #tpu.memory_space<vmem_shared>>) target_semaphore(%run_scoped3A_107 : memref<!tpu.dma_semaphore, #tpu.memory_space<semaphore_mem>>)
      %dma_wait3A_112 = arith.constant 0 : i32
      %dma_wait3A_113 = tpu.memref_slice %arg12[%add3A_29, %dma_wait3A_112] : memref<10240x128xf32, #tpu.memory_space<vmem_shared>> -> memref<64x128xf32, #tpu.memory_space<vmem_shared>>
      %dma_wait3A_114 = arith.constant 0 : i32
      %dma_wait3A_115 = tpu.memref_slice %arg12[%add3A_29, %dma_wait3A_114] : memref<10240x128xf32, #tpu.memory_space<vmem_shared>> -> memref<64x128xf32, #tpu.memory_space<vmem_shared>>
      tpu.wait_dma2 semaphore(%run_scoped3A_107 : memref<!tpu.dma_semaphore, #tpu.memory_space<semaphore_mem>>) src(%arg8 : memref<64x128xf32, #tpu.memory_space<vmem>>) dst(%dma_wait3A_115 : memref<64x128xf32, #tpu.memory_space<vmem_shared>>)
      tpu.yield
    }) : () -> ()
    %add3A_30 = arith.constant 512 : i32
    %add3A_31 = arith.addi %mul3A_13, %add3A_30 : i32
    "tpu.region"() ({
      %run_scoped3A_107 = tpu.sem_alloc : memref<!tpu.dma_semaphore, #tpu.memory_space<semaphore_mem>>
      %dma_start3A_108 = arith.constant 0 : i32
      %dma_start3A_109 = tpu.memref_slice %arg12[%add3A_31, %dma_start3A_108] : memref<10240x128xf32, #tpu.memory_space<vmem_shared>> -> memref<64x128xf32, #tpu.memory_space<vmem_shared>>
      %dma_start3A_110 = arith.constant 0 : i32
      %dma_start3A_111 = tpu.memref_slice %arg12[%add3A_31, %dma_start3A_110] : memref<10240x128xf32, #tpu.memory_space<vmem_shared>> -> memref<64x128xf32, #tpu.memory_space<vmem_shared>>
      tpu.enqueue_dma source(%arg8 : memref<64x128xf32, #tpu.memory_space<vmem>>) target(%dma_start3A_111 : memref<64x128xf32, #tpu.memory_space<vmem_shared>>) target_semaphore(%run_scoped3A_107 : memref<!tpu.dma_semaphore, #tpu.memory_space<semaphore_mem>>)
      %dma_wait3A_112 = arith.constant 0 : i32
      %dma_wait3A_113 = tpu.memref_slice %arg12[%add3A_31, %dma_wait3A_112] : memref<10240x128xf32, #tpu.memory_space<vmem_shared>> -> memref<64x128xf32, #tpu.memory_space<vmem_shared>>
      %dma_wait3A_114 = arith.constant 0 : i32
      %dma_wait3A_115 = tpu.memref_slice %arg12[%add3A_31, %dma_wait3A_114] : memref<10240x128xf32, #tpu.memory_space<vmem_shared>> -> memref<64x128xf32, #tpu.memory_space<vmem_shared>>
      tpu.wait_dma2 semaphore(%run_scoped3A_107 : memref<!tpu.dma_semaphore, #tpu.memory_space<semaphore_mem>>) src(%arg8 : memref<64x128xf32, #tpu.memory_space<vmem>>) dst(%dma_wait3A_115 : memref<64x128xf32, #tpu.memory_space<vmem_shared>>)
      tpu.yield
    }) : () -> ()
    %add3A_32 = arith.constant 576 : i32
    %add3A_33 = arith.addi %mul3A_13, %add3A_32 : i32
    "tpu.region"() ({
      %run_scoped3A_107 = tpu.sem_alloc : memref<!tpu.dma_semaphore, #tpu.memory_space<semaphore_mem>>
      %dma_start3A_108 = arith.constant 0 : i32
      %dma_start3A_109 = tpu.memref_slice %arg12[%add3A_33, %dma_start3A_108] : memref<10240x128xf32, #tpu.memory_space<vmem_shared>> -> memref<64x128xf32, #tpu.memory_space<vmem_shared>>
      %dma_start3A_110 = arith.constant 0 : i32
      %dma_start3A_111 = tpu.memref_slice %arg12[%add3A_33, %dma_start3A_110] : memref<10240x128xf32, #tpu.memory_space<vmem_shared>> -> memref<64x128xf32, #tpu.memory_space<vmem_shared>>
      tpu.enqueue_dma source(%arg8 : memref<64x128xf32, #tpu.memory_space<vmem>>) target(%dma_start3A_111 : memref<64x128xf32, #tpu.memory_space<vmem_shared>>) target_semaphore(%run_scoped3A_107 : memref<!tpu.dma_semaphore, #tpu.memory_space<semaphore_mem>>)
      %dma_wait3A_112 = arith.constant 0 : i32
      %dma_wait3A_113 = tpu.memref_slice %arg12[%add3A_33, %dma_wait3A_112] : memref<10240x128xf32, #tpu.memory_space<vmem_shared>> -> memref<64x128xf32, #tpu.memory_space<vmem_shared>>
      %dma_wait3A_114 = arith.constant 0 : i32
      %dma_wait3A_115 = tpu.memref_slice %arg12[%add3A_33, %dma_wait3A_114] : memref<10240x128xf32, #tpu.memory_space<vmem_shared>> -> memref<64x128xf32, #tpu.memory_space<vmem_shared>>
      tpu.wait_dma2 semaphore(%run_scoped3A_107 : memref<!tpu.dma_semaphore, #tpu.memory_space<semaphore_mem>>) src(%arg8 : memref<64x128xf32, #tpu.memory_space<vmem>>) dst(%dma_wait3A_115 : memref<64x128xf32, #tpu.memory_space<vmem_shared>>)
      tpu.yield
    }) : () -> ()
    %barrier3A = arith.constant 0 : index
    tpu.barrier barrier_id(%barrier3A)
    %run_scoped3A = arith.constant 0 : i32
    "tpu.region"() ({
      %run_scoped3A_107 = tpu.sem_alloc : memref<!tpu.dma_semaphore, #tpu.memory_space<semaphore_mem>>
      %dma_start3A_108 = arith.constant 0 : i32
      %dma_start3A_109 = arith.constant 0 : i32
      %dma_start3A_110 = tpu.memref_slice %arg6[%run_scoped3A, %dma_start3A_108, %dma_start3A_109] : memref<2x8x64xi32, #tpu.memory_space<vmem>> -> memref<1x8x64xi32, #tpu.memory_space<vmem>>
      %dma_start3A_111 = tpu.memref_squeeze %dma_start3A_110 : memref<1x8x64xi32, #tpu.memory_space<vmem>> -> memref<8x64xi32, #tpu.memory_space<vmem>>
      %dma_start3A_112 = arith.constant 0 : i32
      %dma_start3A_113 = tpu.memref_slice %arg3[%multiple_of3A, %dma_start3A_112] : memref<5120x64xi32, #tpu.memory_space<hbm>> -> memref<8x64xi32, #tpu.memory_space<hbm>>
      %dma_start3A_114 = arith.constant 0 : i32
      %dma_start3A_115 = arith.constant 0 : i32
      %dma_start3A_116 = tpu.memref_slice %arg6[%run_scoped3A, %dma_start3A_114, %dma_start3A_115] : memref<2x8x64xi32, #tpu.memory_space<vmem>> -> memref<1x8x64xi32, #tpu.memory_space<vmem>>
      %dma_start3A_117 = tpu.memref_squeeze %dma_start3A_116 : memref<1x8x64xi32, #tpu.memory_space<vmem>> -> memref<8x64xi32, #tpu.memory_space<vmem>>
      %dma_start3A_118 = arith.constant 0 : i32
      %dma_start3A_119 = tpu.memref_slice %arg3[%multiple_of3A, %dma_start3A_118] : memref<5120x64xi32, #tpu.memory_space<hbm>> -> memref<8x64xi32, #tpu.memory_space<hbm>>
      tpu.enqueue_dma source(%dma_start3A_119 : memref<8x64xi32, #tpu.memory_space<hbm>>) target(%dma_start3A_117 : memref<8x64xi32, #tpu.memory_space<vmem>>) target_semaphore(%run_scoped3A_107 : memref<!tpu.dma_semaphore, #tpu.memory_space<semaphore_mem>>)
      %dma_wait3A_120 = arith.constant 0 : i32
      %dma_wait3A_121 = arith.constant 0 : i32
      %dma_wait3A_122 = tpu.memref_slice %arg6[%run_scoped3A, %dma_wait3A_120, %dma_wait3A_121] : memref<2x8x64xi32, #tpu.memory_space<vmem>> -> memref<1x8x64xi32, #tpu.memory_space<vmem>>
      %dma_wait3A_123 = tpu.memref_squeeze %dma_wait3A_122 : memref<1x8x64xi32, #tpu.memory_space<vmem>> -> memref<8x64xi32, #tpu.memory_space<vmem>>
      %dma_wait3A_124 = arith.constant 0 : i32
      %dma_wait3A_125 = tpu.memref_slice %arg3[%multiple_of3A, %dma_wait3A_124] : memref<5120x64xi32, #tpu.memory_space<hbm>> -> memref<8x64xi32, #tpu.memory_space<hbm>>
      %dma_wait3A_126 = arith.constant 0 : i32
      %dma_wait3A_127 = arith.constant 0 : i32
      %dma_wait3A_128 = tpu.memref_slice %arg6[%run_scoped3A, %dma_wait3A_126, %dma_wait3A_127] : memref<2x8x64xi32, #tpu.memory_space<vmem>> -> memref<1x8x64xi32, #tpu.memory_space<vmem>>
      %dma_wait3A_129 = tpu.memref_squeeze %dma_wait3A_128 : memref<1x8x64xi32, #tpu.memory_space<vmem>> -> memref<8x64xi32, #tpu.memory_space<vmem>>
      %dma_wait3A_130 = arith.constant 0 : i32
      %dma_wait3A_131 = tpu.memref_slice %arg3[%multiple_of3A, %dma_wait3A_130] : memref<5120x64xi32, #tpu.memory_space<hbm>> -> memref<8x64xi32, #tpu.memory_space<hbm>>
      tpu.wait_dma2 semaphore(%run_scoped3A_107 : memref<!tpu.dma_semaphore, #tpu.memory_space<semaphore_mem>>) src(%dma_wait3A_131 : memref<8x64xi32, #tpu.memory_space<hbm>>) dst(%dma_wait3A_129 : memref<8x64xi32, #tpu.memory_space<vmem>>)
      tpu.yield
    }) : () -> ()
    %run_scoped3A_34 = arith.constant 0 : i32
    "tpu.region"() ({
      %run_scoped3A_107 = tpu.sem_alloc : memref<!tpu.dma_semaphore, #tpu.memory_space<semaphore_mem>>
      %dma_start3A_108 = arith.constant 0 : i32
      %dma_start3A_109 = arith.constant 0 : i32
      %dma_start3A_110 = tpu.memref_slice %arg7[%run_scoped3A_34, %dma_start3A_108, %dma_start3A_109] : memref<2x8x64xi32, #tpu.memory_space<vmem>> -> memref<1x8x64xi32, #tpu.memory_space<vmem>>
      %dma_start3A_111 = tpu.memref_squeeze %dma_start3A_110 : memref<1x8x64xi32, #tpu.memory_space<vmem>> -> memref<8x64xi32, #tpu.memory_space<vmem>>
      %dma_start3A_112 = arith.constant 0 : i32
      %dma_start3A_113 = tpu.memref_slice %arg4[%multiple_of3A, %dma_start3A_112] : memref<5120x64xi32, #tpu.memory_space<hbm>> -> memref<8x64xi32, #tpu.memory_space<hbm>>
      %dma_start3A_114 = arith.constant 0 : i32
      %dma_start3A_115 = arith.constant 0 : i32
      %dma_start3A_116 = tpu.memref_slice %arg7[%run_scoped3A_34, %dma_start3A_114, %dma_start3A_115] : memref<2x8x64xi32, #tpu.memory_space<vmem>> -> memref<1x8x64xi32, #tpu.memory_space<vmem>>
      %dma_start3A_117 = tpu.memref_squeeze %dma_start3A_116 : memref<1x8x64xi32, #tpu.memory_space<vmem>> -> memref<8x64xi32, #tpu.memory_space<vmem>>
      %dma_start3A_118 = arith.constant 0 : i32
      %dma_start3A_119 = tpu.memref_slice %arg4[%multiple_of3A, %dma_start3A_118] : memref<5120x64xi32, #tpu.memory_space<hbm>> -> memref<8x64xi32, #tpu.memory_space<hbm>>
      tpu.enqueue_dma source(%dma_start3A_119 : memref<8x64xi32, #tpu.memory_space<hbm>>) target(%dma_start3A_117 : memref<8x64xi32, #tpu.memory_space<vmem>>) target_semaphore(%run_scoped3A_107 : memref<!tpu.dma_semaphore, #tpu.memory_space<semaphore_mem>>)
      %dma_wait3A_120 = arith.constant 0 : i32
      %dma_wait3A_121 = arith.constant 0 : i32
      %dma_wait3A_122 = tpu.memref_slice %arg7[%run_scoped3A_34, %dma_wait3A_120, %dma_wait3A_121] : memref<2x8x64xi32, #tpu.memory_space<vmem>> -> memref<1x8x64xi32, #tpu.memory_space<vmem>>
      %dma_wait3A_123 = tpu.memref_squeeze %dma_wait3A_122 : memref<1x8x64xi32, #tpu.memory_space<vmem>> -> memref<8x64xi32, #tpu.memory_space<vmem>>
      %dma_wait3A_124 = arith.constant 0 : i32
      %dma_wait3A_125 = tpu.memref_slice %arg4[%multiple_of3A, %dma_wait3A_124] : memref<5120x64xi32, #tpu.memory_space<hbm>> -> memref<8x64xi32, #tpu.memory_space<hbm>>
      %dma_wait3A_126 = arith.constant 0 : i32
      %dma_wait3A_127 = arith.constant 0 : i32
      %dma_wait3A_128 = tpu.memref_slice %arg7[%run_scoped3A_34, %dma_wait3A_126, %dma_wait3A_127] : memref<2x8x64xi32, #tpu.memory_space<vmem>> -> memref<1x8x64xi32, #tpu.memory_space<vmem>>
      %dma_wait3A_129 = tpu.memref_squeeze %dma_wait3A_128 : memref<1x8x64xi32, #tpu.memory_space<vmem>> -> memref<8x64xi32, #tpu.memory_space<vmem>>
      %dma_wait3A_130 = arith.constant 0 : i32
      %dma_wait3A_131 = tpu.memref_slice %arg4[%multiple_of3A, %dma_wait3A_130] : memref<5120x64xi32, #tpu.memory_space<hbm>> -> memref<8x64xi32, #tpu.memory_space<hbm>>
      tpu.wait_dma2 semaphore(%run_scoped3A_107 : memref<!tpu.dma_semaphore, #tpu.memory_space<semaphore_mem>>) src(%dma_wait3A_131 : memref<8x64xi32, #tpu.memory_space<hbm>>) dst(%dma_wait3A_129 : memref<8x64xi32, #tpu.memory_space<vmem>>)
      tpu.yield
    }) : () -> ()
    %dma_start3A = arith.constant 0 : i32
    %dma_start3A_35 = arith.constant 0 : i32
    %dma_start3A_36 = arith.constant 0 : i32
    %dma_start3A_37 = tpu.memref_slice %arg6[%dma_start3A, %dma_start3A_35, %dma_start3A_36] : memref<2x8x64xi32, #tpu.memory_space<vmem>> -> memref<1x1x64xi32, #tpu.memory_space<vmem>>
    %dma_start3A_38 = tpu.memref_squeeze %dma_start3A_37 : memref<1x1x64xi32, #tpu.memory_space<vmem>> -> memref<64xi32, #tpu.memory_space<vmem>>
    %dma_start3A_39 = arith.constant 0 : i32
    %dma_start3A_40 = arith.constant 0 : i32
    %dma_start3A_41 = tpu.memref_slice %arg2[%dma_start3A_39, %dma_start3A_40] : memref<10000x128xf32, #tpu.memory_space<hbm>> -> memref<10000x128xf32, #tpu.memory_space<hbm>>
    tpu.enqueue_indirect_dma source(%dma_start3A_41 : memref<10000x128xf32, #tpu.memory_space<hbm>>) target(%arg8 : memref<64x128xf32, #tpu.memory_space<vmem>>) offsets(%dma_start3A_38 : memref<64xi32, #tpu.memory_space<vmem>>) semaphore(%arg13 : memref<!tpu.dma_semaphore, #tpu.memory_space<semaphore_mem>>)
    %dma_start3A_42 = arith.constant 0 : i32
    %dma_start3A_43 = arith.constant 1 : i32
    %dma_start3A_44 = arith.constant 0 : i32
    %dma_start3A_45 = tpu.memref_slice %arg6[%dma_start3A_42, %dma_start3A_43, %dma_start3A_44] : memref<2x8x64xi32, #tpu.memory_space<vmem>> -> memref<1x1x64xi32, #tpu.memory_space<vmem>>
    %dma_start3A_46 = tpu.memref_squeeze %dma_start3A_45 : memref<1x1x64xi32, #tpu.memory_space<vmem>> -> memref<64xi32, #tpu.memory_space<vmem>>
    %dma_start3A_47 = arith.constant 0 : i32
    %dma_start3A_48 = arith.constant 0 : i32
    %dma_start3A_49 = tpu.memref_slice %arg2[%dma_start3A_47, %dma_start3A_48] : memref<10000x128xf32, #tpu.memory_space<hbm>> -> memref<10000x128xf32, #tpu.memory_space<hbm>>
    tpu.enqueue_indirect_dma source(%dma_start3A_49 : memref<10000x128xf32, #tpu.memory_space<hbm>>) target(%arg9 : memref<64x128xf32, #tpu.memory_space<vmem>>) offsets(%dma_start3A_46 : memref<64xi32, #tpu.memory_space<vmem>>) semaphore(%arg14 : memref<!tpu.dma_semaphore, #tpu.memory_space<semaphore_mem>>)
    %dma_start3A_50 = arith.constant 0 : i32
    %dma_start3A_51 = arith.constant 2 : i32
    %dma_start3A_52 = arith.constant 0 : i32
    %dma_start3A_53 = tpu.memref_slice %arg6[%dma_start3A_50, %dma_start3A_51, %dma_start3A_52] : memref<2x8x64xi32, #tpu.memory_space<vmem>> -> memref<1x1x64xi32, #tpu.memory_space<vmem>>
    %dma_start3A_54 = tpu.memref_squeeze %dma_start3A_53 : memref<1x1x64xi32, #tpu.memory_space<vmem>> -> memref<64xi32, #tpu.memory_space<vmem>>
    %dma_start3A_55 = arith.constant 0 : i32
    %dma_start3A_56 = arith.constant 0 : i32
    %dma_start3A_57 = tpu.memref_slice %arg2[%dma_start3A_55, %dma_start3A_56] : memref<10000x128xf32, #tpu.memory_space<hbm>> -> memref<10000x128xf32, #tpu.memory_space<hbm>>
    tpu.enqueue_indirect_dma source(%dma_start3A_57 : memref<10000x128xf32, #tpu.memory_space<hbm>>) target(%arg10 : memref<64x128xf32, #tpu.memory_space<vmem>>) offsets(%dma_start3A_54 : memref<64xi32, #tpu.memory_space<vmem>>) semaphore(%arg15 : memref<!tpu.dma_semaphore, #tpu.memory_space<semaphore_mem>>)
    %dma_start3A_58 = arith.constant 0 : i32
    %dma_start3A_59 = arith.constant 3 : i32
    %dma_start3A_60 = arith.constant 0 : i32
    %dma_start3A_61 = tpu.memref_slice %arg6[%dma_start3A_58, %dma_start3A_59, %dma_start3A_60] : memref<2x8x64xi32, #tpu.memory_space<vmem>> -> memref<1x1x64xi32, #tpu.memory_space<vmem>>
    %dma_start3A_62 = tpu.memref_squeeze %dma_start3A_61 : memref<1x1x64xi32, #tpu.memory_space<vmem>> -> memref<64xi32, #tpu.memory_space<vmem>>
    %dma_start3A_63 = arith.constant 0 : i32
    %dma_start3A_64 = arith.constant 0 : i32
    %dma_start3A_65 = tpu.memref_slice %arg2[%dma_start3A_63, %dma_start3A_64] : memref<10000x128xf32, #tpu.memory_space<hbm>> -> memref<10000x128xf32, #tpu.memory_space<hbm>>
    tpu.enqueue_indirect_dma source(%dma_start3A_65 : memref<10000x128xf32, #tpu.memory_space<hbm>>) target(%arg11 : memref<64x128xf32, #tpu.memory_space<vmem>>) offsets(%dma_start3A_62 : memref<64xi32, #tpu.memory_space<vmem>>) semaphore(%arg16 : memref<!tpu.dma_semaphore, #tpu.memory_space<semaphore_mem>>)
    %while3A = arith.constant 0 : i32
    %while3A_66 = arith.constant 0 : i32
    %while3A_67 = arith.subi %select_n3A, %while3A_66 : i32
    %while3A_68 = arith.addi %while3A_66, %while3A_67 : i32
    %while3A_69 = arith.constant 1 : i32
    %while3A_70 = arith.divsi %while3A_67, %while3A_69 : i32
    %while3A_71 = arith.muli %while3A_70, %while3A_69 : i32
    %while3A_72 = arith.addi %while3A_66, %while3A_71 : i32
    %while3A_73 = arith.constant 1 : i32
    scf.for %while3A_107 = %while3A_66 to %while3A_72 step %while3A_73  : i32 {
      %rem3A = arith.constant 2 : i32
      %rem3A_108 = arith.remsi %while3A_107, %rem3A : i32
      %add3A_109 = arith.constant 1 : i32
      %add3A_110 = arith.addi %while3A_107, %add3A_109 : i32
      %rem3A_111 = arith.constant 2 : i32
      %rem3A_112 = arith.remsi %add3A_110, %rem3A_111 : i32
      %add3A_113 = arith.constant 1 : i32
      %add3A_114 = arith.addi %while3A_107, %add3A_113 : i32
      %rem3A_115 = arith.remsi %add3A_114, %select_n3A : i32
      %mul3A_116 = arith.constant 8 : i32
      %mul3A_117 = arith.muli %rem3A_115, %mul3A_116 : i32
      %add3A_118 = arith.addi %multiple_of3A, %mul3A_117 : i32
      %multiple_of3A_119 = tpu.assume_multiple %add3A_118, 8 : i32
      %dma_start3A_120 = arith.constant 0 : i32
      %dma_start3A_121 = arith.constant 0 : i32
      %dma_start3A_122 = tpu.memref_slice %arg6[%rem3A_112, %dma_start3A_120, %dma_start3A_121] : memref<2x8x64xi32, #tpu.memory_space<vmem>> -> memref<1x8x64xi32, #tpu.memory_space<vmem>>
      %dma_start3A_123 = tpu.memref_squeeze %dma_start3A_122 : memref<1x8x64xi32, #tpu.memory_space<vmem>> -> memref<8x64xi32, #tpu.memory_space<vmem>>
      %dma_start3A_124 = arith.constant 0 : i32
      %dma_start3A_125 = tpu.memref_slice %arg3[%multiple_of3A_119, %dma_start3A_124] : memref<5120x64xi32, #tpu.memory_space<hbm>> -> memref<8x64xi32, #tpu.memory_space<hbm>>
      %dma_start3A_126 = arith.constant 0 : i32
      %dma_start3A_127 = arith.constant 0 : i32
      %dma_start3A_128 = tpu.memref_slice %arg6[%rem3A_112, %dma_start3A_126, %dma_start3A_127] : memref<2x8x64xi32, #tpu.memory_space<vmem>> -> memref<1x8x64xi32, #tpu.memory_space<vmem>>
      %dma_start3A_129 = tpu.memref_squeeze %dma_start3A_128 : memref<1x8x64xi32, #tpu.memory_space<vmem>> -> memref<8x64xi32, #tpu.memory_space<vmem>>
      %dma_start3A_130 = arith.constant 0 : i32
      %dma_start3A_131 = tpu.memref_slice %arg3[%multiple_of3A_119, %dma_start3A_130] : memref<5120x64xi32, #tpu.memory_space<hbm>> -> memref<8x64xi32, #tpu.memory_space<hbm>>
      tpu.enqueue_dma source(%dma_start3A_131 : memref<8x64xi32, #tpu.memory_space<hbm>>) target(%dma_start3A_129 : memref<8x64xi32, #tpu.memory_space<vmem>>) target_semaphore(%arg17 : memref<!tpu.dma_semaphore, #tpu.memory_space<semaphore_mem>>)
      %dma_start3A_132 = arith.constant 0 : i32
      %dma_start3A_133 = arith.constant 0 : i32
      %dma_start3A_134 = tpu.memref_slice %arg7[%rem3A_112, %dma_start3A_132, %dma_start3A_133] : memref<2x8x64xi32, #tpu.memory_space<vmem>> -> memref<1x8x64xi32, #tpu.memory_space<vmem>>
      %dma_start3A_135 = tpu.memref_squeeze %dma_start3A_134 : memref<1x8x64xi32, #tpu.memory_space<vmem>> -> memref<8x64xi32, #tpu.memory_space<vmem>>
      %dma_start3A_136 = arith.constant 0 : i32
      %dma_start3A_137 = tpu.memref_slice %arg4[%multiple_of3A_119, %dma_start3A_136] : memref<5120x64xi32, #tpu.memory_space<hbm>> -> memref<8x64xi32, #tpu.memory_space<hbm>>
      %dma_start3A_138 = arith.constant 0 : i32
      %dma_start3A_139 = arith.constant 0 : i32
      %dma_start3A_140 = tpu.memref_slice %arg7[%rem3A_112, %dma_start3A_138, %dma_start3A_139] : memref<2x8x64xi32, #tpu.memory_space<vmem>> -> memref<1x8x64xi32, #tpu.memory_space<vmem>>
      %dma_start3A_141 = tpu.memref_squeeze %dma_start3A_140 : memref<1x8x64xi32, #tpu.memory_space<vmem>> -> memref<8x64xi32, #tpu.memory_space<vmem>>
      %dma_start3A_142 = arith.constant 0 : i32
      %dma_start3A_143 = tpu.memref_slice %arg4[%multiple_of3A_119, %dma_start3A_142] : memref<5120x64xi32, #tpu.memory_space<hbm>> -> memref<8x64xi32, #tpu.memory_space<hbm>>
      tpu.enqueue_dma source(%dma_start3A_143 : memref<8x64xi32, #tpu.memory_space<hbm>>) target(%dma_start3A_141 : memref<8x64xi32, #tpu.memory_space<vmem>>) target_semaphore(%arg17 : memref<!tpu.dma_semaphore, #tpu.memory_space<semaphore_mem>>)
      %dma_wait3A_144 = arith.constant 0 : i32
      %dma_wait3A_145 = arith.constant 0 : i32
      %dma_wait3A_146 = tpu.memref_slice %arg6[%rem3A_108, %dma_wait3A_144, %dma_wait3A_145] : memref<2x8x64xi32, #tpu.memory_space<vmem>> -> memref<1x1x64xi32, #tpu.memory_space<vmem>>
      %dma_wait3A_147 = tpu.memref_squeeze %dma_wait3A_146 : memref<1x1x64xi32, #tpu.memory_space<vmem>> -> memref<64xi32, #tpu.memory_space<vmem>>
      %dma_wait3A_148 = arith.constant 0 : i32
      %dma_wait3A_149 = arith.constant 0 : i32
      %dma_wait3A_150 = tpu.memref_slice %arg2[%dma_wait3A_148, %dma_wait3A_149] : memref<10000x128xf32, #tpu.memory_space<hbm>> -> memref<10000x128xf32, #tpu.memory_space<hbm>>
      tpu.wait_indirect_dma semaphore(%arg13 : memref<!tpu.dma_semaphore, #tpu.memory_space<semaphore_mem>>) src(%dma_wait3A_150 : memref<10000x128xf32, #tpu.memory_space<hbm>>) dst(%arg8 : memref<64x128xf32, #tpu.memory_space<vmem>>)
      %run_scoped3A_151 = arith.constant 0 : i32
      "tpu.region"() ({
        %run_scoped3A_288 = tpu.sem_alloc : memref<!tpu.dma_semaphore, #tpu.memory_space<semaphore_mem>>
        %dma_start3A_289 = arith.constant 0 : i32
        %dma_start3A_290 = tpu.memref_slice %arg7[%rem3A_108, %run_scoped3A_151, %dma_start3A_289] : memref<2x8x64xi32, #tpu.memory_space<vmem>> -> memref<1x1x64xi32, #tpu.memory_space<vmem>>
        %dma_start3A_291 = tpu.memref_squeeze %dma_start3A_290 : memref<1x1x64xi32, #tpu.memory_space<vmem>> -> memref<64xi32, #tpu.memory_space<vmem>>
        %dma_start3A_292 = arith.constant 0 : i32
        %dma_start3A_293 = arith.constant 0 : i32
        %dma_start3A_294 = tpu.memref_slice %arg12[%dma_start3A_292, %dma_start3A_293] : memref<10240x128xf32, #tpu.memory_space<vmem_shared>> -> memref<10240x128xf32, #tpu.memory_space<vmem_shared>>
        tpu.enqueue_indirect_dma source(%arg8 : memref<64x128xf32, #tpu.memory_space<vmem>>) target(%dma_start3A_294 : memref<10240x128xf32, #tpu.memory_space<vmem_shared>>) offsets(%dma_start3A_291 : memref<64xi32, #tpu.memory_space<vmem>>) semaphore(%run_scoped3A_288 : memref<!tpu.dma_semaphore, #tpu.memory_space<semaphore_mem>>) {add = true}
        %dma_wait3A_295 = arith.constant 0 : i32
        %dma_wait3A_296 = tpu.memref_slice %arg7[%rem3A_108, %run_scoped3A_151, %dma_wait3A_295] : memref<2x8x64xi32, #tpu.memory_space<vmem>> -> memref<1x1x64xi32, #tpu.memory_space<vmem>>
        %dma_wait3A_297 = tpu.memref_squeeze %dma_wait3A_296 : memref<1x1x64xi32, #tpu.memory_space<vmem>> -> memref<64xi32, #tpu.memory_space<vmem>>
        %dma_wait3A_298 = arith.constant 0 : i32
        %dma_wait3A_299 = arith.constant 0 : i32
        %dma_wait3A_300 = tpu.memref_slice %arg12[%dma_wait3A_298, %dma_wait3A_299] : memref<10240x128xf32, #tpu.memory_space<vmem_shared>> -> memref<10240x128xf32, #tpu.memory_space<vmem_shared>>
        tpu.wait_indirect_dma semaphore(%run_scoped3A_288 : memref<!tpu.dma_semaphore, #tpu.memory_space<semaphore_mem>>) src(%arg8 : memref<64x128xf32, #tpu.memory_space<vmem>>) dst(%dma_wait3A_300 : memref<10240x128xf32, #tpu.memory_space<vmem_shared>>)
        tpu.yield
      }) : () -> ()
      %dma_start3A_152 = arith.constant 4 : i32
      %dma_start3A_153 = arith.constant 0 : i32
      %dma_start3A_154 = tpu.memref_slice %arg6[%rem3A_108, %dma_start3A_152, %dma_start3A_153] : memref<2x8x64xi32, #tpu.memory_space<vmem>> -> memref<1x1x64xi32, #tpu.memory_space<vmem>>
      %dma_start3A_155 = tpu.memref_squeeze %dma_start3A_154 : memref<1x1x64xi32, #tpu.memory_space<vmem>> -> memref<64xi32, #tpu.memory_space<vmem>>
      %dma_start3A_156 = arith.constant 0 : i32
      %dma_start3A_157 = arith.constant 0 : i32
      %dma_start3A_158 = tpu.memref_slice %arg2[%dma_start3A_156, %dma_start3A_157] : memref<10000x128xf32, #tpu.memory_space<hbm>> -> memref<10000x128xf32, #tpu.memory_space<hbm>>
      tpu.enqueue_indirect_dma source(%dma_start3A_158 : memref<10000x128xf32, #tpu.memory_space<hbm>>) target(%arg8 : memref<64x128xf32, #tpu.memory_space<vmem>>) offsets(%dma_start3A_155 : memref<64xi32, #tpu.memory_space<vmem>>) semaphore(%arg13 : memref<!tpu.dma_semaphore, #tpu.memory_space<semaphore_mem>>)
      %dma_wait3A_159 = arith.constant 1 : i32
      %dma_wait3A_160 = arith.constant 0 : i32
      %dma_wait3A_161 = tpu.memref_slice %arg6[%rem3A_108, %dma_wait3A_159, %dma_wait3A_160] : memref<2x8x64xi32, #tpu.memory_space<vmem>> -> memref<1x1x64xi32, #tpu.memory_space<vmem>>
      %dma_wait3A_162 = tpu.memref_squeeze %dma_wait3A_161 : memref<1x1x64xi32, #tpu.memory_space<vmem>> -> memref<64xi32, #tpu.memory_space<vmem>>
      %dma_wait3A_163 = arith.constant 0 : i32
      %dma_wait3A_164 = arith.constant 0 : i32
      %dma_wait3A_165 = tpu.memref_slice %arg2[%dma_wait3A_163, %dma_wait3A_164] : memref<10000x128xf32, #tpu.memory_space<hbm>> -> memref<10000x128xf32, #tpu.memory_space<hbm>>
      tpu.wait_indirect_dma semaphore(%arg14 : memref<!tpu.dma_semaphore, #tpu.memory_space<semaphore_mem>>) src(%dma_wait3A_165 : memref<10000x128xf32, #tpu.memory_space<hbm>>) dst(%arg9 : memref<64x128xf32, #tpu.memory_space<vmem>>)
      %run_scoped3A_166 = arith.constant 1 : i32
      "tpu.region"() ({
        %run_scoped3A_288 = tpu.sem_alloc : memref<!tpu.dma_semaphore, #tpu.memory_space<semaphore_mem>>
        %dma_start3A_289 = arith.constant 0 : i32
        %dma_start3A_290 = tpu.memref_slice %arg7[%rem3A_108, %run_scoped3A_166, %dma_start3A_289] : memref<2x8x64xi32, #tpu.memory_space<vmem>> -> memref<1x1x64xi32, #tpu.memory_space<vmem>>
        %dma_start3A_291 = tpu.memref_squeeze %dma_start3A_290 : memref<1x1x64xi32, #tpu.memory_space<vmem>> -> memref<64xi32, #tpu.memory_space<vmem>>
        %dma_start3A_292 = arith.constant 0 : i32
        %dma_start3A_293 = arith.constant 0 : i32
        %dma_start3A_294 = tpu.memref_slice %arg12[%dma_start3A_292, %dma_start3A_293] : memref<10240x128xf32, #tpu.memory_space<vmem_shared>> -> memref<10240x128xf32, #tpu.memory_space<vmem_shared>>
        tpu.enqueue_indirect_dma source(%arg9 : memref<64x128xf32, #tpu.memory_space<vmem>>) target(%dma_start3A_294 : memref<10240x128xf32, #tpu.memory_space<vmem_shared>>) offsets(%dma_start3A_291 : memref<64xi32, #tpu.memory_space<vmem>>) semaphore(%run_scoped3A_288 : memref<!tpu.dma_semaphore, #tpu.memory_space<semaphore_mem>>) {add = true}
        %dma_wait3A_295 = arith.constant 0 : i32
        %dma_wait3A_296 = tpu.memref_slice %arg7[%rem3A_108, %run_scoped3A_166, %dma_wait3A_295] : memref<2x8x64xi32, #tpu.memory_space<vmem>> -> memref<1x1x64xi32, #tpu.memory_space<vmem>>
        %dma_wait3A_297 = tpu.memref_squeeze %dma_wait3A_296 : memref<1x1x64xi32, #tpu.memory_space<vmem>> -> memref<64xi32, #tpu.memory_space<vmem>>
        %dma_wait3A_298 = arith.constant 0 : i32
        %dma_wait3A_299 = arith.constant 0 : i32
        %dma_wait3A_300 = tpu.memref_slice %arg12[%dma_wait3A_298, %dma_wait3A_299] : memref<10240x128xf32, #tpu.memory_space<vmem_shared>> -> memref<10240x128xf32, #tpu.memory_space<vmem_shared>>
        tpu.wait_indirect_dma semaphore(%run_scoped3A_288 : memref<!tpu.dma_semaphore, #tpu.memory_space<semaphore_mem>>) src(%arg9 : memref<64x128xf32, #tpu.memory_space<vmem>>) dst(%dma_wait3A_300 : memref<10240x128xf32, #tpu.memory_space<vmem_shared>>)
        tpu.yield
      }) : () -> ()
      %dma_start3A_167 = arith.constant 5 : i32
      %dma_start3A_168 = arith.constant 0 : i32
      %dma_start3A_169 = tpu.memref_slice %arg6[%rem3A_108, %dma_start3A_167, %dma_start3A_168] : memref<2x8x64xi32, #tpu.memory_space<vmem>> -> memref<1x1x64xi32, #tpu.memory_space<vmem>>
      %dma_start3A_170 = tpu.memref_squeeze %dma_start3A_169 : memref<1x1x64xi32, #tpu.memory_space<vmem>> -> memref<64xi32, #tpu.memory_space<vmem>>
      %dma_start3A_171 = arith.constant 0 : i32
      %dma_start3A_172 = arith.constant 0 : i32
      %dma_start3A_173 = tpu.memref_slice %arg2[%dma_start3A_171, %dma_start3A_172] : memref<10000x128xf32, #tpu.memory_space<hbm>> -> memref<10000x128xf32, #tpu.memory_space<hbm>>
      tpu.enqueue_indirect_dma source(%dma_start3A_173 : memref<10000x128xf32, #tpu.memory_space<hbm>>) target(%arg9 : memref<64x128xf32, #tpu.memory_space<vmem>>) offsets(%dma_start3A_170 : memref<64xi32, #tpu.memory_space<vmem>>) semaphore(%arg14 : memref<!tpu.dma_semaphore, #tpu.memory_space<semaphore_mem>>)
      %dma_wait3A_174 = arith.constant 2 : i32
      %dma_wait3A_175 = arith.constant 0 : i32
      %dma_wait3A_176 = tpu.memref_slice %arg6[%rem3A_108, %dma_wait3A_174, %dma_wait3A_175] : memref<2x8x64xi32, #tpu.memory_space<vmem>> -> memref<1x1x64xi32, #tpu.memory_space<vmem>>
      %dma_wait3A_177 = tpu.memref_squeeze %dma_wait3A_176 : memref<1x1x64xi32, #tpu.memory_space<vmem>> -> memref<64xi32, #tpu.memory_space<vmem>>
      %dma_wait3A_178 = arith.constant 0 : i32
      %dma_wait3A_179 = arith.constant 0 : i32
      %dma_wait3A_180 = tpu.memref_slice %arg2[%dma_wait3A_178, %dma_wait3A_179] : memref<10000x128xf32, #tpu.memory_space<hbm>> -> memref<10000x128xf32, #tpu.memory_space<hbm>>
      tpu.wait_indirect_dma semaphore(%arg15 : memref<!tpu.dma_semaphore, #tpu.memory_space<semaphore_mem>>) src(%dma_wait3A_180 : memref<10000x128xf32, #tpu.memory_space<hbm>>) dst(%arg10 : memref<64x128xf32, #tpu.memory_space<vmem>>)
      %run_scoped3A_181 = arith.constant 2 : i32
      "tpu.region"() ({
        %run_scoped3A_288 = tpu.sem_alloc : memref<!tpu.dma_semaphore, #tpu.memory_space<semaphore_mem>>
        %dma_start3A_289 = arith.constant 0 : i32
        %dma_start3A_290 = tpu.memref_slice %arg7[%rem3A_108, %run_scoped3A_181, %dma_start3A_289] : memref<2x8x64xi32, #tpu.memory_space<vmem>> -> memref<1x1x64xi32, #tpu.memory_space<vmem>>
        %dma_start3A_291 = tpu.memref_squeeze %dma_start3A_290 : memref<1x1x64xi32, #tpu.memory_space<vmem>> -> memref<64xi32, #tpu.memory_space<vmem>>
        %dma_start3A_292 = arith.constant 0 : i32
        %dma_start3A_293 = arith.constant 0 : i32
        %dma_start3A_294 = tpu.memref_slice %arg12[%dma_start3A_292, %dma_start3A_293] : memref<10240x128xf32, #tpu.memory_space<vmem_shared>> -> memref<10240x128xf32, #tpu.memory_space<vmem_shared>>
        tpu.enqueue_indirect_dma source(%arg10 : memref<64x128xf32, #tpu.memory_space<vmem>>) target(%dma_start3A_294 : memref<10240x128xf32, #tpu.memory_space<vmem_shared>>) offsets(%dma_start3A_291 : memref<64xi32, #tpu.memory_space<vmem>>) semaphore(%run_scoped3A_288 : memref<!tpu.dma_semaphore, #tpu.memory_space<semaphore_mem>>) {add = true}
        %dma_wait3A_295 = arith.constant 0 : i32
        %dma_wait3A_296 = tpu.memref_slice %arg7[%rem3A_108, %run_scoped3A_181, %dma_wait3A_295] : memref<2x8x64xi32, #tpu.memory_space<vmem>> -> memref<1x1x64xi32, #tpu.memory_space<vmem>>
        %dma_wait3A_297 = tpu.memref_squeeze %dma_wait3A_296 : memref<1x1x64xi32, #tpu.memory_space<vmem>> -> memref<64xi32, #tpu.memory_space<vmem>>
        %dma_wait3A_298 = arith.constant 0 : i32
        %dma_wait3A_299 = arith.constant 0 : i32
        %dma_wait3A_300 = tpu.memref_slice %arg12[%dma_wait3A_298, %dma_wait3A_299] : memref<10240x128xf32, #tpu.memory_space<vmem_shared>> -> memref<10240x128xf32, #tpu.memory_space<vmem_shared>>
        tpu.wait_indirect_dma semaphore(%run_scoped3A_288 : memref<!tpu.dma_semaphore, #tpu.memory_space<semaphore_mem>>) src(%arg10 : memref<64x128xf32, #tpu.memory_space<vmem>>) dst(%dma_wait3A_300 : memref<10240x128xf32, #tpu.memory_space<vmem_shared>>)
        tpu.yield
      }) : () -> ()
      %dma_start3A_182 = arith.constant 6 : i32
      %dma_start3A_183 = arith.constant 0 : i32
      %dma_start3A_184 = tpu.memref_slice %arg6[%rem3A_108, %dma_start3A_182, %dma_start3A_183] : memref<2x8x64xi32, #tpu.memory_space<vmem>> -> memref<1x1x64xi32, #tpu.memory_space<vmem>>
      %dma_start3A_185 = tpu.memref_squeeze %dma_start3A_184 : memref<1x1x64xi32, #tpu.memory_space<vmem>> -> memref<64xi32, #tpu.memory_space<vmem>>
      %dma_start3A_186 = arith.constant 0 : i32
      %dma_start3A_187 = arith.constant 0 : i32
      %dma_start3A_188 = tpu.memref_slice %arg2[%dma_start3A_186, %dma_start3A_187] : memref<10000x128xf32, #tpu.memory_space<hbm>> -> memref<10000x128xf32, #tpu.memory_space<hbm>>
      tpu.enqueue_indirect_dma source(%dma_start3A_188 : memref<10000x128xf32, #tpu.memory_space<hbm>>) target(%arg10 : memref<64x128xf32, #tpu.memory_space<vmem>>) offsets(%dma_start3A_185 : memref<64xi32, #tpu.memory_space<vmem>>) semaphore(%arg15 : memref<!tpu.dma_semaphore, #tpu.memory_space<semaphore_mem>>)
      %dma_wait3A_189 = arith.constant 0 : i32
      %dma_wait3A_190 = arith.constant 0 : i32
      %dma_wait3A_191 = tpu.memref_slice %arg6[%rem3A_112, %dma_wait3A_189, %dma_wait3A_190] : memref<2x8x64xi32, #tpu.memory_space<vmem>> -> memref<1x8x64xi32, #tpu.memory_space<vmem>>
      %dma_wait3A_192 = tpu.memref_squeeze %dma_wait3A_191 : memref<1x8x64xi32, #tpu.memory_space<vmem>> -> memref<8x64xi32, #tpu.memory_space<vmem>>
      %dma_wait3A_193 = arith.constant 0 : i32
      %dma_wait3A_194 = tpu.memref_slice %arg3[%multiple_of3A_119, %dma_wait3A_193] : memref<5120x64xi32, #tpu.memory_space<hbm>> -> memref<8x64xi32, #tpu.memory_space<hbm>>
      %dma_wait3A_195 = arith.constant 0 : i32
      %dma_wait3A_196 = arith.constant 0 : i32
      %dma_wait3A_197 = tpu.memref_slice %arg6[%rem3A_112, %dma_wait3A_195, %dma_wait3A_196] : memref<2x8x64xi32, #tpu.memory_space<vmem>> -> memref<1x8x64xi32, #tpu.memory_space<vmem>>
      %dma_wait3A_198 = tpu.memref_squeeze %dma_wait3A_197 : memref<1x8x64xi32, #tpu.memory_space<vmem>> -> memref<8x64xi32, #tpu.memory_space<vmem>>
      %dma_wait3A_199 = arith.constant 0 : i32
      %dma_wait3A_200 = tpu.memref_slice %arg3[%multiple_of3A_119, %dma_wait3A_199] : memref<5120x64xi32, #tpu.memory_space<hbm>> -> memref<8x64xi32, #tpu.memory_space<hbm>>
      tpu.wait_dma2 semaphore(%arg17 : memref<!tpu.dma_semaphore, #tpu.memory_space<semaphore_mem>>) src(%dma_wait3A_200 : memref<8x64xi32, #tpu.memory_space<hbm>>) dst(%dma_wait3A_198 : memref<8x64xi32, #tpu.memory_space<vmem>>)
      %dma_wait3A_201 = arith.constant 0 : i32
      %dma_wait3A_202 = arith.constant 0 : i32
      %dma_wait3A_203 = tpu.memref_slice %arg7[%rem3A_112, %dma_wait3A_201, %dma_wait3A_202] : memref<2x8x64xi32, #tpu.memory_space<vmem>> -> memref<1x8x64xi32, #tpu.memory_space<vmem>>
      %dma_wait3A_204 = tpu.memref_squeeze %dma_wait3A_203 : memref<1x8x64xi32, #tpu.memory_space<vmem>> -> memref<8x64xi32, #tpu.memory_space<vmem>>
      %dma_wait3A_205 = arith.constant 0 : i32
      %dma_wait3A_206 = tpu.memref_slice %arg4[%multiple_of3A_119, %dma_wait3A_205] : memref<5120x64xi32, #tpu.memory_space<hbm>> -> memref<8x64xi32, #tpu.memory_space<hbm>>
      %dma_wait3A_207 = arith.constant 0 : i32
      %dma_wait3A_208 = arith.constant 0 : i32
      %dma_wait3A_209 = tpu.memref_slice %arg7[%rem3A_112, %dma_wait3A_207, %dma_wait3A_208] : memref<2x8x64xi32, #tpu.memory_space<vmem>> -> memref<1x8x64xi32, #tpu.memory_space<vmem>>
      %dma_wait3A_210 = tpu.memref_squeeze %dma_wait3A_209 : memref<1x8x64xi32, #tpu.memory_space<vmem>> -> memref<8x64xi32, #tpu.memory_space<vmem>>
      %dma_wait3A_211 = arith.constant 0 : i32
      %dma_wait3A_212 = tpu.memref_slice %arg4[%multiple_of3A_119, %dma_wait3A_211] : memref<5120x64xi32, #tpu.memory_space<hbm>> -> memref<8x64xi32, #tpu.memory_space<hbm>>
      tpu.wait_dma2 semaphore(%arg17 : memref<!tpu.dma_semaphore, #tpu.memory_space<semaphore_mem>>) src(%dma_wait3A_212 : memref<8x64xi32, #tpu.memory_space<hbm>>) dst(%dma_wait3A_210 : memref<8x64xi32, #tpu.memory_space<vmem>>)
      %dma_wait3A_213 = arith.constant 3 : i32
      %dma_wait3A_214 = arith.constant 0 : i32
      %dma_wait3A_215 = tpu.memref_slice %arg6[%rem3A_108, %dma_wait3A_213, %dma_wait3A_214] : memref<2x8x64xi32, #tpu.memory_space<vmem>> -> memref<1x1x64xi32, #tpu.memory_space<vmem>>
      %dma_wait3A_216 = tpu.memref_squeeze %dma_wait3A_215 : memref<1x1x64xi32, #tpu.memory_space<vmem>> -> memref<64xi32, #tpu.memory_space<vmem>>
      %dma_wait3A_217 = arith.constant 0 : i32
      %dma_wait3A_218 = arith.constant 0 : i32
      %dma_wait3A_219 = tpu.memref_slice %arg2[%dma_wait3A_217, %dma_wait3A_218] : memref<10000x128xf32, #tpu.memory_space<hbm>> -> memref<10000x128xf32, #tpu.memory_space<hbm>>
      tpu.wait_indirect_dma semaphore(%arg16 : memref<!tpu.dma_semaphore, #tpu.memory_space<semaphore_mem>>) src(%dma_wait3A_219 : memref<10000x128xf32, #tpu.memory_space<hbm>>) dst(%arg11 : memref<64x128xf32, #tpu.memory_space<vmem>>)
      %run_scoped3A_220 = arith.constant 3 : i32
      "tpu.region"() ({
        %run_scoped3A_288 = tpu.sem_alloc : memref<!tpu.dma_semaphore, #tpu.memory_space<semaphore_mem>>
        %dma_start3A_289 = arith.constant 0 : i32
        %dma_start3A_290 = tpu.memref_slice %arg7[%rem3A_108, %run_scoped3A_220, %dma_start3A_289] : memref<2x8x64xi32, #tpu.memory_space<vmem>> -> memref<1x1x64xi32, #tpu.memory_space<vmem>>
        %dma_start3A_291 = tpu.memref_squeeze %dma_start3A_290 : memref<1x1x64xi32, #tpu.memory_space<vmem>> -> memref<64xi32, #tpu.memory_space<vmem>>
        %dma_start3A_292 = arith.constant 0 : i32
        %dma_start3A_293 = arith.constant 0 : i32
        %dma_start3A_294 = tpu.memref_slice %arg12[%dma_start3A_292, %dma_start3A_293] : memref<10240x128xf32, #tpu.memory_space<vmem_shared>> -> memref<10240x128xf32, #tpu.memory_space<vmem_shared>>
        tpu.enqueue_indirect_dma source(%arg11 : memref<64x128xf32, #tpu.memory_space<vmem>>) target(%dma_start3A_294 : memref<10240x128xf32, #tpu.memory_space<vmem_shared>>) offsets(%dma_start3A_291 : memref<64xi32, #tpu.memory_space<vmem>>) semaphore(%run_scoped3A_288 : memref<!tpu.dma_semaphore, #tpu.memory_space<semaphore_mem>>) {add = true}
        %dma_wait3A_295 = arith.constant 0 : i32
        %dma_wait3A_296 = tpu.memref_slice %arg7[%rem3A_108, %run_scoped3A_220, %dma_wait3A_295] : memref<2x8x64xi32, #tpu.memory_space<vmem>> -> memref<1x1x64xi32, #tpu.memory_space<vmem>>
        %dma_wait3A_297 = tpu.memref_squeeze %dma_wait3A_296 : memref<1x1x64xi32, #tpu.memory_space<vmem>> -> memref<64xi32, #tpu.memory_space<vmem>>
        %dma_wait3A_298 = arith.constant 0 : i32
        %dma_wait3A_299 = arith.constant 0 : i32
        %dma_wait3A_300 = tpu.memref_slice %arg12[%dma_wait3A_298, %dma_wait3A_299] : memref<10240x128xf32, #tpu.memory_space<vmem_shared>> -> memref<10240x128xf32, #tpu.memory_space<vmem_shared>>
        tpu.wait_indirect_dma semaphore(%run_scoped3A_288 : memref<!tpu.dma_semaphore, #tpu.memory_space<semaphore_mem>>) src(%arg11 : memref<64x128xf32, #tpu.memory_space<vmem>>) dst(%dma_wait3A_300 : memref<10240x128xf32, #tpu.memory_space<vmem_shared>>)
        tpu.yield
      }) : () -> ()
      %dma_start3A_221 = arith.constant 7 : i32
      %dma_start3A_222 = arith.constant 0 : i32
      %dma_start3A_223 = tpu.memref_slice %arg6[%rem3A_108, %dma_start3A_221, %dma_start3A_222] : memref<2x8x64xi32, #tpu.memory_space<vmem>> -> memref<1x1x64xi32, #tpu.memory_space<vmem>>
      %dma_start3A_224 = tpu.memref_squeeze %dma_start3A_223 : memref<1x1x64xi32, #tpu.memory_space<vmem>> -> memref<64xi32, #tpu.memory_space<vmem>>
      %dma_start3A_225 = arith.constant 0 : i32
      %dma_start3A_226 = arith.constant 0 : i32
      %dma_start3A_227 = tpu.memref_slice %arg2[%dma_start3A_225, %dma_start3A_226] : memref<10000x128xf32, #tpu.memory_space<hbm>> -> memref<10000x128xf32, #tpu.memory_space<hbm>>
      tpu.enqueue_indirect_dma source(%dma_start3A_227 : memref<10000x128xf32, #tpu.memory_space<hbm>>) target(%arg11 : memref<64x128xf32, #tpu.memory_space<vmem>>) offsets(%dma_start3A_224 : memref<64xi32, #tpu.memory_space<vmem>>) semaphore(%arg16 : memref<!tpu.dma_semaphore, #tpu.memory_space<semaphore_mem>>)
      %dma_wait3A_228 = arith.constant 4 : i32
      %dma_wait3A_229 = arith.constant 0 : i32
      %dma_wait3A_230 = tpu.memref_slice %arg6[%rem3A_108, %dma_wait3A_228, %dma_wait3A_229] : memref<2x8x64xi32, #tpu.memory_space<vmem>> -> memref<1x1x64xi32, #tpu.memory_space<vmem>>
      %dma_wait3A_231 = tpu.memref_squeeze %dma_wait3A_230 : memref<1x1x64xi32, #tpu.memory_space<vmem>> -> memref<64xi32, #tpu.memory_space<vmem>>
      %dma_wait3A_232 = arith.constant 0 : i32
      %dma_wait3A_233 = arith.constant 0 : i32
      %dma_wait3A_234 = tpu.memref_slice %arg2[%dma_wait3A_232, %dma_wait3A_233] : memref<10000x128xf32, #tpu.memory_space<hbm>> -> memref<10000x128xf32, #tpu.memory_space<hbm>>
      tpu.wait_indirect_dma semaphore(%arg13 : memref<!tpu.dma_semaphore, #tpu.memory_space<semaphore_mem>>) src(%dma_wait3A_234 : memref<10000x128xf32, #tpu.memory_space<hbm>>) dst(%arg8 : memref<64x128xf32, #tpu.memory_space<vmem>>)
      %run_scoped3A_235 = arith.constant 4 : i32
      "tpu.region"() ({
        %run_scoped3A_288 = tpu.sem_alloc : memref<!tpu.dma_semaphore, #tpu.memory_space<semaphore_mem>>
        %dma_start3A_289 = arith.constant 0 : i32
        %dma_start3A_290 = tpu.memref_slice %arg7[%rem3A_108, %run_scoped3A_235, %dma_start3A_289] : memref<2x8x64xi32, #tpu.memory_space<vmem>> -> memref<1x1x64xi32, #tpu.memory_space<vmem>>
        %dma_start3A_291 = tpu.memref_squeeze %dma_start3A_290 : memref<1x1x64xi32, #tpu.memory_space<vmem>> -> memref<64xi32, #tpu.memory_space<vmem>>
        %dma_start3A_292 = arith.constant 0 : i32
        %dma_start3A_293 = arith.constant 0 : i32
        %dma_start3A_294 = tpu.memref_slice %arg12[%dma_start3A_292, %dma_start3A_293] : memref<10240x128xf32, #tpu.memory_space<vmem_shared>> -> memref<10240x128xf32, #tpu.memory_space<vmem_shared>>
        tpu.enqueue_indirect_dma source(%arg8 : memref<64x128xf32, #tpu.memory_space<vmem>>) target(%dma_start3A_294 : memref<10240x128xf32, #tpu.memory_space<vmem_shared>>) offsets(%dma_start3A_291 : memref<64xi32, #tpu.memory_space<vmem>>) semaphore(%run_scoped3A_288 : memref<!tpu.dma_semaphore, #tpu.memory_space<semaphore_mem>>) {add = true}
        %dma_wait3A_295 = arith.constant 0 : i32
        %dma_wait3A_296 = tpu.memref_slice %arg7[%rem3A_108, %run_scoped3A_235, %dma_wait3A_295] : memref<2x8x64xi32, #tpu.memory_space<vmem>> -> memref<1x1x64xi32, #tpu.memory_space<vmem>>
        %dma_wait3A_297 = tpu.memref_squeeze %dma_wait3A_296 : memref<1x1x64xi32, #tpu.memory_space<vmem>> -> memref<64xi32, #tpu.memory_space<vmem>>
        %dma_wait3A_298 = arith.constant 0 : i32
        %dma_wait3A_299 = arith.constant 0 : i32
        %dma_wait3A_300 = tpu.memref_slice %arg12[%dma_wait3A_298, %dma_wait3A_299] : memref<10240x128xf32, #tpu.memory_space<vmem_shared>> -> memref<10240x128xf32, #tpu.memory_space<vmem_shared>>
        tpu.wait_indirect_dma semaphore(%run_scoped3A_288 : memref<!tpu.dma_semaphore, #tpu.memory_space<semaphore_mem>>) src(%arg8 : memref<64x128xf32, #tpu.memory_space<vmem>>) dst(%dma_wait3A_300 : memref<10240x128xf32, #tpu.memory_space<vmem_shared>>)
        tpu.yield
      }) : () -> ()
      %dma_start3A_236 = arith.constant 0 : i32
      %dma_start3A_237 = arith.constant 0 : i32
      %dma_start3A_238 = tpu.memref_slice %arg6[%rem3A_112, %dma_start3A_236, %dma_start3A_237] : memref<2x8x64xi32, #tpu.memory_space<vmem>> -> memref<1x1x64xi32, #tpu.memory_space<vmem>>
      %dma_start3A_239 = tpu.memref_squeeze %dma_start3A_238 : memref<1x1x64xi32, #tpu.memory_space<vmem>> -> memref<64xi32, #tpu.memory_space<vmem>>
      %dma_start3A_240 = arith.constant 0 : i32
      %dma_start3A_241 = arith.constant 0 : i32
      %dma_start3A_242 = tpu.memref_slice %arg2[%dma_start3A_240, %dma_start3A_241] : memref<10000x128xf32, #tpu.memory_space<hbm>> -> memref<10000x128xf32, #tpu.memory_space<hbm>>
      tpu.enqueue_indirect_dma source(%dma_start3A_242 : memref<10000x128xf32, #tpu.memory_space<hbm>>) target(%arg8 : memref<64x128xf32, #tpu.memory_space<vmem>>) offsets(%dma_start3A_239 : memref<64xi32, #tpu.memory_space<vmem>>) semaphore(%arg13 : memref<!tpu.dma_semaphore, #tpu.memory_space<semaphore_mem>>)
      %dma_wait3A_243 = arith.constant 5 : i32
      %dma_wait3A_244 = arith.constant 0 : i32
      %dma_wait3A_245 = tpu.memref_slice %arg6[%rem3A_108, %dma_wait3A_243, %dma_wait3A_244] : memref<2x8x64xi32, #tpu.memory_space<vmem>> -> memref<1x1x64xi32, #tpu.memory_space<vmem>>
      %dma_wait3A_246 = tpu.memref_squeeze %dma_wait3A_245 : memref<1x1x64xi32, #tpu.memory_space<vmem>> -> memref<64xi32, #tpu.memory_space<vmem>>
      %dma_wait3A_247 = arith.constant 0 : i32
      %dma_wait3A_248 = arith.constant 0 : i32
      %dma_wait3A_249 = tpu.memref_slice %arg2[%dma_wait3A_247, %dma_wait3A_248] : memref<10000x128xf32, #tpu.memory_space<hbm>> -> memref<10000x128xf32, #tpu.memory_space<hbm>>
      tpu.wait_indirect_dma semaphore(%arg14 : memref<!tpu.dma_semaphore, #tpu.memory_space<semaphore_mem>>) src(%dma_wait3A_249 : memref<10000x128xf32, #tpu.memory_space<hbm>>) dst(%arg9 : memref<64x128xf32, #tpu.memory_space<vmem>>)
      %run_scoped3A_250 = arith.constant 5 : i32
      "tpu.region"() ({
        %run_scoped3A_288 = tpu.sem_alloc : memref<!tpu.dma_semaphore, #tpu.memory_space<semaphore_mem>>
        %dma_start3A_289 = arith.constant 0 : i32
        %dma_start3A_290 = tpu.memref_slice %arg7[%rem3A_108, %run_scoped3A_250, %dma_start3A_289] : memref<2x8x64xi32, #tpu.memory_space<vmem>> -> memref<1x1x64xi32, #tpu.memory_space<vmem>>
        %dma_start3A_291 = tpu.memref_squeeze %dma_start3A_290 : memref<1x1x64xi32, #tpu.memory_space<vmem>> -> memref<64xi32, #tpu.memory_space<vmem>>
        %dma_start3A_292 = arith.constant 0 : i32
        %dma_start3A_293 = arith.constant 0 : i32
        %dma_start3A_294 = tpu.memref_slice %arg12[%dma_start3A_292, %dma_start3A_293] : memref<10240x128xf32, #tpu.memory_space<vmem_shared>> -> memref<10240x128xf32, #tpu.memory_space<vmem_shared>>
        tpu.enqueue_indirect_dma source(%arg9 : memref<64x128xf32, #tpu.memory_space<vmem>>) target(%dma_start3A_294 : memref<10240x128xf32, #tpu.memory_space<vmem_shared>>) offsets(%dma_start3A_291 : memref<64xi32, #tpu.memory_space<vmem>>) semaphore(%run_scoped3A_288 : memref<!tpu.dma_semaphore, #tpu.memory_space<semaphore_mem>>) {add = true}
        %dma_wait3A_295 = arith.constant 0 : i32
        %dma_wait3A_296 = tpu.memref_slice %arg7[%rem3A_108, %run_scoped3A_250, %dma_wait3A_295] : memref<2x8x64xi32, #tpu.memory_space<vmem>> -> memref<1x1x64xi32, #tpu.memory_space<vmem>>
        %dma_wait3A_297 = tpu.memref_squeeze %dma_wait3A_296 : memref<1x1x64xi32, #tpu.memory_space<vmem>> -> memref<64xi32, #tpu.memory_space<vmem>>
        %dma_wait3A_298 = arith.constant 0 : i32
        %dma_wait3A_299 = arith.constant 0 : i32
        %dma_wait3A_300 = tpu.memref_slice %arg12[%dma_wait3A_298, %dma_wait3A_299] : memref<10240x128xf32, #tpu.memory_space<vmem_shared>> -> memref<10240x128xf32, #tpu.memory_space<vmem_shared>>
        tpu.wait_indirect_dma semaphore(%run_scoped3A_288 : memref<!tpu.dma_semaphore, #tpu.memory_space<semaphore_mem>>) src(%arg9 : memref<64x128xf32, #tpu.memory_space<vmem>>) dst(%dma_wait3A_300 : memref<10240x128xf32, #tpu.memory_space<vmem_shared>>)
        tpu.yield
      }) : () -> ()
      %dma_start3A_251 = arith.constant 1 : i32
      %dma_start3A_252 = arith.constant 0 : i32
      %dma_start3A_253 = tpu.memref_slice %arg6[%rem3A_112, %dma_start3A_251, %dma_start3A_252] : memref<2x8x64xi32, #tpu.memory_space<vmem>> -> memref<1x1x64xi32, #tpu.memory_space<vmem>>
      %dma_start3A_254 = tpu.memref_squeeze %dma_start3A_253 : memref<1x1x64xi32, #tpu.memory_space<vmem>> -> memref<64xi32, #tpu.memory_space<vmem>>
      %dma_start3A_255 = arith.constant 0 : i32
      %dma_start3A_256 = arith.constant 0 : i32
      %dma_start3A_257 = tpu.memref_slice %arg2[%dma_start3A_255, %dma_start3A_256] : memref<10000x128xf32, #tpu.memory_space<hbm>> -> memref<10000x128xf32, #tpu.memory_space<hbm>>
      tpu.enqueue_indirect_dma source(%dma_start3A_257 : memref<10000x128xf32, #tpu.memory_space<hbm>>) target(%arg9 : memref<64x128xf32, #tpu.memory_space<vmem>>) offsets(%dma_start3A_254 : memref<64xi32, #tpu.memory_space<vmem>>) semaphore(%arg14 : memref<!tpu.dma_semaphore, #tpu.memory_space<semaphore_mem>>)
      %dma_wait3A_258 = arith.constant 6 : i32
      %dma_wait3A_259 = arith.constant 0 : i32
      %dma_wait3A_260 = tpu.memref_slice %arg6[%rem3A_108, %dma_wait3A_258, %dma_wait3A_259] : memref<2x8x64xi32, #tpu.memory_space<vmem>> -> memref<1x1x64xi32, #tpu.memory_space<vmem>>
      %dma_wait3A_261 = tpu.memref_squeeze %dma_wait3A_260 : memref<1x1x64xi32, #tpu.memory_space<vmem>> -> memref<64xi32, #tpu.memory_space<vmem>>
      %dma_wait3A_262 = arith.constant 0 : i32
      %dma_wait3A_263 = arith.constant 0 : i32
      %dma_wait3A_264 = tpu.memref_slice %arg2[%dma_wait3A_262, %dma_wait3A_263] : memref<10000x128xf32, #tpu.memory_space<hbm>> -> memref<10000x128xf32, #tpu.memory_space<hbm>>
      tpu.wait_indirect_dma semaphore(%arg15 : memref<!tpu.dma_semaphore, #tpu.memory_space<semaphore_mem>>) src(%dma_wait3A_264 : memref<10000x128xf32, #tpu.memory_space<hbm>>) dst(%arg10 : memref<64x128xf32, #tpu.memory_space<vmem>>)
      %run_scoped3A_265 = arith.constant 6 : i32
      "tpu.region"() ({
        %run_scoped3A_288 = tpu.sem_alloc : memref<!tpu.dma_semaphore, #tpu.memory_space<semaphore_mem>>
        %dma_start3A_289 = arith.constant 0 : i32
        %dma_start3A_290 = tpu.memref_slice %arg7[%rem3A_108, %run_scoped3A_265, %dma_start3A_289] : memref<2x8x64xi32, #tpu.memory_space<vmem>> -> memref<1x1x64xi32, #tpu.memory_space<vmem>>
        %dma_start3A_291 = tpu.memref_squeeze %dma_start3A_290 : memref<1x1x64xi32, #tpu.memory_space<vmem>> -> memref<64xi32, #tpu.memory_space<vmem>>
        %dma_start3A_292 = arith.constant 0 : i32
        %dma_start3A_293 = arith.constant 0 : i32
        %dma_start3A_294 = tpu.memref_slice %arg12[%dma_start3A_292, %dma_start3A_293] : memref<10240x128xf32, #tpu.memory_space<vmem_shared>> -> memref<10240x128xf32, #tpu.memory_space<vmem_shared>>
        tpu.enqueue_indirect_dma source(%arg10 : memref<64x128xf32, #tpu.memory_space<vmem>>) target(%dma_start3A_294 : memref<10240x128xf32, #tpu.memory_space<vmem_shared>>) offsets(%dma_start3A_291 : memref<64xi32, #tpu.memory_space<vmem>>) semaphore(%run_scoped3A_288 : memref<!tpu.dma_semaphore, #tpu.memory_space<semaphore_mem>>) {add = true}
        %dma_wait3A_295 = arith.constant 0 : i32
        %dma_wait3A_296 = tpu.memref_slice %arg7[%rem3A_108, %run_scoped3A_265, %dma_wait3A_295] : memref<2x8x64xi32, #tpu.memory_space<vmem>> -> memref<1x1x64xi32, #tpu.memory_space<vmem>>
        %dma_wait3A_297 = tpu.memref_squeeze %dma_wait3A_296 : memref<1x1x64xi32, #tpu.memory_space<vmem>> -> memref<64xi32, #tpu.memory_space<vmem>>
        %dma_wait3A_298 = arith.constant 0 : i32
        %dma_wait3A_299 = arith.constant 0 : i32
        %dma_wait3A_300 = tpu.memref_slice %arg12[%dma_wait3A_298, %dma_wait3A_299] : memref<10240x128xf32, #tpu.memory_space<vmem_shared>> -> memref<10240x128xf32, #tpu.memory_space<vmem_shared>>
        tpu.wait_indirect_dma semaphore(%run_scoped3A_288 : memref<!tpu.dma_semaphore, #tpu.memory_space<semaphore_mem>>) src(%arg10 : memref<64x128xf32, #tpu.memory_space<vmem>>) dst(%dma_wait3A_300 : memref<10240x128xf32, #tpu.memory_space<vmem_shared>>)
        tpu.yield
      }) : () -> ()
      %dma_start3A_266 = arith.constant 2 : i32
      %dma_start3A_267 = arith.constant 0 : i32
      %dma_start3A_268 = tpu.memref_slice %arg6[%rem3A_112, %dma_start3A_266, %dma_start3A_267] : memref<2x8x64xi32, #tpu.memory_space<vmem>> -> memref<1x1x64xi32, #tpu.memory_space<vmem>>
      %dma_start3A_269 = tpu.memref_squeeze %dma_start3A_268 : memref<1x1x64xi32, #tpu.memory_space<vmem>> -> memref<64xi32, #tpu.memory_space<vmem>>
      %dma_start3A_270 = arith.constant 0 : i32
      %dma_start3A_271 = arith.constant 0 : i32
      %dma_start3A_272 = tpu.memref_slice %arg2[%dma_start3A_270, %dma_start3A_271] : memref<10000x128xf32, #tpu.memory_space<hbm>> -> memref<10000x128xf32, #tpu.memory_space<hbm>>
      tpu.enqueue_indirect_dma source(%dma_start3A_272 : memref<10000x128xf32, #tpu.memory_space<hbm>>) target(%arg10 : memref<64x128xf32, #tpu.memory_space<vmem>>) offsets(%dma_start3A_269 : memref<64xi32, #tpu.memory_space<vmem>>) semaphore(%arg15 : memref<!tpu.dma_semaphore, #tpu.memory_space<semaphore_mem>>)
      %dma_wait3A_273 = arith.constant 7 : i32
      %dma_wait3A_274 = arith.constant 0 : i32
      %dma_wait3A_275 = tpu.memref_slice %arg6[%rem3A_108, %dma_wait3A_273, %dma_wait3A_274] : memref<2x8x64xi32, #tpu.memory_space<vmem>> -> memref<1x1x64xi32, #tpu.memory_space<vmem>>
      %dma_wait3A_276 = tpu.memref_squeeze %dma_wait3A_275 : memref<1x1x64xi32, #tpu.memory_space<vmem>> -> memref<64xi32, #tpu.memory_space<vmem>>
      %dma_wait3A_277 = arith.constant 0 : i32
      %dma_wait3A_278 = arith.constant 0 : i32
      %dma_wait3A_279 = tpu.memref_slice %arg2[%dma_wait3A_277, %dma_wait3A_278] : memref<10000x128xf32, #tpu.memory_space<hbm>> -> memref<10000x128xf32, #tpu.memory_space<hbm>>
      tpu.wait_indirect_dma semaphore(%arg16 : memref<!tpu.dma_semaphore, #tpu.memory_space<semaphore_mem>>) src(%dma_wait3A_279 : memref<10000x128xf32, #tpu.memory_space<hbm>>) dst(%arg11 : memref<64x128xf32, #tpu.memory_space<vmem>>)
      %run_scoped3A_280 = arith.constant 7 : i32
      "tpu.region"() ({
        %run_scoped3A_288 = tpu.sem_alloc : memref<!tpu.dma_semaphore, #tpu.memory_space<semaphore_mem>>
        %dma_start3A_289 = arith.constant 0 : i32
        %dma_start3A_290 = tpu.memref_slice %arg7[%rem3A_108, %run_scoped3A_280, %dma_start3A_289] : memref<2x8x64xi32, #tpu.memory_space<vmem>> -> memref<1x1x64xi32, #tpu.memory_space<vmem>>
        %dma_start3A_291 = tpu.memref_squeeze %dma_start3A_290 : memref<1x1x64xi32, #tpu.memory_space<vmem>> -> memref<64xi32, #tpu.memory_space<vmem>>
        %dma_start3A_292 = arith.constant 0 : i32
        %dma_start3A_293 = arith.constant 0 : i32
        %dma_start3A_294 = tpu.memref_slice %arg12[%dma_start3A_292, %dma_start3A_293] : memref<10240x128xf32, #tpu.memory_space<vmem_shared>> -> memref<10240x128xf32, #tpu.memory_space<vmem_shared>>
        tpu.enqueue_indirect_dma source(%arg11 : memref<64x128xf32, #tpu.memory_space<vmem>>) target(%dma_start3A_294 : memref<10240x128xf32, #tpu.memory_space<vmem_shared>>) offsets(%dma_start3A_291 : memref<64xi32, #tpu.memory_space<vmem>>) semaphore(%run_scoped3A_288 : memref<!tpu.dma_semaphore, #tpu.memory_space<semaphore_mem>>) {add = true}
        %dma_wait3A_295 = arith.constant 0 : i32
        %dma_wait3A_296 = tpu.memref_slice %arg7[%rem3A_108, %run_scoped3A_280, %dma_wait3A_295] : memref<2x8x64xi32, #tpu.memory_space<vmem>> -> memref<1x1x64xi32, #tpu.memory_space<vmem>>
        %dma_wait3A_297 = tpu.memref_squeeze %dma_wait3A_296 : memref<1x1x64xi32, #tpu.memory_space<vmem>> -> memref<64xi32, #tpu.memory_space<vmem>>
        %dma_wait3A_298 = arith.constant 0 : i32
        %dma_wait3A_299 = arith.constant 0 : i32
        %dma_wait3A_300 = tpu.memref_slice %arg12[%dma_wait3A_298, %dma_wait3A_299] : memref<10240x128xf32, #tpu.memory_space<vmem_shared>> -> memref<10240x128xf32, #tpu.memory_space<vmem_shared>>
        tpu.wait_indirect_dma semaphore(%run_scoped3A_288 : memref<!tpu.dma_semaphore, #tpu.memory_space<semaphore_mem>>) src(%arg11 : memref<64x128xf32, #tpu.memory_space<vmem>>) dst(%dma_wait3A_300 : memref<10240x128xf32, #tpu.memory_space<vmem_shared>>)
        tpu.yield
      }) : () -> ()
      %dma_start3A_281 = arith.constant 3 : i32
      %dma_start3A_282 = arith.constant 0 : i32
      %dma_start3A_283 = tpu.memref_slice %arg6[%rem3A_112, %dma_start3A_281, %dma_start3A_282] : memref<2x8x64xi32, #tpu.memory_space<vmem>> -> memref<1x1x64xi32, #tpu.memory_space<vmem>>
      %dma_start3A_284 = tpu.memref_squeeze %dma_start3A_283 : memref<1x1x64xi32, #tpu.memory_space<vmem>> -> memref<64xi32, #tpu.memory_space<vmem>>
      %dma_start3A_285 = arith.constant 0 : i32
      %dma_start3A_286 = arith.constant 0 : i32
      %dma_start3A_287 = tpu.memref_slice %arg2[%dma_start3A_285, %dma_start3A_286] : memref<10000x128xf32, #tpu.memory_space<hbm>> -> memref<10000x128xf32, #tpu.memory_space<hbm>>
      tpu.enqueue_indirect_dma source(%dma_start3A_287 : memref<10000x128xf32, #tpu.memory_space<hbm>>) target(%arg11 : memref<64x128xf32, #tpu.memory_space<vmem>>) offsets(%dma_start3A_284 : memref<64xi32, #tpu.memory_space<vmem>>) semaphore(%arg16 : memref<!tpu.dma_semaphore, #tpu.memory_space<semaphore_mem>>)
    }
    %while3A_74 = arith.constant 1 : i32
    scf.for %while3A_107 = %while3A_72 to %while3A_68 step %while3A_74  : i32 {
      %rem3A = arith.constant 2 : i32
      %rem3A_108 = arith.remsi %while3A_107, %rem3A : i32
      %add3A_109 = arith.constant 1 : i32
      %add3A_110 = arith.addi %while3A_107, %add3A_109 : i32
      %rem3A_111 = arith.constant 2 : i32
      %rem3A_112 = arith.remsi %add3A_110, %rem3A_111 : i32
      %add3A_113 = arith.constant 1 : i32
      %add3A_114 = arith.addi %while3A_107, %add3A_113 : i32
      %rem3A_115 = arith.remsi %add3A_114, %select_n3A : i32
      %mul3A_116 = arith.constant 8 : i32
      %mul3A_117 = arith.muli %rem3A_115, %mul3A_116 : i32
      %add3A_118 = arith.addi %multiple_of3A, %mul3A_117 : i32
      %multiple_of3A_119 = tpu.assume_multiple %add3A_118, 8 : i32
      %dma_start3A_120 = arith.constant 0 : i32
      %dma_start3A_121 = arith.constant 0 : i32
      %dma_start3A_122 = tpu.memref_slice %arg6[%rem3A_112, %dma_start3A_120, %dma_start3A_121] : memref<2x8x64xi32, #tpu.memory_space<vmem>> -> memref<1x8x64xi32, #tpu.memory_space<vmem>>
      %dma_start3A_123 = tpu.memref_squeeze %dma_start3A_122 : memref<1x8x64xi32, #tpu.memory_space<vmem>> -> memref<8x64xi32, #tpu.memory_space<vmem>>
      %dma_start3A_124 = arith.constant 0 : i32
      %dma_start3A_125 = tpu.memref_slice %arg3[%multiple_of3A_119, %dma_start3A_124] : memref<5120x64xi32, #tpu.memory_space<hbm>> -> memref<8x64xi32, #tpu.memory_space<hbm>>
      %dma_start3A_126 = arith.constant 0 : i32
      %dma_start3A_127 = arith.constant 0 : i32
      %dma_start3A_128 = tpu.memref_slice %arg6[%rem3A_112, %dma_start3A_126, %dma_start3A_127] : memref<2x8x64xi32, #tpu.memory_space<vmem>> -> memref<1x8x64xi32, #tpu.memory_space<vmem>>
      %dma_start3A_129 = tpu.memref_squeeze %dma_start3A_128 : memref<1x8x64xi32, #tpu.memory_space<vmem>> -> memref<8x64xi32, #tpu.memory_space<vmem>>
      %dma_start3A_130 = arith.constant 0 : i32
      %dma_start3A_131 = tpu.memref_slice %arg3[%multiple_of3A_119, %dma_start3A_130] : memref<5120x64xi32, #tpu.memory_space<hbm>> -> memref<8x64xi32, #tpu.memory_space<hbm>>
      tpu.enqueue_dma source(%dma_start3A_131 : memref<8x64xi32, #tpu.memory_space<hbm>>) target(%dma_start3A_129 : memref<8x64xi32, #tpu.memory_space<vmem>>) target_semaphore(%arg17 : memref<!tpu.dma_semaphore, #tpu.memory_space<semaphore_mem>>)
      %dma_start3A_132 = arith.constant 0 : i32
      %dma_start3A_133 = arith.constant 0 : i32
      %dma_start3A_134 = tpu.memref_slice %arg7[%rem3A_112, %dma_start3A_132, %dma_start3A_133] : memref<2x8x64xi32, #tpu.memory_space<vmem>> -> memref<1x8x64xi32, #tpu.memory_space<vmem>>
      %dma_start3A_135 = tpu.memref_squeeze %dma_start3A_134 : memref<1x8x64xi32, #tpu.memory_space<vmem>> -> memref<8x64xi32, #tpu.memory_space<vmem>>
      %dma_start3A_136 = arith.constant 0 : i32
      %dma_start3A_137 = tpu.memref_slice %arg4[%multiple_of3A_119, %dma_start3A_136] : memref<5120x64xi32, #tpu.memory_space<hbm>> -> memref<8x64xi32, #tpu.memory_space<hbm>>
      %dma_start3A_138 = arith.constant 0 : i32
      %dma_start3A_139 = arith.constant 0 : i32
      %dma_start3A_140 = tpu.memref_slice %arg7[%rem3A_112, %dma_start3A_138, %dma_start3A_139] : memref<2x8x64xi32, #tpu.memory_space<vmem>> -> memref<1x8x64xi32, #tpu.memory_space<vmem>>
      %dma_start3A_141 = tpu.memref_squeeze %dma_start3A_140 : memref<1x8x64xi32, #tpu.memory_space<vmem>> -> memref<8x64xi32, #tpu.memory_space<vmem>>
      %dma_start3A_142 = arith.constant 0 : i32
      %dma_start3A_143 = tpu.memref_slice %arg4[%multiple_of3A_119, %dma_start3A_142] : memref<5120x64xi32, #tpu.memory_space<hbm>> -> memref<8x64xi32, #tpu.memory_space<hbm>>
      tpu.enqueue_dma source(%dma_start3A_143 : memref<8x64xi32, #tpu.memory_space<hbm>>) target(%dma_start3A_141 : memref<8x64xi32, #tpu.memory_space<vmem>>) target_semaphore(%arg17 : memref<!tpu.dma_semaphore, #tpu.memory_space<semaphore_mem>>)
      %dma_wait3A_144 = arith.constant 0 : i32
      %dma_wait3A_145 = arith.constant 0 : i32
      %dma_wait3A_146 = tpu.memref_slice %arg6[%rem3A_108, %dma_wait3A_144, %dma_wait3A_145] : memref<2x8x64xi32, #tpu.memory_space<vmem>> -> memref<1x1x64xi32, #tpu.memory_space<vmem>>
      %dma_wait3A_147 = tpu.memref_squeeze %dma_wait3A_146 : memref<1x1x64xi32, #tpu.memory_space<vmem>> -> memref<64xi32, #tpu.memory_space<vmem>>
      %dma_wait3A_148 = arith.constant 0 : i32
      %dma_wait3A_149 = arith.constant 0 : i32
      %dma_wait3A_150 = tpu.memref_slice %arg2[%dma_wait3A_148, %dma_wait3A_149] : memref<10000x128xf32, #tpu.memory_space<hbm>> -> memref<10000x128xf32, #tpu.memory_space<hbm>>
      tpu.wait_indirect_dma semaphore(%arg13 : memref<!tpu.dma_semaphore, #tpu.memory_space<semaphore_mem>>) src(%dma_wait3A_150 : memref<10000x128xf32, #tpu.memory_space<hbm>>) dst(%arg8 : memref<64x128xf32, #tpu.memory_space<vmem>>)
      %run_scoped3A_151 = arith.constant 0 : i32
      "tpu.region"() ({
        %run_scoped3A_288 = tpu.sem_alloc : memref<!tpu.dma_semaphore, #tpu.memory_space<semaphore_mem>>
        %dma_start3A_289 = arith.constant 0 : i32
        %dma_start3A_290 = tpu.memref_slice %arg7[%rem3A_108, %run_scoped3A_151, %dma_start3A_289] : memref<2x8x64xi32, #tpu.memory_space<vmem>> -> memref<1x1x64xi32, #tpu.memory_space<vmem>>
        %dma_start3A_291 = tpu.memref_squeeze %dma_start3A_290 : memref<1x1x64xi32, #tpu.memory_space<vmem>> -> memref<64xi32, #tpu.memory_space<vmem>>
        %dma_start3A_292 = arith.constant 0 : i32
        %dma_start3A_293 = arith.constant 0 : i32
        %dma_start3A_294 = tpu.memref_slice %arg12[%dma_start3A_292, %dma_start3A_293] : memref<10240x128xf32, #tpu.memory_space<vmem_shared>> -> memref<10240x128xf32, #tpu.memory_space<vmem_shared>>
        tpu.enqueue_indirect_dma source(%arg8 : memref<64x128xf32, #tpu.memory_space<vmem>>) target(%dma_start3A_294 : memref<10240x128xf32, #tpu.memory_space<vmem_shared>>) offsets(%dma_start3A_291 : memref<64xi32, #tpu.memory_space<vmem>>) semaphore(%run_scoped3A_288 : memref<!tpu.dma_semaphore, #tpu.memory_space<semaphore_mem>>) {add = true}
        %dma_wait3A_295 = arith.constant 0 : i32
        %dma_wait3A_296 = tpu.memref_slice %arg7[%rem3A_108, %run_scoped3A_151, %dma_wait3A_295] : memref<2x8x64xi32, #tpu.memory_space<vmem>> -> memref<1x1x64xi32, #tpu.memory_space<vmem>>
        %dma_wait3A_297 = tpu.memref_squeeze %dma_wait3A_296 : memref<1x1x64xi32, #tpu.memory_space<vmem>> -> memref<64xi32, #tpu.memory_space<vmem>>
        %dma_wait3A_298 = arith.constant 0 : i32
        %dma_wait3A_299 = arith.constant 0 : i32
        %dma_wait3A_300 = tpu.memref_slice %arg12[%dma_wait3A_298, %dma_wait3A_299] : memref<10240x128xf32, #tpu.memory_space<vmem_shared>> -> memref<10240x128xf32, #tpu.memory_space<vmem_shared>>
        tpu.wait_indirect_dma semaphore(%run_scoped3A_288 : memref<!tpu.dma_semaphore, #tpu.memory_space<semaphore_mem>>) src(%arg8 : memref<64x128xf32, #tpu.memory_space<vmem>>) dst(%dma_wait3A_300 : memref<10240x128xf32, #tpu.memory_space<vmem_shared>>)
        tpu.yield
      }) : () -> ()
      %dma_start3A_152 = arith.constant 4 : i32
      %dma_start3A_153 = arith.constant 0 : i32
      %dma_start3A_154 = tpu.memref_slice %arg6[%rem3A_108, %dma_start3A_152, %dma_start3A_153] : memref<2x8x64xi32, #tpu.memory_space<vmem>> -> memref<1x1x64xi32, #tpu.memory_space<vmem>>
      %dma_start3A_155 = tpu.memref_squeeze %dma_start3A_154 : memref<1x1x64xi32, #tpu.memory_space<vmem>> -> memref<64xi32, #tpu.memory_space<vmem>>
      %dma_start3A_156 = arith.constant 0 : i32
      %dma_start3A_157 = arith.constant 0 : i32
      %dma_start3A_158 = tpu.memref_slice %arg2[%dma_start3A_156, %dma_start3A_157] : memref<10000x128xf32, #tpu.memory_space<hbm>> -> memref<10000x128xf32, #tpu.memory_space<hbm>>
      tpu.enqueue_indirect_dma source(%dma_start3A_158 : memref<10000x128xf32, #tpu.memory_space<hbm>>) target(%arg8 : memref<64x128xf32, #tpu.memory_space<vmem>>) offsets(%dma_start3A_155 : memref<64xi32, #tpu.memory_space<vmem>>) semaphore(%arg13 : memref<!tpu.dma_semaphore, #tpu.memory_space<semaphore_mem>>)
      %dma_wait3A_159 = arith.constant 1 : i32
      %dma_wait3A_160 = arith.constant 0 : i32
      %dma_wait3A_161 = tpu.memref_slice %arg6[%rem3A_108, %dma_wait3A_159, %dma_wait3A_160] : memref<2x8x64xi32, #tpu.memory_space<vmem>> -> memref<1x1x64xi32, #tpu.memory_space<vmem>>
      %dma_wait3A_162 = tpu.memref_squeeze %dma_wait3A_161 : memref<1x1x64xi32, #tpu.memory_space<vmem>> -> memref<64xi32, #tpu.memory_space<vmem>>
      %dma_wait3A_163 = arith.constant 0 : i32
      %dma_wait3A_164 = arith.constant 0 : i32
      %dma_wait3A_165 = tpu.memref_slice %arg2[%dma_wait3A_163, %dma_wait3A_164] : memref<10000x128xf32, #tpu.memory_space<hbm>> -> memref<10000x128xf32, #tpu.memory_space<hbm>>
      tpu.wait_indirect_dma semaphore(%arg14 : memref<!tpu.dma_semaphore, #tpu.memory_space<semaphore_mem>>) src(%dma_wait3A_165 : memref<10000x128xf32, #tpu.memory_space<hbm>>) dst(%arg9 : memref<64x128xf32, #tpu.memory_space<vmem>>)
      %run_scoped3A_166 = arith.constant 1 : i32
      "tpu.region"() ({
        %run_scoped3A_288 = tpu.sem_alloc : memref<!tpu.dma_semaphore, #tpu.memory_space<semaphore_mem>>
        %dma_start3A_289 = arith.constant 0 : i32
        %dma_start3A_290 = tpu.memref_slice %arg7[%rem3A_108, %run_scoped3A_166, %dma_start3A_289] : memref<2x8x64xi32, #tpu.memory_space<vmem>> -> memref<1x1x64xi32, #tpu.memory_space<vmem>>
        %dma_start3A_291 = tpu.memref_squeeze %dma_start3A_290 : memref<1x1x64xi32, #tpu.memory_space<vmem>> -> memref<64xi32, #tpu.memory_space<vmem>>
        %dma_start3A_292 = arith.constant 0 : i32
        %dma_start3A_293 = arith.constant 0 : i32
        %dma_start3A_294 = tpu.memref_slice %arg12[%dma_start3A_292, %dma_start3A_293] : memref<10240x128xf32, #tpu.memory_space<vmem_shared>> -> memref<10240x128xf32, #tpu.memory_space<vmem_shared>>
        tpu.enqueue_indirect_dma source(%arg9 : memref<64x128xf32, #tpu.memory_space<vmem>>) target(%dma_start3A_294 : memref<10240x128xf32, #tpu.memory_space<vmem_shared>>) offsets(%dma_start3A_291 : memref<64xi32, #tpu.memory_space<vmem>>) semaphore(%run_scoped3A_288 : memref<!tpu.dma_semaphore, #tpu.memory_space<semaphore_mem>>) {add = true}
        %dma_wait3A_295 = arith.constant 0 : i32
        %dma_wait3A_296 = tpu.memref_slice %arg7[%rem3A_108, %run_scoped3A_166, %dma_wait3A_295] : memref<2x8x64xi32, #tpu.memory_space<vmem>> -> memref<1x1x64xi32, #tpu.memory_space<vmem>>
        %dma_wait3A_297 = tpu.memref_squeeze %dma_wait3A_296 : memref<1x1x64xi32, #tpu.memory_space<vmem>> -> memref<64xi32, #tpu.memory_space<vmem>>
        %dma_wait3A_298 = arith.constant 0 : i32
        %dma_wait3A_299 = arith.constant 0 : i32
        %dma_wait3A_300 = tpu.memref_slice %arg12[%dma_wait3A_298, %dma_wait3A_299] : memref<10240x128xf32, #tpu.memory_space<vmem_shared>> -> memref<10240x128xf32, #tpu.memory_space<vmem_shared>>
        tpu.wait_indirect_dma semaphore(%run_scoped3A_288 : memref<!tpu.dma_semaphore, #tpu.memory_space<semaphore_mem>>) src(%arg9 : memref<64x128xf32, #tpu.memory_space<vmem>>) dst(%dma_wait3A_300 : memref<10240x128xf32, #tpu.memory_space<vmem_shared>>)
        tpu.yield
      }) : () -> ()
      %dma_start3A_167 = arith.constant 5 : i32
      %dma_start3A_168 = arith.constant 0 : i32
      %dma_start3A_169 = tpu.memref_slice %arg6[%rem3A_108, %dma_start3A_167, %dma_start3A_168] : memref<2x8x64xi32, #tpu.memory_space<vmem>> -> memref<1x1x64xi32, #tpu.memory_space<vmem>>
      %dma_start3A_170 = tpu.memref_squeeze %dma_start3A_169 : memref<1x1x64xi32, #tpu.memory_space<vmem>> -> memref<64xi32, #tpu.memory_space<vmem>>
      %dma_start3A_171 = arith.constant 0 : i32
      %dma_start3A_172 = arith.constant 0 : i32
      %dma_start3A_173 = tpu.memref_slice %arg2[%dma_start3A_171, %dma_start3A_172] : memref<10000x128xf32, #tpu.memory_space<hbm>> -> memref<10000x128xf32, #tpu.memory_space<hbm>>
      tpu.enqueue_indirect_dma source(%dma_start3A_173 : memref<10000x128xf32, #tpu.memory_space<hbm>>) target(%arg9 : memref<64x128xf32, #tpu.memory_space<vmem>>) offsets(%dma_start3A_170 : memref<64xi32, #tpu.memory_space<vmem>>) semaphore(%arg14 : memref<!tpu.dma_semaphore, #tpu.memory_space<semaphore_mem>>)
      %dma_wait3A_174 = arith.constant 2 : i32
      %dma_wait3A_175 = arith.constant 0 : i32
      %dma_wait3A_176 = tpu.memref_slice %arg6[%rem3A_108, %dma_wait3A_174, %dma_wait3A_175] : memref<2x8x64xi32, #tpu.memory_space<vmem>> -> memref<1x1x64xi32, #tpu.memory_space<vmem>>
      %dma_wait3A_177 = tpu.memref_squeeze %dma_wait3A_176 : memref<1x1x64xi32, #tpu.memory_space<vmem>> -> memref<64xi32, #tpu.memory_space<vmem>>
      %dma_wait3A_178 = arith.constant 0 : i32
      %dma_wait3A_179 = arith.constant 0 : i32
      %dma_wait3A_180 = tpu.memref_slice %arg2[%dma_wait3A_178, %dma_wait3A_179] : memref<10000x128xf32, #tpu.memory_space<hbm>> -> memref<10000x128xf32, #tpu.memory_space<hbm>>
      tpu.wait_indirect_dma semaphore(%arg15 : memref<!tpu.dma_semaphore, #tpu.memory_space<semaphore_mem>>) src(%dma_wait3A_180 : memref<10000x128xf32, #tpu.memory_space<hbm>>) dst(%arg10 : memref<64x128xf32, #tpu.memory_space<vmem>>)
      %run_scoped3A_181 = arith.constant 2 : i32
      "tpu.region"() ({
        %run_scoped3A_288 = tpu.sem_alloc : memref<!tpu.dma_semaphore, #tpu.memory_space<semaphore_mem>>
        %dma_start3A_289 = arith.constant 0 : i32
        %dma_start3A_290 = tpu.memref_slice %arg7[%rem3A_108, %run_scoped3A_181, %dma_start3A_289] : memref<2x8x64xi32, #tpu.memory_space<vmem>> -> memref<1x1x64xi32, #tpu.memory_space<vmem>>
        %dma_start3A_291 = tpu.memref_squeeze %dma_start3A_290 : memref<1x1x64xi32, #tpu.memory_space<vmem>> -> memref<64xi32, #tpu.memory_space<vmem>>
        %dma_start3A_292 = arith.constant 0 : i32
        %dma_start3A_293 = arith.constant 0 : i32
        %dma_start3A_294 = tpu.memref_slice %arg12[%dma_start3A_292, %dma_start3A_293] : memref<10240x128xf32, #tpu.memory_space<vmem_shared>> -> memref<10240x128xf32, #tpu.memory_space<vmem_shared>>
        tpu.enqueue_indirect_dma source(%arg10 : memref<64x128xf32, #tpu.memory_space<vmem>>) target(%dma_start3A_294 : memref<10240x128xf32, #tpu.memory_space<vmem_shared>>) offsets(%dma_start3A_291 : memref<64xi32, #tpu.memory_space<vmem>>) semaphore(%run_scoped3A_288 : memref<!tpu.dma_semaphore, #tpu.memory_space<semaphore_mem>>) {add = true}
        %dma_wait3A_295 = arith.constant 0 : i32
        %dma_wait3A_296 = tpu.memref_slice %arg7[%rem3A_108, %run_scoped3A_181, %dma_wait3A_295] : memref<2x8x64xi32, #tpu.memory_space<vmem>> -> memref<1x1x64xi32, #tpu.memory_space<vmem>>
        %dma_wait3A_297 = tpu.memref_squeeze %dma_wait3A_296 : memref<1x1x64xi32, #tpu.memory_space<vmem>> -> memref<64xi32, #tpu.memory_space<vmem>>
        %dma_wait3A_298 = arith.constant 0 : i32
        %dma_wait3A_299 = arith.constant 0 : i32
        %dma_wait3A_300 = tpu.memref_slice %arg12[%dma_wait3A_298, %dma_wait3A_299] : memref<10240x128xf32, #tpu.memory_space<vmem_shared>> -> memref<10240x128xf32, #tpu.memory_space<vmem_shared>>
        tpu.wait_indirect_dma semaphore(%run_scoped3A_288 : memref<!tpu.dma_semaphore, #tpu.memory_space<semaphore_mem>>) src(%arg10 : memref<64x128xf32, #tpu.memory_space<vmem>>) dst(%dma_wait3A_300 : memref<10240x128xf32, #tpu.memory_space<vmem_shared>>)
        tpu.yield
      }) : () -> ()
      %dma_start3A_182 = arith.constant 6 : i32
      %dma_start3A_183 = arith.constant 0 : i32
      %dma_start3A_184 = tpu.memref_slice %arg6[%rem3A_108, %dma_start3A_182, %dma_start3A_183] : memref<2x8x64xi32, #tpu.memory_space<vmem>> -> memref<1x1x64xi32, #tpu.memory_space<vmem>>
      %dma_start3A_185 = tpu.memref_squeeze %dma_start3A_184 : memref<1x1x64xi32, #tpu.memory_space<vmem>> -> memref<64xi32, #tpu.memory_space<vmem>>
      %dma_start3A_186 = arith.constant 0 : i32
      %dma_start3A_187 = arith.constant 0 : i32
      %dma_start3A_188 = tpu.memref_slice %arg2[%dma_start3A_186, %dma_start3A_187] : memref<10000x128xf32, #tpu.memory_space<hbm>> -> memref<10000x128xf32, #tpu.memory_space<hbm>>
      tpu.enqueue_indirect_dma source(%dma_start3A_188 : memref<10000x128xf32, #tpu.memory_space<hbm>>) target(%arg10 : memref<64x128xf32, #tpu.memory_space<vmem>>) offsets(%dma_start3A_185 : memref<64xi32, #tpu.memory_space<vmem>>) semaphore(%arg15 : memref<!tpu.dma_semaphore, #tpu.memory_space<semaphore_mem>>)
      %dma_wait3A_189 = arith.constant 0 : i32
      %dma_wait3A_190 = arith.constant 0 : i32
      %dma_wait3A_191 = tpu.memref_slice %arg6[%rem3A_112, %dma_wait3A_189, %dma_wait3A_190] : memref<2x8x64xi32, #tpu.memory_space<vmem>> -> memref<1x8x64xi32, #tpu.memory_space<vmem>>
      %dma_wait3A_192 = tpu.memref_squeeze %dma_wait3A_191 : memref<1x8x64xi32, #tpu.memory_space<vmem>> -> memref<8x64xi32, #tpu.memory_space<vmem>>
      %dma_wait3A_193 = arith.constant 0 : i32
      %dma_wait3A_194 = tpu.memref_slice %arg3[%multiple_of3A_119, %dma_wait3A_193] : memref<5120x64xi32, #tpu.memory_space<hbm>> -> memref<8x64xi32, #tpu.memory_space<hbm>>
      %dma_wait3A_195 = arith.constant 0 : i32
      %dma_wait3A_196 = arith.constant 0 : i32
      %dma_wait3A_197 = tpu.memref_slice %arg6[%rem3A_112, %dma_wait3A_195, %dma_wait3A_196] : memref<2x8x64xi32, #tpu.memory_space<vmem>> -> memref<1x8x64xi32, #tpu.memory_space<vmem>>
      %dma_wait3A_198 = tpu.memref_squeeze %dma_wait3A_197 : memref<1x8x64xi32, #tpu.memory_space<vmem>> -> memref<8x64xi32, #tpu.memory_space<vmem>>
      %dma_wait3A_199 = arith.constant 0 : i32
      %dma_wait3A_200 = tpu.memref_slice %arg3[%multiple_of3A_119, %dma_wait3A_199] : memref<5120x64xi32, #tpu.memory_space<hbm>> -> memref<8x64xi32, #tpu.memory_space<hbm>>
      tpu.wait_dma2 semaphore(%arg17 : memref<!tpu.dma_semaphore, #tpu.memory_space<semaphore_mem>>) src(%dma_wait3A_200 : memref<8x64xi32, #tpu.memory_space<hbm>>) dst(%dma_wait3A_198 : memref<8x64xi32, #tpu.memory_space<vmem>>)
      %dma_wait3A_201 = arith.constant 0 : i32
      %dma_wait3A_202 = arith.constant 0 : i32
      %dma_wait3A_203 = tpu.memref_slice %arg7[%rem3A_112, %dma_wait3A_201, %dma_wait3A_202] : memref<2x8x64xi32, #tpu.memory_space<vmem>> -> memref<1x8x64xi32, #tpu.memory_space<vmem>>
      %dma_wait3A_204 = tpu.memref_squeeze %dma_wait3A_203 : memref<1x8x64xi32, #tpu.memory_space<vmem>> -> memref<8x64xi32, #tpu.memory_space<vmem>>
      %dma_wait3A_205 = arith.constant 0 : i32
      %dma_wait3A_206 = tpu.memref_slice %arg4[%multiple_of3A_119, %dma_wait3A_205] : memref<5120x64xi32, #tpu.memory_space<hbm>> -> memref<8x64xi32, #tpu.memory_space<hbm>>
      %dma_wait3A_207 = arith.constant 0 : i32
      %dma_wait3A_208 = arith.constant 0 : i32
      %dma_wait3A_209 = tpu.memref_slice %arg7[%rem3A_112, %dma_wait3A_207, %dma_wait3A_208] : memref<2x8x64xi32, #tpu.memory_space<vmem>> -> memref<1x8x64xi32, #tpu.memory_space<vmem>>
      %dma_wait3A_210 = tpu.memref_squeeze %dma_wait3A_209 : memref<1x8x64xi32, #tpu.memory_space<vmem>> -> memref<8x64xi32, #tpu.memory_space<vmem>>
      %dma_wait3A_211 = arith.constant 0 : i32
      %dma_wait3A_212 = tpu.memref_slice %arg4[%multiple_of3A_119, %dma_wait3A_211] : memref<5120x64xi32, #tpu.memory_space<hbm>> -> memref<8x64xi32, #tpu.memory_space<hbm>>
      tpu.wait_dma2 semaphore(%arg17 : memref<!tpu.dma_semaphore, #tpu.memory_space<semaphore_mem>>) src(%dma_wait3A_212 : memref<8x64xi32, #tpu.memory_space<hbm>>) dst(%dma_wait3A_210 : memref<8x64xi32, #tpu.memory_space<vmem>>)
      %dma_wait3A_213 = arith.constant 3 : i32
      %dma_wait3A_214 = arith.constant 0 : i32
      %dma_wait3A_215 = tpu.memref_slice %arg6[%rem3A_108, %dma_wait3A_213, %dma_wait3A_214] : memref<2x8x64xi32, #tpu.memory_space<vmem>> -> memref<1x1x64xi32, #tpu.memory_space<vmem>>
      %dma_wait3A_216 = tpu.memref_squeeze %dma_wait3A_215 : memref<1x1x64xi32, #tpu.memory_space<vmem>> -> memref<64xi32, #tpu.memory_space<vmem>>
      %dma_wait3A_217 = arith.constant 0 : i32
      %dma_wait3A_218 = arith.constant 0 : i32
      %dma_wait3A_219 = tpu.memref_slice %arg2[%dma_wait3A_217, %dma_wait3A_218] : memref<10000x128xf32, #tpu.memory_space<hbm>> -> memref<10000x128xf32, #tpu.memory_space<hbm>>
      tpu.wait_indirect_dma semaphore(%arg16 : memref<!tpu.dma_semaphore, #tpu.memory_space<semaphore_mem>>) src(%dma_wait3A_219 : memref<10000x128xf32, #tpu.memory_space<hbm>>) dst(%arg11 : memref<64x128xf32, #tpu.memory_space<vmem>>)
      %run_scoped3A_220 = arith.constant 3 : i32
      "tpu.region"() ({
        %run_scoped3A_288 = tpu.sem_alloc : memref<!tpu.dma_semaphore, #tpu.memory_space<semaphore_mem>>
        %dma_start3A_289 = arith.constant 0 : i32
        %dma_start3A_290 = tpu.memref_slice %arg7[%rem3A_108, %run_scoped3A_220, %dma_start3A_289] : memref<2x8x64xi32, #tpu.memory_space<vmem>> -> memref<1x1x64xi32, #tpu.memory_space<vmem>>
        %dma_start3A_291 = tpu.memref_squeeze %dma_start3A_290 : memref<1x1x64xi32, #tpu.memory_space<vmem>> -> memref<64xi32, #tpu.memory_space<vmem>>
        %dma_start3A_292 = arith.constant 0 : i32
        %dma_start3A_293 = arith.constant 0 : i32
        %dma_start3A_294 = tpu.memref_slice %arg12[%dma_start3A_292, %dma_start3A_293] : memref<10240x128xf32, #tpu.memory_space<vmem_shared>> -> memref<10240x128xf32, #tpu.memory_space<vmem_shared>>
        tpu.enqueue_indirect_dma source(%arg11 : memref<64x128xf32, #tpu.memory_space<vmem>>) target(%dma_start3A_294 : memref<10240x128xf32, #tpu.memory_space<vmem_shared>>) offsets(%dma_start3A_291 : memref<64xi32, #tpu.memory_space<vmem>>) semaphore(%run_scoped3A_288 : memref<!tpu.dma_semaphore, #tpu.memory_space<semaphore_mem>>) {add = true}
        %dma_wait3A_295 = arith.constant 0 : i32
        %dma_wait3A_296 = tpu.memref_slice %arg7[%rem3A_108, %run_scoped3A_220, %dma_wait3A_295] : memref<2x8x64xi32, #tpu.memory_space<vmem>> -> memref<1x1x64xi32, #tpu.memory_space<vmem>>
        %dma_wait3A_297 = tpu.memref_squeeze %dma_wait3A_296 : memref<1x1x64xi32, #tpu.memory_space<vmem>> -> memref<64xi32, #tpu.memory_space<vmem>>
        %dma_wait3A_298 = arith.constant 0 : i32
        %dma_wait3A_299 = arith.constant 0 : i32
        %dma_wait3A_300 = tpu.memref_slice %arg12[%dma_wait3A_298, %dma_wait3A_299] : memref<10240x128xf32, #tpu.memory_space<vmem_shared>> -> memref<10240x128xf32, #tpu.memory_space<vmem_shared>>
        tpu.wait_indirect_dma semaphore(%run_scoped3A_288 : memref<!tpu.dma_semaphore, #tpu.memory_space<semaphore_mem>>) src(%arg11 : memref<64x128xf32, #tpu.memory_space<vmem>>) dst(%dma_wait3A_300 : memref<10240x128xf32, #tpu.memory_space<vmem_shared>>)
        tpu.yield
      }) : () -> ()
      %dma_start3A_221 = arith.constant 7 : i32
      %dma_start3A_222 = arith.constant 0 : i32
      %dma_start3A_223 = tpu.memref_slice %arg6[%rem3A_108, %dma_start3A_221, %dma_start3A_222] : memref<2x8x64xi32, #tpu.memory_space<vmem>> -> memref<1x1x64xi32, #tpu.memory_space<vmem>>
      %dma_start3A_224 = tpu.memref_squeeze %dma_start3A_223 : memref<1x1x64xi32, #tpu.memory_space<vmem>> -> memref<64xi32, #tpu.memory_space<vmem>>
      %dma_start3A_225 = arith.constant 0 : i32
      %dma_start3A_226 = arith.constant 0 : i32
      %dma_start3A_227 = tpu.memref_slice %arg2[%dma_start3A_225, %dma_start3A_226] : memref<10000x128xf32, #tpu.memory_space<hbm>> -> memref<10000x128xf32, #tpu.memory_space<hbm>>
      tpu.enqueue_indirect_dma source(%dma_start3A_227 : memref<10000x128xf32, #tpu.memory_space<hbm>>) target(%arg11 : memref<64x128xf32, #tpu.memory_space<vmem>>) offsets(%dma_start3A_224 : memref<64xi32, #tpu.memory_space<vmem>>) semaphore(%arg16 : memref<!tpu.dma_semaphore, #tpu.memory_space<semaphore_mem>>)
      %dma_wait3A_228 = arith.constant 4 : i32
      %dma_wait3A_229 = arith.constant 0 : i32
      %dma_wait3A_230 = tpu.memref_slice %arg6[%rem3A_108, %dma_wait3A_228, %dma_wait3A_229] : memref<2x8x64xi32, #tpu.memory_space<vmem>> -> memref<1x1x64xi32, #tpu.memory_space<vmem>>
      %dma_wait3A_231 = tpu.memref_squeeze %dma_wait3A_230 : memref<1x1x64xi32, #tpu.memory_space<vmem>> -> memref<64xi32, #tpu.memory_space<vmem>>
      %dma_wait3A_232 = arith.constant 0 : i32
      %dma_wait3A_233 = arith.constant 0 : i32
      %dma_wait3A_234 = tpu.memref_slice %arg2[%dma_wait3A_232, %dma_wait3A_233] : memref<10000x128xf32, #tpu.memory_space<hbm>> -> memref<10000x128xf32, #tpu.memory_space<hbm>>
      tpu.wait_indirect_dma semaphore(%arg13 : memref<!tpu.dma_semaphore, #tpu.memory_space<semaphore_mem>>) src(%dma_wait3A_234 : memref<10000x128xf32, #tpu.memory_space<hbm>>) dst(%arg8 : memref<64x128xf32, #tpu.memory_space<vmem>>)
      %run_scoped3A_235 = arith.constant 4 : i32
      "tpu.region"() ({
        %run_scoped3A_288 = tpu.sem_alloc : memref<!tpu.dma_semaphore, #tpu.memory_space<semaphore_mem>>
        %dma_start3A_289 = arith.constant 0 : i32
        %dma_start3A_290 = tpu.memref_slice %arg7[%rem3A_108, %run_scoped3A_235, %dma_start3A_289] : memref<2x8x64xi32, #tpu.memory_space<vmem>> -> memref<1x1x64xi32, #tpu.memory_space<vmem>>
        %dma_start3A_291 = tpu.memref_squeeze %dma_start3A_290 : memref<1x1x64xi32, #tpu.memory_space<vmem>> -> memref<64xi32, #tpu.memory_space<vmem>>
        %dma_start3A_292 = arith.constant 0 : i32
        %dma_start3A_293 = arith.constant 0 : i32
        %dma_start3A_294 = tpu.memref_slice %arg12[%dma_start3A_292, %dma_start3A_293] : memref<10240x128xf32, #tpu.memory_space<vmem_shared>> -> memref<10240x128xf32, #tpu.memory_space<vmem_shared>>
        tpu.enqueue_indirect_dma source(%arg8 : memref<64x128xf32, #tpu.memory_space<vmem>>) target(%dma_start3A_294 : memref<10240x128xf32, #tpu.memory_space<vmem_shared>>) offsets(%dma_start3A_291 : memref<64xi32, #tpu.memory_space<vmem>>) semaphore(%run_scoped3A_288 : memref<!tpu.dma_semaphore, #tpu.memory_space<semaphore_mem>>) {add = true}
        %dma_wait3A_295 = arith.constant 0 : i32
        %dma_wait3A_296 = tpu.memref_slice %arg7[%rem3A_108, %run_scoped3A_235, %dma_wait3A_295] : memref<2x8x64xi32, #tpu.memory_space<vmem>> -> memref<1x1x64xi32, #tpu.memory_space<vmem>>
        %dma_wait3A_297 = tpu.memref_squeeze %dma_wait3A_296 : memref<1x1x64xi32, #tpu.memory_space<vmem>> -> memref<64xi32, #tpu.memory_space<vmem>>
        %dma_wait3A_298 = arith.constant 0 : i32
        %dma_wait3A_299 = arith.constant 0 : i32
        %dma_wait3A_300 = tpu.memref_slice %arg12[%dma_wait3A_298, %dma_wait3A_299] : memref<10240x128xf32, #tpu.memory_space<vmem_shared>> -> memref<10240x128xf32, #tpu.memory_space<vmem_shared>>
        tpu.wait_indirect_dma semaphore(%run_scoped3A_288 : memref<!tpu.dma_semaphore, #tpu.memory_space<semaphore_mem>>) src(%arg8 : memref<64x128xf32, #tpu.memory_space<vmem>>) dst(%dma_wait3A_300 : memref<10240x128xf32, #tpu.memory_space<vmem_shared>>)
        tpu.yield
      }) : () -> ()
      %dma_start3A_236 = arith.constant 0 : i32
      %dma_start3A_237 = arith.constant 0 : i32
      %dma_start3A_238 = tpu.memref_slice %arg6[%rem3A_112, %dma_start3A_236, %dma_start3A_237] : memref<2x8x64xi32, #tpu.memory_space<vmem>> -> memref<1x1x64xi32, #tpu.memory_space<vmem>>
      %dma_start3A_239 = tpu.memref_squeeze %dma_start3A_238 : memref<1x1x64xi32, #tpu.memory_space<vmem>> -> memref<64xi32, #tpu.memory_space<vmem>>
      %dma_start3A_240 = arith.constant 0 : i32
      %dma_start3A_241 = arith.constant 0 : i32
      %dma_start3A_242 = tpu.memref_slice %arg2[%dma_start3A_240, %dma_start3A_241] : memref<10000x128xf32, #tpu.memory_space<hbm>> -> memref<10000x128xf32, #tpu.memory_space<hbm>>
      tpu.enqueue_indirect_dma source(%dma_start3A_242 : memref<10000x128xf32, #tpu.memory_space<hbm>>) target(%arg8 : memref<64x128xf32, #tpu.memory_space<vmem>>) offsets(%dma_start3A_239 : memref<64xi32, #tpu.memory_space<vmem>>) semaphore(%arg13 : memref<!tpu.dma_semaphore, #tpu.memory_space<semaphore_mem>>)
      %dma_wait3A_243 = arith.constant 5 : i32
      %dma_wait3A_244 = arith.constant 0 : i32
      %dma_wait3A_245 = tpu.memref_slice %arg6[%rem3A_108, %dma_wait3A_243, %dma_wait3A_244] : memref<2x8x64xi32, #tpu.memory_space<vmem>> -> memref<1x1x64xi32, #tpu.memory_space<vmem>>
      %dma_wait3A_246 = tpu.memref_squeeze %dma_wait3A_245 : memref<1x1x64xi32, #tpu.memory_space<vmem>> -> memref<64xi32, #tpu.memory_space<vmem>>
      %dma_wait3A_247 = arith.constant 0 : i32
      %dma_wait3A_248 = arith.constant 0 : i32
      %dma_wait3A_249 = tpu.memref_slice %arg2[%dma_wait3A_247, %dma_wait3A_248] : memref<10000x128xf32, #tpu.memory_space<hbm>> -> memref<10000x128xf32, #tpu.memory_space<hbm>>
      tpu.wait_indirect_dma semaphore(%arg14 : memref<!tpu.dma_semaphore, #tpu.memory_space<semaphore_mem>>) src(%dma_wait3A_249 : memref<10000x128xf32, #tpu.memory_space<hbm>>) dst(%arg9 : memref<64x128xf32, #tpu.memory_space<vmem>>)
      %run_scoped3A_250 = arith.constant 5 : i32
      "tpu.region"() ({
        %run_scoped3A_288 = tpu.sem_alloc : memref<!tpu.dma_semaphore, #tpu.memory_space<semaphore_mem>>
        %dma_start3A_289 = arith.constant 0 : i32
        %dma_start3A_290 = tpu.memref_slice %arg7[%rem3A_108, %run_scoped3A_250, %dma_start3A_289] : memref<2x8x64xi32, #tpu.memory_space<vmem>> -> memref<1x1x64xi32, #tpu.memory_space<vmem>>
        %dma_start3A_291 = tpu.memref_squeeze %dma_start3A_290 : memref<1x1x64xi32, #tpu.memory_space<vmem>> -> memref<64xi32, #tpu.memory_space<vmem>>
        %dma_start3A_292 = arith.constant 0 : i32
        %dma_start3A_293 = arith.constant 0 : i32
        %dma_start3A_294 = tpu.memref_slice %arg12[%dma_start3A_292, %dma_start3A_293] : memref<10240x128xf32, #tpu.memory_space<vmem_shared>> -> memref<10240x128xf32, #tpu.memory_space<vmem_shared>>
        tpu.enqueue_indirect_dma source(%arg9 : memref<64x128xf32, #tpu.memory_space<vmem>>) target(%dma_start3A_294 : memref<10240x128xf32, #tpu.memory_space<vmem_shared>>) offsets(%dma_start3A_291 : memref<64xi32, #tpu.memory_space<vmem>>) semaphore(%run_scoped3A_288 : memref<!tpu.dma_semaphore, #tpu.memory_space<semaphore_mem>>) {add = true}
        %dma_wait3A_295 = arith.constant 0 : i32
        %dma_wait3A_296 = tpu.memref_slice %arg7[%rem3A_108, %run_scoped3A_250, %dma_wait3A_295] : memref<2x8x64xi32, #tpu.memory_space<vmem>> -> memref<1x1x64xi32, #tpu.memory_space<vmem>>
        %dma_wait3A_297 = tpu.memref_squeeze %dma_wait3A_296 : memref<1x1x64xi32, #tpu.memory_space<vmem>> -> memref<64xi32, #tpu.memory_space<vmem>>
        %dma_wait3A_298 = arith.constant 0 : i32
        %dma_wait3A_299 = arith.constant 0 : i32
        %dma_wait3A_300 = tpu.memref_slice %arg12[%dma_wait3A_298, %dma_wait3A_299] : memref<10240x128xf32, #tpu.memory_space<vmem_shared>> -> memref<10240x128xf32, #tpu.memory_space<vmem_shared>>
        tpu.wait_indirect_dma semaphore(%run_scoped3A_288 : memref<!tpu.dma_semaphore, #tpu.memory_space<semaphore_mem>>) src(%arg9 : memref<64x128xf32, #tpu.memory_space<vmem>>) dst(%dma_wait3A_300 : memref<10240x128xf32, #tpu.memory_space<vmem_shared>>)
        tpu.yield
      }) : () -> ()
      %dma_start3A_251 = arith.constant 1 : i32
      %dma_start3A_252 = arith.constant 0 : i32
      %dma_start3A_253 = tpu.memref_slice %arg6[%rem3A_112, %dma_start3A_251, %dma_start3A_252] : memref<2x8x64xi32, #tpu.memory_space<vmem>> -> memref<1x1x64xi32, #tpu.memory_space<vmem>>
      %dma_start3A_254 = tpu.memref_squeeze %dma_start3A_253 : memref<1x1x64xi32, #tpu.memory_space<vmem>> -> memref<64xi32, #tpu.memory_space<vmem>>
      %dma_start3A_255 = arith.constant 0 : i32
      %dma_start3A_256 = arith.constant 0 : i32
      %dma_start3A_257 = tpu.memref_slice %arg2[%dma_start3A_255, %dma_start3A_256] : memref<10000x128xf32, #tpu.memory_space<hbm>> -> memref<10000x128xf32, #tpu.memory_space<hbm>>
      tpu.enqueue_indirect_dma source(%dma_start3A_257 : memref<10000x128xf32, #tpu.memory_space<hbm>>) target(%arg9 : memref<64x128xf32, #tpu.memory_space<vmem>>) offsets(%dma_start3A_254 : memref<64xi32, #tpu.memory_space<vmem>>) semaphore(%arg14 : memref<!tpu.dma_semaphore, #tpu.memory_space<semaphore_mem>>)
      %dma_wait3A_258 = arith.constant 6 : i32
      %dma_wait3A_259 = arith.constant 0 : i32
      %dma_wait3A_260 = tpu.memref_slice %arg6[%rem3A_108, %dma_wait3A_258, %dma_wait3A_259] : memref<2x8x64xi32, #tpu.memory_space<vmem>> -> memref<1x1x64xi32, #tpu.memory_space<vmem>>
      %dma_wait3A_261 = tpu.memref_squeeze %dma_wait3A_260 : memref<1x1x64xi32, #tpu.memory_space<vmem>> -> memref<64xi32, #tpu.memory_space<vmem>>
      %dma_wait3A_262 = arith.constant 0 : i32
      %dma_wait3A_263 = arith.constant 0 : i32
      %dma_wait3A_264 = tpu.memref_slice %arg2[%dma_wait3A_262, %dma_wait3A_263] : memref<10000x128xf32, #tpu.memory_space<hbm>> -> memref<10000x128xf32, #tpu.memory_space<hbm>>
      tpu.wait_indirect_dma semaphore(%arg15 : memref<!tpu.dma_semaphore, #tpu.memory_space<semaphore_mem>>) src(%dma_wait3A_264 : memref<10000x128xf32, #tpu.memory_space<hbm>>) dst(%arg10 : memref<64x128xf32, #tpu.memory_space<vmem>>)
      %run_scoped3A_265 = arith.constant 6 : i32
      "tpu.region"() ({
        %run_scoped3A_288 = tpu.sem_alloc : memref<!tpu.dma_semaphore, #tpu.memory_space<semaphore_mem>>
        %dma_start3A_289 = arith.constant 0 : i32
        %dma_start3A_290 = tpu.memref_slice %arg7[%rem3A_108, %run_scoped3A_265, %dma_start3A_289] : memref<2x8x64xi32, #tpu.memory_space<vmem>> -> memref<1x1x64xi32, #tpu.memory_space<vmem>>
        %dma_start3A_291 = tpu.memref_squeeze %dma_start3A_290 : memref<1x1x64xi32, #tpu.memory_space<vmem>> -> memref<64xi32, #tpu.memory_space<vmem>>
        %dma_start3A_292 = arith.constant 0 : i32
        %dma_start3A_293 = arith.constant 0 : i32
        %dma_start3A_294 = tpu.memref_slice %arg12[%dma_start3A_292, %dma_start3A_293] : memref<10240x128xf32, #tpu.memory_space<vmem_shared>> -> memref<10240x128xf32, #tpu.memory_space<vmem_shared>>
        tpu.enqueue_indirect_dma source(%arg10 : memref<64x128xf32, #tpu.memory_space<vmem>>) target(%dma_start3A_294 : memref<10240x128xf32, #tpu.memory_space<vmem_shared>>) offsets(%dma_start3A_291 : memref<64xi32, #tpu.memory_space<vmem>>) semaphore(%run_scoped3A_288 : memref<!tpu.dma_semaphore, #tpu.memory_space<semaphore_mem>>) {add = true}
        %dma_wait3A_295 = arith.constant 0 : i32
        %dma_wait3A_296 = tpu.memref_slice %arg7[%rem3A_108, %run_scoped3A_265, %dma_wait3A_295] : memref<2x8x64xi32, #tpu.memory_space<vmem>> -> memref<1x1x64xi32, #tpu.memory_space<vmem>>
        %dma_wait3A_297 = tpu.memref_squeeze %dma_wait3A_296 : memref<1x1x64xi32, #tpu.memory_space<vmem>> -> memref<64xi32, #tpu.memory_space<vmem>>
        %dma_wait3A_298 = arith.constant 0 : i32
        %dma_wait3A_299 = arith.constant 0 : i32
        %dma_wait3A_300 = tpu.memref_slice %arg12[%dma_wait3A_298, %dma_wait3A_299] : memref<10240x128xf32, #tpu.memory_space<vmem_shared>> -> memref<10240x128xf32, #tpu.memory_space<vmem_shared>>
        tpu.wait_indirect_dma semaphore(%run_scoped3A_288 : memref<!tpu.dma_semaphore, #tpu.memory_space<semaphore_mem>>) src(%arg10 : memref<64x128xf32, #tpu.memory_space<vmem>>) dst(%dma_wait3A_300 : memref<10240x128xf32, #tpu.memory_space<vmem_shared>>)
        tpu.yield
      }) : () -> ()
      %dma_start3A_266 = arith.constant 2 : i32
      %dma_start3A_267 = arith.constant 0 : i32
      %dma_start3A_268 = tpu.memref_slice %arg6[%rem3A_112, %dma_start3A_266, %dma_start3A_267] : memref<2x8x64xi32, #tpu.memory_space<vmem>> -> memref<1x1x64xi32, #tpu.memory_space<vmem>>
      %dma_start3A_269 = tpu.memref_squeeze %dma_start3A_268 : memref<1x1x64xi32, #tpu.memory_space<vmem>> -> memref<64xi32, #tpu.memory_space<vmem>>
      %dma_start3A_270 = arith.constant 0 : i32
      %dma_start3A_271 = arith.constant 0 : i32
      %dma_start3A_272 = tpu.memref_slice %arg2[%dma_start3A_270, %dma_start3A_271] : memref<10000x128xf32, #tpu.memory_space<hbm>> -> memref<10000x128xf32, #tpu.memory_space<hbm>>
      tpu.enqueue_indirect_dma source(%dma_start3A_272 : memref<10000x128xf32, #tpu.memory_space<hbm>>) target(%arg10 : memref<64x128xf32, #tpu.memory_space<vmem>>) offsets(%dma_start3A_269 : memref<64xi32, #tpu.memory_space<vmem>>) semaphore(%arg15 : memref<!tpu.dma_semaphore, #tpu.memory_space<semaphore_mem>>)
      %dma_wait3A_273 = arith.constant 7 : i32
      %dma_wait3A_274 = arith.constant 0 : i32
      %dma_wait3A_275 = tpu.memref_slice %arg6[%rem3A_108, %dma_wait3A_273, %dma_wait3A_274] : memref<2x8x64xi32, #tpu.memory_space<vmem>> -> memref<1x1x64xi32, #tpu.memory_space<vmem>>
      %dma_wait3A_276 = tpu.memref_squeeze %dma_wait3A_275 : memref<1x1x64xi32, #tpu.memory_space<vmem>> -> memref<64xi32, #tpu.memory_space<vmem>>
      %dma_wait3A_277 = arith.constant 0 : i32
      %dma_wait3A_278 = arith.constant 0 : i32
      %dma_wait3A_279 = tpu.memref_slice %arg2[%dma_wait3A_277, %dma_wait3A_278] : memref<10000x128xf32, #tpu.memory_space<hbm>> -> memref<10000x128xf32, #tpu.memory_space<hbm>>
      tpu.wait_indirect_dma semaphore(%arg16 : memref<!tpu.dma_semaphore, #tpu.memory_space<semaphore_mem>>) src(%dma_wait3A_279 : memref<10000x128xf32, #tpu.memory_space<hbm>>) dst(%arg11 : memref<64x128xf32, #tpu.memory_space<vmem>>)
      %run_scoped3A_280 = arith.constant 7 : i32
      "tpu.region"() ({
        %run_scoped3A_288 = tpu.sem_alloc : memref<!tpu.dma_semaphore, #tpu.memory_space<semaphore_mem>>
        %dma_start3A_289 = arith.constant 0 : i32
        %dma_start3A_290 = tpu.memref_slice %arg7[%rem3A_108, %run_scoped3A_280, %dma_start3A_289] : memref<2x8x64xi32, #tpu.memory_space<vmem>> -> memref<1x1x64xi32, #tpu.memory_space<vmem>>
        %dma_start3A_291 = tpu.memref_squeeze %dma_start3A_290 : memref<1x1x64xi32, #tpu.memory_space<vmem>> -> memref<64xi32, #tpu.memory_space<vmem>>
        %dma_start3A_292 = arith.constant 0 : i32
        %dma_start3A_293 = arith.constant 0 : i32
        %dma_start3A_294 = tpu.memref_slice %arg12[%dma_start3A_292, %dma_start3A_293] : memref<10240x128xf32, #tpu.memory_space<vmem_shared>> -> memref<10240x128xf32, #tpu.memory_space<vmem_shared>>
        tpu.enqueue_indirect_dma source(%arg11 : memref<64x128xf32, #tpu.memory_space<vmem>>) target(%dma_start3A_294 : memref<10240x128xf32, #tpu.memory_space<vmem_shared>>) offsets(%dma_start3A_291 : memref<64xi32, #tpu.memory_space<vmem>>) semaphore(%run_scoped3A_288 : memref<!tpu.dma_semaphore, #tpu.memory_space<semaphore_mem>>) {add = true}
        %dma_wait3A_295 = arith.constant 0 : i32
        %dma_wait3A_296 = tpu.memref_slice %arg7[%rem3A_108, %run_scoped3A_280, %dma_wait3A_295] : memref<2x8x64xi32, #tpu.memory_space<vmem>> -> memref<1x1x64xi32, #tpu.memory_space<vmem>>
        %dma_wait3A_297 = tpu.memref_squeeze %dma_wait3A_296 : memref<1x1x64xi32, #tpu.memory_space<vmem>> -> memref<64xi32, #tpu.memory_space<vmem>>
        %dma_wait3A_298 = arith.constant 0 : i32
        %dma_wait3A_299 = arith.constant 0 : i32
        %dma_wait3A_300 = tpu.memref_slice %arg12[%dma_wait3A_298, %dma_wait3A_299] : memref<10240x128xf32, #tpu.memory_space<vmem_shared>> -> memref<10240x128xf32, #tpu.memory_space<vmem_shared>>
        tpu.wait_indirect_dma semaphore(%run_scoped3A_288 : memref<!tpu.dma_semaphore, #tpu.memory_space<semaphore_mem>>) src(%arg11 : memref<64x128xf32, #tpu.memory_space<vmem>>) dst(%dma_wait3A_300 : memref<10240x128xf32, #tpu.memory_space<vmem_shared>>)
        tpu.yield
      }) : () -> ()
      %dma_start3A_281 = arith.constant 3 : i32
      %dma_start3A_282 = arith.constant 0 : i32
      %dma_start3A_283 = tpu.memref_slice %arg6[%rem3A_112, %dma_start3A_281, %dma_start3A_282] : memref<2x8x64xi32, #tpu.memory_space<vmem>> -> memref<1x1x64xi32, #tpu.memory_space<vmem>>
      %dma_start3A_284 = tpu.memref_squeeze %dma_start3A_283 : memref<1x1x64xi32, #tpu.memory_space<vmem>> -> memref<64xi32, #tpu.memory_space<vmem>>
      %dma_start3A_285 = arith.constant 0 : i32
      %dma_start3A_286 = arith.constant 0 : i32
      %dma_start3A_287 = tpu.memref_slice %arg2[%dma_start3A_285, %dma_start3A_286] : memref<10000x128xf32, #tpu.memory_space<hbm>> -> memref<10000x128xf32, #tpu.memory_space<hbm>>
      tpu.enqueue_indirect_dma source(%dma_start3A_287 : memref<10000x128xf32, #tpu.memory_space<hbm>>) target(%arg11 : memref<64x128xf32, #tpu.memory_space<vmem>>) offsets(%dma_start3A_284 : memref<64xi32, #tpu.memory_space<vmem>>) semaphore(%arg16 : memref<!tpu.dma_semaphore, #tpu.memory_space<semaphore_mem>>)
    }
    %dma_wait3A = arith.constant 0 : i32
    %dma_wait3A_75 = arith.constant 0 : i32
    %dma_wait3A_76 = arith.constant 0 : i32
    %dma_wait3A_77 = tpu.memref_slice %arg6[%dma_wait3A, %dma_wait3A_75, %dma_wait3A_76] : memref<2x8x64xi32, #tpu.memory_space<vmem>> -> memref<1x1x64xi32, #tpu.memory_space<vmem>>
    %dma_wait3A_78 = tpu.memref_squeeze %dma_wait3A_77 : memref<1x1x64xi32, #tpu.memory_space<vmem>> -> memref<64xi32, #tpu.memory_space<vmem>>
    %dma_wait3A_79 = arith.constant 0 : i32
    %dma_wait3A_80 = arith.constant 0 : i32
    %dma_wait3A_81 = tpu.memref_slice %arg2[%dma_wait3A_79, %dma_wait3A_80] : memref<10000x128xf32, #tpu.memory_space<hbm>> -> memref<10000x128xf32, #tpu.memory_space<hbm>>
    tpu.wait_indirect_dma semaphore(%arg13 : memref<!tpu.dma_semaphore, #tpu.memory_space<semaphore_mem>>) src(%dma_wait3A_81 : memref<10000x128xf32, #tpu.memory_space<hbm>>) dst(%arg8 : memref<64x128xf32, #tpu.memory_space<vmem>>)
    %dma_wait3A_82 = arith.constant 0 : i32
    %dma_wait3A_83 = arith.constant 1 : i32
    %dma_wait3A_84 = arith.constant 0 : i32
    %dma_wait3A_85 = tpu.memref_slice %arg6[%dma_wait3A_82, %dma_wait3A_83, %dma_wait3A_84] : memref<2x8x64xi32, #tpu.memory_space<vmem>> -> memref<1x1x64xi32, #tpu.memory_space<vmem>>
    %dma_wait3A_86 = tpu.memref_squeeze %dma_wait3A_85 : memref<1x1x64xi32, #tpu.memory_space<vmem>> -> memref<64xi32, #tpu.memory_space<vmem>>
    %dma_wait3A_87 = arith.constant 0 : i32
    %dma_wait3A_88 = arith.constant 0 : i32
    %dma_wait3A_89 = tpu.memref_slice %arg2[%dma_wait3A_87, %dma_wait3A_88] : memref<10000x128xf32, #tpu.memory_space<hbm>> -> memref<10000x128xf32, #tpu.memory_space<hbm>>
    tpu.wait_indirect_dma semaphore(%arg14 : memref<!tpu.dma_semaphore, #tpu.memory_space<semaphore_mem>>) src(%dma_wait3A_89 : memref<10000x128xf32, #tpu.memory_space<hbm>>) dst(%arg9 : memref<64x128xf32, #tpu.memory_space<vmem>>)
    %dma_wait3A_90 = arith.constant 0 : i32
    %dma_wait3A_91 = arith.constant 2 : i32
    %dma_wait3A_92 = arith.constant 0 : i32
    %dma_wait3A_93 = tpu.memref_slice %arg6[%dma_wait3A_90, %dma_wait3A_91, %dma_wait3A_92] : memref<2x8x64xi32, #tpu.memory_space<vmem>> -> memref<1x1x64xi32, #tpu.memory_space<vmem>>
    %dma_wait3A_94 = tpu.memref_squeeze %dma_wait3A_93 : memref<1x1x64xi32, #tpu.memory_space<vmem>> -> memref<64xi32, #tpu.memory_space<vmem>>
    %dma_wait3A_95 = arith.constant 0 : i32
    %dma_wait3A_96 = arith.constant 0 : i32
    %dma_wait3A_97 = tpu.memref_slice %arg2[%dma_wait3A_95, %dma_wait3A_96] : memref<10000x128xf32, #tpu.memory_space<hbm>> -> memref<10000x128xf32, #tpu.memory_space<hbm>>
    tpu.wait_indirect_dma semaphore(%arg15 : memref<!tpu.dma_semaphore, #tpu.memory_space<semaphore_mem>>) src(%dma_wait3A_97 : memref<10000x128xf32, #tpu.memory_space<hbm>>) dst(%arg10 : memref<64x128xf32, #tpu.memory_space<vmem>>)
    %dma_wait3A_98 = arith.constant 0 : i32
    %dma_wait3A_99 = arith.constant 3 : i32
    %dma_wait3A_100 = arith.constant 0 : i32
    %dma_wait3A_101 = tpu.memref_slice %arg6[%dma_wait3A_98, %dma_wait3A_99, %dma_wait3A_100] : memref<2x8x64xi32, #tpu.memory_space<vmem>> -> memref<1x1x64xi32, #tpu.memory_space<vmem>>
    %dma_wait3A_102 = tpu.memref_squeeze %dma_wait3A_101 : memref<1x1x64xi32, #tpu.memory_space<vmem>> -> memref<64xi32, #tpu.memory_space<vmem>>
    %dma_wait3A_103 = arith.constant 0 : i32
    %dma_wait3A_104 = arith.constant 0 : i32
    %dma_wait3A_105 = tpu.memref_slice %arg2[%dma_wait3A_103, %dma_wait3A_104] : memref<10000x128xf32, #tpu.memory_space<hbm>> -> memref<10000x128xf32, #tpu.memory_space<hbm>>
    tpu.wait_indirect_dma semaphore(%arg16 : memref<!tpu.dma_semaphore, #tpu.memory_space<semaphore_mem>>) src(%dma_wait3A_105 : memref<10000x128xf32, #tpu.memory_space<hbm>>) dst(%arg11 : memref<64x128xf32, #tpu.memory_space<vmem>>)
    %barrier3A_106 = arith.constant 0 : index
    tpu.barrier barrier_id(%barrier3A_106)
    "tpu.region"() ({
      %run_scoped3A_107 = tpu.sem_alloc : memref<!tpu.dma_semaphore, #tpu.memory_space<semaphore_mem>>
      %dma_start3A_108 = arith.constant 0 : i32
      %dma_start3A_109 = tpu.memref_slice %arg5[%arg0, %mul3A_13, %dma_start3A_108] : memref<2x10240x128xf32, #tpu.memory_space<hbm>> -> memref<1x640x128xf32, #tpu.memory_space<hbm>>
      %dma_start3A_110 = tpu.memref_squeeze %dma_start3A_109 : memref<1x640x128xf32, #tpu.memory_space<hbm>> -> memref<640x128xf32, #tpu.memory_space<hbm>>
      %dma_start3A_111 = arith.constant 0 : i32
      %dma_start3A_112 = tpu.memref_slice %arg12[%mul3A_13, %dma_start3A_111] : memref<10240x128xf32, #tpu.memory_space<vmem_shared>> -> memref<640x128xf32, #tpu.memory_space<vmem_shared>>
      tpu.enqueue_dma source(%dma_start3A_112 : memref<640x128xf32, #tpu.memory_space<vmem_shared>>) target(%dma_start3A_110 : memref<640x128xf32, #tpu.memory_space<hbm>>) target_semaphore(%run_scoped3A_107 : memref<!tpu.dma_semaphore, #tpu.memory_space<semaphore_mem>>)
      %dma_wait3A_113 = arith.constant 0 : i32
      %dma_wait3A_114 = tpu.memref_slice %arg5[%arg0, %mul3A_13, %dma_wait3A_113] : memref<2x10240x128xf32, #tpu.memory_space<hbm>> -> memref<1x640x128xf32, #tpu.memory_space<hbm>>
      %dma_wait3A_115 = tpu.memref_squeeze %dma_wait3A_114 : memref<1x640x128xf32, #tpu.memory_space<hbm>> -> memref<640x128xf32, #tpu.memory_space<hbm>>
      %dma_wait3A_116 = arith.constant 0 : i32
      %dma_wait3A_117 = tpu.memref_slice %arg12[%mul3A_13, %dma_wait3A_116] : memref<10240x128xf32, #tpu.memory_space<vmem_shared>> -> memref<640x128xf32, #tpu.memory_space<vmem_shared>>
      tpu.wait_dma2 semaphore(%run_scoped3A_107 : memref<!tpu.dma_semaphore, #tpu.memory_space<semaphore_mem>>) src(%dma_wait3A_117 : memref<640x128xf32, #tpu.memory_space<vmem_shared>>) dst(%dma_wait3A_115 : memref<640x128xf32, #tpu.memory_space<hbm>>)
      tpu.yield
    }) : () -> ()
    return
  }
}

#map = affine_map<(d0, d1) -> (0, 0, 0)>
module attributes {stable_mosaic.version = 14 : i64} {
  func.func @_sc_deg_body(%arg0: i32, %arg1: i32, %arg2: memref<32x80x128xi32, #tpu.memory_space<hbm>>, %arg3: memref<2x10240x128xf32, #tpu.memory_space<hbm>>, %arg4: memref<80x128xi32, #tpu.memory_space<vmem>>, %arg5: memref<128x128xf32, #tpu.memory_space<vmem>>, %arg6: memref<10240x128xf32, #tpu.memory_space<vmem_shared>>) attributes {dimension_semantics = [#tpu.dimension_semantics<core_parallel>, #tpu.dimension_semantics<subcore_parallel>], iteration_bounds = array<i64: 2, 16>, scalar_prefetch = 0 : i64, scratch_operands = 3 : i64, tpu.core_type = #tpu.core_type<sc_vector_subcore>, window_params = [{transform_indices = #map}, {transform_indices = #map}]} {
    %mul3A = arith.constant 16 : i32
    %mul3A_0 = arith.muli %arg0, %mul3A : i32
    %add3A = arith.addi %mul3A_0, %arg1 : i32
    %scan3A = arith.constant 0 : i32
    %scan3A_1 = arith.constant 0 : i32
    %scan3A_2 = arith.constant 128 : i32
    %scan3A_3 = arith.addi %scan3A_1, %scan3A_2 : i32
    %scan3A_4 = arith.constant 1 : i32
    scf.for %scan3A_31 = %scan3A_1 to %scan3A_3 step %scan3A_4  : i32 {
      %broadcast_in_dim3A = arith.constant 0.000000e+00 : f32
      %broadcast_in_dim3A_32 = vector.broadcast %broadcast_in_dim3A : f32 to vector<16xf32>
      %swap3A = arith.index_cast %scan3A_31 : i32 to index
      %swap3A_33 = arith.constant 0 : index
      %swap3A_34 = tpu.vector_load %arg5[%swap3A, %swap3A_33] {strides = array<i32>} : memref<128x128xf32, #tpu.memory_space<vmem>>, vector<1x16xf32>,
      %swap3A_35 = vector.shape_cast %swap3A_34 : vector<1x16xf32> to vector<16xf32>
      %swap3A_36 = vector.shape_cast %broadcast_in_dim3A_32 : vector<16xf32> to vector<1x16xf32>
      tpu.vector_store %arg5[%swap3A, %swap3A_33], %swap3A_36 {strides = array<i32>} : memref<128x128xf32, #tpu.memory_space<vmem>>, vector<1x16xf32>,
      %broadcast_in_dim3A_37 = arith.constant 0.000000e+00 : f32
      %broadcast_in_dim3A_38 = vector.broadcast %broadcast_in_dim3A_37 : f32 to vector<16xf32>
      %swap3A_39 = arith.index_cast %scan3A_31 : i32 to index
      %swap3A_40 = arith.constant 16 : index
      %swap3A_41 = tpu.vector_load %arg5[%swap3A_39, %swap3A_40] {strides = array<i32>} : memref<128x128xf32, #tpu.memory_space<vmem>>, vector<1x16xf32>,
      %swap3A_42 = vector.shape_cast %swap3A_41 : vector<1x16xf32> to vector<16xf32>
      %swap3A_43 = vector.shape_cast %broadcast_in_dim3A_38 : vector<16xf32> to vector<1x16xf32>
      tpu.vector_store %arg5[%swap3A_39, %swap3A_40], %swap3A_43 {strides = array<i32>} : memref<128x128xf32, #tpu.memory_space<vmem>>, vector<1x16xf32>,
      %broadcast_in_dim3A_44 = arith.constant 0.000000e+00 : f32
      %broadcast_in_dim3A_45 = vector.broadcast %broadcast_in_dim3A_44 : f32 to vector<16xf32>
      %swap3A_46 = arith.index_cast %scan3A_31 : i32 to index
      %swap3A_47 = arith.constant 32 : index
      %swap3A_48 = tpu.vector_load %arg5[%swap3A_46, %swap3A_47] {strides = array<i32>} : memref<128x128xf32, #tpu.memory_space<vmem>>, vector<1x16xf32>,
      %swap3A_49 = vector.shape_cast %swap3A_48 : vector<1x16xf32> to vector<16xf32>
      %swap3A_50 = vector.shape_cast %broadcast_in_dim3A_45 : vector<16xf32> to vector<1x16xf32>
      tpu.vector_store %arg5[%swap3A_46, %swap3A_47], %swap3A_50 {strides = array<i32>} : memref<128x128xf32, #tpu.memory_space<vmem>>, vector<1x16xf32>,
      %broadcast_in_dim3A_51 = arith.constant 0.000000e+00 : f32
      %broadcast_in_dim3A_52 = vector.broadcast %broadcast_in_dim3A_51 : f32 to vector<16xf32>
      %swap3A_53 = arith.index_cast %scan3A_31 : i32 to index
      %swap3A_54 = arith.constant 48 : index
      %swap3A_55 = tpu.vector_load %arg5[%swap3A_53, %swap3A_54] {strides = array<i32>} : memref<128x128xf32, #tpu.memory_space<vmem>>, vector<1x16xf32>,
      %swap3A_56 = vector.shape_cast %swap3A_55 : vector<1x16xf32> to vector<16xf32>
      %swap3A_57 = vector.shape_cast %broadcast_in_dim3A_52 : vector<16xf32> to vector<1x16xf32>
      tpu.vector_store %arg5[%swap3A_53, %swap3A_54], %swap3A_57 {strides = array<i32>} : memref<128x128xf32, #tpu.memory_space<vmem>>, vector<1x16xf32>,
      %broadcast_in_dim3A_58 = arith.constant 0.000000e+00 : f32
      %broadcast_in_dim3A_59 = vector.broadcast %broadcast_in_dim3A_58 : f32 to vector<16xf32>
      %swap3A_60 = arith.index_cast %scan3A_31 : i32 to index
      %swap3A_61 = arith.constant 64 : index
      %swap3A_62 = tpu.vector_load %arg5[%swap3A_60, %swap3A_61] {strides = array<i32>} : memref<128x128xf32, #tpu.memory_space<vmem>>, vector<1x16xf32>,
      %swap3A_63 = vector.shape_cast %swap3A_62 : vector<1x16xf32> to vector<16xf32>
      %swap3A_64 = vector.shape_cast %broadcast_in_dim3A_59 : vector<16xf32> to vector<1x16xf32>
      tpu.vector_store %arg5[%swap3A_60, %swap3A_61], %swap3A_64 {strides = array<i32>} : memref<128x128xf32, #tpu.memory_space<vmem>>, vector<1x16xf32>,
      %broadcast_in_dim3A_65 = arith.constant 0.000000e+00 : f32
      %broadcast_in_dim3A_66 = vector.broadcast %broadcast_in_dim3A_65 : f32 to vector<16xf32>
      %swap3A_67 = arith.index_cast %scan3A_31 : i32 to index
      %swap3A_68 = arith.constant 80 : index
      %swap3A_69 = tpu.vector_load %arg5[%swap3A_67, %swap3A_68] {strides = array<i32>} : memref<128x128xf32, #tpu.memory_space<vmem>>, vector<1x16xf32>,
      %swap3A_70 = vector.shape_cast %swap3A_69 : vector<1x16xf32> to vector<16xf32>
      %swap3A_71 = vector.shape_cast %broadcast_in_dim3A_66 : vector<16xf32> to vector<1x16xf32>
      tpu.vector_store %arg5[%swap3A_67, %swap3A_68], %swap3A_71 {strides = array<i32>} : memref<128x128xf32, #tpu.memory_space<vmem>>, vector<1x16xf32>,
      %broadcast_in_dim3A_72 = arith.constant 0.000000e+00 : f32
      %broadcast_in_dim3A_73 = vector.broadcast %broadcast_in_dim3A_72 : f32 to vector<16xf32>
      %swap3A_74 = arith.index_cast %scan3A_31 : i32 to index
      %swap3A_75 = arith.constant 96 : index
      %swap3A_76 = tpu.vector_load %arg5[%swap3A_74, %swap3A_75] {strides = array<i32>} : memref<128x128xf32, #tpu.memory_space<vmem>>, vector<1x16xf32>,
      %swap3A_77 = vector.shape_cast %swap3A_76 : vector<1x16xf32> to vector<16xf32>
      %swap3A_78 = vector.shape_cast %broadcast_in_dim3A_73 : vector<16xf32> to vector<1x16xf32>
      tpu.vector_store %arg5[%swap3A_74, %swap3A_75], %swap3A_78 {strides = array<i32>} : memref<128x128xf32, #tpu.memory_space<vmem>>, vector<1x16xf32>,
      %broadcast_in_dim3A_79 = arith.constant 0.000000e+00 : f32
      %broadcast_in_dim3A_80 = vector.broadcast %broadcast_in_dim3A_79 : f32 to vector<16xf32>
      %swap3A_81 = arith.index_cast %scan3A_31 : i32 to index
      %swap3A_82 = arith.constant 112 : index
      %swap3A_83 = tpu.vector_load %arg5[%swap3A_81, %swap3A_82] {strides = array<i32>} : memref<128x128xf32, #tpu.memory_space<vmem>>, vector<1x16xf32>,
      %swap3A_84 = vector.shape_cast %swap3A_83 : vector<1x16xf32> to vector<16xf32>
      %swap3A_85 = vector.shape_cast %broadcast_in_dim3A_80 : vector<16xf32> to vector<1x16xf32>
      tpu.vector_store %arg5[%swap3A_81, %swap3A_82], %swap3A_85 {strides = array<i32>} : memref<128x128xf32, #tpu.memory_space<vmem>>, vector<1x16xf32>,
    }
    %scan3A_5 = arith.constant 128 : i32
    %mul3A_6 = arith.constant 640 : i32
    %mul3A_7 = arith.muli %arg1, %mul3A_6 : i32
    %add3A_8 = arith.constant 0 : i32
    %add3A_9 = arith.addi %mul3A_7, %add3A_8 : i32
    "tpu.region"() ({
      %run_scoped3A = tpu.sem_alloc : memref<!tpu.dma_semaphore, #tpu.memory_space<semaphore_mem>>
      %dma_start3A = arith.constant 0 : i32
      %dma_start3A_31 = tpu.memref_slice %arg6[%add3A_9, %dma_start3A] : memref<10240x128xf32, #tpu.memory_space<vmem_shared>> -> memref<128x128xf32, #tpu.memory_space<vmem_shared>>
      %dma_start3A_32 = arith.constant 0 : i32
      %dma_start3A_33 = tpu.memref_slice %arg6[%add3A_9, %dma_start3A_32] : memref<10240x128xf32, #tpu.memory_space<vmem_shared>> -> memref<128x128xf32, #tpu.memory_space<vmem_shared>>
      tpu.enqueue_dma source(%arg5 : memref<128x128xf32, #tpu.memory_space<vmem>>) target(%dma_start3A_33 : memref<128x128xf32, #tpu.memory_space<vmem_shared>>) target_semaphore(%run_scoped3A : memref<!tpu.dma_semaphore, #tpu.memory_space<semaphore_mem>>)
      %dma_wait3A = arith.constant 0 : i32
      %dma_wait3A_34 = tpu.memref_slice %arg6[%add3A_9, %dma_wait3A] : memref<10240x128xf32, #tpu.memory_space<vmem_shared>> -> memref<128x128xf32, #tpu.memory_space<vmem_shared>>
      %dma_wait3A_35 = arith.constant 0 : i32
      %dma_wait3A_36 = tpu.memref_slice %arg6[%add3A_9, %dma_wait3A_35] : memref<10240x128xf32, #tpu.memory_space<vmem_shared>> -> memref<128x128xf32, #tpu.memory_space<vmem_shared>>
      tpu.wait_dma2 semaphore(%run_scoped3A : memref<!tpu.dma_semaphore, #tpu.memory_space<semaphore_mem>>) src(%arg5 : memref<128x128xf32, #tpu.memory_space<vmem>>) dst(%dma_wait3A_36 : memref<128x128xf32, #tpu.memory_space<vmem_shared>>)
      tpu.yield
    }) : () -> ()
    %add3A_10 = arith.constant 128 : i32
    %add3A_11 = arith.addi %mul3A_7, %add3A_10 : i32
    "tpu.region"() ({
      %run_scoped3A = tpu.sem_alloc : memref<!tpu.dma_semaphore, #tpu.memory_space<semaphore_mem>>
      %dma_start3A = arith.constant 0 : i32
      %dma_start3A_31 = tpu.memref_slice %arg6[%add3A_11, %dma_start3A] : memref<10240x128xf32, #tpu.memory_space<vmem_shared>> -> memref<128x128xf32, #tpu.memory_space<vmem_shared>>
      %dma_start3A_32 = arith.constant 0 : i32
      %dma_start3A_33 = tpu.memref_slice %arg6[%add3A_11, %dma_start3A_32] : memref<10240x128xf32, #tpu.memory_space<vmem_shared>> -> memref<128x128xf32, #tpu.memory_space<vmem_shared>>
      tpu.enqueue_dma source(%arg5 : memref<128x128xf32, #tpu.memory_space<vmem>>) target(%dma_start3A_33 : memref<128x128xf32, #tpu.memory_space<vmem_shared>>) target_semaphore(%run_scoped3A : memref<!tpu.dma_semaphore, #tpu.memory_space<semaphore_mem>>)
      %dma_wait3A = arith.constant 0 : i32
      %dma_wait3A_34 = tpu.memref_slice %arg6[%add3A_11, %dma_wait3A] : memref<10240x128xf32, #tpu.memory_space<vmem_shared>> -> memref<128x128xf32, #tpu.memory_space<vmem_shared>>
      %dma_wait3A_35 = arith.constant 0 : i32
      %dma_wait3A_36 = tpu.memref_slice %arg6[%add3A_11, %dma_wait3A_35] : memref<10240x128xf32, #tpu.memory_space<vmem_shared>> -> memref<128x128xf32, #tpu.memory_space<vmem_shared>>
      tpu.wait_dma2 semaphore(%run_scoped3A : memref<!tpu.dma_semaphore, #tpu.memory_space<semaphore_mem>>) src(%arg5 : memref<128x128xf32, #tpu.memory_space<vmem>>) dst(%dma_wait3A_36 : memref<128x128xf32, #tpu.memory_space<vmem_shared>>)
      tpu.yield
    }) : () -> ()
    %add3A_12 = arith.constant 256 : i32
    %add3A_13 = arith.addi %mul3A_7, %add3A_12 : i32
    "tpu.region"() ({
      %run_scoped3A = tpu.sem_alloc : memref<!tpu.dma_semaphore, #tpu.memory_space<semaphore_mem>>
      %dma_start3A = arith.constant 0 : i32
      %dma_start3A_31 = tpu.memref_slice %arg6[%add3A_13, %dma_start3A] : memref<10240x128xf32, #tpu.memory_space<vmem_shared>> -> memref<128x128xf32, #tpu.memory_space<vmem_shared>>
      %dma_start3A_32 = arith.constant 0 : i32
      %dma_start3A_33 = tpu.memref_slice %arg6[%add3A_13, %dma_start3A_32] : memref<10240x128xf32, #tpu.memory_space<vmem_shared>> -> memref<128x128xf32, #tpu.memory_space<vmem_shared>>
      tpu.enqueue_dma source(%arg5 : memref<128x128xf32, #tpu.memory_space<vmem>>) target(%dma_start3A_33 : memref<128x128xf32, #tpu.memory_space<vmem_shared>>) target_semaphore(%run_scoped3A : memref<!tpu.dma_semaphore, #tpu.memory_space<semaphore_mem>>)
      %dma_wait3A = arith.constant 0 : i32
      %dma_wait3A_34 = tpu.memref_slice %arg6[%add3A_13, %dma_wait3A] : memref<10240x128xf32, #tpu.memory_space<vmem_shared>> -> memref<128x128xf32, #tpu.memory_space<vmem_shared>>
      %dma_wait3A_35 = arith.constant 0 : i32
      %dma_wait3A_36 = tpu.memref_slice %arg6[%add3A_13, %dma_wait3A_35] : memref<10240x128xf32, #tpu.memory_space<vmem_shared>> -> memref<128x128xf32, #tpu.memory_space<vmem_shared>>
      tpu.wait_dma2 semaphore(%run_scoped3A : memref<!tpu.dma_semaphore, #tpu.memory_space<semaphore_mem>>) src(%arg5 : memref<128x128xf32, #tpu.memory_space<vmem>>) dst(%dma_wait3A_36 : memref<128x128xf32, #tpu.memory_space<vmem_shared>>)
      tpu.yield
    }) : () -> ()
    %add3A_14 = arith.constant 384 : i32
    %add3A_15 = arith.addi %mul3A_7, %add3A_14 : i32
    "tpu.region"() ({
      %run_scoped3A = tpu.sem_alloc : memref<!tpu.dma_semaphore, #tpu.memory_space<semaphore_mem>>
      %dma_start3A = arith.constant 0 : i32
      %dma_start3A_31 = tpu.memref_slice %arg6[%add3A_15, %dma_start3A] : memref<10240x128xf32, #tpu.memory_space<vmem_shared>> -> memref<128x128xf32, #tpu.memory_space<vmem_shared>>
      %dma_start3A_32 = arith.constant 0 : i32
      %dma_start3A_33 = tpu.memref_slice %arg6[%add3A_15, %dma_start3A_32] : memref<10240x128xf32, #tpu.memory_space<vmem_shared>> -> memref<128x128xf32, #tpu.memory_space<vmem_shared>>
      tpu.enqueue_dma source(%arg5 : memref<128x128xf32, #tpu.memory_space<vmem>>) target(%dma_start3A_33 : memref<128x128xf32, #tpu.memory_space<vmem_shared>>) target_semaphore(%run_scoped3A : memref<!tpu.dma_semaphore, #tpu.memory_space<semaphore_mem>>)
      %dma_wait3A = arith.constant 0 : i32
      %dma_wait3A_34 = tpu.memref_slice %arg6[%add3A_15, %dma_wait3A] : memref<10240x128xf32, #tpu.memory_space<vmem_shared>> -> memref<128x128xf32, #tpu.memory_space<vmem_shared>>
      %dma_wait3A_35 = arith.constant 0 : i32
      %dma_wait3A_36 = tpu.memref_slice %arg6[%add3A_15, %dma_wait3A_35] : memref<10240x128xf32, #tpu.memory_space<vmem_shared>> -> memref<128x128xf32, #tpu.memory_space<vmem_shared>>
      tpu.wait_dma2 semaphore(%run_scoped3A : memref<!tpu.dma_semaphore, #tpu.memory_space<semaphore_mem>>) src(%arg5 : memref<128x128xf32, #tpu.memory_space<vmem>>) dst(%dma_wait3A_36 : memref<128x128xf32, #tpu.memory_space<vmem_shared>>)
      tpu.yield
    }) : () -> ()
    %add3A_16 = arith.constant 512 : i32
    %add3A_17 = arith.addi %mul3A_7, %add3A_16 : i32
    "tpu.region"() ({
      %run_scoped3A = tpu.sem_alloc : memref<!tpu.dma_semaphore, #tpu.memory_space<semaphore_mem>>
      %dma_start3A = arith.constant 0 : i32
      %dma_start3A_31 = tpu.memref_slice %arg6[%add3A_17, %dma_start3A] : memref<10240x128xf32, #tpu.memory_space<vmem_shared>> -> memref<128x128xf32, #tpu.memory_space<vmem_shared>>
      %dma_start3A_32 = arith.constant 0 : i32
      %dma_start3A_33 = tpu.memref_slice %arg6[%add3A_17, %dma_start3A_32] : memref<10240x128xf32, #tpu.memory_space<vmem_shared>> -> memref<128x128xf32, #tpu.memory_space<vmem_shared>>
      tpu.enqueue_dma source(%arg5 : memref<128x128xf32, #tpu.memory_space<vmem>>) target(%dma_start3A_33 : memref<128x128xf32, #tpu.memory_space<vmem_shared>>) target_semaphore(%run_scoped3A : memref<!tpu.dma_semaphore, #tpu.memory_space<semaphore_mem>>)
      %dma_wait3A = arith.constant 0 : i32
      %dma_wait3A_34 = tpu.memref_slice %arg6[%add3A_17, %dma_wait3A] : memref<10240x128xf32, #tpu.memory_space<vmem_shared>> -> memref<128x128xf32, #tpu.memory_space<vmem_shared>>
      %dma_wait3A_35 = arith.constant 0 : i32
      %dma_wait3A_36 = tpu.memref_slice %arg6[%add3A_17, %dma_wait3A_35] : memref<10240x128xf32, #tpu.memory_space<vmem_shared>> -> memref<128x128xf32, #tpu.memory_space<vmem_shared>>
      tpu.wait_dma2 semaphore(%run_scoped3A : memref<!tpu.dma_semaphore, #tpu.memory_space<semaphore_mem>>) src(%arg5 : memref<128x128xf32, #tpu.memory_space<vmem>>) dst(%dma_wait3A_36 : memref<128x128xf32, #tpu.memory_space<vmem_shared>>)
      tpu.yield
    }) : () -> ()
    %scan3A_18 = arith.constant 0 : i32
    %scan3A_19 = arith.constant 0 : i32
    %scan3A_20 = arith.constant 128 : i32
    %scan3A_21 = arith.addi %scan3A_19, %scan3A_20 : i32
    %scan3A_22 = arith.constant 1 : i32
    scf.for %scan3A_31 = %scan3A_19 to %scan3A_21 step %scan3A_22  : i32 {
      %broadcast_in_dim3A = arith.constant 1.000000e+00 : f32
      %broadcast_in_dim3A_32 = vector.broadcast %broadcast_in_dim3A : f32 to vector<16xf32>
      %swap3A = arith.index_cast %scan3A_31 : i32 to index
      %swap3A_33 = arith.constant 0 : index
      %swap3A_34 = tpu.vector_load %arg5[%swap3A, %swap3A_33] {strides = array<i32>} : memref<128x128xf32, #tpu.memory_space<vmem>>, vector<1x16xf32>,
      %swap3A_35 = vector.shape_cast %swap3A_34 : vector<1x16xf32> to vector<16xf32>
      %swap3A_36 = vector.shape_cast %broadcast_in_dim3A_32 : vector<16xf32> to vector<1x16xf32>
      tpu.vector_store %arg5[%swap3A, %swap3A_33], %swap3A_36 {strides = array<i32>} : memref<128x128xf32, #tpu.memory_space<vmem>>, vector<1x16xf32>,
      %broadcast_in_dim3A_37 = arith.constant 1.000000e+00 : f32
      %broadcast_in_dim3A_38 = vector.broadcast %broadcast_in_dim3A_37 : f32 to vector<16xf32>
      %swap3A_39 = arith.index_cast %scan3A_31 : i32 to index
      %swap3A_40 = arith.constant 16 : index
      %swap3A_41 = tpu.vector_load %arg5[%swap3A_39, %swap3A_40] {strides = array<i32>} : memref<128x128xf32, #tpu.memory_space<vmem>>, vector<1x16xf32>,
      %swap3A_42 = vector.shape_cast %swap3A_41 : vector<1x16xf32> to vector<16xf32>
      %swap3A_43 = vector.shape_cast %broadcast_in_dim3A_38 : vector<16xf32> to vector<1x16xf32>
      tpu.vector_store %arg5[%swap3A_39, %swap3A_40], %swap3A_43 {strides = array<i32>} : memref<128x128xf32, #tpu.memory_space<vmem>>, vector<1x16xf32>,
      %broadcast_in_dim3A_44 = arith.constant 1.000000e+00 : f32
      %broadcast_in_dim3A_45 = vector.broadcast %broadcast_in_dim3A_44 : f32 to vector<16xf32>
      %swap3A_46 = arith.index_cast %scan3A_31 : i32 to index
      %swap3A_47 = arith.constant 32 : index
      %swap3A_48 = tpu.vector_load %arg5[%swap3A_46, %swap3A_47] {strides = array<i32>} : memref<128x128xf32, #tpu.memory_space<vmem>>, vector<1x16xf32>,
      %swap3A_49 = vector.shape_cast %swap3A_48 : vector<1x16xf32> to vector<16xf32>
      %swap3A_50 = vector.shape_cast %broadcast_in_dim3A_45 : vector<16xf32> to vector<1x16xf32>
      tpu.vector_store %arg5[%swap3A_46, %swap3A_47], %swap3A_50 {strides = array<i32>} : memref<128x128xf32, #tpu.memory_space<vmem>>, vector<1x16xf32>,
      %broadcast_in_dim3A_51 = arith.constant 1.000000e+00 : f32
      %broadcast_in_dim3A_52 = vector.broadcast %broadcast_in_dim3A_51 : f32 to vector<16xf32>
      %swap3A_53 = arith.index_cast %scan3A_31 : i32 to index
      %swap3A_54 = arith.constant 48 : index
      %swap3A_55 = tpu.vector_load %arg5[%swap3A_53, %swap3A_54] {strides = array<i32>} : memref<128x128xf32, #tpu.memory_space<vmem>>, vector<1x16xf32>,
      %swap3A_56 = vector.shape_cast %swap3A_55 : vector<1x16xf32> to vector<16xf32>
      %swap3A_57 = vector.shape_cast %broadcast_in_dim3A_52 : vector<16xf32> to vector<1x16xf32>
      tpu.vector_store %arg5[%swap3A_53, %swap3A_54], %swap3A_57 {strides = array<i32>} : memref<128x128xf32, #tpu.memory_space<vmem>>, vector<1x16xf32>,
      %broadcast_in_dim3A_58 = arith.constant 1.000000e+00 : f32
      %broadcast_in_dim3A_59 = vector.broadcast %broadcast_in_dim3A_58 : f32 to vector<16xf32>
      %swap3A_60 = arith.index_cast %scan3A_31 : i32 to index
      %swap3A_61 = arith.constant 64 : index
      %swap3A_62 = tpu.vector_load %arg5[%swap3A_60, %swap3A_61] {strides = array<i32>} : memref<128x128xf32, #tpu.memory_space<vmem>>, vector<1x16xf32>,
      %swap3A_63 = vector.shape_cast %swap3A_62 : vector<1x16xf32> to vector<16xf32>
      %swap3A_64 = vector.shape_cast %broadcast_in_dim3A_59 : vector<16xf32> to vector<1x16xf32>
      tpu.vector_store %arg5[%swap3A_60, %swap3A_61], %swap3A_64 {strides = array<i32>} : memref<128x128xf32, #tpu.memory_space<vmem>>, vector<1x16xf32>,
      %broadcast_in_dim3A_65 = arith.constant 1.000000e+00 : f32
      %broadcast_in_dim3A_66 = vector.broadcast %broadcast_in_dim3A_65 : f32 to vector<16xf32>
      %swap3A_67 = arith.index_cast %scan3A_31 : i32 to index
      %swap3A_68 = arith.constant 80 : index
      %swap3A_69 = tpu.vector_load %arg5[%swap3A_67, %swap3A_68] {strides = array<i32>} : memref<128x128xf32, #tpu.memory_space<vmem>>, vector<1x16xf32>,
      %swap3A_70 = vector.shape_cast %swap3A_69 : vector<1x16xf32> to vector<16xf32>
      %swap3A_71 = vector.shape_cast %broadcast_in_dim3A_66 : vector<16xf32> to vector<1x16xf32>
      tpu.vector_store %arg5[%swap3A_67, %swap3A_68], %swap3A_71 {strides = array<i32>} : memref<128x128xf32, #tpu.memory_space<vmem>>, vector<1x16xf32>,
      %broadcast_in_dim3A_72 = arith.constant 1.000000e+00 : f32
      %broadcast_in_dim3A_73 = vector.broadcast %broadcast_in_dim3A_72 : f32 to vector<16xf32>
      %swap3A_74 = arith.index_cast %scan3A_31 : i32 to index
      %swap3A_75 = arith.constant 96 : index
      %swap3A_76 = tpu.vector_load %arg5[%swap3A_74, %swap3A_75] {strides = array<i32>} : memref<128x128xf32, #tpu.memory_space<vmem>>, vector<1x16xf32>,
      %swap3A_77 = vector.shape_cast %swap3A_76 : vector<1x16xf32> to vector<16xf32>
      %swap3A_78 = vector.shape_cast %broadcast_in_dim3A_73 : vector<16xf32> to vector<1x16xf32>
      tpu.vector_store %arg5[%swap3A_74, %swap3A_75], %swap3A_78 {strides = array<i32>} : memref<128x128xf32, #tpu.memory_space<vmem>>, vector<1x16xf32>,
      %broadcast_in_dim3A_79 = arith.constant 1.000000e+00 : f32
      %broadcast_in_dim3A_80 = vector.broadcast %broadcast_in_dim3A_79 : f32 to vector<16xf32>
      %swap3A_81 = arith.index_cast %scan3A_31 : i32 to index
      %swap3A_82 = arith.constant 112 : index
      %swap3A_83 = tpu.vector_load %arg5[%swap3A_81, %swap3A_82] {strides = array<i32>} : memref<128x128xf32, #tpu.memory_space<vmem>>, vector<1x16xf32>,
      %swap3A_84 = vector.shape_cast %swap3A_83 : vector<1x16xf32> to vector<16xf32>
      %swap3A_85 = vector.shape_cast %broadcast_in_dim3A_80 : vector<16xf32> to vector<1x16xf32>
      tpu.vector_store %arg5[%swap3A_81, %swap3A_82], %swap3A_85 {strides = array<i32>} : memref<128x128xf32, #tpu.memory_space<vmem>>, vector<1x16xf32>,
    }
    %scan3A_23 = arith.constant 128 : i32
    %barrier3A = arith.constant 0 : index
    tpu.barrier barrier_id(%barrier3A)
    "tpu.region"() ({
      %run_scoped3A = tpu.sem_alloc : memref<!tpu.dma_semaphore, #tpu.memory_space<semaphore_mem>>
      %dma_start3A = arith.constant 0 : i32
      %dma_start3A_31 = arith.constant 0 : i32
      %dma_start3A_32 = tpu.memref_slice %arg2[%add3A, %dma_start3A, %dma_start3A_31] : memref<32x80x128xi32, #tpu.memory_space<hbm>> -> memref<1x80x128xi32, #tpu.memory_space<hbm>>
      %dma_start3A_33 = tpu.memref_squeeze %dma_start3A_32 : memref<1x80x128xi32, #tpu.memory_space<hbm>> -> memref<80x128xi32, #tpu.memory_space<hbm>>
      %dma_start3A_34 = arith.constant 0 : i32
      %dma_start3A_35 = arith.constant 0 : i32
      %dma_start3A_36 = tpu.memref_slice %arg2[%add3A, %dma_start3A_34, %dma_start3A_35] : memref<32x80x128xi32, #tpu.memory_space<hbm>> -> memref<1x80x128xi32, #tpu.memory_space<hbm>>
      %dma_start3A_37 = tpu.memref_squeeze %dma_start3A_36 : memref<1x80x128xi32, #tpu.memory_space<hbm>> -> memref<80x128xi32, #tpu.memory_space<hbm>>
      tpu.enqueue_dma source(%dma_start3A_37 : memref<80x128xi32, #tpu.memory_space<hbm>>) target(%arg4 : memref<80x128xi32, #tpu.memory_space<vmem>>) target_semaphore(%run_scoped3A : memref<!tpu.dma_semaphore, #tpu.memory_space<semaphore_mem>>)
      %dma_wait3A = arith.constant 0 : i32
      %dma_wait3A_38 = arith.constant 0 : i32
      %dma_wait3A_39 = tpu.memref_slice %arg2[%add3A, %dma_wait3A, %dma_wait3A_38] : memref<32x80x128xi32, #tpu.memory_space<hbm>> -> memref<1x80x128xi32, #tpu.memory_space<hbm>>
      %dma_wait3A_40 = tpu.memref_squeeze %dma_wait3A_39 : memref<1x80x128xi32, #tpu.memory_space<hbm>> -> memref<80x128xi32, #tpu.memory_space<hbm>>
      %dma_wait3A_41 = arith.constant 0 : i32
      %dma_wait3A_42 = arith.constant 0 : i32
      %dma_wait3A_43 = tpu.memref_slice %arg2[%add3A, %dma_wait3A_41, %dma_wait3A_42] : memref<32x80x128xi32, #tpu.memory_space<hbm>> -> memref<1x80x128xi32, #tpu.memory_space<hbm>>
      %dma_wait3A_44 = tpu.memref_squeeze %dma_wait3A_43 : memref<1x80x128xi32, #tpu.memory_space<hbm>> -> memref<80x128xi32, #tpu.memory_space<hbm>>
      tpu.wait_dma2 semaphore(%run_scoped3A : memref<!tpu.dma_semaphore, #tpu.memory_space<semaphore_mem>>) src(%dma_wait3A_44 : memref<80x128xi32, #tpu.memory_space<hbm>>) dst(%arg4 : memref<80x128xi32, #tpu.memory_space<vmem>>)
      tpu.yield
    }) : () -> ()
    %scan3A_24 = arith.constant 0 : i32
    %scan3A_25 = arith.constant 0 : i32
    %scan3A_26 = arith.constant 80 : i32
    %scan3A_27 = arith.addi %scan3A_25, %scan3A_26 : i32
    %scan3A_28 = arith.constant 1 : i32
    scf.for %scan3A_31 = %scan3A_25 to %scan3A_27 step %scan3A_28  : i32 {
      "tpu.region"() ({
        %run_scoped3A = tpu.sem_alloc : memref<!tpu.dma_semaphore, #tpu.memory_space<semaphore_mem>>
        %dma_start3A = arith.constant 0 : i32
        %dma_start3A_32 = tpu.memref_slice %arg4[%scan3A_31, %dma_start3A] : memref<80x128xi32, #tpu.memory_space<vmem>> -> memref<1x128xi32, #tpu.memory_space<vmem>>
        %dma_start3A_33 = tpu.memref_squeeze %dma_start3A_32 : memref<1x128xi32, #tpu.memory_space<vmem>> -> memref<128xi32, #tpu.memory_space<vmem>>
        %dma_start3A_34 = arith.constant 0 : i32
        %dma_start3A_35 = arith.constant 0 : i32
        %dma_start3A_36 = tpu.memref_slice %arg6[%dma_start3A_34, %dma_start3A_35] : memref<10240x128xf32, #tpu.memory_space<vmem_shared>> -> memref<10240x128xf32, #tpu.memory_space<vmem_shared>>
        tpu.enqueue_indirect_dma source(%arg5 : memref<128x128xf32, #tpu.memory_space<vmem>>) target(%dma_start3A_36 : memref<10240x128xf32, #tpu.memory_space<vmem_shared>>) offsets(%dma_start3A_33 : memref<128xi32, #tpu.memory_space<vmem>>) semaphore(%run_scoped3A : memref<!tpu.dma_semaphore, #tpu.memory_space<semaphore_mem>>) {add = true}
        %dma_wait3A = arith.constant 0 : i32
        %dma_wait3A_37 = tpu.memref_slice %arg4[%scan3A_31, %dma_wait3A] : memref<80x128xi32, #tpu.memory_space<vmem>> -> memref<1x128xi32, #tpu.memory_space<vmem>>
        %dma_wait3A_38 = tpu.memref_squeeze %dma_wait3A_37 : memref<1x128xi32, #tpu.memory_space<vmem>> -> memref<128xi32, #tpu.memory_space<vmem>>
        %dma_wait3A_39 = arith.constant 0 : i32
        %dma_wait3A_40 = arith.constant 0 : i32
        %dma_wait3A_41 = tpu.memref_slice %arg6[%dma_wait3A_39, %dma_wait3A_40] : memref<10240x128xf32, #tpu.memory_space<vmem_shared>> -> memref<10240x128xf32, #tpu.memory_space<vmem_shared>>
        tpu.wait_indirect_dma semaphore(%run_scoped3A : memref<!tpu.dma_semaphore, #tpu.memory_space<semaphore_mem>>) src(%arg5 : memref<128x128xf32, #tpu.memory_space<vmem>>) dst(%dma_wait3A_41 : memref<10240x128xf32, #tpu.memory_space<vmem_shared>>)
        tpu.yield
      }) : () -> ()
    }
    %scan3A_29 = arith.constant 80 : i32
    %barrier3A_30 = arith.constant 0 : index
    tpu.barrier barrier_id(%barrier3A_30)
    "tpu.region"() ({
      %run_scoped3A = tpu.sem_alloc : memref<!tpu.dma_semaphore, #tpu.memory_space<semaphore_mem>>
      %dma_start3A = arith.constant 0 : i32
      %dma_start3A_31 = tpu.memref_slice %arg3[%arg0, %mul3A_7, %dma_start3A] : memref<2x10240x128xf32, #tpu.memory_space<hbm>> -> memref<1x640x128xf32, #tpu.memory_space<hbm>>
      %dma_start3A_32 = tpu.memref_squeeze %dma_start3A_31 : memref<1x640x128xf32, #tpu.memory_space<hbm>> -> memref<640x128xf32, #tpu.memory_space<hbm>>
      %dma_start3A_33 = arith.constant 0 : i32
      %dma_start3A_34 = tpu.memref_slice %arg6[%mul3A_7, %dma_start3A_33] : memref<10240x128xf32, #tpu.memory_space<vmem_shared>> -> memref<640x128xf32, #tpu.memory_space<vmem_shared>>
      tpu.enqueue_dma source(%dma_start3A_34 : memref<640x128xf32, #tpu.memory_space<vmem_shared>>) target(%dma_start3A_32 : memref<640x128xf32, #tpu.memory_space<hbm>>) target_semaphore(%run_scoped3A : memref<!tpu.dma_semaphore, #tpu.memory_space<semaphore_mem>>)
      %dma_wait3A = arith.constant 0 : i32
      %dma_wait3A_35 = tpu.memref_slice %arg3[%arg0, %mul3A_7, %dma_wait3A] : memref<2x10240x128xf32, #tpu.memory_space<hbm>> -> memref<1x640x128xf32, #tpu.memory_space<hbm>>
      %dma_wait3A_36 = tpu.memref_squeeze %dma_wait3A_35 : memref<1x640x128xf32, #tpu.memory_space<hbm>> -> memref<640x128xf32, #tpu.memory_space<hbm>>
      %dma_wait3A_37 = arith.constant 0 : i32
      %dma_wait3A_38 = tpu.memref_slice %arg6[%mul3A_7, %dma_wait3A_37] : memref<10240x128xf32, #tpu.memory_space<vmem_shared>> -> memref<640x128xf32, #tpu.memory_space<vmem_shared>>
      tpu.wait_dma2 semaphore(%run_scoped3A : memref<!tpu.dma_semaphore, #tpu.memory_space<semaphore_mem>>) src(%dma_wait3A_38 : memref<640x128xf32, #tpu.memory_space<vmem_shared>>) dst(%dma_wait3A_36 : memref<640x128xf32, #tpu.memory_space<hbm>>)
      tpu.yield
    }) : () -> ()
    return
  }
}

module attributes {stable_mosaic.version = 14 : i64} {
  func.func @_mlp_body(%arg0: i32, %arg1: memref<2000x128xf32, #tpu.memory_space<vmem>>, %arg2: memref<128x128xf32, #tpu.memory_space<vmem>>, %arg3: memref<1x128xf32, #tpu.memory_space<vmem>>, %arg4: memref<2000x128xf32, #tpu.memory_space<vmem>>) attributes {dimension_semantics = [#tpu.dimension_semantics<arbitrary>], iteration_bounds = array<i64: 5>, scalar_prefetch = 0 : i64, scratch_operands = 0 : i64, tpu.core_type = #tpu.core_type<tc>, window_params = [{transform_indices = @transform_0, window_bounds = array<i64: 2000, 128>}, {pipeline_mode = #tpu.pipeline_mode<synchronous>, transform_indices = @transform_1, window_bounds = array<i64: 128, 128>}, {pipeline_mode = #tpu.pipeline_mode<synchronous>, transform_indices = @transform_2, window_bounds = array<i64: 1, 128>}, {transform_indices = @transform_3, window_bounds = array<i64: 2000, 128>}]} {
    %get3A = arith.constant 0 : index
    %get3A_0 = arith.constant 0 : index
    %get3A_1 = vector.load %arg1[%get3A, %get3A_0] : memref<2000x128xf32, #tpu.memory_space<vmem>>, vector<2000x128xf32>
    %get3A_2 = arith.constant 0 : index
    %get3A_3 = arith.constant 0 : index
    %get3A_4 = vector.load %arg2[%get3A_2, %get3A_3] : memref<128x128xf32, #tpu.memory_space<vmem>>, vector<128x128xf32>
    %dot_general3A = arith.constant dense<0.000000e+00> : vector<2000x128xf32>
    %dot_general3A_5 = tpu.matmul %get3A_1, %get3A_4, %dot_general3A {dimension_numbers = #tpu.dot_dimension_numbers<[1], [0], [0], [1], [0, 0, 1, 1], [], []>, transpose_lhs_hint = false} : vector<2000x128xf32>, vector<128x128xf32>, vector<2000x128xf32> -> vector<2000x128xf32>
    %get3A_6 = arith.constant 0 : index
    %get3A_7 = arith.constant 0 : index
    %get3A_8 = vector.load %arg3[%get3A_6, %get3A_7] : memref<1x128xf32, #tpu.memory_space<vmem>>, vector<1x128xf32>
    %add3A = vector.broadcast %get3A_8 : vector<1x128xf32> to vector<2000x128xf32>
    %add3A_9 = arith.addf %dot_general3A_5, %add3A : vector<2000x128xf32>
    %max3A = arith.constant 0.000000e+00 : f32
    %max3A_10 = vector.broadcast %max3A : f32 to vector<2000x128xf32>
    %max3A_11 = arith.maximumf %add3A_9, %max3A_10 : vector<2000x128xf32>
    %swap3A = arith.constant 0 : index
    %swap3A_12 = arith.constant 0 : index
    %swap3A_13 = vector.load %arg4[%swap3A, %swap3A_12] : memref<2000x128xf32, #tpu.memory_space<vmem>>, vector<2000x128xf32>
    tpu.vector_store %arg4[%swap3A, %swap3A_12], %max3A_11 {strides = array<i32>} : memref<2000x128xf32, #tpu.memory_space<vmem>>, vector<2000x128xf32>,
    return
  }
  func.func @transform_0(%arg0: i32) -> (i32, i32) {
    %c0_i32 = arith.constant 0 : i32
    %c0_i32_0 = arith.constant 0 : i32
    return %arg0, %c0_i32 : i32, i32
  }
  func.func @transform_1(%arg0: i32) -> (i32, i32) {
    %c0_i32 = arith.constant 0 : i32
    %c0_i32_0 = arith.constant 0 : i32
    %c0_i32_1 = arith.constant 0 : i32
    return %c0_i32, %c0_i32_0 : i32, i32
  }
  func.func @transform_2(%arg0: i32) -> (i32, i32) {
    %c0_i32 = arith.constant 0 : i32
    %c0_i32_0 = arith.constant 0 : i32
    %c0_i32_1 = arith.constant 0 : i32
    return %c0_i32, %c0_i32_0 : i32, i32
  }
  func.func @transform_3(%arg0: i32) -> (i32, i32) {
    %c0_i32 = arith.constant 0 : i32
    %c0_i32_0 = arith.constant 0 : i32
    return %arg0, %c0_i32 : i32, i32
  }
}

module attributes {stable_mosaic.version = 14 : i64} {
  func.func @_attn_body(%arg0: i32, %arg1: memref<2000x128xf32, #tpu.memory_space<vmem>>, %arg2: memref<128x128xf32, #tpu.memory_space<vmem>>, %arg3: memref<128x32xf32, #tpu.memory_space<vmem>>, %arg4: memref<32x128xf32, #tpu.memory_space<vmem>>, %arg5: memref<2000x128xf32, #tpu.memory_space<vmem>>) attributes {dimension_semantics = [#tpu.dimension_semantics<arbitrary>], iteration_bounds = array<i64: 5>, scalar_prefetch = 0 : i64, scratch_operands = 0 : i64, tpu.core_type = #tpu.core_type<tc>, window_params = [{transform_indices = @transform_0, window_bounds = array<i64: 2000, 128>}, {pipeline_mode = #tpu.pipeline_mode<synchronous>, transform_indices = @transform_1, window_bounds = array<i64: 128, 128>}, {pipeline_mode = #tpu.pipeline_mode<synchronous>, transform_indices = @transform_2, window_bounds = array<i64: 128, 32>}, {pipeline_mode = #tpu.pipeline_mode<synchronous>, transform_indices = @transform_3, window_bounds = array<i64: 32, 128>}, {transform_indices = @transform_4, window_bounds = array<i64: 2000, 128>}]} {
    %get3A = arith.constant 0 : index
    %get3A_0 = arith.constant 0 : index
    %get3A_1 = vector.load %arg1[%get3A, %get3A_0] : memref<2000x128xf32, #tpu.memory_space<vmem>>, vector<2000x128xf32>
    %get3A_2 = arith.constant 0 : index
    %get3A_3 = arith.constant 0 : index
    %get3A_4 = vector.load %arg2[%get3A_2, %get3A_3] : memref<128x128xf32, #tpu.memory_space<vmem>>, vector<128x128xf32>
    %dot_general3A = arith.constant dense<0.000000e+00> : vector<2000x128xf32>
    %dot_general3A_5 = tpu.matmul %get3A_1, %get3A_4, %dot_general3A {dimension_numbers = #tpu.dot_dimension_numbers<[1], [0], [0], [1], [0, 0, 1, 1], [], []>, transpose_lhs_hint = false} : vector<2000x128xf32>, vector<128x128xf32>, vector<2000x128xf32> -> vector<2000x128xf32>
    %get3A_6 = arith.constant 0 : index
    %get3A_7 = arith.constant 0 : index
    %get3A_8 = vector.load %arg3[%get3A_6, %get3A_7] : memref<128x32xf32, #tpu.memory_space<vmem>>, vector<128x32xf32>
    %dot_general3A_9 = arith.constant dense<0.000000e+00> : vector<2000x32xf32>
    %dot_general3A_10 = tpu.matmul %dot_general3A_5, %get3A_8, %dot_general3A_9 {dimension_numbers = #tpu.dot_dimension_numbers<[1], [0], [0], [1], [0, 0, 1, 1], [], []>, transpose_lhs_hint = false} : vector<2000x128xf32>, vector<128x32xf32>, vector<2000x32xf32> -> vector<2000x32xf32>
    %reduce_max3A = arith.constant dense<0xFF800000> : vector<2000xf32>
    %reduce_max3A_11 = vector.multi_reduction <maximumf>, %dot_general3A_10, %reduce_max3A [1] : vector<2000x32xf32> to vector<2000xf32>
    %broadcast_in_dim3A = vector.shape_cast %reduce_max3A_11 : vector<2000xf32> to vector<2000x1xf32>
    %sub3A = vector.broadcast %broadcast_in_dim3A : vector<2000x1xf32> to vector<2000x32xf32>
    %sub3A_12 = arith.subf %dot_general3A_10, %sub3A : vector<2000x32xf32>
    %exp3A = math.exp %sub3A_12 : vector<2000x32xf32>
    %reduce_sum3A = arith.constant dense<0.000000e+00> : vector<2000xf32>
    %reduce_sum3A_13 = vector.multi_reduction <add>, %exp3A, %reduce_sum3A [1] : vector<2000x32xf32> to vector<2000xf32>
    %broadcast_in_dim3A_14 = vector.shape_cast %reduce_sum3A_13 : vector<2000xf32> to vector<2000x1xf32>
    %div3A = vector.broadcast %broadcast_in_dim3A_14 : vector<2000x1xf32> to vector<2000x32xf32>
    %div3A_15 = arith.divf %exp3A, %div3A : vector<2000x32xf32>
    %get3A_16 = arith.constant 0 : index
    %get3A_17 = arith.constant 0 : index
    %get3A_18 = vector.load %arg4[%get3A_16, %get3A_17] : memref<32x128xf32, #tpu.memory_space<vmem>>, vector<32x128xf32>
    %dot_general3A_19 = arith.constant dense<0.000000e+00> : vector<2000x128xf32>
    %dot_general3A_20 = tpu.matmul %div3A_15, %get3A_18, %dot_general3A_19 {dimension_numbers = #tpu.dot_dimension_numbers<[1], [0], [0], [1], [0, 0, 1, 1], [], []>, transpose_lhs_hint = false} : vector<2000x32xf32>, vector<32x128xf32>, vector<2000x128xf32> -> vector<2000x128xf32>
    %swap3A = arith.constant 0 : index
    %swap3A_21 = arith.constant 0 : index
    %swap3A_22 = vector.load %arg5[%swap3A, %swap3A_21] : memref<2000x128xf32, #tpu.memory_space<vmem>>, vector<2000x128xf32>
    tpu.vector_store %arg5[%swap3A, %swap3A_21], %dot_general3A_20 {strides = array<i32>} : memref<2000x128xf32, #tpu.memory_space<vmem>>, vector<2000x128xf32>,
    return
  }
  func.func @transform_0(%arg0: i32) -> (i32, i32) {
    %c0_i32 = arith.constant 0 : i32
    %c0_i32_0 = arith.constant 0 : i32
    return %arg0, %c0_i32 : i32, i32
  }
  func.func @transform_1(%arg0: i32) -> (i32, i32) {
    %c0_i32 = arith.constant 0 : i32
    %c0_i32_0 = arith.constant 0 : i32
    %c0_i32_1 = arith.constant 0 : i32
    return %c0_i32, %c0_i32_0 : i32, i32
  }
  func.func @transform_2(%arg0: i32) -> (i32, i32) {
    %c0_i32 = arith.constant 0 : i32
    %c0_i32_0 = arith.constant 0 : i32
    %c0_i32_1 = arith.constant 0 : i32
    return %c0_i32, %c0_i32_0 : i32, i32
  }
  func.func @transform_3(%arg0: i32) -> (i32, i32) {
    %c0_i32 = arith.constant 0 : i32
    %c0_i32_0 = arith.constant 0 : i32
    %c0_i32_1 = arith.constant 0 : i32
    return %c0_i32, %c0_i32_0 : i32, i32
  }
  func.func @transform_4(%arg0: i32) -> (i32, i32) {
    %c0_i32 = arith.constant 0 : i32
    %c0_i32_0 = arith.constant 0 : i32
    return %arg0, %c0_i32 : i32, i32
  }
}

module attributes {stable_mosaic.version = 14 : i64} {
  func.func @_combine_body(%arg0: i32, %arg1: memref<2000x128xf32, #tpu.memory_space<vmem>>, %arg2: memref<2000x128xf32, #tpu.memory_space<vmem>>, %arg3: memref<2x2000x128xf32, #tpu.memory_space<vmem>>, %arg4: memref<2x2000x128xf32, #tpu.memory_space<vmem>>, %arg5: memref<1x128xf32, #tpu.memory_space<vmem>>, %arg6: memref<1x128xf32, #tpu.memory_space<vmem>>, %arg7: memref<2000x128xf32, #tpu.memory_space<vmem>>) attributes {dimension_semantics = [#tpu.dimension_semantics<arbitrary>], iteration_bounds = array<i64: 5>, scalar_prefetch = 0 : i64, scratch_operands = 0 : i64, tpu.core_type = #tpu.core_type<tc>, window_params = [{transform_indices = @transform_0, window_bounds = array<i64: 2000, 128>}, {transform_indices = @transform_1, window_bounds = array<i64: 2000, 128>}, {transform_indices = @transform_2, window_bounds = array<i64: 2, 2000, 128>}, {transform_indices = @transform_3, window_bounds = array<i64: 2, 2000, 128>}, {pipeline_mode = #tpu.pipeline_mode<synchronous>, transform_indices = @transform_4, window_bounds = array<i64: 1, 128>}, {pipeline_mode = #tpu.pipeline_mode<synchronous>, transform_indices = @transform_5, window_bounds = array<i64: 1, 128>}, {transform_indices = @transform_6, window_bounds = array<i64: 2000, 128>}]} {
    %get3A = arith.constant 0 : index
    %get3A_0 = arith.constant 0 : index
    %get3A_1 = arith.constant 0 : index
    %get3A_2 = vector.load %arg3[%get3A, %get3A_0, %get3A_1] : memref<2x2000x128xf32, #tpu.memory_space<vmem>>, vector<1x2000x128xf32>
    %get3A_3 = vector.shape_cast %get3A_2 : vector<1x2000x128xf32> to vector<2000x128xf32>
    %get3A_4 = arith.constant 1 : index
    %get3A_5 = arith.constant 0 : index
    %get3A_6 = arith.constant 0 : index
    %get3A_7 = vector.load %arg3[%get3A_4, %get3A_5, %get3A_6] : memref<2x2000x128xf32, #tpu.memory_space<vmem>>, vector<1x2000x128xf32>
    %get3A_8 = vector.shape_cast %get3A_7 : vector<1x2000x128xf32> to vector<2000x128xf32>
    %add3A = arith.addf %get3A_3, %get3A_8 : vector<2000x128xf32>
    %get3A_9 = arith.constant 0 : index
    %get3A_10 = arith.constant 0 : index
    %get3A_11 = arith.constant 0 : index
    %get3A_12 = vector.load %arg4[%get3A_9, %get3A_10, %get3A_11] : memref<2x2000x128xf32, #tpu.memory_space<vmem>>, vector<1x2000x128xf32>
    %get3A_13 = vector.shape_cast %get3A_12 : vector<1x2000x128xf32> to vector<2000x128xf32>
    %get3A_14 = arith.constant 1 : index
    %get3A_15 = arith.constant 0 : index
    %get3A_16 = arith.constant 0 : index
    %get3A_17 = vector.load %arg4[%get3A_14, %get3A_15, %get3A_16] : memref<2x2000x128xf32, #tpu.memory_space<vmem>>, vector<1x2000x128xf32>
    %get3A_18 = vector.shape_cast %get3A_17 : vector<1x2000x128xf32> to vector<2000x128xf32>
    %add3A_19 = arith.addf %get3A_13, %get3A_18 : vector<2000x128xf32>
    %slice3A = vector.extract_strided_slice %add3A_19 {offsets = [0, 0], sizes = [2000, 1], strides = [1, 1]} : vector<2000x128xf32> to vector<2000x1xf32>
    %max3A = arith.constant 1.000000e+00 : f32
    %max3A_20 = vector.broadcast %max3A : f32 to vector<2000x1xf32>
    %max3A_21 = arith.maximumf %slice3A, %max3A_20 : vector<2000x1xf32>
    %get3A_22 = arith.constant 0 : index
    %get3A_23 = arith.constant 0 : index
    %get3A_24 = vector.load %arg2[%get3A_22, %get3A_23] : memref<2000x128xf32, #tpu.memory_space<vmem>>, vector<2000x128xf32>
    %div3A = arith.constant 1.000000e-01 : f32
    %div3A_25 = vector.broadcast %div3A : f32 to vector<2000x1xf32>
    %div3A_26 = arith.divf %div3A_25, %max3A_21 : vector<2000x1xf32>
    %mul3A = vector.broadcast %div3A_26 : vector<2000x1xf32> to vector<2000x128xf32>
    %mul3A_27 = arith.mulf %mul3A, %add3A : vector<2000x128xf32>
    %add3A_28 = arith.addf %get3A_24, %mul3A_27 : vector<2000x128xf32>
    %get3A_29 = arith.constant 0 : index
    %get3A_30 = arith.constant 0 : index
    %get3A_31 = vector.load %arg1[%get3A_29, %get3A_30] : memref<2000x128xf32, #tpu.memory_space<vmem>>, vector<2000x128xf32>
    %mul3A_32 = arith.constant 5.000000e-01 : f32
    %mul3A_33 = vector.broadcast %mul3A_32 : f32 to vector<2000x128xf32>
    %mul3A_34 = arith.mulf %mul3A_33, %get3A_31 : vector<2000x128xf32>
    %mul3A_35 = arith.constant 5.000000e-01 : f32
    %mul3A_36 = vector.broadcast %mul3A_35 : f32 to vector<2000x128xf32>
    %mul3A_37 = arith.mulf %mul3A_36, %add3A_28 : vector<2000x128xf32>
    %add3A_38 = arith.addf %mul3A_34, %mul3A_37 : vector<2000x128xf32>
    %reduce_sum3A = arith.constant dense<0.000000e+00> : vector<2000xf32>
    %reduce_sum3A_39 = vector.multi_reduction <add>, %add3A_38, %reduce_sum3A [1] : vector<2000x128xf32> to vector<2000xf32>
    %broadcast_in_dim3A = vector.shape_cast %reduce_sum3A_39 : vector<2000xf32> to vector<2000x1xf32>
    %div3A_40 = arith.constant 1.280000e+02 : f32
    %div3A_41 = vector.broadcast %div3A_40 : f32 to vector<2000x1xf32>
    %div3A_42 = arith.divf %broadcast_in_dim3A, %div3A_41 : vector<2000x1xf32>
    %sub3A = vector.broadcast %div3A_42 : vector<2000x1xf32> to vector<2000x128xf32>
    %sub3A_43 = arith.subf %add3A_38, %sub3A : vector<2000x128xf32>
    %sub3A_44 = vector.broadcast %div3A_42 : vector<2000x1xf32> to vector<2000x128xf32>
    %sub3A_45 = arith.subf %add3A_38, %sub3A_44 : vector<2000x128xf32>
    %mul3A_46 = arith.mulf %sub3A_43, %sub3A_45 : vector<2000x128xf32>
    %reduce_sum3A_47 = arith.constant dense<0.000000e+00> : vector<2000xf32>
    %reduce_sum3A_48 = vector.multi_reduction <add>, %mul3A_46, %reduce_sum3A_47 [1] : vector<2000x128xf32> to vector<2000xf32>
    %broadcast_in_dim3A_49 = vector.shape_cast %reduce_sum3A_48 : vector<2000xf32> to vector<2000x1xf32>
    %div3A_50 = arith.constant 1.280000e+02 : f32
    %div3A_51 = vector.broadcast %div3A_50 : f32 to vector<2000x1xf32>
    %div3A_52 = arith.divf %broadcast_in_dim3A_49, %div3A_51 : vector<2000x1xf32>
    %get3A_53 = arith.constant 0 : index
    %get3A_54 = arith.constant 0 : index
    %get3A_55 = vector.load %arg5[%get3A_53, %get3A_54] : memref<1x128xf32, #tpu.memory_space<vmem>>, vector<1x128xf32>
    %sub3A_56 = vector.broadcast %div3A_42 : vector<2000x1xf32> to vector<2000x128xf32>
    %sub3A_57 = arith.subf %add3A_38, %sub3A_56 : vector<2000x128xf32>
    %mul3A_58 = vector.broadcast %get3A_55 : vector<1x128xf32> to vector<2000x128xf32>
    %mul3A_59 = arith.mulf %mul3A_58, %sub3A_57 : vector<2000x128xf32>
    %add3A_60 = arith.constant 9.99999974E-6 : f32
    %add3A_61 = vector.broadcast %add3A_60 : f32 to vector<2000x1xf32>
    %add3A_62 = arith.addf %div3A_52, %add3A_61 : vector<2000x1xf32>
    %sqrt3A = math.sqrt %add3A_62 : vector<2000x1xf32>
    %div3A_63 = vector.broadcast %sqrt3A : vector<2000x1xf32> to vector<2000x128xf32>
    %div3A_64 = arith.divf %mul3A_59, %div3A_63 : vector<2000x128xf32>
    %get3A_65 = arith.constant 0 : index
    %get3A_66 = arith.constant 0 : index
    %get3A_67 = vector.load %arg6[%get3A_65, %get3A_66] : memref<1x128xf32, #tpu.memory_space<vmem>>, vector<1x128xf32>
    %add3A_68 = vector.broadcast %get3A_67 : vector<1x128xf32> to vector<2000x128xf32>
    %add3A_69 = arith.addf %div3A_64, %add3A_68 : vector<2000x128xf32>
    %swap3A = arith.constant 0 : index
    %swap3A_70 = arith.constant 0 : index
    %swap3A_71 = vector.load %arg7[%swap3A, %swap3A_70] : memref<2000x128xf32, #tpu.memory_space<vmem>>, vector<2000x128xf32>
    tpu.vector_store %arg7[%swap3A, %swap3A_70], %add3A_69 {strides = array<i32>} : memref<2000x128xf32, #tpu.memory_space<vmem>>, vector<2000x128xf32>,
    return
  }
  func.func @transform_0(%arg0: i32) -> (i32, i32) {
    %c0_i32 = arith.constant 0 : i32
    %c0_i32_0 = arith.constant 0 : i32
    return %arg0, %c0_i32 : i32, i32
  }
  func.func @transform_1(%arg0: i32) -> (i32, i32) {
    %c0_i32 = arith.constant 0 : i32
    %c0_i32_0 = arith.constant 0 : i32
    return %arg0, %c0_i32 : i32, i32
  }
  func.func @transform_2(%arg0: i32) -> (i32, i32, i32) {
    %c0_i32 = arith.constant 0 : i32
    %c0_i32_0 = arith.constant 0 : i32
    %c0_i32_1 = arith.constant 0 : i32
    return %c0_i32, %arg0, %c0_i32_0 : i32, i32, i32
  }
  func.func @transform_3(%arg0: i32) -> (i32, i32, i32) {
    %c0_i32 = arith.constant 0 : i32
    %c0_i32_0 = arith.constant 0 : i32
    %c0_i32_1 = arith.constant 0 : i32
    return %c0_i32, %arg0, %c0_i32_0 : i32, i32, i32
  }
  func.func @transform_4(%arg0: i32) -> (i32, i32) {
    %c0_i32 = arith.constant 0 : i32
    %c0_i32_0 = arith.constant 0 : i32
    %c0_i32_1 = arith.constant 0 : i32
    return %c0_i32, %c0_i32_0 : i32, i32
  }
  func.func @transform_5(%arg0: i32) -> (i32, i32) {
    %c0_i32 = arith.constant 0 : i32
    %c0_i32_0 = arith.constant 0 : i32
    %c0_i32_1 = arith.constant 0 : i32
    return %c0_i32, %c0_i32_0 : i32, i32
  }
  func.func @transform_6(%arg0: i32) -> (i32, i32) {
    %c0_i32 = arith.constant 0 : i32
    %c0_i32_0 = arith.constant 0 : i32
    return %arg0, %c0_i32 : i32, i32
  }
}

module attributes {stable_mosaic.version = 14 : i64} {
  func.func @_combine_cls_body(%arg0: i32, %arg1: memref<2000x128xf32, #tpu.memory_space<vmem>>, %arg2: memref<2000x128xf32, #tpu.memory_space<vmem>>, %arg3: memref<2x2000x128xf32, #tpu.memory_space<vmem>>, %arg4: memref<2x2000x128xf32, #tpu.memory_space<vmem>>, %arg5: memref<1x128xf32, #tpu.memory_space<vmem>>, %arg6: memref<1x128xf32, #tpu.memory_space<vmem>>, %arg7: memref<128x64xf32, #tpu.memory_space<vmem>>, %arg8: memref<1x64xf32, #tpu.memory_space<vmem>>, %arg9: memref<2000x64xf32, #tpu.memory_space<vmem>>) attributes {dimension_semantics = [#tpu.dimension_semantics<arbitrary>], iteration_bounds = array<i64: 5>, scalar_prefetch = 0 : i64, scratch_operands = 0 : i64, tpu.core_type = #tpu.core_type<tc>, window_params = [{transform_indices = @transform_0, window_bounds = array<i64: 2000, 128>}, {transform_indices = @transform_1, window_bounds = array<i64: 2000, 128>}, {transform_indices = @transform_2, window_bounds = array<i64: 2, 2000, 128>}, {transform_indices = @transform_3, window_bounds = array<i64: 2, 2000, 128>}, {pipeline_mode = #tpu.pipeline_mode<synchronous>, transform_indices = @transform_4, window_bounds = array<i64: 1, 128>}, {pipeline_mode = #tpu.pipeline_mode<synchronous>, transform_indices = @transform_5, window_bounds = array<i64: 1, 128>}, {pipeline_mode = #tpu.pipeline_mode<synchronous>, transform_indices = @transform_6, window_bounds = array<i64: 128, 64>}, {pipeline_mode = #tpu.pipeline_mode<synchronous>, transform_indices = @transform_7, window_bounds = array<i64: 1, 64>}, {transform_indices = @transform_8, window_bounds = array<i64: 2000, 64>}]} {
    %get3A = arith.constant 0 : index
    %get3A_0 = arith.constant 0 : index
    %get3A_1 = arith.constant 0 : index
    %get3A_2 = vector.load %arg3[%get3A, %get3A_0, %get3A_1] : memref<2x2000x128xf32, #tpu.memory_space<vmem>>, vector<1x2000x128xf32>
    %get3A_3 = vector.shape_cast %get3A_2 : vector<1x2000x128xf32> to vector<2000x128xf32>
    %get3A_4 = arith.constant 1 : index
    %get3A_5 = arith.constant 0 : index
    %get3A_6 = arith.constant 0 : index
    %get3A_7 = vector.load %arg3[%get3A_4, %get3A_5, %get3A_6] : memref<2x2000x128xf32, #tpu.memory_space<vmem>>, vector<1x2000x128xf32>
    %get3A_8 = vector.shape_cast %get3A_7 : vector<1x2000x128xf32> to vector<2000x128xf32>
    %add3A = arith.addf %get3A_3, %get3A_8 : vector<2000x128xf32>
    %get3A_9 = arith.constant 0 : index
    %get3A_10 = arith.constant 0 : index
    %get3A_11 = arith.constant 0 : index
    %get3A_12 = vector.load %arg4[%get3A_9, %get3A_10, %get3A_11] : memref<2x2000x128xf32, #tpu.memory_space<vmem>>, vector<1x2000x128xf32>
    %get3A_13 = vector.shape_cast %get3A_12 : vector<1x2000x128xf32> to vector<2000x128xf32>
    %get3A_14 = arith.constant 1 : index
    %get3A_15 = arith.constant 0 : index
    %get3A_16 = arith.constant 0 : index
    %get3A_17 = vector.load %arg4[%get3A_14, %get3A_15, %get3A_16] : memref<2x2000x128xf32, #tpu.memory_space<vmem>>, vector<1x2000x128xf32>
    %get3A_18 = vector.shape_cast %get3A_17 : vector<1x2000x128xf32> to vector<2000x128xf32>
    %add3A_19 = arith.addf %get3A_13, %get3A_18 : vector<2000x128xf32>
    %slice3A = vector.extract_strided_slice %add3A_19 {offsets = [0, 0], sizes = [2000, 1], strides = [1, 1]} : vector<2000x128xf32> to vector<2000x1xf32>
    %max3A = arith.constant 1.000000e+00 : f32
    %max3A_20 = vector.broadcast %max3A : f32 to vector<2000x1xf32>
    %max3A_21 = arith.maximumf %slice3A, %max3A_20 : vector<2000x1xf32>
    %get3A_22 = arith.constant 0 : index
    %get3A_23 = arith.constant 0 : index
    %get3A_24 = vector.load %arg2[%get3A_22, %get3A_23] : memref<2000x128xf32, #tpu.memory_space<vmem>>, vector<2000x128xf32>
    %div3A = arith.constant 1.000000e-01 : f32
    %div3A_25 = vector.broadcast %div3A : f32 to vector<2000x1xf32>
    %div3A_26 = arith.divf %div3A_25, %max3A_21 : vector<2000x1xf32>
    %mul3A = vector.broadcast %div3A_26 : vector<2000x1xf32> to vector<2000x128xf32>
    %mul3A_27 = arith.mulf %mul3A, %add3A : vector<2000x128xf32>
    %add3A_28 = arith.addf %get3A_24, %mul3A_27 : vector<2000x128xf32>
    %get3A_29 = arith.constant 0 : index
    %get3A_30 = arith.constant 0 : index
    %get3A_31 = vector.load %arg1[%get3A_29, %get3A_30] : memref<2000x128xf32, #tpu.memory_space<vmem>>, vector<2000x128xf32>
    %mul3A_32 = arith.constant 5.000000e-01 : f32
    %mul3A_33 = vector.broadcast %mul3A_32 : f32 to vector<2000x128xf32>
    %mul3A_34 = arith.mulf %mul3A_33, %get3A_31 : vector<2000x128xf32>
    %mul3A_35 = arith.constant 5.000000e-01 : f32
    %mul3A_36 = vector.broadcast %mul3A_35 : f32 to vector<2000x128xf32>
    %mul3A_37 = arith.mulf %mul3A_36, %add3A_28 : vector<2000x128xf32>
    %add3A_38 = arith.addf %mul3A_34, %mul3A_37 : vector<2000x128xf32>
    %reduce_sum3A = arith.constant dense<0.000000e+00> : vector<2000xf32>
    %reduce_sum3A_39 = vector.multi_reduction <add>, %add3A_38, %reduce_sum3A [1] : vector<2000x128xf32> to vector<2000xf32>
    %broadcast_in_dim3A = vector.shape_cast %reduce_sum3A_39 : vector<2000xf32> to vector<2000x1xf32>
    %div3A_40 = arith.constant 1.280000e+02 : f32
    %div3A_41 = vector.broadcast %div3A_40 : f32 to vector<2000x1xf32>
    %div3A_42 = arith.divf %broadcast_in_dim3A, %div3A_41 : vector<2000x1xf32>
    %sub3A = vector.broadcast %div3A_42 : vector<2000x1xf32> to vector<2000x128xf32>
    %sub3A_43 = arith.subf %add3A_38, %sub3A : vector<2000x128xf32>
    %sub3A_44 = vector.broadcast %div3A_42 : vector<2000x1xf32> to vector<2000x128xf32>
    %sub3A_45 = arith.subf %add3A_38, %sub3A_44 : vector<2000x128xf32>
    %mul3A_46 = arith.mulf %sub3A_43, %sub3A_45 : vector<2000x128xf32>
    %reduce_sum3A_47 = arith.constant dense<0.000000e+00> : vector<2000xf32>
    %reduce_sum3A_48 = vector.multi_reduction <add>, %mul3A_46, %reduce_sum3A_47 [1] : vector<2000x128xf32> to vector<2000xf32>
    %broadcast_in_dim3A_49 = vector.shape_cast %reduce_sum3A_48 : vector<2000xf32> to vector<2000x1xf32>
    %div3A_50 = arith.constant 1.280000e+02 : f32
    %div3A_51 = vector.broadcast %div3A_50 : f32 to vector<2000x1xf32>
    %div3A_52 = arith.divf %broadcast_in_dim3A_49, %div3A_51 : vector<2000x1xf32>
    %get3A_53 = arith.constant 0 : index
    %get3A_54 = arith.constant 0 : index
    %get3A_55 = vector.load %arg5[%get3A_53, %get3A_54] : memref<1x128xf32, #tpu.memory_space<vmem>>, vector<1x128xf32>
    %sub3A_56 = vector.broadcast %div3A_42 : vector<2000x1xf32> to vector<2000x128xf32>
    %sub3A_57 = arith.subf %add3A_38, %sub3A_56 : vector<2000x128xf32>
    %mul3A_58 = vector.broadcast %get3A_55 : vector<1x128xf32> to vector<2000x128xf32>
    %mul3A_59 = arith.mulf %mul3A_58, %sub3A_57 : vector<2000x128xf32>
    %add3A_60 = arith.constant 9.99999974E-6 : f32
    %add3A_61 = vector.broadcast %add3A_60 : f32 to vector<2000x1xf32>
    %add3A_62 = arith.addf %div3A_52, %add3A_61 : vector<2000x1xf32>
    %sqrt3A = math.sqrt %add3A_62 : vector<2000x1xf32>
    %div3A_63 = vector.broadcast %sqrt3A : vector<2000x1xf32> to vector<2000x128xf32>
    %div3A_64 = arith.divf %mul3A_59, %div3A_63 : vector<2000x128xf32>
    %get3A_65 = arith.constant 0 : index
    %get3A_66 = arith.constant 0 : index
    %get3A_67 = vector.load %arg6[%get3A_65, %get3A_66] : memref<1x128xf32, #tpu.memory_space<vmem>>, vector<1x128xf32>
    %add3A_68 = vector.broadcast %get3A_67 : vector<1x128xf32> to vector<2000x128xf32>
    %add3A_69 = arith.addf %div3A_64, %add3A_68 : vector<2000x128xf32>
    %get3A_70 = arith.constant 0 : index
    %get3A_71 = arith.constant 0 : index
    %get3A_72 = vector.load %arg7[%get3A_70, %get3A_71] : memref<128x64xf32, #tpu.memory_space<vmem>>, vector<128x64xf32>
    %dot_general3A = arith.constant dense<0.000000e+00> : vector<2000x64xf32>
    %dot_general3A_73 = tpu.matmul %add3A_69, %get3A_72, %dot_general3A {dimension_numbers = #tpu.dot_dimension_numbers<[1], [0], [0], [1], [0, 0, 1, 1], [], []>, transpose_lhs_hint = false} : vector<2000x128xf32>, vector<128x64xf32>, vector<2000x64xf32> -> vector<2000x64xf32>
    %get3A_74 = arith.constant 0 : index
    %get3A_75 = arith.constant 0 : index
    %get3A_76 = vector.load %arg8[%get3A_74, %get3A_75] : memref<1x64xf32, #tpu.memory_space<vmem>>, vector<1x64xf32>
    %add3A_77 = vector.broadcast %get3A_76 : vector<1x64xf32> to vector<2000x64xf32>
    %add3A_78 = arith.addf %dot_general3A_73, %add3A_77 : vector<2000x64xf32>
    %swap3A = arith.constant 0 : index
    %swap3A_79 = arith.constant 0 : index
    %swap3A_80 = vector.load %arg9[%swap3A, %swap3A_79] : memref<2000x64xf32, #tpu.memory_space<vmem>>, vector<2000x64xf32>
    tpu.vector_store %arg9[%swap3A, %swap3A_79], %add3A_78 {strides = array<i32>} : memref<2000x64xf32, #tpu.memory_space<vmem>>, vector<2000x64xf32>,
    return
  }
  func.func @transform_0(%arg0: i32) -> (i32, i32) {
    %c0_i32 = arith.constant 0 : i32
    %c0_i32_0 = arith.constant 0 : i32
    return %arg0, %c0_i32 : i32, i32
  }
  func.func @transform_1(%arg0: i32) -> (i32, i32) {
    %c0_i32 = arith.constant 0 : i32
    %c0_i32_0 = arith.constant 0 : i32
    return %arg0, %c0_i32 : i32, i32
  }
  func.func @transform_2(%arg0: i32) -> (i32, i32, i32) {
    %c0_i32 = arith.constant 0 : i32
    %c0_i32_0 = arith.constant 0 : i32
    %c0_i32_1 = arith.constant 0 : i32
    return %c0_i32, %arg0, %c0_i32_0 : i32, i32, i32
  }
  func.func @transform_3(%arg0: i32) -> (i32, i32, i32) {
    %c0_i32 = arith.constant 0 : i32
    %c0_i32_0 = arith.constant 0 : i32
    %c0_i32_1 = arith.constant 0 : i32
    return %c0_i32, %arg0, %c0_i32_0 : i32, i32, i32
  }
  func.func @transform_4(%arg0: i32) -> (i32, i32) {
    %c0_i32 = arith.constant 0 : i32
    %c0_i32_0 = arith.constant 0 : i32
    %c0_i32_1 = arith.constant 0 : i32
    return %c0_i32, %c0_i32_0 : i32, i32
  }
  func.func @transform_5(%arg0: i32) -> (i32, i32) {
    %c0_i32 = arith.constant 0 : i32
    %c0_i32_0 = arith.constant 0 : i32
    %c0_i32_1 = arith.constant 0 : i32
    return %c0_i32, %c0_i32_0 : i32, i32
  }
  func.func @transform_6(%arg0: i32) -> (i32, i32) {
    %c0_i32 = arith.constant 0 : i32
    %c0_i32_0 = arith.constant 0 : i32
    %c0_i32_1 = arith.constant 0 : i32
    return %c0_i32, %c0_i32_0 : i32, i32
  }
  func.func @transform_7(%arg0: i32) -> (i32, i32) {
    %c0_i32 = arith.constant 0 : i32
    %c0_i32_0 = arith.constant 0 : i32
    %c0_i32_1 = arith.constant 0 : i32
    return %c0_i32, %c0_i32_0 : i32, i32
  }
  func.func @transform_8(%arg0: i32) -> (i32, i32) {
    %c0_i32 = arith.constant 0 : i32
    %c0_i32_0 = arith.constant 0 : i32
    return %arg0, %c0_i32 : i32, i32
  }
}

</mosaic_0001>

<sc_bundles>
// kernel: kernel.10.cloned.1.call-start
scs
__scs_entry_jumppad:
0x0: {  	(pc) =	sbr.rel $0x88, $3  }
0x1: {  	(tag) =	ssettag $0x0;
	lr =	simm.s32 $0x1  }
0x2: {  	[smem:$0x3F95] =	sst lr;
	_ =	strace $0xD0000000  }
0x3: {  	_ = 	snop  }
0x4: {  	_ = 	snop  }
0x5: {  	_ = 	snop  }
0x6: {  	_ = 	snop  }
0x7: {  	_ = 	snop  }
__scs_overlays_trampoline_lowered:
0x8: {  	[smem:$0x3FA4] =	sst s0  }
0x9: {  	[smem:$0x3FA5] =	sst s1  }
0xa: {  	[smem:$0x3FA6] =	sst s2  }
0xb: {  	[smem:$0x3FA7] =	sst s3  }
0xc: {  	[smem:$0x3FA8] =	sst s4  }
0xd: {  	[smem:$0x3FA9] =	sst s5  }
0xe: {  	[smem:$0x3FAA] =	sst s6  }
0xf: {  	[smem:$0x3FAB] =	sst s7  }
0x10: {  	[smem:$0x3FAC] =	sst s8  }
0x11: {  	[smem:$0x3FAD] =	sst s9;
	s0 =	simm.s32 @!p0 $0x0  }
0x12: {  	s1 =	sld [smem:$0x3F93];
	s0 =	simm.s32 @p0 $0x1  }
0x13: {  	[smem:$0x3FAE] =	sst s0;
	s0 =	simm.s32 @!p1 $0x0  }
0x14: {  	s2 =	sld [smem:$0x3F92];
	s0 =	simm.s32 @p1 $0x1  }
0x15: {  	[smem:$0x3FAF] =	sst s0;
	s0 =	simm.s32 @!p2 $0x0  }
0x16: {  	s3 =	sld [smem:$0x3FDB];
	s0 =	simm.s32 @p2 $0x1  }
0x17: {  	s4 =	simm.s32 $0x1BF5;
	[smem:$0x3FB1] =	sst s0  }
0x18: {  	s0 =	sld [smem:$0x3F94];
	_ =	swait.ge [sflag:s4], $0x0  }
0x19: {  	s7 =	sld [smem:$0x3F95]  }
0x1a: {  	s8 =	sadd.s32 $0xFFFFE003, lr  }
0x1b: {  	s9 =	sadd.s32 $0xFFFFFEF7, lr;
	s5 =	simm.s32 $0xFFFFFFFF;
	p2 =	slt.u32 s8, $0xFFFFF086  }
0x1c: {  	p1 =	slt.u32 s9, $0xF7A;
	s5 =	simm.s32 @!p2 $0x0  }
0x1d: {  	s5 =	simm.s32 @p1 $0x1;
	p0 =	seq.s32 s7, s2  }
0x1e: {  	s7 =	smul.u32 @!p0 $0xF7A, s2;
	p2 =	seq.s32 @!p0 s5, $0x0  }
0x1f: {  	s9 =	smul.u32 $0xF7A, s1;
	s8 =	simm.s32 @!p0 $0x1BF5;
	p2 =	por !p2, p0  }
0x20: {  	[sflag:s8] =	ssyncset.s32 @!p0 $0xFFFFF086;
	s6 =	sadd.s32 @!p0 s3, s7;
	s7 =	simm.s32 @!p0 $0x108  }
0x21: {  	s3 =	sadd.s32 s3, s9;
	s6 =	sadd.s32 @!p0 $0x88, s6;
	s7 =	simm.s32 @p2 $0x1082  }
0x22: {  	[simem:s7], [sflag:s8] =	dma.local @!p0 [hbm:s6], $0xF7A  }
0x23: {  	s9 =	sor.u32 $0xD0000000, s2;
	s6 =	simm.s32 $0x108;
	_ =	swait.ge @!p0 [sflag:s8], $0x0  }
0x24: {  	s3 =	sadd.s32 $0x88, s3;
	s6 =	simm.s32 @!p1 $0x1082;
	[sflag:s4] =	ssyncset.s32 $0xFFFFF086  }
0x25: {  	[simem:s6], [sflag:s4] =	dma.local [hbm:s3], $0xF7A  }
0x26: {  	[smem:$0x3F95] =	sst s1;
	(tag) =	ssettag s2;
	_ =	strace s9  }
0x27: {  	s1 =	sld [smem:$0x3FA5]  }
0x28: {  	s2 =	sld [smem:$0x3FA6]  }
0x29: {  	s4 =	sld [smem:$0x3FA8]  }
0x2a: {  	p0 =	seq.s32 s5, $0x0;
	s5 =	sld [smem:$0x3FA9]  }
0x2b: {  	s6 =	sld [smem:$0x3FAA]  }
0x2c: {  	s7 =	sld [smem:$0x3FAB]  }
0x2d: {  	s3 =	simm.s32 $0x108;
	s8 =	sld [smem:$0x3FAC]  }
0x2e: {  	s3 =	simm.s32 @!p0 $0x1082;
	s9 =	sld [smem:$0x3FAD]  }
0x2f: {  	lr =	sadd.s32 s0, s3;
	s0 =	sld [smem:$0x3FA4]  }
0x30: {  	s3 =	sld [smem:$0x3FA7]  }
0x31: {  	[smem:$0x3FB0] =	sst s10  }
0x32: {  	s10 =	sld [smem:$0x3FAE];
	_ =	sdelay $0x3  }
0x33: {  	p0 =	seq.s32 s10, $0x1;
	s10 =	sld [smem:$0x3FB0];
	_ =	sdelay $0x3  }
0x34: {  	[smem:$0x3FB0] =	sst s10  }
0x35: {  	s10 =	sld [smem:$0x3FAF];
	_ =	sdelay $0x3  }
0x36: {  	p1 =	seq.s32 s10, $0x1;
	s10 =	sld [smem:$0x3FB0];
	_ =	sdelay $0x3  }
0x37: {  	[smem:$0x3FB0] =	sst s10  }
0x38: {  	s10 =	sld [smem:$0x3FB1]  }
0x39: {  	_ = 	snop;
	(pc) =	sbr.ind lr, $3  }
0x3a: {  	_ = 	snop  }
0x3b: {  	_ = 	snop  }
0x3c: {  	p2 =	seq.s32 s10, $0x1;
	s10 =	sld [smem:$0x3FB0]  }
0x3d: {  	_ =	shalt  }
0x3e: {  	_ =	shalt  }
0x3f: {  	_ =	shalt  }
0x40: {  	_ =	shalt  }
0x41: {  	_ =	shalt  }
0x42: {  	_ =	shalt  }
0x43: {  	_ =	shalt  }
0x44: {  	_ =	shalt  }
0x45: {  	_ =	shalt  }
0x46: {  	_ =	shalt  }
0x47: {  	_ =	shalt  }
0x48: {  	_ =	shalt  }
0x49: {  	_ =	shalt  }
0x4a: {  	_ =	shalt  }
0x4b: {  	_ =	shalt  }
0x4c: {  	_ =	shalt  }
0x4d: {  	_ =	shalt  }
0x4e: {  	_ =	shalt  }
0x4f: {  	_ =	shalt  }
0x50: {  	_ =	shalt  }
0x51: {  	_ =	shalt  }
0x52: {  	_ =	shalt  }
0x53: {  	_ =	shalt  }
0x54: {  	_ =	shalt  }
0x55: {  	_ =	shalt  }
0x56: {  	_ =	shalt  }
0x57: {  	_ =	shalt  }
0x58: {  	_ =	shalt  }
0x59: {  	_ =	shalt  }
0x5a: {  	_ =	shalt  }
0x5b: {  	_ =	shalt  }
0x5c: {  	_ =	shalt  }
0x5d: {  	_ =	shalt  }
0x5e: {  	_ =	shalt  }
0x5f: {  	_ =	shalt  }
0x60: {  	_ =	shalt  }
0x61: {  	_ =	shalt  }
0x62: {  	_ =	shalt  }
0x63: {  	_ =	shalt  }
0x64: {  	_ =	shalt  }
0x65: {  	_ =	shalt  }
0x66: {  	_ =	shalt  }
0x67: {  	_ =	shalt  }
0x68: {  	_ =	shalt  }
0x69: {  	_ =	shalt  }
0x6a: {  	_ =	shalt  }
0x6b: {  	_ =	shalt  }
0x6c: {  	_ =	shalt  }
0x6d: {  	_ =	shalt  }
0x6e: {  	_ =	shalt  }
0x6f: {  	_ =	shalt  }
0x70: {  	_ =	shalt  }
0x71: {  	_ =	shalt  }
0x72: {  	_ =	shalt  }
0x73: {  	_ =	shalt  }
0x74: {  	_ =	shalt  }
0x75: {  	_ =	shalt  }
0x76: {  	_ =	shalt  }
0x77: {  	_ =	shalt  }
0x78: {  	_ =	shalt  }
0x79: {  	_ =	shalt  }
0x7a: {  	_ =	shalt  }
0x7b: {  	_ =	shalt  }
0x7c: {  	_ =	shalt  }
0x7d: {  	_ =	shalt  }
0x7e: {  	_ =	shalt  }
0x7f: {  	_ =	shalt  }
0x80: {  	_ =	shalt  }
0x81: {  	_ =	shalt  }
0x82: {  	_ =	shalt  }
0x83: {  	_ =	shalt  }
0x84: {  	_ =	shalt  }
0x85: {  	_ =	shalt  }
0x86: {  	_ =	shalt  }
0x87: {  	_ =	shalt  }
.Lfunc_end0:
.L_simem_size_0:
called_computation_lowered:
.L_overlay_start_0:
0x88: {  	s2 =	sld [smem:$0x3FD9]  }
0x89: {  	s3 =	sld [smem:$0x3FFE];
	_ =	sdelay $0x1  }
0x8a: {  	s1 =	srdreg.scid  }
0x8b: {  	s0 =	sand.u32 $0x1, s1  }
0x8c: {  	s17 =	sshll.u32 s0, $0xA;
	s2 =	sadd.s32 s3, s2  }
0x8d: {  	s2 =	sadd.s32 s2, s17  }
0x8e: {  	[smem:$0x3FBC] =	sst s2  }
0x8f: {  	_ = 	snop  }
0x90: {  	s18 =	sld [smem:$0x3FD0];
	(tm) =	ssettm $0x1  }
0x91: {  	s19 =	sld [smem:$0x3FFB];
	_ =	sdelay $0x3  }
0x92: {  	_ =	strace s19  }
0x93: {  	s2 =	sld [smem:$0x3FFC];
	_ =	sdelay $0x3  }
0x94: {  	_ =	strace s2  }
0x95: {  	s2 =	sld [smem:$0x3FFD];
	_ =	sdelay $0x3  }
0x96: {  	_ =	strace s2  }
0x97: {  	_ =	strace $0x8FFFFFFF  }
0x98: {  	s20 =	sld [smem:$0x3FDB];
	_ =	sdelay $0x1  }
0x99: {  	s4 =	simm.s32 $_scs_section_size  }
0x9a: {  	s5 =	simm.s32 $_size__tile_overlayer_lowered;
	s6 =	simm.s32 $_tile_overlayer_lowered  }
0x9b: {  	s7 =	simm.s32 $0x1BFF;
	s21 =	sshll.u32 s6, $0x1;
	s4 =	sadd.s32 s4, s20  }
0x9c: {  	s22 =	simm.s32 $0x0;
	s5 =	sshll.u32 s5, $0x1;
	s6 =	sadd.s32 s21, s4  }
0x9d: {  	[timem:s22], [sflag:s7] =	dma.local [hbm:s6], s5  }
0x9e: {  	_ =	swait.ge [sflag:s7], s5  }
0x9f: {  	s5 =	ssub.s32 $0x0, s5;
	[sflag:s7] =	ssyncset.done $0x0  }
0xa0: {  	[sflag:s7] =	ssyncadd.s32 s5;
	_ =	sdelay $0x1  }
0xa1: {  	s23 =	simm.s32 $0x1B8B  }
0xa2: {  	_ =	swait.ge [sflag:s23], $0x1  }
0xa3: {  	[sflag:s23] =	ssyncset.done $0x0  }
0xa4: {  	[sflag:s23] =	ssyncadd.s32 $0xFFFFFFFF  }
0xa5: {  	s5 =	sld [smem:$0x0]  }
0xa6: {  	s6 =	sand.u32 $0xFFFFFFFE, s1  }
0xa7: {  	p0 =	sne.s32 s1, s6  }
0xa8: {  	s6 =	sshll.u32 @p0 s6, $0xE  }
0xa9: {  	s6 =	sadd.s32 @p0 $0x11B8D, s6;
	s7 =	sshll.u32 @p0 s5, $0x11  }
0xaa: {  	s6 =	sor.u32 @p0 s7, s6  }
0xab: {  	[sflag:s6] =	ssyncadd.remote.s32 @p0 $0x1;
	_ =	sdelay $0x1  }
0xac: {  	s6 =	simm.s32 @p0 $0x1B8D  }
0xad: {  	_ =	swait.eq @p0 [sflag:s6], $0x1  }
0xae: {  	[sflag:s6] =	ssyncadd.s32 @p0 $0xFFFFFFFF  }
0xaf: {  	s7 =	sshll.u32 @!p0 s1, $0xE  }
0xb0: {  	s7 =	sor.u32 @!p0 $0x4000, s7;
	s6 =	simm.s32 @!p0 $0x1B8D  }
0xb1: {  	s5 =	sshll.u32 @!p0 s5, $0x11;
	s7 =	sadd.s32 @!p0 $0x11B8D, s7;
	_ =	swait.eq @!p0 [sflag:s6], $0x1  }
0xb2: {  	s5 =	sor.u32 @!p0 s5, s7;
	[sflag:s6] =	ssyncadd.s32 @!p0 $0xFFFFFFFF  }
0xb3: {  	s25 =	simm.s32 $0x1B8E;
	s24 =	sld [smem:$0x3FFE];
	[sflag:s5] =	ssyncadd.remote.s32 @!p0 $0x1  }
0xb4: {  	s26 =	simm.s32 $execute0_lowered;
	[smem:$0x3FD2] =	sst s25  }
0xb5: {  	s6 =	sshll.u32 s26, $0x1;
	_ =	strace $0x80000049;
	[dreg:$0x1] =	wrdreg $0xFFFFFFFF  }
0xb6: {  	s28 =	simm.s32 $_size_execute0_lowered;
	s4 =	sadd.s32 s4, s6;
	[dreg:$0x0] =	wrdreg $0x0  }
0xb7: {  	s6 =	sshll.u32 s28, $0x1;
	[dreg:$0x2] =	wrdreg s4  }
0xb8: {  	[dreg:$0x3] =	wrdreg s6  }
0xb9: {  	[dreg:$0x4] =	wrdreg $0xC0  }
0xba: {  	_ =	task [dreg:s22], $0x5FFFF  }
0xbb: {  	[dreg:$0x1] =	wrdreg $0xFFFFFFFF  }
0xbc: {  	[dreg:$0x0] =	wrdreg $0x60  }
0xbd: {  	[dreg:$0x2] =	wrdreg s18  }
0xbe: {  	[dreg:$0x3] =	wrdreg s24  }
0xbf: {  	[dreg:$0x4] =	wrdreg $0x68000  }
0xc0: {  	[dreg:$0x5] =	wrdreg $0x9  }
0xc1: {  	_ =	task.clear_ibuf [dreg:s22], $0x6FFFF;
	_ =	strace $0x90000049  }
0xc2: {  	s29 =	simm.s32 $0x9;
	_ =	strace $0x8000004B  }
0xc3: {  	_ =	swait.ge [sflag:s29], $0x1  }
0xc4: {  	[sflag:s29] =	ssyncadd.s32 $0xFFFFFFFF  }
0xc5: {  	_ =	strace $0x9000004B  }
0xc6: {  	_ =	sfence  }
0xc7: {  	s30 =	sld [smem:$0x0];
	_ =	sdelay $0x2  }
0xc8: {  	s31 =	sshll.u32 s1, $0xD;
	s1 =	sshrl.u32 s1, $0x2  }
0xc9: {  	s4 =	sand.u32 $0x4000, s31;
	s1 =	sadd.s32 s1, s30  }
0xca: {  	s0 =	sor.u32 s4, s0;
	s1 =	sshll.u32 s1, $0x11  }
0xcb: {  	s0 =	sor.u32 s1, s0  }
0xcc: {  	s0 =	sadd.s32 $0x8F2B, s0  }
0xcd: {  	[sflag:s0] =	ssyncadd.remote.s32 $0x1  }
0xce: {  	_ =	sfence.sel $0xFFFF  }
0xcf: {  	[dreg:$0x0] =	wrdreg $0xFFFFFFFF;
	(pc) =	sbr.abs _section_cstart, $3  }
0xd0: {  	[dreg:$0x1] =	wrdreg $0xFFFFFFFF  }
0xd1: {  	_ =	task.clear_ibuf [dreg:s22], $0x2FFFF;
	_ =	strace $0x9FFFFFFF  }
0xd2: {  	(tm) =	ssettm $0x7FFFFFFF  }
0xd3: {  	_ =	shalt  }
tec
execute0_lowered:
.L_overlay_start_1:
0x0: {  	(tag) =	ssettag $0x1  }
0x1: {  	s9 =	rddreg [dreg:$0x0]  }
0x2: {  	s6 =	rddreg [dreg:$0x1]  }
0x3: {  	s0 =	srdreg.scid;
	s2 =	rddreg [dreg:$0x2]  }
0x4: {  	s1 =	rddreg [dreg:$0x3];
	s3 =	simm.s32 $0x0;
	s4 =	sand.u32 $0x1, s0  }
0x5: {  	s13 =	simm.s32 $0x1;
	s0 =	stileid.u32;
	s5 =	smul.u32 $0x140000, s4  }
0x6: {  	s14 =	simm.s32 $0x80;
	[smem:$0x7FF] =	sst s3;
	s7 =	smul.u32 $0x14000, s0  }
0x7: {  	s28 =	smul.u32 $0x50000, s0;
	_ =	strace $0x8000004A;
	s29 =	ssub.s32 $0x2, s4  }
0x8: {  	s4 =	sshll.u32 s4, $0x4;
	s15 =	sshll.u32 s0, $0x6;
	s31 =	sshrl.u32 s29, $0x1  }
0x9: {  	s8 =	sor.u32 s0, s4;
	s15 =	sor.u32 $0x1C01, s15;
	s5 =	sadd.s32 s7, s5  }
0xa: {  	s30 =	sshrl.u32 s28, $0x2;
	s11 =	ssub.s32 s29, s31;
	s12 =	smul.u32 $0x500, s8  }
0xb: {  	s5 =	sshrl.u32 s5, $0x3;
	s4 =	sadd.s32 s30, s2;
	s11 =	smax.u32 s11, $0x1  }
0xc: {  	s10 =	sadd.s32 s5, s6;
	s5 =	sadd.s32 $0x4000, s4;
	s6 =	sadd.s32 $0x8000, s4  }
0xd: {  	s7 =	sadd.s32 $0xC000, s4;
	s8 =	sadd.s32 $0x10000, s4;
	s9 =	sadd.s32 s9, s12  }
0xe: {  	v0 =	vimm.f32 $0.0e+00;
	v1 =	vimm.f32 $1.000000000e+00;
	s12 =	simm.s32 $0x2800;
	s16 =	sshrl.u32 s4, $0x3;
	s10 =	sadd.s32 $0xA2000, s10  }
.LBB2_1:
0xf: {  	s17 =	simm.s32 $0x0;
	s18 =	simm.s32 $0x200  }
.LBB2_2:
0x10: {  	p0 =	sne.s32 s18, $0xFE00;
	[tilespmem:s17+$0x2870] =	vst v0  }
0x11: {  	[tilespmem:s17+$0x2800] =	vst v0  }
0x12: {  	[tilespmem:s17+$0x2810] =	vst v0  }
.Ltmp0:
0x13: {  	[tilespmem:s17+$0x2820] =	vst v0;
	(pc) =	sbr.rel @p0 .LBB2_2-.Ltmp0, $4  }
0x14: {  	[tilespmem:s17+$0x2830] =	vst v0  }
0x15: {  	[tilespmem:s17+$0x2840] =	vst v0  }
0x16: {  	[tilespmem:s17+$0x2850] =	vst v0  }
0x17: {  	[tilespmem:s17+$0x2860] =	vst v0;
	s17 =	sshra.s32 s18, $0x2;
	s18 =	sadd.s32 $0x200, s18  }
0x18: {  	[tilespmem:s17+$0x2870] =	vst v0  }
0x19: {  	[tilespmem:s17+$0x2800] =	vst v0  }
0x1a: {  	[tilespmem:s17+$0x2810] =	vst v0  }
0x1b: {  	[tilespmem:s17+$0x2820] =	vst v0  }
0x1c: {  	[tilespmem:s17+$0x2830] =	vst v0  }
0x1d: {  	[tilespmem:s17+$0x2840] =	vst v0  }
0x1e: {  	[tilespmem:s17+$0x2850] =	vst v0  }
0x1f: {  	[tilespmem:s17+$0x2860] =	vst v0  }
0x20: {  	[spmem:s4] =	stream.linear.scatter [tilespmem:s12], [sflag:$0x1], $0x4000, $0x38;
	[tilespmem:$0x1A800] =	vst v63  }
0x21: {  	_ =	swait.ge [sflag:s13], $0x4000  }
0x22: {  	[sflag:s13] =	ssyncset.done $0x0  }
0x23: {  	[sflag:s13] =	ssyncadd.s32 $0xFFFFC000  }
0x24: {  	[spmem:s5] =	stream.linear.scatter [tilespmem:s12], [sflag:$0x1], $0x4000, $0x38;
	[tilespmem:$0x1A800] =	vst v63  }
0x25: {  	_ =	swait.ge [sflag:s13], $0x4000  }
0x26: {  	[sflag:s13] =	ssyncset.done $0x0  }
0x27: {  	[sflag:s13] =	ssyncadd.s32 $0xFFFFC000  }
0x28: {  	[spmem:s6] =	stream.linear.scatter [tilespmem:s12], [sflag:$0x1], $0x4000, $0x38;
	[tilespmem:$0x1A800] =	vst v63  }
0x29: {  	_ =	swait.ge [sflag:s13], $0x4000  }
0x2a: {  	[sflag:s13] =	ssyncset.done $0x0  }
0x2b: {  	[sflag:s13] =	ssyncadd.s32 $0xFFFFC000  }
0x2c: {  	[spmem:s7] =	stream.linear.scatter [tilespmem:s12], [sflag:$0x1], $0x4000, $0x38;
	[tilespmem:$0x1A800] =	vst v63  }
0x2d: {  	_ =	swait.ge [sflag:s13], $0x4000  }
0x2e: {  	[sflag:s13] =	ssyncset.done $0x0  }
0x2f: {  	[sflag:s13] =	ssyncadd.s32 $0xFFFFC000  }
0x30: {  	[spmem:s8] =	stream.linear.scatter [tilespmem:s12], [sflag:$0x1], $0x4000, $0x38;
	[tilespmem:$0x1A800] =	vst v63  }
0x31: {  	_ =	swait.ge [sflag:s13], $0x4000  }
0x32: {  	[sflag:s13] =	ssyncset.done $0x0  }
0x33: {  	s17 =	simm.s32 $0x0;
	s18 =	simm.s32 $0x200;
	[sflag:s13] =	ssyncadd.s32 $0xFFFFC000  }
.LBB2_4:
0x34: {  	p0 =	sne.s32 s18, $0xFE00;
	[tilespmem:s17+$0x2870] =	vst v1  }
0x35: {  	[tilespmem:s17+$0x2800] =	vst v1  }
0x36: {  	[tilespmem:s17+$0x2810] =	vst v1  }
.Ltmp1:
0x37: {  	[tilespmem:s17+$0x2820] =	vst v1;
	(pc) =	sbr.rel @p0 .LBB2_4-.Ltmp1, $4  }
0x38: {  	[tilespmem:s17+$0x2830] =	vst v1  }
0x39: {  	[tilespmem:s17+$0x2840] =	vst v1  }
0x3a: {  	[tilespmem:s17+$0x2850] =	vst v1  }
0x3b: {  	[tilespmem:s17+$0x2860] =	vst v1;
	s17 =	sshra.s32 s18, $0x2;
	s18 =	sadd.s32 $0x200, s18  }
0x3c: {  	[tilespmem:s17+$0x2870] =	vst v1  }
0x3d: {  	[tilespmem:s17+$0x2800] =	vst v1  }
0x3e: {  	[tilespmem:s17+$0x2810] =	vst v1  }
0x3f: {  	[tilespmem:s17+$0x2820] =	vst v1  }
0x40: {  	[tilespmem:s17+$0x2830] =	vst v1  }
0x41: {  	[tilespmem:s17+$0x2840] =	vst v1  }
0x42: {  	[tilespmem:s17+$0x2850] =	vst v1  }
0x43: {  	[tilespmem:s17+$0x2860] =	vst v1  }
0x44: {  	s30 =	simm.s32 $0x0;
	[bflag:$0x0] =	sbarrier.arrive $0xFFFF  }
0x45: {  	[tilespmem:s30], [sflag:$0x1] =	stream.linear.gather [hbm4b:s9+s30], $0x2800, $0x38;
	[tilespmem:$0x1A800] =	vst v63  }
0x46: {  	_ =	swait.ge [sflag:s13], $0x2800  }
0x47: {  	[sflag:s13] =	ssyncset.done $0x0  }
0x48: {  	s31 =	simm.s32 $0x0;
	[sflag:s13] =	ssyncadd.s32 $0xFFFFD800  }
0x49: {  	[spmem:s2] =	stream.indirect.scatter.add.f32 [tilespmem:s12], [sflag:$0x1], $0x80, s31, s14, $0xb8;
	[tilespmem:$0x1A800] =	vst v63  }
0x4a: {  	_ =	swait.ge [sflag:s13], $0x4000  }
0x4b: {  	s17 =	simm.s32 $0x200;
	[sflag:s13] =	ssyncset.done $0x0  }
.LBB2_6:
0x4c: {  	s18 =	sshra.s32 s17, $0x2;
	[sflag:s13] =	ssyncadd.s32 $0xFFFFC000;
	p0 =	sne.s32 s17, $0x9E00  }
0x4d: {  	[spmem:s2] =	stream.indirect.scatter.add.f32 [tilespmem:s12], [sflag:$0x1], $0x80, s18, s14, $0xb8;
	[tilespmem:$0x1A800] =	vst v63  }
.Ltmp2:
0x4e: {  	_ = 	snop;
	(pc) =	sbr.rel @p0 .LBB2_6-.Ltmp2, $4  }
0x4f: {  	_ = 	snop  }
0x50: {  	s17 =	sadd.s32 $0x200, s17  }
0x51: {  	_ =	swait.ge [sflag:s13], $0x4000  }
0x52: {  	[sflag:s13] =	ssyncset.done $0x0  }
0x53: {  	s3 =	sadd.s32 $0x1, s3  }
0x54: {  	[sflag:s13] =	ssyncadd.s32 $0xFFFFC000;
	p0 =	sne.s32 s3, s11  }
.Ltmp3:
0x55: {  	[bflag:$0x0] =	sbarrier.arrive $0xFFFF;
	(pc) =	sbr.rel @p0 .LBB2_1-.Ltmp3, $4  }
0x56: {  	[hbm:s10], [sflag:s15] =	dma.local [spmem:s16], $0x2800  }
0x57: {  	_ =	swait.ge [sflag:s13], $0x2800  }
0x58: {  	[sflag:s13] =	ssyncset.done $0x0  }
0x59: {  	[sflag:s13] =	ssyncadd.s32 $0xFFFFD800  }
0x5a: {  	_ =	sfence.sel $0x180000  }
0x5b: {  	[bflag:$0x0] =	sbarrier.arrive $0xFFFF  }
0x5c: {  	p0 =	sne.s32 s0, $0x0;
	_ =	strace $0x9000004A  }
0x5d: {  	s0 =	sadd.s32 @!p0 $0x100000, s1;
	[bflag:$0x2] =	sbarrier.arrive $0xFFFF  }
0x5e: {  	[sflag:s0] =	ssyncadd.tile.s32 @!p0 $0x1;
	_ =	shalt  }
.Lfunc_end2:
_tile_overlayer_lowered:
.L_overlay_start_2:
0x5f: {  	(tag) =	ssettag $0x2  }
0x60: {  	s0 =	rddreg [dreg:$0x0];
	s2 =	stileid.u32  }
0x61: {  	s1 =	rddreg [dreg:$0x1];
	p0 =	sne.s32 s2, $0x0  }
0x62: {  	s3 =	rddreg [dreg:$0x2];
	[bflag:$0x3] =	sbarrier.arrive $0xFFFF;
	s2 =	simm.s32 @!p0 $0x1C01  }
0x63: {  	[timem:s3], [sflag:s2] =	dma.local @!p0 [hbm:s0], s1  }
0x64: {  	s0 =	simm.s32 @!p0 $0x1  }
0x65: {  	_ =	swait.ge @!p0 [sflag:s0], s1  }
0x66: {  	s1 =	ssub.s32 @!p0 $0x0, s1;
	[sflag:s0] =	ssyncset.done @!p0 $0x0  }
0x67: {  	[sflag:s0] =	ssyncadd.s32 @!p0 s1  }
0x68: {  	[bflag:$0x3] =	sbarrier.arrive $0xFFFF  }
0x69: {  	_ =	shalt  }

// kernel: kernel.13.cloned.1.call-start
scs
__scs_entry_jumppad:
0x0: {  	(pc) =	sbr.rel $0x88, $3  }
0x1: {  	(tag) =	ssettag $0x0;
	lr =	simm.s32 $0x1  }
0x2: {  	[smem:$0x3F95] =	sst lr;
	_ =	strace $0xD0000000  }
0x3: {  	_ = 	snop  }
0x4: {  	_ = 	snop  }
0x5: {  	_ = 	snop  }
0x6: {  	_ = 	snop  }
0x7: {  	_ = 	snop  }
__scs_overlays_trampoline_lowered:
0x8: {  	[smem:$0x3FA4] =	sst s0  }
0x9: {  	[smem:$0x3FA5] =	sst s1  }
0xa: {  	[smem:$0x3FA6] =	sst s2  }
0xb: {  	[smem:$0x3FA7] =	sst s3  }
0xc: {  	[smem:$0x3FA8] =	sst s4  }
0xd: {  	[smem:$0x3FA9] =	sst s5  }
0xe: {  	[smem:$0x3FAA] =	sst s6  }
0xf: {  	[smem:$0x3FAB] =	sst s7  }
0x10: {  	[smem:$0x3FAC] =	sst s8  }
0x11: {  	[smem:$0x3FAD] =	sst s9;
	s0 =	simm.s32 @!p0 $0x0  }
0x12: {  	s1 =	sld [smem:$0x3F93];
	s0 =	simm.s32 @p0 $0x1  }
0x13: {  	[smem:$0x3FAE] =	sst s0;
	s0 =	simm.s32 @!p1 $0x0  }
0x14: {  	s2 =	sld [smem:$0x3F92];
	s0 =	simm.s32 @p1 $0x1  }
0x15: {  	[smem:$0x3FAF] =	sst s0;
	s0 =	simm.s32 @!p2 $0x0  }
0x16: {  	s3 =	sld [smem:$0x3FDB];
	s0 =	simm.s32 @p2 $0x1  }
0x17: {  	s4 =	simm.s32 $0x1BF5;
	[smem:$0x3FB1] =	sst s0  }
0x18: {  	s0 =	sld [smem:$0x3F94];
	_ =	swait.ge [sflag:s4], $0x0  }
0x19: {  	s7 =	sld [smem:$0x3F95]  }
0x1a: {  	s8 =	sadd.s32 $0xFFFFE003, lr  }
0x1b: {  	s9 =	sadd.s32 $0xFFFFFEF7, lr;
	s5 =	simm.s32 $0xFFFFFFFF;
	p2 =	slt.u32 s8, $0xFFFFF086  }
0x1c: {  	p1 =	slt.u32 s9, $0xF7A;
	s5 =	simm.s32 @!p2 $0x0  }
0x1d: {  	s5 =	simm.s32 @p1 $0x1;
	p0 =	seq.s32 s7, s2  }
0x1e: {  	s7 =	smul.u32 @!p0 $0xF7A, s2;
	p2 =	seq.s32 @!p0 s5, $0x0  }
0x1f: {  	s9 =	smul.u32 $0xF7A, s1;
	s8 =	simm.s32 @!p0 $0x1BF5;
	p2 =	por !p2, p0  }
0x20: {  	[sflag:s8] =	ssyncset.s32 @!p0 $0xFFFFF086;
	s6 =	sadd.s32 @!p0 s3, s7;
	s7 =	simm.s32 @!p0 $0x108  }
0x21: {  	s3 =	sadd.s32 s3, s9;
	s6 =	sadd.s32 @!p0 $0x88, s6;
	s7 =	simm.s32 @p2 $0x1082  }
0x22: {  	[simem:s7], [sflag:s8] =	dma.local @!p0 [hbm:s6], $0xF7A  }
0x23: {  	s9 =	sor.u32 $0xD0000000, s2;
	s6 =	simm.s32 $0x108;
	_ =	swait.ge @!p0 [sflag:s8], $0x0  }
0x24: {  	s3 =	sadd.s32 $0x88, s3;
	s6 =	simm.s32 @!p1 $0x1082;
	[sflag:s4] =	ssyncset.s32 $0xFFFFF086  }
0x25: {  	[simem:s6], [sflag:s4] =	dma.local [hbm:s3], $0xF7A  }
0x26: {  	[smem:$0x3F95] =	sst s1;
	(tag) =	ssettag s2;
	_ =	strace s9  }
0x27: {  	s1 =	sld [smem:$0x3FA5]  }
0x28: {  	s2 =	sld [smem:$0x3FA6]  }
0x29: {  	s4 =	sld [smem:$0x3FA8]  }
0x2a: {  	p0 =	seq.s32 s5, $0x0;
	s5 =	sld [smem:$0x3FA9]  }
0x2b: {  	s6 =	sld [smem:$0x3FAA]  }
0x2c: {  	s7 =	sld [smem:$0x3FAB]  }
0x2d: {  	s3 =	simm.s32 $0x108;
	s8 =	sld [smem:$0x3FAC]  }
0x2e: {  	s3 =	simm.s32 @!p0 $0x1082;
	s9 =	sld [smem:$0x3FAD]  }
0x2f: {  	lr =	sadd.s32 s0, s3;
	s0 =	sld [smem:$0x3FA4]  }
0x30: {  	s3 =	sld [smem:$0x3FA7]  }
0x31: {  	[smem:$0x3FB0] =	sst s10  }
0x32: {  	s10 =	sld [smem:$0x3FAE];
	_ =	sdelay $0x3  }
0x33: {  	p0 =	seq.s32 s10, $0x1;
	s10 =	sld [smem:$0x3FB0];
	_ =	sdelay $0x3  }
0x34: {  	[smem:$0x3FB0] =	sst s10  }
0x35: {  	s10 =	sld [smem:$0x3FAF];
	_ =	sdelay $0x3  }
0x36: {  	p1 =	seq.s32 s10, $0x1;
	s10 =	sld [smem:$0x3FB0];
	_ =	sdelay $0x3  }
0x37: {  	[smem:$0x3FB0] =	sst s10  }
0x38: {  	s10 =	sld [smem:$0x3FB1]  }
0x39: {  	_ = 	snop;
	(pc) =	sbr.ind lr, $3  }
0x3a: {  	_ = 	snop  }
0x3b: {  	_ = 	snop  }
0x3c: {  	p2 =	seq.s32 s10, $0x1;
	s10 =	sld [smem:$0x3FB0]  }
0x3d: {  	_ =	shalt  }
0x3e: {  	_ =	shalt  }
0x3f: {  	_ =	shalt  }
0x40: {  	_ =	shalt  }
0x41: {  	_ =	shalt  }
0x42: {  	_ =	shalt  }
0x43: {  	_ =	shalt  }
0x44: {  	_ =	shalt  }
0x45: {  	_ =	shalt  }
0x46: {  	_ =	shalt  }
0x47: {  	_ =	shalt  }
0x48: {  	_ =	shalt  }
0x49: {  	_ =	shalt  }
0x4a: {  	_ =	shalt  }
0x4b: {  	_ =	shalt  }
0x4c: {  	_ =	shalt  }
0x4d: {  	_ =	shalt  }
0x4e: {  	_ =	shalt  }
0x4f: {  	_ =	shalt  }
0x50: {  	_ =	shalt  }
0x51: {  	_ =	shalt  }
0x52: {  	_ =	shalt  }
0x53: {  	_ =	shalt  }
0x54: {  	_ =	shalt  }
0x55: {  	_ =	shalt  }
0x56: {  	_ =	shalt  }
0x57: {  	_ =	shalt  }
0x58: {  	_ =	shalt  }
0x59: {  	_ =	shalt  }
0x5a: {  	_ =	shalt  }
0x5b: {  	_ =	shalt  }
0x5c: {  	_ =	shalt  }
0x5d: {  	_ =	shalt  }
0x5e: {  	_ =	shalt  }
0x5f: {  	_ =	shalt  }
0x60: {  	_ =	shalt  }
0x61: {  	_ =	shalt  }
0x62: {  	_ =	shalt  }
0x63: {  	_ =	shalt  }
0x64: {  	_ =	shalt  }
0x65: {  	_ =	shalt  }
0x66: {  	_ =	shalt  }
0x67: {  	_ =	shalt  }
0x68: {  	_ =	shalt  }
0x69: {  	_ =	shalt  }
0x6a: {  	_ =	shalt  }
0x6b: {  	_ =	shalt  }
0x6c: {  	_ =	shalt  }
0x6d: {  	_ =	shalt  }
0x6e: {  	_ =	shalt  }
0x6f: {  	_ =	shalt  }
0x70: {  	_ =	shalt  }
0x71: {  	_ =	shalt  }
0x72: {  	_ =	shalt  }
0x73: {  	_ =	shalt  }
0x74: {  	_ =	shalt  }
0x75: {  	_ =	shalt  }
0x76: {  	_ =	shalt  }
0x77: {  	_ =	shalt  }
0x78: {  	_ =	shalt  }
0x79: {  	_ =	shalt  }
0x7a: {  	_ =	shalt  }
0x7b: {  	_ =	shalt  }
0x7c: {  	_ =	shalt  }
0x7d: {  	_ =	shalt  }
0x7e: {  	_ =	shalt  }
0x7f: {  	_ =	shalt  }
0x80: {  	_ =	shalt  }
0x81: {  	_ =	shalt  }
0x82: {  	_ =	shalt  }
0x83: {  	_ =	shalt  }
0x84: {  	_ =	shalt  }
0x85: {  	_ =	shalt  }
0x86: {  	_ =	shalt  }
0x87: {  	_ =	shalt  }
.Lfunc_end0:
.L_simem_size_0:
called_computation.1_lowered:
.L_overlay_start_0:
0x88: {  	s2 =	sld [smem:$0x3FD9]  }
0x89: {  	s3 =	sld [smem:$0x3FFE];
	_ =	sdelay $0x1  }
0x8a: {  	s1 =	srdreg.scid  }
0x8b: {  	s0 =	sand.u32 $0x1, s1  }
0x8c: {  	s16 =	sshll.u32 s0, $0xA;
	s2 =	sadd.s32 s3, s2  }
0x8d: {  	s2 =	sadd.s32 s2, s16  }
0x8e: {  	[smem:$0x3FBC] =	sst s2  }
0x8f: {  	_ = 	snop  }
0x90: {  	(tm) =	ssettm $0x1  }
0x91: {  	s17 =	sld [smem:$0x3FFB];
	_ =	sdelay $0x3  }
0x92: {  	_ =	strace s17  }
0x93: {  	s2 =	sld [smem:$0x3FFC];
	_ =	sdelay $0x3  }
0x94: {  	_ =	strace s2  }
0x95: {  	s2 =	sld [smem:$0x3FFD];
	_ =	sdelay $0x3  }
0x96: {  	_ =	strace s2  }
0x97: {  	_ =	strace $0x8FFFFFFF  }
0x98: {  	s18 =	sld [smem:$0x3FDB];
	_ =	sdelay $0x1  }
0x99: {  	s19 =	simm.s32 $_scs_section_size  }
0x9a: {  	s4 =	simm.s32 $_size__tile_overlayer_lowered;
	s5 =	simm.s32 $_tile_overlayer_lowered  }
0x9b: {  	s22 =	simm.s32 $0x1BFF;
	s21 =	sshll.u32 s5, $0x1;
	s2 =	sadd.s32 s19, s18  }
0x9c: {  	s6 =	simm.s32 $0x0;
	s20 =	sshll.u32 s4, $0x1;
	s4 =	sadd.s32 s21, s2  }
0x9d: {  	[timem:s6], [sflag:s22] =	dma.local [hbm:s4], s20  }
0x9e: {  	_ =	swait.ge [sflag:s22], s20  }
0x9f: {  	s3 =	ssub.s32 $0x0, s20;
	[sflag:s22] =	ssyncset.done $0x0  }
0xa0: {  	[sflag:s22] =	ssyncadd.s32 s3;
	_ =	sdelay $0x1  }
0xa1: {  	s23 =	simm.s32 $0x1B8B  }
0xa2: {  	_ =	swait.ge [sflag:s23], $0x1  }
0xa3: {  	[sflag:s23] =	ssyncset.done $0x0  }
0xa4: {  	s25 =	simm.s32 $0x1B8E;
	s24 =	sld [smem:$0x3FFE];
	[sflag:s23] =	ssyncadd.s32 $0xFFFFFFFF  }
0xa5: {  	s26 =	simm.s32 $execute0_lowered;
	[smem:$0x3FD2] =	sst s25  }
0xa6: {  	s4 =	sshll.u32 s26, $0x1;
	_ =	strace $0x80000046;
	[dreg:$0x1] =	wrdreg $0xFFFFFFFF  }
0xa7: {  	s28 =	simm.s32 $_size_execute0_lowered;
	s2 =	sadd.s32 s2, s4;
	[dreg:$0x0] =	wrdreg $0x0  }
0xa8: {  	s4 =	sshll.u32 s28, $0x1;
	[dreg:$0x2] =	wrdreg s2  }
0xa9: {  	[dreg:$0x3] =	wrdreg s4  }
0xaa: {  	[dreg:$0x4] =	wrdreg $0xC0  }
0xab: {  	_ =	task [dreg:s6], $0x5FFFF  }
0xac: {  	[dreg:$0x1] =	wrdreg $0xFFFFFFFF  }
0xad: {  	[dreg:$0x0] =	wrdreg $0x60  }
0xae: {  	[dreg:$0x2] =	wrdreg s24  }
0xaf: {  	[dreg:$0x3] =	wrdreg $0x90000  }
0xb0: {  	[dreg:$0x4] =	wrdreg $0xA  }
0xb1: {  	_ =	task.clear_ibuf [dreg:s6], $0x5FFFF;
	_ =	strace $0x90000046  }
0xb2: {  	s29 =	simm.s32 $0xA;
	_ =	strace $0x80000048  }
0xb3: {  	_ =	swait.ge [sflag:s29], $0x1  }
0xb4: {  	[sflag:s29] =	ssyncadd.s32 $0xFFFFFFFF  }
0xb5: {  	_ =	strace $0x90000048  }
0xb6: {  	_ =	sfence  }
0xb7: {  	s30 =	sld [smem:$0x0];
	_ =	sdelay $0x2  }
0xb8: {  	s31 =	sshll.u32 s1, $0xD;
	s1 =	sshrl.u32 s1, $0x2  }
0xb9: {  	s3 =	sand.u32 $0x4000, s31;
	s1 =	sadd.s32 s1, s30  }
0xba: {  	s0 =	sor.u32 s3, s0;
	s1 =	sshll.u32 s1, $0x11  }
0xbb: {  	s0 =	sor.u32 s1, s0  }
0xbc: {  	s0 =	sadd.s32 $0x8F2B, s0  }
0xbd: {  	[sflag:s0] =	ssyncadd.remote.s32 $0x1  }
0xbe: {  	_ =	sfence.sel $0xFFFF  }
0xbf: {  	[dreg:$0x0] =	wrdreg $0xFFFFFFFF;
	(pc) =	sbr.abs _section_cstart, $3  }
0xc0: {  	[dreg:$0x1] =	wrdreg $0xFFFFFFFF  }
0xc1: {  	_ =	task.clear_ibuf [dreg:s6], $0x2FFFF;
	_ =	strace $0x9FFFFFFF  }
0xc2: {  	(tm) =	ssettm $0x7FFFFFFF  }
0xc3: {  	_ =	shalt  }
tec
execute0_lowered:
.L_overlay_start_1:
0x0: {  	(tag) =	ssettag $0x1  }
0x1: {  	s0 =	rddreg [dreg:$0x0]  }
0x2: {  	s1 =	rddreg [dreg:$0x1];
	s2 =	srdreg.scid  }
0x3: {  	s3 =	simm.s32 $0x0;
	s12 =	stileid.u32;
	s29 =	simm.s32 $0x3000  }
0x4: {  	s31 =	simm.s32 $0x5000;
	s28 =	simm.s32 $0x2;
	s30 =	simm.s32 $0x3  }
0x5: {  	s2 =	sand.u32 $0x1, s2;
	[smem:$0x7FF] =	sst s3;
	s8 =	smul.u32 $0x14000, s12  }
0x6: {  	s4 =	sadd.s32 $0x2AE00, s0;
	s5 =	sadd.s32 $0x16E00, s0;
	s10 =	smul.u32 $0x50000, s12  }
0x7: {  	s6 =	sadd.s32 $0x2E00, s0;
	s7 =	smul.u32 $0x140000, s2;
	s17 =	ssub.s32 $0x2, s2  }
0x8: {  	_ =	strace $0x80000047;
	s9 =	sshrl.u32 s17, $0x1;
	s18 =	sshrl.u32 s10, $0x2  }
0x9: {  	p0 =	seq.s32 s2, $0x0;
	s11 =	ssub.s32 s17, s9;
	s9 =	sadd.s32 s18, s1  }
0xa: {  	s10 =	sshll.u32 s12, $0x8;
	s7 =	sadd.s32 s8, s7;
	s2 =	sadd.s32 $0x2000, s9  }
0xb: {  	s8 =	sshll.u32 s12, $0x6;
	s19 =	sadd.s32 $0x4000, s9;
	[dreg:$0x5] =	wrdreg s2  }
0xc: {  	s7 =	sshrl.u32 s7, $0x3;
	s20 =	sadd.s32 $0x6000, s9;
	[dreg:$0x6] =	wrdreg s19  }
0xd: {  	s12 =	sor.u32 $0x1000, s8;
	s21 =	sadd.s32 $0x8000, s9;
	[dreg:$0x7] =	wrdreg s20  }
0xe: {  	s22 =	sadd.s32 $0xA000, s9;
	s23 =	sadd.s32 $0xC000, s9;
	[dreg:$0x8] =	wrdreg s21  }
0xf: {  	s24 =	sadd.s32 $0xE000, s9;
	s17 =	sadd.s32 $0x10000, s9;
	[dreg:$0x9] =	wrdreg s22  }
0x10: {  	s18 =	sadd.s32 $0x12000, s9;
	s0 =	sadd.s32 s7, s0;
	[dreg:$0xa] =	wrdreg s23  }
0x11: {  	s7 =	simm.s32 $0x20;
	s12 =	smov.u32 @p0 s10;
	[dreg:$0xb] =	wrdreg s24  }
0x12: {  	s22 =	smax.u32 s11, $0x1;
	s23 =	simm.s32 $0x1000;
	s24 =	simm.s32 $0x6  }
0x13: {  	s2 =	simm.s32 $0x7000;
	s11 =	simm.s32 $0x0;
	s7 =	simm.s32 @!p0 $0x8  }
0x14: {  	s25 =	sshrl.u32 s12, $0x3;
	s10 =	sshll.u32 s12, $0x4;
	s21 =	sadd.s32 $0x52000, s0  }
0x15: {  	s0 =	simm.s32 $0x5;
	[dreg:$0x3] =	wrdreg s25;
	s26 =	sadd.s32 $0xFFFFFFFF, s7  }
0x16: {  	s19 =	sadd.s32 s5, s10;
	s20 =	sadd.s32 s6, s10;
	s25 =	simm.s32 $0x1  }
0x17: {  	v0 =	vimm.f32 $0.0e+00;
	s10 =	simm.s32 $0x4;
	[dreg:$0x4] =	wrdreg s26;
	s26 =	simm.s32 $0x40  }
.LBB2_1:
0x18: {  	s12 =	simm.s32 $0x0;
	s13 =	simm.s32 $0x200  }
.LBB2_2:
0x19: {  	p0 =	sne.s32 s13, $0x7E00;
	[tilespmem:s12+$0x1070] =	vst v0  }
0x1a: {  	[tilespmem:s12+$0x1000] =	vst v0  }
0x1b: {  	[tilespmem:s12+$0x1010] =	vst v0  }
.Ltmp0:
0x1c: {  	[tilespmem:s12+$0x1020] =	vst v0;
	(pc) =	sbr.rel @p0 .LBB2_2-.Ltmp0, $4  }
0x1d: {  	[tilespmem:s12+$0x1030] =	vst v0  }
0x1e: {  	[tilespmem:s12+$0x1040] =	vst v0  }
0x1f: {  	[tilespmem:s12+$0x1050] =	vst v0  }
0x20: {  	[tilespmem:s12+$0x1060] =	vst v0;
	s12 =	sshra.s32 s13, $0x2;
	s13 =	sadd.s32 $0x200, s13  }
0x21: {  	[tilespmem:s12+$0x1070] =	vst v0  }
0x22: {  	[tilespmem:s12+$0x1000] =	vst v0  }
0x23: {  	[tilespmem:s12+$0x1010] =	vst v0  }
0x24: {  	[tilespmem:s12+$0x1020] =	vst v0  }
0x25: {  	[tilespmem:s12+$0x1030] =	vst v0  }
0x26: {  	[tilespmem:s12+$0x1040] =	vst v0  }
0x27: {  	[tilespmem:s12+$0x1050] =	vst v0  }
0x28: {  	[tilespmem:s12+$0x1060] =	vst v0  }
0x29: {  	[spmem:s9] =	stream.linear.scatter [tilespmem:s23], [sflag:$0x6], $0x2000, $0x38;
	[tilespmem:$0x1D000] =	vst v63  }
0x2a: {  	_ =	swait.ge [sflag:s24], $0x2000  }
0x2b: {  	[sflag:s24] =	ssyncset.done $0x0  }
0x2c: {  	s16 =	rddreg [dreg:$0x5];
	[sflag:s24] =	ssyncadd.s32 $0xFFFFE000  }
0x2d: {  	[spmem:s16] =	stream.linear.scatter [tilespmem:s23], [sflag:$0x6], $0x2000, $0x38;
	[tilespmem:$0x1D000] =	vst v63  }
0x2e: {  	_ =	swait.ge [sflag:s24], $0x2000  }
0x2f: {  	[sflag:s24] =	ssyncset.done $0x0  }
0x30: {  	s13 =	rddreg [dreg:$0x6];
	[sflag:s24] =	ssyncadd.s32 $0xFFFFE000  }
0x31: {  	[spmem:s13] =	stream.linear.scatter [tilespmem:s23], [sflag:$0x6], $0x2000, $0x38;
	[tilespmem:$0x1D000] =	vst v63  }
0x32: {  	_ =	swait.ge [sflag:s24], $0x2000  }
0x33: {  	[sflag:s24] =	ssyncset.done $0x0  }
0x34: {  	s14 =	rddreg [dreg:$0x7];
	[sflag:s24] =	ssyncadd.s32 $0xFFFFE000  }
0x35: {  	[spmem:s14] =	stream.linear.scatter [tilespmem:s23], [sflag:$0x6], $0x2000, $0x38;
	[tilespmem:$0x1D000] =	vst v63  }
0x36: {  	_ =	swait.ge [sflag:s24], $0x2000  }
0x37: {  	[sflag:s24] =	ssyncset.done $0x0  }
0x38: {  	s15 =	rddreg [dreg:$0x8];
	[sflag:s24] =	ssyncadd.s32 $0xFFFFE000  }
0x39: {  	[spmem:s15] =	stream.linear.scatter [tilespmem:s23], [sflag:$0x6], $0x2000, $0x38;
	[tilespmem:$0x1D000] =	vst v63  }
0x3a: {  	_ =	swait.ge [sflag:s24], $0x2000  }
0x3b: {  	[sflag:s24] =	ssyncset.done $0x0  }
0x3c: {  	s16 =	rddreg [dreg:$0x9];
	[sflag:s24] =	ssyncadd.s32 $0xFFFFE000  }
0x3d: {  	[spmem:s16] =	stream.linear.scatter [tilespmem:s23], [sflag:$0x6], $0x2000, $0x38;
	[tilespmem:$0x1D000] =	vst v63  }
0x3e: {  	_ =	swait.ge [sflag:s24], $0x2000  }
0x3f: {  	[sflag:s24] =	ssyncset.done $0x0  }
0x40: {  	s13 =	rddreg [dreg:$0xa];
	[sflag:s24] =	ssyncadd.s32 $0xFFFFE000  }
0x41: {  	[spmem:s13] =	stream.linear.scatter [tilespmem:s23], [sflag:$0x6], $0x2000, $0x38;
	[tilespmem:$0x1D000] =	vst v63  }
0x42: {  	_ =	swait.ge [sflag:s24], $0x2000  }
0x43: {  	[sflag:s24] =	ssyncset.done $0x0  }
0x44: {  	s14 =	rddreg [dreg:$0xb];
	[sflag:s24] =	ssyncadd.s32 $0xFFFFE000  }
0x45: {  	[spmem:s14] =	stream.linear.scatter [tilespmem:s23], [sflag:$0x6], $0x2000, $0x38;
	[tilespmem:$0x1D000] =	vst v63  }
0x46: {  	_ =	swait.ge [sflag:s24], $0x2000  }
0x47: {  	[sflag:s24] =	ssyncset.done $0x0  }
0x48: {  	[sflag:s24] =	ssyncadd.s32 $0xFFFFE000  }
0x49: {  	[spmem:s17] =	stream.linear.scatter [tilespmem:s23], [sflag:$0x6], $0x2000, $0x38;
	[tilespmem:$0x1D000] =	vst v63  }
0x4a: {  	_ =	swait.ge [sflag:s24], $0x2000  }
0x4b: {  	[sflag:s24] =	ssyncset.done $0x0  }
0x4c: {  	[sflag:s24] =	ssyncadd.s32 $0xFFFFE000  }
0x4d: {  	[spmem:s18] =	stream.linear.scatter [tilespmem:s23], [sflag:$0x6], $0x2000, $0x38;
	[tilespmem:$0x1D000] =	vst v63  }
0x4e: {  	_ =	swait.ge [sflag:s24], $0x2000  }
0x4f: {  	[sflag:s24] =	ssyncset.done $0x0  }
0x50: {  	[sflag:s24] =	ssyncadd.s32 $0xFFFFE000  }
0x51: {  	s15 =	simm.s32 $0x0;
	[bflag:$0x0] =	sbarrier.arrive $0xFFFF  }
0x52: {  	[tilespmem:s15], [sflag:$0x6] =	stream.linear.gather [hbm4b:s19+s15], $0x400, $0x38;
	[tilespmem:$0x1D000] =	vst v63  }
0x53: {  	_ =	swait.ge [sflag:s24], $0x400  }
0x54: {  	[sflag:s24] =	ssyncset.done $0x0  }
0x55: {  	s13 =	simm.s32 $0x800;
	[sflag:s24] =	ssyncadd.s32 $0xFFFFFC00  }
0x56: {  	[tilespmem:s13], [sflag:$0x6] =	stream.linear.gather [hbm4b:s20+s15], $0x400, $0x38;
	[tilespmem:$0x1D000] =	vst v63  }
0x57: {  	_ =	swait.ge [sflag:s24], $0x400  }
0x58: {  	[sflag:s24] =	ssyncset.done $0x0  }
0x59: {  	[sflag:s24] =	ssyncadd.s32 $0xFFFFFC00  }
0x5a: {  	[tilespmem:s23], [sflag:$0x1] =	stream.indirect.gather [hbm4b:s4+s26], $0x80, s15, s26, $0xb8;
	[tilespmem:$0x1D000] =	vst v63  }
0x5b: {  	s16 =	simm.s32 $0x80  }
0x5c: {  	[tilespmem:s29], [sflag:$0x2] =	stream.indirect.gather [hbm4b:s4+s26], $0x80, s16, s26, $0xb8;
	[tilespmem:$0x1D000] =	vst v63  }
0x5d: {  	s13 =	simm.s32 $0x100  }
0x5e: {  	[tilespmem:s31], [sflag:$0x3] =	stream.indirect.gather [hbm4b:s4+s26], $0x80, s13, s26, $0xb8;
	[tilespmem:$0x1D000] =	vst v63  }
0x5f: {  	s12 =	simm.s32 $0x1;
	s14 =	simm.s32 $0x180;
	s15 =	rddreg [dreg:$0x4]  }
0x60: {  	[tilespmem:s2], [sflag:$0x4] =	stream.indirect.gather [hbm4b:s4+s26], $0x80, s14, s26, $0xb8;
	[tilespmem:$0x1D000] =	vst v63  }
0x61: {  	s13 =	sand.u32 s15, s12;
	s14 =	rddreg [dreg:$0x3]  }
0x62: {  	s13 =	sadd.s32 s14, s13  }
0x63: {  	s14 =	sshll.u32 s13, $0x7  }
0x64: {  	s13 =	simm.s32 $0x400;
	s15 =	sand.u32 $0x1FFFFF80, s14  }
0x65: {  	s14 =	sand.u32 $0x400, s13;
	s16 =	sadd.s32 s5, s15  }
0x66: {  	[tilespmem:s14], [sflag:$0x5] =	stream.linear.gather [hbm4b:s16+s3], $0x400, $0x38;
	[tilespmem:$0x1D000] =	vst v63  }
0x67: {  	s15 =	sadd.s32 s6, s15;
	s16 =	sor.u32 $0x800, s14  }
0x68: {  	[tilespmem:s16], [sflag:$0x5] =	stream.linear.gather [hbm4b:s15+s3], $0x400, $0x38;
	[tilespmem:$0x1D000] =	vst v63  }
0x69: {  	s16 =	simm.s32 $0x0;
	_ =	swait.ge [sflag:s25], $0x2000  }
0x6a: {  	s15 =	sand.u32 $0x400, s16;
	[sflag:s25] =	ssyncset.done $0x0  }
0x6b: {  	s16 =	sor.u32 $0x800, s15;
	[sflag:s25] =	ssyncadd.s32 $0xFFFFE000  }
0x6c: {  	[spmem:s1] =	stream.indirect.scatter.add.f32 [tilespmem:s23], [sflag:$0x6], $0x80, s16, s26, $0xb8;
	[tilespmem:$0x1D000] =	vst v63  }
0x6d: {  	_ =	swait.ge [sflag:s24], $0x2000  }
0x6e: {  	[sflag:s24] =	ssyncset.done $0x0  }
0x6f: {  	s16 =	sor.u32 $0x200, s15;
	[sflag:s24] =	ssyncadd.s32 $0xFFFFE000  }
0x70: {  	[tilespmem:s23], [sflag:$0x1] =	stream.indirect.gather [hbm4b:s4+s26], $0x80, s16, s26, $0xb8;
	[tilespmem:$0x1D000] =	vst v63  }
0x71: {  	_ =	swait.ge [sflag:s28], $0x2000  }
0x72: {  	[sflag:s28] =	ssyncset.done $0x0  }
0x73: {  	s16 =	sor.u32 $0x880, s15;
	[sflag:s28] =	ssyncadd.s32 $0xFFFFE000  }
0x74: {  	[spmem:s1] =	stream.indirect.scatter.add.f32 [tilespmem:s29], [sflag:$0x6], $0x80, s16, s26, $0xb8;
	[tilespmem:$0x1D000] =	vst v63  }
0x75: {  	_ =	swait.ge [sflag:s24], $0x2000  }
0x76: {  	[sflag:s24] =	ssyncset.done $0x0  }
0x77: {  	s16 =	sor.u32 $0x280, s15;
	[sflag:s24] =	ssyncadd.s32 $0xFFFFE000  }
0x78: {  	[tilespmem:s29], [sflag:$0x2] =	stream.indirect.gather [hbm4b:s4+s26], $0x80, s16, s26, $0xb8;
	[tilespmem:$0x1D000] =	vst v63  }
0x79: {  	_ =	swait.ge [sflag:s30], $0x2000  }
0x7a: {  	[sflag:s30] =	ssyncset.done $0x0  }
0x7b: {  	s16 =	sor.u32 $0x900, s15;
	[sflag:s30] =	ssyncadd.s32 $0xFFFFE000  }
0x7c: {  	[spmem:s1] =	stream.indirect.scatter.add.f32 [tilespmem:s31], [sflag:$0x6], $0x80, s16, s26, $0xb8;
	[tilespmem:$0x1D000] =	vst v63  }
0x7d: {  	_ =	swait.ge [sflag:s24], $0x2000  }
0x7e: {  	[sflag:s24] =	ssyncset.done $0x0  }
0x7f: {  	s16 =	sor.u32 $0x300, s15;
	[sflag:s24] =	ssyncadd.s32 $0xFFFFE000  }
0x80: {  	[tilespmem:s31], [sflag:$0x3] =	stream.indirect.gather [hbm4b:s4+s26], $0x80, s16, s26, $0xb8;
	[tilespmem:$0x1D000] =	vst v63  }
0x81: {  	_ =	swait.ge [sflag:s0], $0x400  }
0x82: {  	[sflag:s0] =	ssyncset.done $0x0  }
0x83: {  	[sflag:s0] =	ssyncadd.s32 $0xFFFFFC00  }
0x84: {  	_ =	swait.ge [sflag:s0], $0x400  }
0x85: {  	[sflag:s0] =	ssyncset.done $0x0  }
0x86: {  	[sflag:s0] =	ssyncadd.s32 $0xFFFFFC00  }
0x87: {  	_ =	swait.ge [sflag:s10], $0x2000  }
0x88: {  	[sflag:s10] =	ssyncset.done $0x0  }
0x89: {  	s16 =	sor.u32 $0x980, s15;
	[sflag:s10] =	ssyncadd.s32 $0xFFFFE000  }
0x8a: {  	[spmem:s1] =	stream.indirect.scatter.add.f32 [tilespmem:s2], [sflag:$0x6], $0x80, s16, s26, $0xb8;
	[tilespmem:$0x1D000] =	vst v63  }
0x8b: {  	_ =	swait.ge [sflag:s24], $0x2000  }
0x8c: {  	[sflag:s24] =	ssyncset.done $0x0  }
0x8d: {  	s16 =	sor.u32 $0x380, s15;
	[sflag:s24] =	ssyncadd.s32 $0xFFFFE000  }
0x8e: {  	[tilespmem:s2], [sflag:$0x4] =	stream.indirect.gather [hbm4b:s4+s26], $0x80, s16, s26, $0xb8;
	[tilespmem:$0x1D000] =	vst v63  }
0x8f: {  	_ =	swait.ge [sflag:s25], $0x2000  }
0x90: {  	[sflag:s25] =	ssyncset.done $0x0  }
0x91: {  	s16 =	sor.u32 $0xA00, s15;
	[sflag:s25] =	ssyncadd.s32 $0xFFFFE000  }
0x92: {  	[spmem:s1] =	stream.indirect.scatter.add.f32 [tilespmem:s23], [sflag:$0x6], $0x80, s16, s26, $0xb8;
	[tilespmem:$0x1D000] =	vst v63  }
0x93: {  	_ =	swait.ge [sflag:s24], $0x2000  }
0x94: {  	[sflag:s24] =	ssyncset.done $0x0  }
0x95: {  	[sflag:s24] =	ssyncadd.s32 $0xFFFFE000  }
0x96: {  	[tilespmem:s23], [sflag:$0x1] =	stream.indirect.gather [hbm4b:s4+s26], $0x80, s14, s26, $0xb8;
	[tilespmem:$0x1D000] =	vst v63  }
0x97: {  	_ =	swait.ge [sflag:s28], $0x2000  }
0x98: {  	[sflag:s28] =	ssyncset.done $0x0  }
0x99: {  	s16 =	sor.u32 $0xA80, s15;
	[sflag:s28] =	ssyncadd.s32 $0xFFFFE000  }
0x9a: {  	[spmem:s1] =	stream.indirect.scatter.add.f32 [tilespmem:s29], [sflag:$0x6], $0x80, s16, s26, $0xb8;
	[tilespmem:$0x1D000] =	vst v63  }
0x9b: {  	_ =	swait.ge [sflag:s24], $0x2000  }
0x9c: {  	[sflag:s24] =	ssyncset.done $0x0  }
0x9d: {  	s16 =	sor.u32 $0x80, s14;
	[sflag:s24] =	ssyncadd.s32 $0xFFFFE000  }
0x9e: {  	[tilespmem:s29], [sflag:$0x2] =	stream.indirect.gather [hbm4b:s4+s26], $0x80, s16, s26, $0xb8;
	[tilespmem:$0x1D000] =	vst v63  }
0x9f: {  	_ =	swait.ge [sflag:s30], $0x2000  }
0xa0: {  	[sflag:s30] =	ssyncset.done $0x0  }
0xa1: {  	s16 =	sor.u32 $0xB00, s15;
	[sflag:s30] =	ssyncadd.s32 $0xFFFFE000  }
0xa2: {  	[spmem:s1] =	stream.indirect.scatter.add.f32 [tilespmem:s31], [sflag:$0x6], $0x80, s16, s26, $0xb8;
	[tilespmem:$0x1D000] =	vst v63  }
0xa3: {  	_ =	swait.ge [sflag:s24], $0x2000  }
0xa4: {  	[sflag:s24] =	ssyncset.done $0x0  }
0xa5: {  	p0 =	sne.s32 s7, $0x1;
	s16 =	sor.u32 $0x100, s14;
	[sflag:s24] =	ssyncadd.s32 $0xFFFFE000  }
0xa6: {  	[tilespmem:s31], [sflag:$0x3] =	stream.indirect.gather [hbm4b:s4+s26], $0x80, s16, s26, $0xb8;
	[tilespmem:$0x1D000] =	vst v63  }
.Ltmp1:
0xa7: {  	_ =	swait.ge [sflag:s10], $0x2000;
	(pc) =	sbr.rel @!p0 .LBB2_5-.Ltmp1, $4  }
0xa8: {  	[sflag:s10] =	ssyncset.done $0x0  }
0xa9: {  	s15 =	sor.u32 $0xB80, s15;
	[sflag:s10] =	ssyncadd.s32 $0xFFFFE000  }
0xaa: {  	[spmem:s1] =	stream.indirect.scatter.add.f32 [tilespmem:s2], [sflag:$0x6], $0x80, s15, s26, $0xb8;
	[tilespmem:$0x1D000] =	vst v63  }
0xab: {  	_ =	swait.ge [sflag:s24], $0x2000  }
.LBB2_4:
0xac: {  	s12 =	sadd.s32 $0x1, s12;
	s15 =	rddreg [dreg:$0x4]  }
0xad: {  	s16 =	rddreg [dreg:$0x3];
	[sflag:s24] =	ssyncset.done $0x0;
	s15 =	sand.u32 s15, s12  }
0xae: {  	s14 =	sor.u32 $0x180, s14;
	[sflag:s24] =	ssyncadd.s32 $0xFFFFE000;
	s15 =	sadd.s32 s16, s15  }
0xaf: {  	[tilespmem:s2], [sflag:$0x4] =	stream.indirect.gather [hbm4b:s4+s26], $0x80, s14, s26, $0xb8;
	[tilespmem:$0x1D000] =	vst v63  }
0xb0: {  	s15 =	sshll.u32 s15, $0x7  }
0xb1: {  	s13 =	sadd.s32 $0x400, s13;
	s15 =	sand.u32 $0x1FFFFF80, s15  }
0xb2: {  	s14 =	sand.u32 $0x400, s13;
	s16 =	sadd.s32 s5, s15  }
0xb3: {  	[tilespmem:s14], [sflag:$0x5] =	stream.linear.gather [hbm4b:s16+s3], $0x400, $0x38;
	[tilespmem:$0x1D000] =	vst v63  }
0xb4: {  	s15 =	sadd.s32 s6, s15;
	s16 =	sor.u32 $0x800, s14  }
0xb5: {  	[tilespmem:s16], [sflag:$0x5] =	stream.linear.gather [hbm4b:s15+s3], $0x400, $0x38;
	[tilespmem:$0x1D000] =	vst v63  }
0xb6: {  	s16 =	sadd.s32 $0xFFFFFC00, s13;
	_ =	swait.ge [sflag:s25], $0x2000  }
0xb7: {  	s15 =	sand.u32 $0x400, s16;
	[sflag:s25] =	ssyncset.done $0x0  }
0xb8: {  	s16 =	sor.u32 $0x800, s15;
	[sflag:s25] =	ssyncadd.s32 $0xFFFFE000  }
0xb9: {  	[spmem:s1] =	stream.indirect.scatter.add.f32 [tilespmem:s23], [sflag:$0x6], $0x80, s16, s26, $0xb8;
	[tilespmem:$0x1D000] =	vst v63  }
0xba: {  	_ =	swait.ge [sflag:s24], $0x2000  }
0xbb: {  	[sflag:s24] =	ssyncset.done $0x0  }
0xbc: {  	s16 =	sor.u32 $0x200, s15;
	[sflag:s24] =	ssyncadd.s32 $0xFFFFE000  }
0xbd: {  	[tilespmem:s23], [sflag:$0x1] =	stream.indirect.gather [hbm4b:s4+s26], $0x80, s16, s26, $0xb8;
	[tilespmem:$0x1D000] =	vst v63  }
0xbe: {  	_ =	swait.ge [sflag:s28], $0x2000  }
0xbf: {  	[sflag:s28] =	ssyncset.done $0x0  }
0xc0: {  	s16 =	sor.u32 $0x880, s15;
	[sflag:s28] =	ssyncadd.s32 $0xFFFFE000  }
0xc1: {  	[spmem:s1] =	stream.indirect.scatter.add.f32 [tilespmem:s29], [sflag:$0x6], $0x80, s16, s26, $0xb8;
	[tilespmem:$0x1D000] =	vst v63  }
0xc2: {  	_ =	swait.ge [sflag:s24], $0x2000  }
0xc3: {  	[sflag:s24] =	ssyncset.done $0x0  }
0xc4: {  	s16 =	sor.u32 $0x280, s15;
	[sflag:s24] =	ssyncadd.s32 $0xFFFFE000  }
0xc5: {  	[tilespmem:s29], [sflag:$0x2] =	stream.indirect.gather [hbm4b:s4+s26], $0x80, s16, s26, $0xb8;
	[tilespmem:$0x1D000] =	vst v63  }
0xc6: {  	_ =	swait.ge [sflag:s30], $0x2000  }
0xc7: {  	[sflag:s30] =	ssyncset.done $0x0  }
0xc8: {  	s16 =	sor.u32 $0x900, s15;
	[sflag:s30] =	ssyncadd.s32 $0xFFFFE000  }
0xc9: {  	[spmem:s1] =	stream.indirect.scatter.add.f32 [tilespmem:s31], [sflag:$0x6], $0x80, s16, s26, $0xb8;
	[tilespmem:$0x1D000] =	vst v63  }
0xca: {  	_ =	swait.ge [sflag:s24], $0x2000  }
0xcb: {  	[sflag:s24] =	ssyncset.done $0x0  }
0xcc: {  	s16 =	sor.u32 $0x300, s15;
	[sflag:s24] =	ssyncadd.s32 $0xFFFFE000  }
0xcd: {  	[tilespmem:s31], [sflag:$0x3] =	stream.indirect.gather [hbm4b:s4+s26], $0x80, s16, s26, $0xb8;
	[tilespmem:$0x1D000] =	vst v63  }
0xce: {  	_ =	swait.ge [sflag:s0], $0x400  }
0xcf: {  	[sflag:s0] =	ssyncset.done $0x0  }
0xd0: {  	[sflag:s0] =	ssyncadd.s32 $0xFFFFFC00  }
0xd1: {  	_ =	swait.ge [sflag:s0], $0x400  }
0xd2: {  	[sflag:s0] =	ssyncset.done $0x0  }
0xd3: {  	[sflag:s0] =	ssyncadd.s32 $0xFFFFFC00  }
0xd4: {  	_ =	swait.ge [sflag:s10], $0x2000  }
0xd5: {  	[sflag:s10] =	ssyncset.done $0x0  }
0xd6: {  	s16 =	sor.u32 $0x980, s15;
	[sflag:s10] =	ssyncadd.s32 $0xFFFFE000  }
0xd7: {  	[spmem:s1] =	stream.indirect.scatter.add.f32 [tilespmem:s2], [sflag:$0x6], $0x80, s16, s26, $0xb8;
	[tilespmem:$0x1D000] =	vst v63  }
0xd8: {  	_ =	swait.ge [sflag:s24], $0x2000  }
0xd9: {  	[sflag:s24] =	ssyncset.done $0x0  }
0xda: {  	s16 =	sor.u32 $0x380, s15;
	[sflag:s24] =	ssyncadd.s32 $0xFFFFE000  }
0xdb: {  	[tilespmem:s2], [sflag:$0x4] =	stream.indirect.gather [hbm4b:s4+s26], $0x80, s16, s26, $0xb8;
	[tilespmem:$0x1D000] =	vst v63  }
0xdc: {  	_ =	swait.ge [sflag:s25], $0x2000  }
0xdd: {  	[sflag:s25] =	ssyncset.done $0x0  }
0xde: {  	s16 =	sor.u32 $0xA00, s15;
	[sflag:s25] =	ssyncadd.s32 $0xFFFFE000  }
0xdf: {  	[spmem:s1] =	stream.indirect.scatter.add.f32 [tilespmem:s23], [sflag:$0x6], $0x80, s16, s26, $0xb8;
	[tilespmem:$0x1D000] =	vst v63  }
0xe0: {  	_ =	swait.ge [sflag:s24], $0x2000  }
0xe1: {  	[sflag:s24] =	ssyncset.done $0x0  }
0xe2: {  	[sflag:s24] =	ssyncadd.s32 $0xFFFFE000  }
0xe3: {  	[tilespmem:s23], [sflag:$0x1] =	stream.indirect.gather [hbm4b:s4+s26], $0x80, s14, s26, $0xb8;
	[tilespmem:$0x1D000] =	vst v63  }
0xe4: {  	_ =	swait.ge [sflag:s28], $0x2000  }
0xe5: {  	[sflag:s28] =	ssyncset.done $0x0  }
0xe6: {  	s16 =	sor.u32 $0xA80, s15;
	[sflag:s28] =	ssyncadd.s32 $0xFFFFE000  }
0xe7: {  	[spmem:s1] =	stream.indirect.scatter.add.f32 [tilespmem:s29], [sflag:$0x6], $0x80, s16, s26, $0xb8;
	[tilespmem:$0x1D000] =	vst v63  }
0xe8: {  	_ =	swait.ge [sflag:s24], $0x2000  }
0xe9: {  	[sflag:s24] =	ssyncset.done $0x0  }
0xea: {  	s16 =	sor.u32 $0x80, s14;
	[sflag:s24] =	ssyncadd.s32 $0xFFFFE000  }
0xeb: {  	[tilespmem:s29], [sflag:$0x2] =	stream.indirect.gather [hbm4b:s4+s26], $0x80, s16, s26, $0xb8;
	[tilespmem:$0x1D000] =	vst v63  }
0xec: {  	_ =	swait.ge [sflag:s30], $0x2000  }
0xed: {  	[sflag:s30] =	ssyncset.done $0x0  }
0xee: {  	s16 =	sor.u32 $0xB00, s15;
	[sflag:s30] =	ssyncadd.s32 $0xFFFFE000  }
0xef: {  	[spmem:s1] =	stream.indirect.scatter.add.f32 [tilespmem:s31], [sflag:$0x6], $0x80, s16, s26, $0xb8;
	[tilespmem:$0x1D000] =	vst v63  }
0xf0: {  	_ =	swait.ge [sflag:s24], $0x2000  }
0xf1: {  	[sflag:s24] =	ssyncset.done $0x0  }
0xf2: {  	p0 =	sne.s32 s7, s12;
	s16 =	sor.u32 $0x100, s14;
	[sflag:s24] =	ssyncadd.s32 $0xFFFFE000  }
0xf3: {  	[tilespmem:s31], [sflag:$0x3] =	stream.indirect.gather [hbm4b:s4+s26], $0x80, s16, s26, $0xb8;
	[tilespmem:$0x1D000] =	vst v63  }
.Ltmp2:
0xf4: {  	_ =	swait.ge [sflag:s10], $0x2000;
	(pc) =	sbr.rel @p0 .LBB2_4-.Ltmp2, $4  }
0xf5: {  	[sflag:s10] =	ssyncset.done $0x0  }
0xf6: {  	s15 =	sor.u32 $0xB80, s15;
	[sflag:s10] =	ssyncadd.s32 $0xFFFFE000  }
0xf7: {  	[spmem:s1] =	stream.indirect.scatter.add.f32 [tilespmem:s2], [sflag:$0x6], $0x80, s15, s26, $0xb8;
	[tilespmem:$0x1D000] =	vst v63  }
0xf8: {  	_ =	swait.ge [sflag:s24], $0x2000  }
.LBB2_5:
0xf9: {  	[sflag:s24] =	ssyncset.done $0x0  }
0xfa: {  	s12 =	sor.u32 $0x180, s14;
	[sflag:s24] =	ssyncadd.s32 $0xFFFFE000  }
0xfb: {  	[tilespmem:s2], [sflag:$0x4] =	stream.indirect.gather [hbm4b:s4+s26], $0x80, s12, s26, $0xb8;
	[tilespmem:$0x1D000] =	vst v63  }
0xfc: {  	_ =	swait.ge [sflag:s25], $0x2000  }
0xfd: {  	[sflag:s25] =	ssyncset.done $0x0  }
0xfe: {  	[sflag:s25] =	ssyncadd.s32 $0xFFFFE000  }
0xff: {  	_ =	swait.ge [sflag:s28], $0x2000  }
0x100: {  	[sflag:s28] =	ssyncset.done $0x0  }
0x101: {  	[sflag:s28] =	ssyncadd.s32 $0xFFFFE000  }
0x102: {  	_ =	swait.ge [sflag:s30], $0x2000  }
0x103: {  	[sflag:s30] =	ssyncset.done $0x0  }
0x104: {  	[sflag:s30] =	ssyncadd.s32 $0xFFFFE000  }
0x105: {  	_ =	swait.ge [sflag:s10], $0x2000  }
0x106: {  	s11 =	sadd.s32 $0x1, s11;
	[sflag:s10] =	ssyncset.done $0x0  }
0x107: {  	s16 =	sor.u32 $0x1C06, s8;
	p0 =	sne.s32 s11, s22;
	[sflag:s10] =	ssyncadd.s32 $0xFFFFE000  }
.Ltmp3:
0x108: {  	s13 =	sshrl.u32 s9, $0x3;
	[bflag:$0x0] =	sbarrier.arrive $0xFFFF;
	(pc) =	sbr.rel @p0 .LBB2_1-.Ltmp3, $4  }
0x109: {  	[hbm:s21], [sflag:s16] =	dma.local [spmem:s13], $0x2800  }
0x10a: {  	_ =	swait.ge [sflag:s24], $0x2800  }
0x10b: {  	[sflag:s24] =	ssyncset.done $0x0  }
0x10c: {  	[sflag:s24] =	ssyncadd.s32 $0xFFFFD800  }
0x10d: {  	_ =	sfence.sel $0x180000  }
0x10e: {  	[bflag:$0x0] =	sbarrier.arrive $0xFFFF  }
0x10f: {  	_ =	strace $0x90000047  }
0x110: {  	s0 =	stileid.u32;
	[bflag:$0x2] =	sbarrier.arrive $0xFFFF  }
0x111: {  	p0 =	sne.s32 s0, $0x0;
	s0 =	rddreg [dreg:$0x2]  }
0x112: {  	s0 =	sadd.s32 @!p0 $0x100000, s0  }
0x113: {  	[sflag:s0] =	ssyncadd.tile.s32 @!p0 $0x1;
	_ =	shalt  }
.Lfunc_end2:
_tile_overlayer_lowered:
.L_overlay_start_2:
0x114: {  	(tag) =	ssettag $0x2  }
0x115: {  	s0 =	rddreg [dreg:$0x0];
	s2 =	stileid.u32  }
0x116: {  	s1 =	rddreg [dreg:$0x1];
	p0 =	sne.s32 s2, $0x0  }
0x117: {  	s3 =	rddreg [dreg:$0x2];
	[bflag:$0x3] =	sbarrier.arrive $0xFFFF;
	s2 =	simm.s32 @!p0 $0x1C06  }
0x118: {  	[timem:s3], [sflag:s2] =	dma.local @!p0 [hbm:s0], s1  }
0x119: {  	s0 =	simm.s32 @!p0 $0x6  }
0x11a: {  	_ =	swait.ge @!p0 [sflag:s0], s1  }
0x11b: {  	s1 =	ssub.s32 @!p0 $0x0, s1;
	[sflag:s0] =	ssyncset.done @!p0 $0x0  }
0x11c: {  	[sflag:s0] =	ssyncadd.s32 @!p0 s1  }
0x11d: {  	[bflag:$0x3] =	sbarrier.arrive $0xFFFF  }
0x11e: {  	_ =	shalt  }

// kernel: kernel.16.cloned.1.call-start
scs
__scs_entry_jumppad:
0x0: {  	(pc) =	sbr.rel $0x88, $3  }
0x1: {  	(tag) =	ssettag $0x0;
	lr =	simm.s32 $0x1  }
0x2: {  	[smem:$0x3F95] =	sst lr;
	_ =	strace $0xD0000000  }
0x3: {  	_ = 	snop  }
0x4: {  	_ = 	snop  }
0x5: {  	_ = 	snop  }
0x6: {  	_ = 	snop  }
0x7: {  	_ = 	snop  }
__scs_overlays_trampoline_lowered:
0x8: {  	[smem:$0x3FA4] =	sst s0  }
0x9: {  	[smem:$0x3FA5] =	sst s1  }
0xa: {  	[smem:$0x3FA6] =	sst s2  }
0xb: {  	[smem:$0x3FA7] =	sst s3  }
0xc: {  	[smem:$0x3FA8] =	sst s4  }
0xd: {  	[smem:$0x3FA9] =	sst s5  }
0xe: {  	[smem:$0x3FAA] =	sst s6  }
0xf: {  	[smem:$0x3FAB] =	sst s7  }
0x10: {  	[smem:$0x3FAC] =	sst s8  }
0x11: {  	[smem:$0x3FAD] =	sst s9;
	s0 =	simm.s32 @!p0 $0x0  }
0x12: {  	s1 =	sld [smem:$0x3F93];
	s0 =	simm.s32 @p0 $0x1  }
0x13: {  	[smem:$0x3FAE] =	sst s0;
	s0 =	simm.s32 @!p1 $0x0  }
0x14: {  	s2 =	sld [smem:$0x3F92];
	s0 =	simm.s32 @p1 $0x1  }
0x15: {  	[smem:$0x3FAF] =	sst s0;
	s0 =	simm.s32 @!p2 $0x0  }
0x16: {  	s3 =	sld [smem:$0x3FDB];
	s0 =	simm.s32 @p2 $0x1  }
0x17: {  	s4 =	simm.s32 $0x1BF5;
	[smem:$0x3FB1] =	sst s0  }
0x18: {  	s0 =	sld [smem:$0x3F94];
	_ =	swait.ge [sflag:s4], $0x0  }
0x19: {  	s7 =	sld [smem:$0x3F95]  }
0x1a: {  	s8 =	sadd.s32 $0xFFFFE003, lr  }
0x1b: {  	s9 =	sadd.s32 $0xFFFFFEF7, lr;
	s5 =	simm.s32 $0xFFFFFFFF;
	p2 =	slt.u32 s8, $0xFFFFF086  }
0x1c: {  	p1 =	slt.u32 s9, $0xF7A;
	s5 =	simm.s32 @!p2 $0x0  }
0x1d: {  	s5 =	simm.s32 @p1 $0x1;
	p0 =	seq.s32 s7, s2  }
0x1e: {  	s7 =	smul.u32 @!p0 $0xF7A, s2;
	p2 =	seq.s32 @!p0 s5, $0x0  }
0x1f: {  	s9 =	smul.u32 $0xF7A, s1;
	s8 =	simm.s32 @!p0 $0x1BF5;
	p2 =	por !p2, p0  }
0x20: {  	[sflag:s8] =	ssyncset.s32 @!p0 $0xFFFFF086;
	s6 =	sadd.s32 @!p0 s3, s7;
	s7 =	simm.s32 @!p0 $0x108  }
0x21: {  	s3 =	sadd.s32 s3, s9;
	s6 =	sadd.s32 @!p0 $0x88, s6;
	s7 =	simm.s32 @p2 $0x1082  }
0x22: {  	[simem:s7], [sflag:s8] =	dma.local @!p0 [hbm:s6], $0xF7A  }
0x23: {  	s9 =	sor.u32 $0xD0000000, s2;
	s6 =	simm.s32 $0x108;
	_ =	swait.ge @!p0 [sflag:s8], $0x0  }
0x24: {  	s3 =	sadd.s32 $0x88, s3;
	s6 =	simm.s32 @!p1 $0x1082;
	[sflag:s4] =	ssyncset.s32 $0xFFFFF086  }
0x25: {  	[simem:s6], [sflag:s4] =	dma.local [hbm:s3], $0xF7A  }
0x26: {  	[smem:$0x3F95] =	sst s1;
	(tag) =	ssettag s2;
	_ =	strace s9  }
0x27: {  	s1 =	sld [smem:$0x3FA5]  }
0x28: {  	s2 =	sld [smem:$0x3FA6]  }
0x29: {  	s4 =	sld [smem:$0x3FA8]  }
0x2a: {  	p0 =	seq.s32 s5, $0x0;
	s5 =	sld [smem:$0x3FA9]  }
0x2b: {  	s6 =	sld [smem:$0x3FAA]  }
0x2c: {  	s7 =	sld [smem:$0x3FAB]  }
0x2d: {  	s3 =	simm.s32 $0x108;
	s8 =	sld [smem:$0x3FAC]  }
0x2e: {  	s3 =	simm.s32 @!p0 $0x1082;
	s9 =	sld [smem:$0x3FAD]  }
0x2f: {  	lr =	sadd.s32 s0, s3;
	s0 =	sld [smem:$0x3FA4]  }
0x30: {  	s3 =	sld [smem:$0x3FA7]  }
0x31: {  	[smem:$0x3FB0] =	sst s10  }
0x32: {  	s10 =	sld [smem:$0x3FAE];
	_ =	sdelay $0x3  }
0x33: {  	p0 =	seq.s32 s10, $0x1;
	s10 =	sld [smem:$0x3FB0];
	_ =	sdelay $0x3  }
0x34: {  	[smem:$0x3FB0] =	sst s10  }
0x35: {  	s10 =	sld [smem:$0x3FAF];
	_ =	sdelay $0x3  }
0x36: {  	p1 =	seq.s32 s10, $0x1;
	s10 =	sld [smem:$0x3FB0];
	_ =	sdelay $0x3  }
0x37: {  	[smem:$0x3FB0] =	sst s10  }
0x38: {  	s10 =	sld [smem:$0x3FB1]  }
0x39: {  	_ = 	snop;
	(pc) =	sbr.ind lr, $3  }
0x3a: {  	_ = 	snop  }
0x3b: {  	_ = 	snop  }
0x3c: {  	p2 =	seq.s32 s10, $0x1;
	s10 =	sld [smem:$0x3FB0]  }
0x3d: {  	_ =	shalt  }
0x3e: {  	_ =	shalt  }
0x3f: {  	_ =	shalt  }
0x40: {  	_ =	shalt  }
0x41: {  	_ =	shalt  }
0x42: {  	_ =	shalt  }
0x43: {  	_ =	shalt  }
0x44: {  	_ =	shalt  }
0x45: {  	_ =	shalt  }
0x46: {  	_ =	shalt  }
0x47: {  	_ =	shalt  }
0x48: {  	_ =	shalt  }
0x49: {  	_ =	shalt  }
0x4a: {  	_ =	shalt  }
0x4b: {  	_ =	shalt  }
0x4c: {  	_ =	shalt  }
0x4d: {  	_ =	shalt  }
0x4e: {  	_ =	shalt  }
0x4f: {  	_ =	shalt  }
0x50: {  	_ =	shalt  }
0x51: {  	_ =	shalt  }
0x52: {  	_ =	shalt  }
0x53: {  	_ =	shalt  }
0x54: {  	_ =	shalt  }
0x55: {  	_ =	shalt  }
0x56: {  	_ =	shalt  }
0x57: {  	_ =	shalt  }
0x58: {  	_ =	shalt  }
0x59: {  	_ =	shalt  }
0x5a: {  	_ =	shalt  }
0x5b: {  	_ =	shalt  }
0x5c: {  	_ =	shalt  }
0x5d: {  	_ =	shalt  }
0x5e: {  	_ =	shalt  }
0x5f: {  	_ =	shalt  }
0x60: {  	_ =	shalt  }
0x61: {  	_ =	shalt  }
0x62: {  	_ =	shalt  }
0x63: {  	_ =	shalt  }
0x64: {  	_ =	shalt  }
0x65: {  	_ =	shalt  }
0x66: {  	_ =	shalt  }
0x67: {  	_ =	shalt  }
0x68: {  	_ =	shalt  }
0x69: {  	_ =	shalt  }
0x6a: {  	_ =	shalt  }
0x6b: {  	_ =	shalt  }
0x6c: {  	_ =	shalt  }
0x6d: {  	_ =	shalt  }
0x6e: {  	_ =	shalt  }
0x6f: {  	_ =	shalt  }
0x70: {  	_ =	shalt  }
0x71: {  	_ =	shalt  }
0x72: {  	_ =	shalt  }
0x73: {  	_ =	shalt  }
0x74: {  	_ =	shalt  }
0x75: {  	_ =	shalt  }
0x76: {  	_ =	shalt  }
0x77: {  	_ =	shalt  }
0x78: {  	_ =	shalt  }
0x79: {  	_ =	shalt  }
0x7a: {  	_ =	shalt  }
0x7b: {  	_ =	shalt  }
0x7c: {  	_ =	shalt  }
0x7d: {  	_ =	shalt  }
0x7e: {  	_ =	shalt  }
0x7f: {  	_ =	shalt  }
0x80: {  	_ =	shalt  }
0x81: {  	_ =	shalt  }
0x82: {  	_ =	shalt  }
0x83: {  	_ =	shalt  }
0x84: {  	_ =	shalt  }
0x85: {  	_ =	shalt  }
0x86: {  	_ =	shalt  }
0x87: {  	_ =	shalt  }
.Lfunc_end0:
.L_simem_size_0:
called_computation.2_lowered:
.L_overlay_start_0:
0x88: {  	s2 =	sld [smem:$0x3FD9]  }
0x89: {  	s3 =	sld [smem:$0x3FFE];
	_ =	sdelay $0x1  }
0x8a: {  	s1 =	srdreg.scid  }
0x8b: {  	s0 =	sand.u32 $0x1, s1  }
0x8c: {  	s16 =	sshll.u32 s0, $0xA;
	s2 =	sadd.s32 s3, s2  }
0x8d: {  	s2 =	sadd.s32 s2, s16  }
0x8e: {  	[smem:$0x3FBC] =	sst s2  }
0x8f: {  	_ = 	snop  }
0x90: {  	(tm) =	ssettm $0x1  }
0x91: {  	s17 =	sld [smem:$0x3FFB];
	_ =	sdelay $0x3  }
0x92: {  	_ =	strace s17  }
0x93: {  	s2 =	sld [smem:$0x3FFC];
	_ =	sdelay $0x3  }
0x94: {  	_ =	strace s2  }
0x95: {  	s2 =	sld [smem:$0x3FFD];
	_ =	sdelay $0x3  }
0x96: {  	_ =	strace s2  }
0x97: {  	_ =	strace $0x8FFFFFFF  }
0x98: {  	s18 =	sld [smem:$0x3FDB];
	_ =	sdelay $0x1  }
0x99: {  	s19 =	simm.s32 $_scs_section_size  }
0x9a: {  	s4 =	simm.s32 $_size__tile_overlayer_lowered;
	s5 =	simm.s32 $_tile_overlayer_lowered  }
0x9b: {  	s22 =	simm.s32 $0x1BFF;
	s21 =	sshll.u32 s5, $0x1;
	s2 =	sadd.s32 s19, s18  }
0x9c: {  	s6 =	simm.s32 $0x0;
	s20 =	sshll.u32 s4, $0x1;
	s4 =	sadd.s32 s21, s2  }
0x9d: {  	[timem:s6], [sflag:s22] =	dma.local [hbm:s4], s20  }
0x9e: {  	_ =	swait.ge [sflag:s22], s20  }
0x9f: {  	s3 =	ssub.s32 $0x0, s20;
	[sflag:s22] =	ssyncset.done $0x0  }
0xa0: {  	[sflag:s22] =	ssyncadd.s32 s3;
	_ =	sdelay $0x1  }
0xa1: {  	s23 =	simm.s32 $0x1B8B  }
0xa2: {  	_ =	swait.ge [sflag:s23], $0x1  }
0xa3: {  	[sflag:s23] =	ssyncset.done $0x0  }
0xa4: {  	s25 =	simm.s32 $0x1B8E;
	s24 =	sld [smem:$0x3FFE];
	[sflag:s23] =	ssyncadd.s32 $0xFFFFFFFF  }
0xa5: {  	s26 =	simm.s32 $execute0_lowered;
	[smem:$0x3FD2] =	sst s25  }
0xa6: {  	s4 =	sshll.u32 s26, $0x1;
	_ =	strace $0x8000004C;
	[dreg:$0x1] =	wrdreg $0xFFFFFFFF  }
0xa7: {  	s28 =	simm.s32 $_size_execute0_lowered;
	s2 =	sadd.s32 s2, s4;
	[dreg:$0x0] =	wrdreg $0x0  }
0xa8: {  	s4 =	sshll.u32 s28, $0x1;
	[dreg:$0x2] =	wrdreg s2  }
0xa9: {  	[dreg:$0x3] =	wrdreg s4  }
0xaa: {  	[dreg:$0x4] =	wrdreg $0xC0  }
0xab: {  	_ =	task [dreg:s6], $0x5FFFF  }
0xac: {  	[dreg:$0x1] =	wrdreg $0xFFFFFFFF  }
0xad: {  	[dreg:$0x0] =	wrdreg $0x60  }
0xae: {  	[dreg:$0x2] =	wrdreg s24  }
0xaf: {  	[dreg:$0x3] =	wrdreg $0x90000  }
0xb0: {  	[dreg:$0x4] =	wrdreg $0x9  }
0xb1: {  	_ =	task.clear_ibuf [dreg:s6], $0x5FFFF;
	_ =	strace $0x9000004C  }
0xb2: {  	s29 =	simm.s32 $0x9;
	_ =	strace $0x8000004E  }
0xb3: {  	_ =	swait.ge [sflag:s29], $0x1  }
0xb4: {  	[sflag:s29] =	ssyncadd.s32 $0xFFFFFFFF  }
0xb5: {  	_ =	strace $0x9000004E  }
0xb6: {  	_ =	sfence  }
0xb7: {  	s30 =	sld [smem:$0x0];
	_ =	sdelay $0x2  }
0xb8: {  	s31 =	sshll.u32 s1, $0xD;
	s1 =	sshrl.u32 s1, $0x2  }
0xb9: {  	s3 =	sand.u32 $0x4000, s31;
	s1 =	sadd.s32 s1, s30  }
0xba: {  	s0 =	sor.u32 s3, s0;
	s1 =	sshll.u32 s1, $0x11  }
0xbb: {  	s0 =	sor.u32 s1, s0  }
0xbc: {  	s0 =	sadd.s32 $0x8F2B, s0  }
0xbd: {  	[sflag:s0] =	ssyncadd.remote.s32 $0x1  }
0xbe: {  	_ =	sfence.sel $0xFFFF  }
0xbf: {  	[dreg:$0x0] =	wrdreg $0xFFFFFFFF;
	(pc) =	sbr.abs _section_cstart, $3  }
0xc0: {  	[dreg:$0x1] =	wrdreg $0xFFFFFFFF  }
0xc1: {  	_ =	task.clear_ibuf [dreg:s6], $0x2FFFF;
	_ =	strace $0x9FFFFFFF  }
0xc2: {  	(tm) =	ssettm $0x7FFFFFFF  }
0xc3: {  	_ =	shalt  }
tec
execute0_lowered:
.L_overlay_start_1:
0x0: {  	(tag) =	ssettag $0x1  }
0x1: {  	s0 =	rddreg [dreg:$0x0]  }
0x2: {  	s1 =	rddreg [dreg:$0x1];
	s2 =	srdreg.scid  }
0x3: {  	s3 =	simm.s32 $0x0;
	s12 =	stileid.u32;
	s29 =	simm.s32 $0x3000  }
0x4: {  	s31 =	simm.s32 $0x5000;
	s28 =	simm.s32 $0x2;
	s30 =	simm.s32 $0x3  }
0x5: {  	s2 =	sand.u32 $0x1, s2;
	[smem:$0x7FF] =	sst s3;
	s8 =	smul.u32 $0x14000, s12  }
0x6: {  	s4 =	sadd.s32 $0x2AE00, s0;
	s5 =	sadd.s32 $0x16E00, s0;
	s10 =	smul.u32 $0x50000, s12  }
0x7: {  	s6 =	sadd.s32 $0x2E00, s0;
	s7 =	smul.u32 $0x140000, s2;
	s17 =	ssub.s32 $0x2, s2  }
0x8: {  	_ =	strace $0x8000004D;
	s9 =	sshrl.u32 s17, $0x1;
	s18 =	sshrl.u32 s10, $0x2  }
0x9: {  	p0 =	seq.s32 s2, $0x0;
	s11 =	ssub.s32 s17, s9;
	s9 =	sadd.s32 s18, s1  }
0xa: {  	s10 =	sshll.u32 s12, $0x8;
	s7 =	sadd.s32 s8, s7;
	s2 =	sadd.s32 $0x2000, s9  }
0xb: {  	s8 =	sshll.u32 s12, $0x6;
	s19 =	sadd.s32 $0x4000, s9;
	[dreg:$0x5] =	wrdreg s2  }
0xc: {  	s7 =	sshrl.u32 s7, $0x3;
	s20 =	sadd.s32 $0x6000, s9;
	[dreg:$0x6] =	wrdreg s19  }
0xd: {  	s12 =	sor.u32 $0x1000, s8;
	s21 =	sadd.s32 $0x8000, s9;
	[dreg:$0x7] =	wrdreg s20  }
0xe: {  	s22 =	sadd.s32 $0xA000, s9;
	s23 =	sadd.s32 $0xC000, s9;
	[dreg:$0x8] =	wrdreg s21  }
0xf: {  	s24 =	sadd.s32 $0xE000, s9;
	s17 =	sadd.s32 $0x10000, s9;
	[dreg:$0x9] =	wrdreg s22  }
0x10: {  	s18 =	sadd.s32 $0x12000, s9;
	s0 =	sadd.s32 s7, s0;
	[dreg:$0xa] =	wrdreg s23  }
0x11: {  	s7 =	simm.s32 $0x20;
	s12 =	smov.u32 @p0 s10;
	[dreg:$0xb] =	wrdreg s24  }
0x12: {  	s22 =	smax.u32 s11, $0x1;
	s23 =	simm.s32 $0x1000;
	s24 =	simm.s32 $0x6  }
0x13: {  	s2 =	simm.s32 $0x7000;
	s11 =	simm.s32 $0x0;
	s7 =	simm.s32 @!p0 $0x8  }
0x14: {  	s25 =	sshrl.u32 s12, $0x3;
	s10 =	sshll.u32 s12, $0x4;
	s21 =	sadd.s32 $0x52000, s0  }
0x15: {  	s0 =	simm.s32 $0x5;
	[dreg:$0x3] =	wrdreg s25;
	s26 =	sadd.s32 $0xFFFFFFFF, s7  }
0x16: {  	s19 =	sadd.s32 s5, s10;
	s20 =	sadd.s32 s6, s10;
	s25 =	simm.s32 $0x1  }
0x17: {  	v0 =	vimm.f32 $0.0e+00;
	s10 =	simm.s32 $0x4;
	[dreg:$0x4] =	wrdreg s26;
	s26 =	simm.s32 $0x40  }
.LBB2_1:
0x18: {  	s12 =	simm.s32 $0x0;
	s13 =	simm.s32 $0x200  }
.LBB2_2:
0x19: {  	p0 =	sne.s32 s13, $0x7E00;
	[tilespmem:s12+$0x1070] =	vst v0  }
0x1a: {  	[tilespmem:s12+$0x1000] =	vst v0  }
0x1b: {  	[tilespmem:s12+$0x1010] =	vst v0  }
.Ltmp0:
0x1c: {  	[tilespmem:s12+$0x1020] =	vst v0;
	(pc) =	sbr.rel @p0 .LBB2_2-.Ltmp0, $4  }
0x1d: {  	[tilespmem:s12+$0x1030] =	vst v0  }
0x1e: {  	[tilespmem:s12+$0x1040] =	vst v0  }
0x1f: {  	[tilespmem:s12+$0x1050] =	vst v0  }
0x20: {  	[tilespmem:s12+$0x1060] =	vst v0;
	s12 =	sshra.s32 s13, $0x2;
	s13 =	sadd.s32 $0x200, s13  }
0x21: {  	[tilespmem:s12+$0x1070] =	vst v0  }
0x22: {  	[tilespmem:s12+$0x1000] =	vst v0  }
0x23: {  	[tilespmem:s12+$0x1010] =	vst v0  }
0x24: {  	[tilespmem:s12+$0x1020] =	vst v0  }
0x25: {  	[tilespmem:s12+$0x1030] =	vst v0  }
0x26: {  	[tilespmem:s12+$0x1040] =	vst v0  }
0x27: {  	[tilespmem:s12+$0x1050] =	vst v0  }
0x28: {  	[tilespmem:s12+$0x1060] =	vst v0  }
0x29: {  	[spmem:s9] =	stream.linear.scatter [tilespmem:s23], [sflag:$0x6], $0x2000, $0x38;
	[tilespmem:$0x1D000] =	vst v63  }
0x2a: {  	_ =	swait.ge [sflag:s24], $0x2000  }
0x2b: {  	[sflag:s24] =	ssyncset.done $0x0  }
0x2c: {  	s16 =	rddreg [dreg:$0x5];
	[sflag:s24] =	ssyncadd.s32 $0xFFFFE000  }
0x2d: {  	[spmem:s16] =	stream.linear.scatter [tilespmem:s23], [sflag:$0x6], $0x2000, $0x38;
	[tilespmem:$0x1D000] =	vst v63  }
0x2e: {  	_ =	swait.ge [sflag:s24], $0x2000  }
0x2f: {  	[sflag:s24] =	ssyncset.done $0x0  }
0x30: {  	s13 =	rddreg [dreg:$0x6];
	[sflag:s24] =	ssyncadd.s32 $0xFFFFE000  }
0x31: {  	[spmem:s13] =	stream.linear.scatter [tilespmem:s23], [sflag:$0x6], $0x2000, $0x38;
	[tilespmem:$0x1D000] =	vst v63  }
0x32: {  	_ =	swait.ge [sflag:s24], $0x2000  }
0x33: {  	[sflag:s24] =	ssyncset.done $0x0  }
0x34: {  	s14 =	rddreg [dreg:$0x7];
	[sflag:s24] =	ssyncadd.s32 $0xFFFFE000  }
0x35: {  	[spmem:s14] =	stream.linear.scatter [tilespmem:s23], [sflag:$0x6], $0x2000, $0x38;
	[tilespmem:$0x1D000] =	vst v63  }
0x36: {  	_ =	swait.ge [sflag:s24], $0x2000  }
0x37: {  	[sflag:s24] =	ssyncset.done $0x0  }
0x38: {  	s15 =	rddreg [dreg:$0x8];
	[sflag:s24] =	ssyncadd.s32 $0xFFFFE000  }
0x39: {  	[spmem:s15] =	stream.linear.scatter [tilespmem:s23], [sflag:$0x6], $0x2000, $0x38;
	[tilespmem:$0x1D000] =	vst v63  }
0x3a: {  	_ =	swait.ge [sflag:s24], $0x2000  }
0x3b: {  	[sflag:s24] =	ssyncset.done $0x0  }
0x3c: {  	s16 =	rddreg [dreg:$0x9];
	[sflag:s24] =	ssyncadd.s32 $0xFFFFE000  }
0x3d: {  	[spmem:s16] =	stream.linear.scatter [tilespmem:s23], [sflag:$0x6], $0x2000, $0x38;
	[tilespmem:$0x1D000] =	vst v63  }
0x3e: {  	_ =	swait.ge [sflag:s24], $0x2000  }
0x3f: {  	[sflag:s24] =	ssyncset.done $0x0  }
0x40: {  	s13 =	rddreg [dreg:$0xa];
	[sflag:s24] =	ssyncadd.s32 $0xFFFFE000  }
0x41: {  	[spmem:s13] =	stream.linear.scatter [tilespmem:s23], [sflag:$0x6], $0x2000, $0x38;
	[tilespmem:$0x1D000] =	vst v63  }
0x42: {  	_ =	swait.ge [sflag:s24], $0x2000  }
0x43: {  	[sflag:s24] =	ssyncset.done $0x0  }
0x44: {  	s14 =	rddreg [dreg:$0xb];
	[sflag:s24] =	ssyncadd.s32 $0xFFFFE000  }
0x45: {  	[spmem:s14] =	stream.linear.scatter [tilespmem:s23], [sflag:$0x6], $0x2000, $0x38;
	[tilespmem:$0x1D000] =	vst v63  }
0x46: {  	_ =	swait.ge [sflag:s24], $0x2000  }
0x47: {  	[sflag:s24] =	ssyncset.done $0x0  }
0x48: {  	[sflag:s24] =	ssyncadd.s32 $0xFFFFE000  }
0x49: {  	[spmem:s17] =	stream.linear.scatter [tilespmem:s23], [sflag:$0x6], $0x2000, $0x38;
	[tilespmem:$0x1D000] =	vst v63  }
0x4a: {  	_ =	swait.ge [sflag:s24], $0x2000  }
0x4b: {  	[sflag:s24] =	ssyncset.done $0x0  }
0x4c: {  	[sflag:s24] =	ssyncadd.s32 $0xFFFFE000  }
0x4d: {  	[spmem:s18] =	stream.linear.scatter [tilespmem:s23], [sflag:$0x6], $0x2000, $0x38;
	[tilespmem:$0x1D000] =	vst v63  }
0x4e: {  	_ =	swait.ge [sflag:s24], $0x2000  }
0x4f: {  	[sflag:s24] =	ssyncset.done $0x0  }
0x50: {  	[sflag:s24] =	ssyncadd.s32 $0xFFFFE000  }
0x51: {  	s15 =	simm.s32 $0x0;
	[bflag:$0x0] =	sbarrier.arrive $0xFFFF  }
0x52: {  	[tilespmem:s15], [sflag:$0x6] =	stream.linear.gather [hbm4b:s19+s15], $0x400, $0x38;
	[tilespmem:$0x1D000] =	vst v63  }
0x53: {  	_ =	swait.ge [sflag:s24], $0x400  }
0x54: {  	[sflag:s24] =	ssyncset.done $0x0  }
0x55: {  	s13 =	simm.s32 $0x800;
	[sflag:s24] =	ssyncadd.s32 $0xFFFFFC00  }
0x56: {  	[tilespmem:s13], [sflag:$0x6] =	stream.linear.gather [hbm4b:s20+s15], $0x400, $0x38;
	[tilespmem:$0x1D000] =	vst v63  }
0x57: {  	_ =	swait.ge [sflag:s24], $0x400  }
0x58: {  	[sflag:s24] =	ssyncset.done $0x0  }
0x59: {  	[sflag:s24] =	ssyncadd.s32 $0xFFFFFC00  }
0x5a: {  	[tilespmem:s23], [sflag:$0x1] =	stream.indirect.gather [hbm4b:s4+s26], $0x80, s15, s26, $0xb8;
	[tilespmem:$0x1D000] =	vst v63  }
0x5b: {  	s16 =	simm.s32 $0x80  }
0x5c: {  	[tilespmem:s29], [sflag:$0x2] =	stream.indirect.gather [hbm4b:s4+s26], $0x80, s16, s26, $0xb8;
	[tilespmem:$0x1D000] =	vst v63  }
0x5d: {  	s13 =	simm.s32 $0x100  }
0x5e: {  	[tilespmem:s31], [sflag:$0x3] =	stream.indirect.gather [hbm4b:s4+s26], $0x80, s13, s26, $0xb8;
	[tilespmem:$0x1D000] =	vst v63  }
0x5f: {  	s12 =	simm.s32 $0x1;
	s14 =	simm.s32 $0x180;
	s15 =	rddreg [dreg:$0x4]  }
0x60: {  	[tilespmem:s2], [sflag:$0x4] =	stream.indirect.gather [hbm4b:s4+s26], $0x80, s14, s26, $0xb8;
	[tilespmem:$0x1D000] =	vst v63  }
0x61: {  	s13 =	sand.u32 s15, s12;
	s14 =	rddreg [dreg:$0x3]  }
0x62: {  	s13 =	sadd.s32 s14, s13  }
0x63: {  	s14 =	sshll.u32 s13, $0x7  }
0x64: {  	s13 =	simm.s32 $0x400;
	s15 =	sand.u32 $0x1FFFFF80, s14  }
0x65: {  	s14 =	sand.u32 $0x400, s13;
	s16 =	sadd.s32 s5, s15  }
0x66: {  	[tilespmem:s14], [sflag:$0x5] =	stream.linear.gather [hbm4b:s16+s3], $0x400, $0x38;
	[tilespmem:$0x1D000] =	vst v63  }
0x67: {  	s15 =	sadd.s32 s6, s15;
	s16 =	sor.u32 $0x800, s14  }
0x68: {  	[tilespmem:s16], [sflag:$0x5] =	stream.linear.gather [hbm4b:s15+s3], $0x400, $0x38;
	[tilespmem:$0x1D000] =	vst v63  }
0x69: {  	s16 =	simm.s32 $0x0;
	_ =	swait.ge [sflag:s25], $0x2000  }
0x6a: {  	s15 =	sand.u32 $0x400, s16;
	[sflag:s25] =	ssyncset.done $0x0  }
0x6b: {  	s16 =	sor.u32 $0x800, s15;
	[sflag:s25] =	ssyncadd.s32 $0xFFFFE000  }
0x6c: {  	[spmem:s1] =	stream.indirect.scatter.add.f32 [tilespmem:s23], [sflag:$0x6], $0x80, s16, s26, $0xb8;
	[tilespmem:$0x1D000] =	vst v63  }
0x6d: {  	_ =	swait.ge [sflag:s24], $0x2000  }
0x6e: {  	[sflag:s24] =	ssyncset.done $0x0  }
0x6f: {  	s16 =	sor.u32 $0x200, s15;
	[sflag:s24] =	ssyncadd.s32 $0xFFFFE000  }
0x70: {  	[tilespmem:s23], [sflag:$0x1] =	stream.indirect.gather [hbm4b:s4+s26], $0x80, s16, s26, $0xb8;
	[tilespmem:$0x1D000] =	vst v63  }
0x71: {  	_ =	swait.ge [sflag:s28], $0x2000  }
0x72: {  	[sflag:s28] =	ssyncset.done $0x0  }
0x73: {  	s16 =	sor.u32 $0x880, s15;
	[sflag:s28] =	ssyncadd.s32 $0xFFFFE000  }
0x74: {  	[spmem:s1] =	stream.indirect.scatter.add.f32 [tilespmem:s29], [sflag:$0x6], $0x80, s16, s26, $0xb8;
	[tilespmem:$0x1D000] =	vst v63  }
0x75: {  	_ =	swait.ge [sflag:s24], $0x2000  }
0x76: {  	[sflag:s24] =	ssyncset.done $0x0  }
0x77: {  	s16 =	sor.u32 $0x280, s15;
	[sflag:s24] =	ssyncadd.s32 $0xFFFFE000  }
0x78: {  	[tilespmem:s29], [sflag:$0x2] =	stream.indirect.gather [hbm4b:s4+s26], $0x80, s16, s26, $0xb8;
	[tilespmem:$0x1D000] =	vst v63  }
0x79: {  	_ =	swait.ge [sflag:s30], $0x2000  }
0x7a: {  	[sflag:s30] =	ssyncset.done $0x0  }
0x7b: {  	s16 =	sor.u32 $0x900, s15;
	[sflag:s30] =	ssyncadd.s32 $0xFFFFE000  }
0x7c: {  	[spmem:s1] =	stream.indirect.scatter.add.f32 [tilespmem:s31], [sflag:$0x6], $0x80, s16, s26, $0xb8;
	[tilespmem:$0x1D000] =	vst v63  }
0x7d: {  	_ =	swait.ge [sflag:s24], $0x2000  }
0x7e: {  	[sflag:s24] =	ssyncset.done $0x0  }
0x7f: {  	s16 =	sor.u32 $0x300, s15;
	[sflag:s24] =	ssyncadd.s32 $0xFFFFE000  }
0x80: {  	[tilespmem:s31], [sflag:$0x3] =	stream.indirect.gather [hbm4b:s4+s26], $0x80, s16, s26, $0xb8;
	[tilespmem:$0x1D000] =	vst v63  }
0x81: {  	_ =	swait.ge [sflag:s0], $0x400  }
0x82: {  	[sflag:s0] =	ssyncset.done $0x0  }
0x83: {  	[sflag:s0] =	ssyncadd.s32 $0xFFFFFC00  }
0x84: {  	_ =	swait.ge [sflag:s0], $0x400  }
0x85: {  	[sflag:s0] =	ssyncset.done $0x0  }
0x86: {  	[sflag:s0] =	ssyncadd.s32 $0xFFFFFC00  }
0x87: {  	_ =	swait.ge [sflag:s10], $0x2000  }
0x88: {  	[sflag:s10] =	ssyncset.done $0x0  }
0x89: {  	s16 =	sor.u32 $0x980, s15;
	[sflag:s10] =	ssyncadd.s32 $0xFFFFE000  }
0x8a: {  	[spmem:s1] =	stream.indirect.scatter.add.f32 [tilespmem:s2], [sflag:$0x6], $0x80, s16, s26, $0xb8;
	[tilespmem:$0x1D000] =	vst v63  }
0x8b: {  	_ =	swait.ge [sflag:s24], $0x2000  }
0x8c: {  	[sflag:s24] =	ssyncset.done $0x0  }
0x8d: {  	s16 =	sor.u32 $0x380, s15;
	[sflag:s24] =	ssyncadd.s32 $0xFFFFE000  }
0x8e: {  	[tilespmem:s2], [sflag:$0x4] =	stream.indirect.gather [hbm4b:s4+s26], $0x80, s16, s26, $0xb8;
	[tilespmem:$0x1D000] =	vst v63  }
0x8f: {  	_ =	swait.ge [sflag:s25], $0x2000  }
0x90: {  	[sflag:s25] =	ssyncset.done $0x0  }
0x91: {  	s16 =	sor.u32 $0xA00, s15;
	[sflag:s25] =	ssyncadd.s32 $0xFFFFE000  }
0x92: {  	[spmem:s1] =	stream.indirect.scatter.add.f32 [tilespmem:s23], [sflag:$0x6], $0x80, s16, s26, $0xb8;
	[tilespmem:$0x1D000] =	vst v63  }
0x93: {  	_ =	swait.ge [sflag:s24], $0x2000  }
0x94: {  	[sflag:s24] =	ssyncset.done $0x0  }
0x95: {  	[sflag:s24] =	ssyncadd.s32 $0xFFFFE000  }
0x96: {  	[tilespmem:s23], [sflag:$0x1] =	stream.indirect.gather [hbm4b:s4+s26], $0x80, s14, s26, $0xb8;
	[tilespmem:$0x1D000] =	vst v63  }
0x97: {  	_ =	swait.ge [sflag:s28], $0x2000  }
0x98: {  	[sflag:s28] =	ssyncset.done $0x0  }
0x99: {  	s16 =	sor.u32 $0xA80, s15;
	[sflag:s28] =	ssyncadd.s32 $0xFFFFE000  }
0x9a: {  	[spmem:s1] =	stream.indirect.scatter.add.f32 [tilespmem:s29], [sflag:$0x6], $0x80, s16, s26, $0xb8;
	[tilespmem:$0x1D000] =	vst v63  }
0x9b: {  	_ =	swait.ge [sflag:s24], $0x2000  }
0x9c: {  	[sflag:s24] =	ssyncset.done $0x0  }
0x9d: {  	s16 =	sor.u32 $0x80, s14;
	[sflag:s24] =	ssyncadd.s32 $0xFFFFE000  }
0x9e: {  	[tilespmem:s29], [sflag:$0x2] =	stream.indirect.gather [hbm4b:s4+s26], $0x80, s16, s26, $0xb8;
	[tilespmem:$0x1D000] =	vst v63  }
0x9f: {  	_ =	swait.ge [sflag:s30], $0x2000  }
0xa0: {  	[sflag:s30] =	ssyncset.done $0x0  }
0xa1: {  	s16 =	sor.u32 $0xB00, s15;
	[sflag:s30] =	ssyncadd.s32 $0xFFFFE000  }
0xa2: {  	[spmem:s1] =	stream.indirect.scatter.add.f32 [tilespmem:s31], [sflag:$0x6], $0x80, s16, s26, $0xb8;
	[tilespmem:$0x1D000] =	vst v63  }
0xa3: {  	_ =	swait.ge [sflag:s24], $0x2000  }
0xa4: {  	[sflag:s24] =	ssyncset.done $0x0  }
0xa5: {  	p0 =	sne.s32 s7, $0x1;
	s16 =	sor.u32 $0x100, s14;
	[sflag:s24] =	ssyncadd.s32 $0xFFFFE000  }
0xa6: {  	[tilespmem:s31], [sflag:$0x3] =	stream.indirect.gather [hbm4b:s4+s26], $0x80, s16, s26, $0xb8;
	[tilespmem:$0x1D000] =	vst v63  }
.Ltmp1:
0xa7: {  	_ =	swait.ge [sflag:s10], $0x2000;
	(pc) =	sbr.rel @!p0 .LBB2_5-.Ltmp1, $4  }
0xa8: {  	[sflag:s10] =	ssyncset.done $0x0  }
0xa9: {  	s15 =	sor.u32 $0xB80, s15;
	[sflag:s10] =	ssyncadd.s32 $0xFFFFE000  }
0xaa: {  	[spmem:s1] =	stream.indirect.scatter.add.f32 [tilespmem:s2], [sflag:$0x6], $0x80, s15, s26, $0xb8;
	[tilespmem:$0x1D000] =	vst v63  }
0xab: {  	_ =	swait.ge [sflag:s24], $0x2000  }
.LBB2_4:
0xac: {  	s12 =	sadd.s32 $0x1, s12;
	s15 =	rddreg [dreg:$0x4]  }
0xad: {  	s16 =	rddreg [dreg:$0x3];
	[sflag:s24] =	ssyncset.done $0x0;
	s15 =	sand.u32 s15, s12  }
0xae: {  	s14 =	sor.u32 $0x180, s14;
	[sflag:s24] =	ssyncadd.s32 $0xFFFFE000;
	s15 =	sadd.s32 s16, s15  }
0xaf: {  	[tilespmem:s2], [sflag:$0x4] =	stream.indirect.gather [hbm4b:s4+s26], $0x80, s14, s26, $0xb8;
	[tilespmem:$0x1D000] =	vst v63  }
0xb0: {  	s15 =	sshll.u32 s15, $0x7  }
0xb1: {  	s13 =	sadd.s32 $0x400, s13;
	s15 =	sand.u32 $0x1FFFFF80, s15  }
0xb2: {  	s14 =	sand.u32 $0x400, s13;
	s16 =	sadd.s32 s5, s15  }
0xb3: {  	[tilespmem:s14], [sflag:$0x5] =	stream.linear.gather [hbm4b:s16+s3], $0x400, $0x38;
	[tilespmem:$0x1D000] =	vst v63  }
0xb4: {  	s15 =	sadd.s32 s6, s15;
	s16 =	sor.u32 $0x800, s14  }
0xb5: {  	[tilespmem:s16], [sflag:$0x5] =	stream.linear.gather [hbm4b:s15+s3], $0x400, $0x38;
	[tilespmem:$0x1D000] =	vst v63  }
0xb6: {  	s16 =	sadd.s32 $0xFFFFFC00, s13;
	_ =	swait.ge [sflag:s25], $0x2000  }
0xb7: {  	s15 =	sand.u32 $0x400, s16;
	[sflag:s25] =	ssyncset.done $0x0  }
0xb8: {  	s16 =	sor.u32 $0x800, s15;
	[sflag:s25] =	ssyncadd.s32 $0xFFFFE000  }
0xb9: {  	[spmem:s1] =	stream.indirect.scatter.add.f32 [tilespmem:s23], [sflag:$0x6], $0x80, s16, s26, $0xb8;
	[tilespmem:$0x1D000] =	vst v63  }
0xba: {  	_ =	swait.ge [sflag:s24], $0x2000  }
0xbb: {  	[sflag:s24] =	ssyncset.done $0x0  }
0xbc: {  	s16 =	sor.u32 $0x200, s15;
	[sflag:s24] =	ssyncadd.s32 $0xFFFFE000  }
0xbd: {  	[tilespmem:s23], [sflag:$0x1] =	stream.indirect.gather [hbm4b:s4+s26], $0x80, s16, s26, $0xb8;
	[tilespmem:$0x1D000] =	vst v63  }
0xbe: {  	_ =	swait.ge [sflag:s28], $0x2000  }
0xbf: {  	[sflag:s28] =	ssyncset.done $0x0  }
0xc0: {  	s16 =	sor.u32 $0x880, s15;
	[sflag:s28] =	ssyncadd.s32 $0xFFFFE000  }
0xc1: {  	[spmem:s1] =	stream.indirect.scatter.add.f32 [tilespmem:s29], [sflag:$0x6], $0x80, s16, s26, $0xb8;
	[tilespmem:$0x1D000] =	vst v63  }
0xc2: {  	_ =	swait.ge [sflag:s24], $0x2000  }
0xc3: {  	[sflag:s24] =	ssyncset.done $0x0  }
0xc4: {  	s16 =	sor.u32 $0x280, s15;
	[sflag:s24] =	ssyncadd.s32 $0xFFFFE000  }
0xc5: {  	[tilespmem:s29], [sflag:$0x2] =	stream.indirect.gather [hbm4b:s4+s26], $0x80, s16, s26, $0xb8;
	[tilespmem:$0x1D000] =	vst v63  }
0xc6: {  	_ =	swait.ge [sflag:s30], $0x2000  }
0xc7: {  	[sflag:s30] =	ssyncset.done $0x0  }
0xc8: {  	s16 =	sor.u32 $0x900, s15;
	[sflag:s30] =	ssyncadd.s32 $0xFFFFE000  }
0xc9: {  	[spmem:s1] =	stream.indirect.scatter.add.f32 [tilespmem:s31], [sflag:$0x6], $0x80, s16, s26, $0xb8;
	[tilespmem:$0x1D000] =	vst v63  }
0xca: {  	_ =	swait.ge [sflag:s24], $0x2000  }
0xcb: {  	[sflag:s24] =	ssyncset.done $0x0  }
0xcc: {  	s16 =	sor.u32 $0x300, s15;
	[sflag:s24] =	ssyncadd.s32 $0xFFFFE000  }
0xcd: {  	[tilespmem:s31], [sflag:$0x3] =	stream.indirect.gather [hbm4b:s4+s26], $0x80, s16, s26, $0xb8;
	[tilespmem:$0x1D000] =	vst v63  }
0xce: {  	_ =	swait.ge [sflag:s0], $0x400  }
0xcf: {  	[sflag:s0] =	ssyncset.done $0x0  }
0xd0: {  	[sflag:s0] =	ssyncadd.s32 $0xFFFFFC00  }
0xd1: {  	_ =	swait.ge [sflag:s0], $0x400  }
0xd2: {  	[sflag:s0] =	ssyncset.done $0x0  }
0xd3: {  	[sflag:s0] =	ssyncadd.s32 $0xFFFFFC00  }
0xd4: {  	_ =	swait.ge [sflag:s10], $0x2000  }
0xd5: {  	[sflag:s10] =	ssyncset.done $0x0  }
0xd6: {  	s16 =	sor.u32 $0x980, s15;
	[sflag:s10] =	ssyncadd.s32 $0xFFFFE000  }
0xd7: {  	[spmem:s1] =	stream.indirect.scatter.add.f32 [tilespmem:s2], [sflag:$0x6], $0x80, s16, s26, $0xb8;
	[tilespmem:$0x1D000] =	vst v63  }
0xd8: {  	_ =	swait.ge [sflag:s24], $0x2000  }
0xd9: {  	[sflag:s24] =	ssyncset.done $0x0  }
0xda: {  	s16 =	sor.u32 $0x380, s15;
	[sflag:s24] =	ssyncadd.s32 $0xFFFFE000  }
0xdb: {  	[tilespmem:s2], [sflag:$0x4] =	stream.indirect.gather [hbm4b:s4+s26], $0x80, s16, s26, $0xb8;
	[tilespmem:$0x1D000] =	vst v63  }
0xdc: {  	_ =	swait.ge [sflag:s25], $0x2000  }
0xdd: {  	[sflag:s25] =	ssyncset.done $0x0  }
0xde: {  	s16 =	sor.u32 $0xA00, s15;
	[sflag:s25] =	ssyncadd.s32 $0xFFFFE000  }
0xdf: {  	[spmem:s1] =	stream.indirect.scatter.add.f32 [tilespmem:s23], [sflag:$0x6], $0x80, s16, s26, $0xb8;
	[tilespmem:$0x1D000] =	vst v63  }
0xe0: {  	_ =	swait.ge [sflag:s24], $0x2000  }
0xe1: {  	[sflag:s24] =	ssyncset.done $0x0  }
0xe2: {  	[sflag:s24] =	ssyncadd.s32 $0xFFFFE000  }
0xe3: {  	[tilespmem:s23], [sflag:$0x1] =	stream.indirect.gather [hbm4b:s4+s26], $0x80, s14, s26, $0xb8;
	[tilespmem:$0x1D000] =	vst v63  }
0xe4: {  	_ =	swait.ge [sflag:s28], $0x2000  }
0xe5: {  	[sflag:s28] =	ssyncset.done $0x0  }
0xe6: {  	s16 =	sor.u32 $0xA80, s15;
	[sflag:s28] =	ssyncadd.s32 $0xFFFFE000  }
0xe7: {  	[spmem:s1] =	stream.indirect.scatter.add.f32 [tilespmem:s29], [sflag:$0x6], $0x80, s16, s26, $0xb8;
	[tilespmem:$0x1D000] =	vst v63  }
0xe8: {  	_ =	swait.ge [sflag:s24], $0x2000  }
0xe9: {  	[sflag:s24] =	ssyncset.done $0x0  }
0xea: {  	s16 =	sor.u32 $0x80, s14;
	[sflag:s24] =	ssyncadd.s32 $0xFFFFE000  }
0xeb: {  	[tilespmem:s29], [sflag:$0x2] =	stream.indirect.gather [hbm4b:s4+s26], $0x80, s16, s26, $0xb8;
	[tilespmem:$0x1D000] =	vst v63  }
0xec: {  	_ =	swait.ge [sflag:s30], $0x2000  }
0xed: {  	[sflag:s30] =	ssyncset.done $0x0  }
0xee: {  	s16 =	sor.u32 $0xB00, s15;
	[sflag:s30] =	ssyncadd.s32 $0xFFFFE000  }
0xef: {  	[spmem:s1] =	stream.indirect.scatter.add.f32 [tilespmem:s31], [sflag:$0x6], $0x80, s16, s26, $0xb8;
	[tilespmem:$0x1D000] =	vst v63  }
0xf0: {  	_ =	swait.ge [sflag:s24], $0x2000  }
0xf1: {  	[sflag:s24] =	ssyncset.done $0x0  }
0xf2: {  	p0 =	sne.s32 s7, s12;
	s16 =	sor.u32 $0x100, s14;
	[sflag:s24] =	ssyncadd.s32 $0xFFFFE000  }
0xf3: {  	[tilespmem:s31], [sflag:$0x3] =	stream.indirect.gather [hbm4b:s4+s26], $0x80, s16, s26, $0xb8;
	[tilespmem:$0x1D000] =	vst v63  }
.Ltmp2:
0xf4: {  	_ =	swait.ge [sflag:s10], $0x2000;
	(pc) =	sbr.rel @p0 .LBB2_4-.Ltmp2, $4  }
0xf5: {  	[sflag:s10] =	ssyncset.done $0x0  }
0xf6: {  	s15 =	sor.u32 $0xB80, s15;
	[sflag:s10] =	ssyncadd.s32 $0xFFFFE000  }
0xf7: {  	[spmem:s1] =	stream.indirect.scatter.add.f32 [tilespmem:s2], [sflag:$0x6], $0x80, s15, s26, $0xb8;
	[tilespmem:$0x1D000] =	vst v63  }
0xf8: {  	_ =	swait.ge [sflag:s24], $0x2000  }
.LBB2_5:
0xf9: {  	[sflag:s24] =	ssyncset.done $0x0  }
0xfa: {  	s12 =	sor.u32 $0x180, s14;
	[sflag:s24] =	ssyncadd.s32 $0xFFFFE000  }
0xfb: {  	[tilespmem:s2], [sflag:$0x4] =	stream.indirect.gather [hbm4b:s4+s26], $0x80, s12, s26, $0xb8;
	[tilespmem:$0x1D000] =	vst v63  }
0xfc: {  	_ =	swait.ge [sflag:s25], $0x2000  }
0xfd: {  	[sflag:s25] =	ssyncset.done $0x0  }
0xfe: {  	[sflag:s25] =	ssyncadd.s32 $0xFFFFE000  }
0xff: {  	_ =	swait.ge [sflag:s28], $0x2000  }
0x100: {  	[sflag:s28] =	ssyncset.done $0x0  }
0x101: {  	[sflag:s28] =	ssyncadd.s32 $0xFFFFE000  }
0x102: {  	_ =	swait.ge [sflag:s30], $0x2000  }
0x103: {  	[sflag:s30] =	ssyncset.done $0x0  }
0x104: {  	[sflag:s30] =	ssyncadd.s32 $0xFFFFE000  }
0x105: {  	_ =	swait.ge [sflag:s10], $0x2000  }
0x106: {  	s11 =	sadd.s32 $0x1, s11;
	[sflag:s10] =	ssyncset.done $0x0  }
0x107: {  	s16 =	sor.u32 $0x1C06, s8;
	p0 =	sne.s32 s11, s22;
	[sflag:s10] =	ssyncadd.s32 $0xFFFFE000  }
.Ltmp3:
0x108: {  	s13 =	sshrl.u32 s9, $0x3;
	[bflag:$0x0] =	sbarrier.arrive $0xFFFF;
	(pc) =	sbr.rel @p0 .LBB2_1-.Ltmp3, $4  }
0x109: {  	[hbm:s21], [sflag:s16] =	dma.local [spmem:s13], $0x2800  }
0x10a: {  	_ =	swait.ge [sflag:s24], $0x2800  }
0x10b: {  	[sflag:s24] =	ssyncset.done $0x0  }
0x10c: {  	[sflag:s24] =	ssyncadd.s32 $0xFFFFD800  }
0x10d: {  	_ =	sfence.sel $0x180000  }
0x10e: {  	[bflag:$0x0] =	sbarrier.arrive $0xFFFF  }
0x10f: {  	_ =	strace $0x9000004D  }
0x110: {  	s0 =	stileid.u32;
	[bflag:$0x2] =	sbarrier.arrive $0xFFFF  }
0x111: {  	p0 =	sne.s32 s0, $0x0;
	s0 =	rddreg [dreg:$0x2]  }
0x112: {  	s0 =	sadd.s32 @!p0 $0x100000, s0  }
0x113: {  	[sflag:s0] =	ssyncadd.tile.s32 @!p0 $0x1;
	_ =	shalt  }
.Lfunc_end2:
_tile_overlayer_lowered:
.L_overlay_start_2:
0x114: {  	(tag) =	ssettag $0x2  }
0x115: {  	s0 =	rddreg [dreg:$0x0];
	s2 =	stileid.u32  }
0x116: {  	s1 =	rddreg [dreg:$0x1];
	p0 =	sne.s32 s2, $0x0  }
0x117: {  	s3 =	rddreg [dreg:$0x2];
	[bflag:$0x3] =	sbarrier.arrive $0xFFFF;
	s2 =	simm.s32 @!p0 $0x1C06  }
0x118: {  	[timem:s3], [sflag:s2] =	dma.local @!p0 [hbm:s0], s1  }
0x119: {  	s0 =	simm.s32 @!p0 $0x6  }
0x11a: {  	_ =	swait.ge @!p0 [sflag:s0], s1  }
0x11b: {  	s1 =	ssub.s32 @!p0 $0x0, s1;
	[sflag:s0] =	ssyncset.done @!p0 $0x0  }
0x11c: {  	[sflag:s0] =	ssyncadd.s32 @!p0 s1  }
0x11d: {  	[bflag:$0x3] =	sbarrier.arrive $0xFFFF  }
0x11e: {  	_ =	shalt  }

</sc_bundles>
